<compile_context>
chip_gen: v7x
topology: tpu7x:2x2x1
jax: 0.10.2.dev20260603
libtpu: 0.0.44.dev20260713+nightly
codegen_flags: <defaults>
</compile_context>

<pallas_src>
import functools

import jax
import jax.numpy as jnp
from jax import lax
from jax.experimental import pallas as pl
from jax.experimental.pallas import tpu as pltpu
from jax.experimental.pallas import tpu_sc as plsc

N = 10000
E = 320000
DH = 128
DE = 16
HH = 64
NC = 2
NS = 16
NW = NC * NS
CH = 80
NCHUNK = E // CH
CPW = (NCHUNK + NW - 1) // NW
RPT = 624
TAIL0 = NS * RPT
TAILR = N - TAIL0
INV_SQRT_D = 1.0 / (128.0 ** 0.5)

_GATHER_DNUMS = lax.GatherDimensionNumbers(
    offset_dims=(), collapsed_slice_dims=(0,), start_index_map=(0,))


def _shuffle(x, perm):
    return lax.gather(x, perm.reshape(16, 1), _GATHER_DNUMS, slice_sizes=(1,),
                      mode=lax.GatherScatterMode.PROMISE_IN_BOUNDS)


def _lane_sum(x):
    for sh in (1, 2, 4, 8):
        x = x + _shuffle(x, lax.iota(jnp.int32, 16) ^ sh)
    return x


def _sc_edge_body(q_hbm, k_hbm, vlo_hbm, vhi_hbm, qwe_hbm, src_hbm, dst_hbm,
                  ea_hbm, z64_hbm, z32_hbm,
                  alo_o, ahi_o, acc32_o, wbuf_o,
                  src_v, dst_v, qr, kr, vr, ear, qwr, w32,
                  src_v2, dst_v2, qr2, kr2, vr2, ear2, qwr2, w32b,
                  acc64_s, acc32_s, sem, sem2):
    cid = lax.axis_index("c")
    sid = lax.axis_index("s")
    wid = cid * NS + sid
    r0 = pl.multiple_of(sid * RPT, 8)

    def zero_acc(with32):
        pltpu.sync_copy(z64_hbm.at[pl.ds(r0, RPT)], acc64_s.at[pl.ds(r0, RPT)])
        if with32:
            pltpu.sync_copy(z32_hbm.at[pl.ds(r0, RPT)],
                            acc32_s.at[pl.ds(r0, RPT)])

        @pl.when(sid == NS - 1)
        def _():
            pltpu.sync_copy(z64_hbm.at[pl.ds(TAIL0, TAILR)],
                            acc64_s.at[pl.ds(TAIL0, TAILR)])
            if with32:
                pltpu.sync_copy(z32_hbm.at[pl.ds(TAIL0, TAILR)],
                                acc32_s.at[pl.ds(TAIL0, TAILR)])

        plsc.subcore_barrier()

    def copy_out(a_o, with32):
        plsc.subcore_barrier()
        pltpu.sync_copy(acc64_s.at[pl.ds(r0, RPT)], a_o.at[cid, pl.ds(r0, RPT)])
        if with32:
            pltpu.sync_copy(acc32_s.at[pl.ds(r0, RPT)],
                            acc32_o.at[cid, pl.ds(r0, RPT)])

        @pl.when(sid == NS - 1)
        def _():
            pltpu.sync_copy(acc64_s.at[pl.ds(TAIL0, TAILR)],
                            a_o.at[cid, pl.ds(TAIL0, TAILR)])
            if with32:
                pltpu.sync_copy(acc32_s.at[pl.ds(TAIL0, TAILR)],
                                acc32_o.at[cid, pl.ds(TAIL0, TAILR)])

        plsc.subcore_barrier()

    zero_acc(True)

    sets = ((src_v, dst_v, qr, kr, vr, ear, qwr, sem),
            (src_v2, dst_v2, qr2, kr2, vr2, ear2, qwr2, sem2))

    def issue_a(ci, par):
        bsrc, bdst, bqr, bkr, bvr, bear, bqwr, bsem = sets[par]
        c = wid + ci * NW

        @pl.when(c < NCHUNK)
        def _():
            base = pl.multiple_of(c * CH, CH)
            pltpu.sync_copy(src_hbm.at[pl.ds(base, CH)], bsrc)
            pltpu.sync_copy(dst_hbm.at[pl.ds(base, CH)], bdst)
            pltpu.async_copy(q_hbm.at[bdst], bqr, bsem)
            pltpu.async_copy(k_hbm.at[bsrc], bkr, bsem)
            pltpu.async_copy(vlo_hbm.at[bsrc], bvr, bsem)
            pltpu.async_copy(qwe_hbm.at[bdst], bqwr, bsem)
            pltpu.async_copy(ea_hbm.at[pl.ds(base, CH)], bear, bsem)

    def work_a(ci, par):
        bsrc, bdst, bqr, bkr, bvr, bear, bqwr, bsem = sets[par]
        c = wid + ci * NW

        @pl.when(c < NCHUNK)
        def _():
            base = pl.multiple_of(c * CH, CH)
            pltpu.make_async_copy(q_hbm.at[pl.ds(0, CH)], bqr, bsem).wait()
            pltpu.make_async_copy(k_hbm.at[pl.ds(0, CH)], bkr, bsem).wait()
            pltpu.make_async_copy(vlo_hbm.at[pl.ds(0, CH)], bvr, bsem).wait()
            pltpu.make_async_copy(qwe_hbm.at[pl.ds(0, CH)], bqwr, bsem).wait()
            pltpu.make_async_copy(ea_hbm.at[pl.ds(0, CH)], bear, bsem).wait()

            def edge(e, c2):
                acc = bear[e, :] * bqwr[e, :]
                for db in range(8):
                    acc = acc + (bqr[e, pl.ds(db * 16, 16)]
                                 * bkr[e, pl.ds(db * 16, 16)])
                wv = jnp.exp(_lane_sum(acc) * INV_SQRT_D)
                for db in range(4):
                    bvr[e, pl.ds(db * 16, 16)] = (
                        bvr[e, pl.ds(db * 16, 16)] * wv)
                w32[e, pl.ds(0, 16)] = bear[e, :] * wv
                lanes = lax.iota(jnp.int32, 16)
                w32[e, pl.ds(16, 16)] = jnp.where(
                    lanes == 0, wv, jnp.zeros((16,), jnp.float32))
                return c2

            lax.fori_loop(0, CH, edge, 0)
            pltpu.sync_copy(bvr, acc64_s.at[bdst], add=True)
            pltpu.sync_copy(w32, acc32_s.at[bdst], add=True)
            pltpu.sync_copy(w32, wbuf_o.at[pl.ds(base, CH)])

    issue_a(0, 0)

    def chunk_pair_a(i, carry):
        ci = i * 2
        issue_a(ci + 1, 1)
        work_a(ci, 0)
        issue_a(ci + 2, 0)
        work_a(ci + 1, 1)
        return carry

    lax.fori_loop(0, (CPW + 1) // 2, chunk_pair_a, 0)
    copy_out(alo_o, True)

    zero_acc(False)

    sets_b = ((src_v, dst_v, vr, w32, sem),
              (src_v2, dst_v2, vr2, w32b, sem2))

    def issue_b(ci, par):
        bsrc, bdst, bvr, bw, bsem = sets_b[par]
        c = wid + ci * NW

        @pl.when(c < NCHUNK)
        def _():
            base = pl.multiple_of(c * CH, CH)
            pltpu.sync_copy(src_hbm.at[pl.ds(base, CH)], bsrc)
            pltpu.sync_copy(dst_hbm.at[pl.ds(base, CH)], bdst)
            pltpu.async_copy(vhi_hbm.at[bsrc], bvr, bsem)
            pltpu.async_copy(wbuf_o.at[pl.ds(base, CH)], bw, bsem)

    def work_b(ci, par):
        bsrc, bdst, bvr, bw, bsem = sets_b[par]
        c = wid + ci * NW

        @pl.when(c < NCHUNK)
        def _():
            pltpu.make_async_copy(vhi_hbm.at[pl.ds(0, CH)], bvr, bsem).wait()
            pltpu.make_async_copy(wbuf_o.at[pl.ds(0, CH)], bw, bsem).wait()

            def edge(e, c2):
                wv = _shuffle(bw[e, pl.ds(16, 16)],
                              jnp.zeros((16,), jnp.int32))
                for db in range(4):
                    bvr[e, pl.ds(db * 16, 16)] = (
                        bvr[e, pl.ds(db * 16, 16)] * wv)
                return c2

            lax.fori_loop(0, CH, edge, 0)
            pltpu.sync_copy(bvr, acc64_s.at[bdst], add=True)

    issue_b(0, 0)

    def chunk_pair_b(i, carry):
        ci = i * 2
        issue_b(ci + 1, 1)
        work_b(ci, 0)
        issue_b(ci + 2, 0)
        work_b(ci + 1, 1)
        return carry

    lax.fori_loop(0, (CPW + 1) // 2, chunk_pair_b, 0)
    copy_out(ahi_o, False)


@functools.cache
def _get_sc_edge():
    return pl.kernel(
        _sc_edge_body,
        out_type=(
            jax.ShapeDtypeStruct((NC, N, HH), jnp.float32),
            jax.ShapeDtypeStruct((NC, N, HH), jnp.float32),
            jax.ShapeDtypeStruct((NC, N, 32), jnp.float32),
            jax.ShapeDtypeStruct((E, 32), jnp.float32),
        ),
        mesh=plsc.VectorSubcoreMesh(core_axis_name="c", subcore_axis_name="s"),
        compiler_params=pltpu.CompilerParams(use_tc_tiling_on_sc=False),
        scratch_types=[
            pltpu.VMEM((CH,), jnp.int32),
            pltpu.VMEM((CH,), jnp.int32),
            pltpu.VMEM((CH, DH), jnp.float32),
            pltpu.VMEM((CH, DH), jnp.float32),
            pltpu.VMEM((CH, HH), jnp.float32),
            pltpu.VMEM((CH, DE), jnp.float32),
            pltpu.VMEM((CH, DE), jnp.float32),
            pltpu.VMEM((CH, 32), jnp.float32),
            pltpu.VMEM((CH,), jnp.int32),
            pltpu.VMEM((CH,), jnp.int32),
            pltpu.VMEM((CH, DH), jnp.float32),
            pltpu.VMEM((CH, DH), jnp.float32),
            pltpu.VMEM((CH, HH), jnp.float32),
            pltpu.VMEM((CH, DE), jnp.float32),
            pltpu.VMEM((CH, DE), jnp.float32),
            pltpu.VMEM((CH, 32), jnp.float32),
            pltpu.VMEM_SHARED((N, HH), jnp.float32),
            pltpu.VMEM_SHARED((N, 32), jnp.float32),
            pltpu.SemaphoreType.DMA,
            pltpu.SemaphoreType.DMA,
        ],
    )


def _mmT(a, w):
    return lax.dot_general(a, w, (((1,), (1,)), ((), ())),
                           preferred_element_type=jnp.float32)


def _mm(a, w):
    return lax.dot_general(a, w, (((1,), (0,)), ((), ())),
                           preferred_element_type=jnp.float32)


def _tc_fc1_body(x, fc1w, fc1b, h_o):
    h_o[:] = _mmT(x[:], fc1w[:]) + fc1b[:]


def _tc_proj_body(h, wq, bq, wk, bk, wvw, bv, we,
                  q_o, k_o, vlo_o, vhi_o, qwe_o):
    q = _mmT(h[:], wq[:]) + bq[:]
    q_o[:] = q
    k_o[:] = _mmT(h[:], wk[:]) + bk[:]
    v = _mmT(h[:], wvw[:]) + bv[:]
    vlo_o[:] = v[:, :HH]
    vhi_o[:] = v[:, HH:]
    qwe_o[:] = _mm(q, we[:])


def _tc_combine_body(alo, ahi, acc32, h, we, wskip, bskip, gnw, gnb, h2_o):
    a128 = jnp.concatenate([alo[0] + alo[1], ahi[0] + ahi[1]], axis=1)
    a32 = acc32[0] + acc32[1]
    num16 = a32[:, :DE]
    den = a32[:, DE:DE + 1] + 1e-16
    o = (a128 + _mmT(num16, we[:])) / den
    o = o + _mmT(h[:], wskip[:]) + bskip[:]
    m = jnp.mean(o)
    c = o - m
    sd = jnp.sqrt(jnp.mean(c * c)) + 1e-5
    g = (c / sd) * gnw[:] + gnb[:]
    h2_o[:] = jnp.maximum(g, 0.0)


def _tc_fc2_body(h, fc2w, fc2b, out_o):
    out_o[:] = _mmT(h[:], fc2w[:]) + fc2b[:]


_f32 = jnp.float32

_tc_fc1 = pl.pallas_call(
    _tc_fc1_body,
    out_shape=jax.ShapeDtypeStruct((N, DH), _f32),
)

_tc_proj = pl.pallas_call(
    _tc_proj_body,
    out_shape=[
        jax.ShapeDtypeStruct((N, DH), _f32),
        jax.ShapeDtypeStruct((N, DH), _f32),
        jax.ShapeDtypeStruct((N, HH), _f32),
        jax.ShapeDtypeStruct((N, HH), _f32),
        jax.ShapeDtypeStruct((N, DE), _f32),
    ],
)

_tc_combine = pl.pallas_call(
    _tc_combine_body,
    out_shape=jax.ShapeDtypeStruct((N, DH), _f32),
)

_tc_fc2 = pl.pallas_call(
    _tc_fc2_body,
    out_shape=jax.ShapeDtypeStruct((N, DH), _f32),
)


def kernel(x, edge_index, edge_attr, params):
    p = params
    r = lambda b: b.reshape(1, -1).astype(_f32)

    h = _tc_fc1(x, p['fc1_W'], r(p['fc1_b']))
    q, k, vlo, vhi, qwe = _tc_proj(
        h, p['gc1_Wq'], r(p['gc1_bq']), p['gc1_Wk'], r(p['gc1_bk']),
        p['gc1_Wv'], r(p['gc1_bv']), p['gc1_We'])

    z64 = jnp.zeros((N, HH), _f32)
    z32 = jnp.zeros((N, 32), _f32)
    src = edge_index[0]
    dst = edge_index[1]

    sc_edge = _get_sc_edge()
    alo, ahi, a17, _ = sc_edge(q, k, vlo, vhi, qwe, src, dst, edge_attr, z64, z32)

    h2 = _tc_combine(alo, ahi, a17, h, p['gc1_We'], p['gc1_Wskip'],
                     r(p['gc1_bskip']), r(p['gn1_w']), r(p['gn1_b']))
    q2, k2, vlo2, vhi2, qwe2 = _tc_proj(
        h2, p['gc2_Wq'], r(p['gc2_bq']), p['gc2_Wk'], r(p['gc2_bk']),
        p['gc2_Wv'], r(p['gc2_bv']), p['gc2_We'])

    alo2, ahi2, a17b, _ = sc_edge(q2, k2, vlo2, vhi2, qwe2, src, dst,
                                  edge_attr, z64, z32)

    h3 = _tc_combine(alo2, ahi2, a17b, h2, p['gc2_We'], p['gc2_Wskip'],
                     r(p['gc2_bskip']), r(p['gn2_w']), r(p['gn2_b']))
    out = _tc_fc2(h3, p['fc2_W'], r(p['fc2_b']))

    return out

# --- scband reference (transcript-rebuilt; emitter-appended) ---
"""Pipeline reference for scband-tfgnn-37099927503188 (READ-ONLY COPY).

The authoritative reference and input builder live on the scoring server;
editing this copy changes nothing except your own understanding.
"""

import jax, jax.numpy as jnp
import numpy as np

N = 10000
E = 320000
D_IN = 128
D_EDGE = 16
D_H = 128
D_OUT = 128


def setup_inputs(seed: int = 0) -> dict:
    key = jax.random.key(seed)
    ks = jax.random.split(key, 40)
    x = jax.random.normal(ks[0], (N, D_IN), dtype=jnp.float32)
    edge_index = jax.random.randint(ks[1], (2, E), 0, N, dtype=jnp.int32)
    edge_attr = jax.random.normal(ks[2], (E, D_EDGE), dtype=jnp.float32)

    def lin(k, dout, din, scale=0.05):
        return jax.random.normal(k, (dout, din), dtype=jnp.float32) * scale

    params = {
        'fc1_W': lin(ks[3], D_H, D_IN), 'fc1_b': jnp.zeros((D_H,), jnp.float32),
        'gc1_Wq': lin(ks[4], D_H, D_H), 'gc1_bq': jnp.zeros((D_H,), jnp.float32),
        'gc1_Wk': lin(ks[5], D_H, D_H), 'gc1_bk': jnp.zeros((D_H,), jnp.float32),
        'gc1_Wv': lin(ks[6], D_H, D_H), 'gc1_bv': jnp.zeros((D_H,), jnp.float32),
        'gc1_We': lin(ks[7], D_H, D_EDGE),
        'gc1_Wskip': lin(ks[8], D_H, D_H), 'gc1_bskip': jnp.zeros((D_H,), jnp.float32),
        'gn1_w': jnp.ones((D_H,), jnp.float32), 'gn1_b': jnp.zeros((D_H,), jnp.float32),
        'gc2_Wq': lin(ks[9], D_H, D_H), 'gc2_bq': jnp.zeros((D_H,), jnp.float32),
        'gc2_Wk': lin(ks[10], D_H, D_H), 'gc2_bk': jnp.zeros((D_H,), jnp.float32),
        'gc2_Wv': lin(ks[11], D_H, D_H), 'gc2_bv': jnp.zeros((D_H,), jnp.float32),
        'gc2_We': lin(ks[12], D_H, D_EDGE),
        'gc2_Wskip': lin(ks[13], D_H, D_H), 'gc2_bskip': jnp.zeros((D_H,), jnp.float32),
        'gn2_w': jnp.ones((D_H,), jnp.float32), 'gn2_b': jnp.zeros((D_H,), jnp.float32),
        'fc2_W': lin(ks[14], D_OUT, D_H), 'fc2_b': jnp.zeros((D_OUT,), jnp.float32),
    }
    return {'x': x, 'edge_index': edge_index, 'edge_attr': edge_attr, 'params': params}


def _transformer_conv(h, src, dst, edge_attr, Wq, bq, Wk, bk, Wv, bv, We, Wskip, bskip):
    # PyG TransformerConv, heads=1, concat=True, beta=False, root_weight=True
    q = h @ Wq.T + bq
    k = h @ Wk.T + bk
    v = h @ Wv.T + bv
    e = edge_attr @ We.T  # lin_edge (no bias in PyG)
    k_j = jnp.take(k, src, axis=0) + e
    v_j = jnp.take(v, src, axis=0) + e
    q_i = jnp.take(q, dst, axis=0)
    alpha = jnp.sum(q_i * k_j, axis=-1) / jnp.sqrt(jnp.float32(D_H))
    a_max = jax.ops.segment_max(alpha, dst, num_segments=N)
    a_max = jnp.where(jnp.isfinite(a_max), a_max, 0.0)
    alpha = jnp.exp(alpha - jnp.take(a_max, dst, axis=0))
    denom = jax.ops.segment_sum(alpha, dst, num_segments=N)
    alpha = alpha / (jnp.take(denom, dst, axis=0) + 1e-16)
    out = jax.ops.segment_sum(v_j * alpha[:, None], dst, num_segments=N)
    out = out + h @ Wskip.T + bskip
    return out


def _graph_layernorm(h, w, b, eps=1e-5):
    # PyG LayerNorm mode='graph', single graph: normalize over all nodes+features
    h = h - jnp.mean(h)
    h = h / (jnp.std(h) + eps)
    return h * w + b


def reference(x, edge_index, edge_attr, params):
    p = params
    src = edge_index[0]
    dst = edge_index[1]
    hx = x @ p['fc1_W'].T + p['fc1_b']
    h = _transformer_conv(hx, src, dst, edge_attr,
                          p['gc1_Wq'], p['gc1_bq'], p['gc1_Wk'], p['gc1_bk'],
                          p['gc1_Wv'], p['gc1_bv'], p['gc1_We'], p['gc1_Wskip'], p['gc1_bskip'])
    h = jax.nn.relu(_graph_layernorm(h, p['gn1_w'], p['gn1_b']))
    h = _transformer_conv(h, src, dst, edge_attr,
                          p['gc2_Wq'], p['gc2_bq'], p['gc2_Wk'], p['gc2_bk'],
                          p['gc2_Wv'], p['gc2_bv'], p['gc2_We'], p['gc2_Wskip'], p['gc2_bskip'])
    h = jax.nn.relu(_graph_layernorm(h, p['gn2_w'], p['gn2_b']))
    out = h @ p['fc2_W'].T + p['fc2_b']
    return out

if __name__ == "__main__":
    import jax
    _d = setup_inputs()
    print(jax.jit(kernel)(*tuple(_d.values())))

</pallas_src>

<mosaic_0001>
#map = affine_map<(d0, d1) -> (0, 0)>
#map1 = affine_map<(d0, d1) -> (0)>
#map2 = affine_map<(d0, d1) -> (0, 0, 0)>
module attributes {stable_mosaic.version = 14 : i64} {
  func.func @_sc_edge_body(%arg0: i32, %arg1: i32, %arg2: memref<10000x128xf32, #tpu.memory_space<hbm>>, %arg3: memref<10000x128xf32, #tpu.memory_space<hbm>>, %arg4: memref<10000x64xf32, #tpu.memory_space<hbm>>, %arg5: memref<10000x64xf32, #tpu.memory_space<hbm>>, %arg6: memref<10000x16xf32, #tpu.memory_space<hbm>>, %arg7: memref<320000xi32, #tpu.memory_space<hbm>>, %arg8: memref<320000xi32, #tpu.memory_space<hbm>>, %arg9: memref<320000x16xf32, #tpu.memory_space<hbm>>, %arg10: memref<10000x64xf32, #tpu.memory_space<hbm>>, %arg11: memref<10000x32xf32, #tpu.memory_space<hbm>>, %arg12: memref<2x10000x64xf32, #tpu.memory_space<hbm>>, %arg13: memref<2x10000x64xf32, #tpu.memory_space<hbm>>, %arg14: memref<2x10000x32xf32, #tpu.memory_space<hbm>>, %arg15: memref<320000x32xf32, #tpu.memory_space<hbm>>, %arg16: memref<80xi32, #tpu.memory_space<vmem>>, %arg17: memref<80xi32, #tpu.memory_space<vmem>>, %arg18: memref<80x128xf32, #tpu.memory_space<vmem>>, %arg19: memref<80x128xf32, #tpu.memory_space<vmem>>, %arg20: memref<80x64xf32, #tpu.memory_space<vmem>>, %arg21: memref<80x16xf32, #tpu.memory_space<vmem>>, %arg22: memref<80x16xf32, #tpu.memory_space<vmem>>, %arg23: memref<80x32xf32, #tpu.memory_space<vmem>>, %arg24: memref<80xi32, #tpu.memory_space<vmem>>, %arg25: memref<80xi32, #tpu.memory_space<vmem>>, %arg26: memref<80x128xf32, #tpu.memory_space<vmem>>, %arg27: memref<80x128xf32, #tpu.memory_space<vmem>>, %arg28: memref<80x64xf32, #tpu.memory_space<vmem>>, %arg29: memref<80x16xf32, #tpu.memory_space<vmem>>, %arg30: memref<80x16xf32, #tpu.memory_space<vmem>>, %arg31: memref<80x32xf32, #tpu.memory_space<vmem>>, %arg32: memref<10000x64xf32, #tpu.memory_space<vmem_shared>>, %arg33: memref<10000x32xf32, #tpu.memory_space<vmem_shared>>, %arg34: memref<!tpu.dma_semaphore, #tpu.memory_space<semaphore_mem>>, %arg35: memref<!tpu.dma_semaphore, #tpu.memory_space<semaphore_mem>>) attributes {dimension_semantics = [#tpu.dimension_semantics<core_parallel>, #tpu.dimension_semantics<subcore_parallel>], iteration_bounds = array<i64: 2, 16>, scalar_prefetch = 0 : i64, scratch_operands = 20 : i64, tpu.core_type = #tpu.core_type<sc_vector_subcore>, window_params = [{transform_indices = #map}, {transform_indices = #map}, {transform_indices = #map}, {transform_indices = #map}, {transform_indices = #map}, {transform_indices = #map1}, {transform_indices = #map1}, {transform_indices = #map}, {transform_indices = #map}, {transform_indices = #map}, {transform_indices = #map2}, {transform_indices = #map2}, {transform_indices = #map2}, {transform_indices = #map}]} {
    %mul3A = arith.constant 16 : i32
    %mul3A_0 = arith.muli %arg0, %mul3A : i32
    %add3A = arith.addi %mul3A_0, %arg1 : i32
    %mul3A_1 = arith.constant 624 : i32
    %mul3A_2 = arith.muli %arg1, %mul3A_1 : i32
    %multiple_of3A = tpu.assume_multiple %mul3A_2, 8 : i32
    "tpu.region"() ({
      %run_scoped3A = tpu.sem_alloc : memref<!tpu.dma_semaphore, #tpu.memory_space<semaphore_mem>>
      %dma_start3A = arith.constant 0 : i32
      %dma_start3A_49 = tpu.memref_slice %arg32[%multiple_of3A, %dma_start3A] : memref<10000x64xf32, #tpu.memory_space<vmem_shared>> -> memref<624x64xf32, #tpu.memory_space<vmem_shared>>
      %dma_start3A_50 = arith.constant 0 : i32
      %dma_start3A_51 = tpu.memref_slice %arg10[%multiple_of3A, %dma_start3A_50] : memref<10000x64xf32, #tpu.memory_space<hbm>> -> memref<624x64xf32, #tpu.memory_space<hbm>>
      tpu.enqueue_dma source(%dma_start3A_51 : memref<624x64xf32, #tpu.memory_space<hbm>>) target(%dma_start3A_49 : memref<624x64xf32, #tpu.memory_space<vmem_shared>>) target_semaphore(%run_scoped3A : memref<!tpu.dma_semaphore, #tpu.memory_space<semaphore_mem>>)
      %dma_wait3A = arith.constant 0 : i32
      %dma_wait3A_52 = tpu.memref_slice %arg32[%multiple_of3A, %dma_wait3A] : memref<10000x64xf32, #tpu.memory_space<vmem_shared>> -> memref<624x64xf32, #tpu.memory_space<vmem_shared>>
      %dma_wait3A_53 = arith.constant 0 : i32
      %dma_wait3A_54 = tpu.memref_slice %arg10[%multiple_of3A, %dma_wait3A_53] : memref<10000x64xf32, #tpu.memory_space<hbm>> -> memref<624x64xf32, #tpu.memory_space<hbm>>
      tpu.wait_dma2 semaphore(%run_scoped3A : memref<!tpu.dma_semaphore, #tpu.memory_space<semaphore_mem>>) src(%dma_wait3A_54 : memref<624x64xf32, #tpu.memory_space<hbm>>) dst(%dma_wait3A_52 : memref<624x64xf32, #tpu.memory_space<vmem_shared>>)
      tpu.yield
    }) : () -> ()
    "tpu.region"() ({
      %run_scoped3A = tpu.sem_alloc : memref<!tpu.dma_semaphore, #tpu.memory_space<semaphore_mem>>
      %dma_start3A = arith.constant 0 : i32
      %dma_start3A_49 = tpu.memref_slice %arg33[%multiple_of3A, %dma_start3A] : memref<10000x32xf32, #tpu.memory_space<vmem_shared>> -> memref<624x32xf32, #tpu.memory_space<vmem_shared>>
      %dma_start3A_50 = arith.constant 0 : i32
      %dma_start3A_51 = tpu.memref_slice %arg11[%multiple_of3A, %dma_start3A_50] : memref<10000x32xf32, #tpu.memory_space<hbm>> -> memref<624x32xf32, #tpu.memory_space<hbm>>
      tpu.enqueue_dma source(%dma_start3A_51 : memref<624x32xf32, #tpu.memory_space<hbm>>) target(%dma_start3A_49 : memref<624x32xf32, #tpu.memory_space<vmem_shared>>) target_semaphore(%run_scoped3A : memref<!tpu.dma_semaphore, #tpu.memory_space<semaphore_mem>>)
      %dma_wait3A = arith.constant 0 : i32
      %dma_wait3A_52 = tpu.memref_slice %arg33[%multiple_of3A, %dma_wait3A] : memref<10000x32xf32, #tpu.memory_space<vmem_shared>> -> memref<624x32xf32, #tpu.memory_space<vmem_shared>>
      %dma_wait3A_53 = arith.constant 0 : i32
      %dma_wait3A_54 = tpu.memref_slice %arg11[%multiple_of3A, %dma_wait3A_53] : memref<10000x32xf32, #tpu.memory_space<hbm>> -> memref<624x32xf32, #tpu.memory_space<hbm>>
      tpu.wait_dma2 semaphore(%run_scoped3A : memref<!tpu.dma_semaphore, #tpu.memory_space<semaphore_mem>>) src(%dma_wait3A_54 : memref<624x32xf32, #tpu.memory_space<hbm>>) dst(%dma_wait3A_52 : memref<624x32xf32, #tpu.memory_space<vmem_shared>>)
      tpu.yield
    }) : () -> ()
    %eq3A = arith.constant 15 : i32
    %eq3A_3 = arith.cmpi eq, %arg1, %eq3A : i32
    %convert_element_type3A = arith.extui %eq3A_3 : i1 to i32
    %cond3A = arith.constant 0 : i32
    %cond3A_4 = arith.cmpi ne, %convert_element_type3A, %cond3A : i32
    scf.if %cond3A_4 {
      "tpu.region"() ({
        %run_scoped3A = tpu.sem_alloc : memref<!tpu.dma_semaphore, #tpu.memory_space<semaphore_mem>>
        %dma_start3A = arith.constant 9984 : i32
        %dma_start3A_49 = arith.constant 0 : i32
        %dma_start3A_50 = tpu.memref_slice %arg32[%dma_start3A, %dma_start3A_49] : memref<10000x64xf32, #tpu.memory_space<vmem_shared>> -> memref<16x64xf32, #tpu.memory_space<vmem_shared>>
        %dma_start3A_51 = arith.constant 9984 : i32
        %dma_start3A_52 = arith.constant 0 : i32
        %dma_start3A_53 = tpu.memref_slice %arg10[%dma_start3A_51, %dma_start3A_52] : memref<10000x64xf32, #tpu.memory_space<hbm>> -> memref<16x64xf32, #tpu.memory_space<hbm>>
        tpu.enqueue_dma source(%dma_start3A_53 : memref<16x64xf32, #tpu.memory_space<hbm>>) target(%dma_start3A_50 : memref<16x64xf32, #tpu.memory_space<vmem_shared>>) target_semaphore(%run_scoped3A : memref<!tpu.dma_semaphore, #tpu.memory_space<semaphore_mem>>)
        %dma_wait3A = arith.constant 9984 : i32
        %dma_wait3A_54 = arith.constant 0 : i32
        %dma_wait3A_55 = tpu.memref_slice %arg32[%dma_wait3A, %dma_wait3A_54] : memref<10000x64xf32, #tpu.memory_space<vmem_shared>> -> memref<16x64xf32, #tpu.memory_space<vmem_shared>>
        %dma_wait3A_56 = arith.constant 9984 : i32
        %dma_wait3A_57 = arith.constant 0 : i32
        %dma_wait3A_58 = tpu.memref_slice %arg10[%dma_wait3A_56, %dma_wait3A_57] : memref<10000x64xf32, #tpu.memory_space<hbm>> -> memref<16x64xf32, #tpu.memory_space<hbm>>
        tpu.wait_dma2 semaphore(%run_scoped3A : memref<!tpu.dma_semaphore, #tpu.memory_space<semaphore_mem>>) src(%dma_wait3A_58 : memref<16x64xf32, #tpu.memory_space<hbm>>) dst(%dma_wait3A_55 : memref<16x64xf32, #tpu.memory_space<vmem_shared>>)
        tpu.yield
      }) : () -> ()
      "tpu.region"() ({
        %run_scoped3A = tpu.sem_alloc : memref<!tpu.dma_semaphore, #tpu.memory_space<semaphore_mem>>
        %dma_start3A = arith.constant 9984 : i32
        %dma_start3A_49 = arith.constant 0 : i32
        %dma_start3A_50 = tpu.memref_slice %arg33[%dma_start3A, %dma_start3A_49] : memref<10000x32xf32, #tpu.memory_space<vmem_shared>> -> memref<16x32xf32, #tpu.memory_space<vmem_shared>>
        %dma_start3A_51 = arith.constant 9984 : i32
        %dma_start3A_52 = arith.constant 0 : i32
        %dma_start3A_53 = tpu.memref_slice %arg11[%dma_start3A_51, %dma_start3A_52] : memref<10000x32xf32, #tpu.memory_space<hbm>> -> memref<16x32xf32, #tpu.memory_space<hbm>>
        tpu.enqueue_dma source(%dma_start3A_53 : memref<16x32xf32, #tpu.memory_space<hbm>>) target(%dma_start3A_50 : memref<16x32xf32, #tpu.memory_space<vmem_shared>>) target_semaphore(%run_scoped3A : memref<!tpu.dma_semaphore, #tpu.memory_space<semaphore_mem>>)
        %dma_wait3A = arith.constant 9984 : i32
        %dma_wait3A_54 = arith.constant 0 : i32
        %dma_wait3A_55 = tpu.memref_slice %arg33[%dma_wait3A, %dma_wait3A_54] : memref<10000x32xf32, #tpu.memory_space<vmem_shared>> -> memref<16x32xf32, #tpu.memory_space<vmem_shared>>
        %dma_wait3A_56 = arith.constant 9984 : i32
        %dma_wait3A_57 = arith.constant 0 : i32
        %dma_wait3A_58 = tpu.memref_slice %arg11[%dma_wait3A_56, %dma_wait3A_57] : memref<10000x32xf32, #tpu.memory_space<hbm>> -> memref<16x32xf32, #tpu.memory_space<hbm>>
        tpu.wait_dma2 semaphore(%run_scoped3A : memref<!tpu.dma_semaphore, #tpu.memory_space<semaphore_mem>>) src(%dma_wait3A_58 : memref<16x32xf32, #tpu.memory_space<hbm>>) dst(%dma_wait3A_55 : memref<16x32xf32, #tpu.memory_space<vmem_shared>>)
        tpu.yield
      }) : () -> ()
    } else {
    }
    %barrier3A = arith.constant 0 : index
    tpu.barrier barrier_id(%barrier3A)
    %add3A_5 = arith.constant 0 : i32
    %add3A_6 = arith.addi %add3A, %add3A_5 : i32
    %lt3A = arith.constant 4000 : i32
    %lt3A_7 = arith.cmpi slt, %add3A_6, %lt3A : i32
    %convert_element_type3A_8 = arith.extui %lt3A_7 : i1 to i32
    %cond3A_9 = arith.constant 0 : i32
    %cond3A_10 = arith.cmpi ne, %convert_element_type3A_8, %cond3A_9 : i32
    scf.if %cond3A_10 {
      %mul3A_49 = arith.constant 80 : i32
      %mul3A_50 = arith.muli %add3A_6, %mul3A_49 : i32
      %multiple_of3A_51 = tpu.assume_multiple %mul3A_50, 80 : i32
      "tpu.region"() ({
        %run_scoped3A = tpu.sem_alloc : memref<!tpu.dma_semaphore, #tpu.memory_space<semaphore_mem>>
        %dma_start3A_67 = tpu.memref_slice %arg7[%multiple_of3A_51] : memref<320000xi32, #tpu.memory_space<hbm>> -> memref<80xi32, #tpu.memory_space<hbm>>
        %dma_start3A_68 = tpu.memref_slice %arg7[%multiple_of3A_51] : memref<320000xi32, #tpu.memory_space<hbm>> -> memref<80xi32, #tpu.memory_space<hbm>>
        tpu.enqueue_dma source(%dma_start3A_68 : memref<80xi32, #tpu.memory_space<hbm>>) target(%arg16 : memref<80xi32, #tpu.memory_space<vmem>>) target_semaphore(%run_scoped3A : memref<!tpu.dma_semaphore, #tpu.memory_space<semaphore_mem>>)
        %dma_wait3A = tpu.memref_slice %arg7[%multiple_of3A_51] : memref<320000xi32, #tpu.memory_space<hbm>> -> memref<80xi32, #tpu.memory_space<hbm>>
        %dma_wait3A_69 = tpu.memref_slice %arg7[%multiple_of3A_51] : memref<320000xi32, #tpu.memory_space<hbm>> -> memref<80xi32, #tpu.memory_space<hbm>>
        tpu.wait_dma2 semaphore(%run_scoped3A : memref<!tpu.dma_semaphore, #tpu.memory_space<semaphore_mem>>) src(%dma_wait3A_69 : memref<80xi32, #tpu.memory_space<hbm>>) dst(%arg16 : memref<80xi32, #tpu.memory_space<vmem>>)
        tpu.yield
      }) : () -> ()
      "tpu.region"() ({
        %run_scoped3A = tpu.sem_alloc : memref<!tpu.dma_semaphore, #tpu.memory_space<semaphore_mem>>
        %dma_start3A_67 = tpu.memref_slice %arg8[%multiple_of3A_51] : memref<320000xi32, #tpu.memory_space<hbm>> -> memref<80xi32, #tpu.memory_space<hbm>>
        %dma_start3A_68 = tpu.memref_slice %arg8[%multiple_of3A_51] : memref<320000xi32, #tpu.memory_space<hbm>> -> memref<80xi32, #tpu.memory_space<hbm>>
        tpu.enqueue_dma source(%dma_start3A_68 : memref<80xi32, #tpu.memory_space<hbm>>) target(%arg17 : memref<80xi32, #tpu.memory_space<vmem>>) target_semaphore(%run_scoped3A : memref<!tpu.dma_semaphore, #tpu.memory_space<semaphore_mem>>)
        %dma_wait3A = tpu.memref_slice %arg8[%multiple_of3A_51] : memref<320000xi32, #tpu.memory_space<hbm>> -> memref<80xi32, #tpu.memory_space<hbm>>
        %dma_wait3A_69 = tpu.memref_slice %arg8[%multiple_of3A_51] : memref<320000xi32, #tpu.memory_space<hbm>> -> memref<80xi32, #tpu.memory_space<hbm>>
        tpu.wait_dma2 semaphore(%run_scoped3A : memref<!tpu.dma_semaphore, #tpu.memory_space<semaphore_mem>>) src(%dma_wait3A_69 : memref<80xi32, #tpu.memory_space<hbm>>) dst(%arg17 : memref<80xi32, #tpu.memory_space<vmem>>)
        tpu.yield
      }) : () -> ()
      %dma_start3A = arith.constant 0 : i32
      %dma_start3A_52 = arith.constant 0 : i32
      %dma_start3A_53 = tpu.memref_slice %arg2[%dma_start3A, %dma_start3A_52] : memref<10000x128xf32, #tpu.memory_space<hbm>> -> memref<10000x128xf32, #tpu.memory_space<hbm>>
      tpu.enqueue_indirect_dma source(%dma_start3A_53 : memref<10000x128xf32, #tpu.memory_space<hbm>>) target(%arg18 : memref<80x128xf32, #tpu.memory_space<vmem>>) offsets(%arg17 : memref<80xi32, #tpu.memory_space<vmem>>) semaphore(%arg34 : memref<!tpu.dma_semaphore, #tpu.memory_space<semaphore_mem>>)
      %dma_start3A_54 = arith.constant 0 : i32
      %dma_start3A_55 = arith.constant 0 : i32
      %dma_start3A_56 = tpu.memref_slice %arg3[%dma_start3A_54, %dma_start3A_55] : memref<10000x128xf32, #tpu.memory_space<hbm>> -> memref<10000x128xf32, #tpu.memory_space<hbm>>
      tpu.enqueue_indirect_dma source(%dma_start3A_56 : memref<10000x128xf32, #tpu.memory_space<hbm>>) target(%arg19 : memref<80x128xf32, #tpu.memory_space<vmem>>) offsets(%arg16 : memref<80xi32, #tpu.memory_space<vmem>>) semaphore(%arg34 : memref<!tpu.dma_semaphore, #tpu.memory_space<semaphore_mem>>)
      %dma_start3A_57 = arith.constant 0 : i32
      %dma_start3A_58 = arith.constant 0 : i32
      %dma_start3A_59 = tpu.memref_slice %arg4[%dma_start3A_57, %dma_start3A_58] : memref<10000x64xf32, #tpu.memory_space<hbm>> -> memref<10000x64xf32, #tpu.memory_space<hbm>>
      tpu.enqueue_indirect_dma source(%dma_start3A_59 : memref<10000x64xf32, #tpu.memory_space<hbm>>) target(%arg20 : memref<80x64xf32, #tpu.memory_space<vmem>>) offsets(%arg16 : memref<80xi32, #tpu.memory_space<vmem>>) semaphore(%arg34 : memref<!tpu.dma_semaphore, #tpu.memory_space<semaphore_mem>>)
      %dma_start3A_60 = arith.constant 0 : i32
      %dma_start3A_61 = arith.constant 0 : i32
      %dma_start3A_62 = tpu.memref_slice %arg6[%dma_start3A_60, %dma_start3A_61] : memref<10000x16xf32, #tpu.memory_space<hbm>> -> memref<10000x16xf32, #tpu.memory_space<hbm>>
      tpu.enqueue_indirect_dma source(%dma_start3A_62 : memref<10000x16xf32, #tpu.memory_space<hbm>>) target(%arg22 : memref<80x16xf32, #tpu.memory_space<vmem>>) offsets(%arg17 : memref<80xi32, #tpu.memory_space<vmem>>) semaphore(%arg34 : memref<!tpu.dma_semaphore, #tpu.memory_space<semaphore_mem>>)
      %dma_start3A_63 = arith.constant 0 : i32
      %dma_start3A_64 = tpu.memref_slice %arg9[%multiple_of3A_51, %dma_start3A_63] : memref<320000x16xf32, #tpu.memory_space<hbm>> -> memref<80x16xf32, #tpu.memory_space<hbm>>
      %dma_start3A_65 = arith.constant 0 : i32
      %dma_start3A_66 = tpu.memref_slice %arg9[%multiple_of3A_51, %dma_start3A_65] : memref<320000x16xf32, #tpu.memory_space<hbm>> -> memref<80x16xf32, #tpu.memory_space<hbm>>
      tpu.enqueue_dma source(%dma_start3A_66 : memref<80x16xf32, #tpu.memory_space<hbm>>) target(%arg21 : memref<80x16xf32, #tpu.memory_space<vmem>>) target_semaphore(%arg34 : memref<!tpu.dma_semaphore, #tpu.memory_space<semaphore_mem>>)
    } else {
    }
    %scan3A = arith.constant 0 : i32
    %scan3A_11 = arith.constant 0 : i32
    %scan3A_12 = arith.constant 63 : i32
    %scan3A_13 = arith.addi %scan3A_11, %scan3A_12 : i32
    %scan3A_14 = arith.constant 1 : i32
    scf.for %scan3A_49 = %scan3A_11 to %scan3A_13 step %scan3A_14  : i32 {
      %mul3A_50 = arith.constant 2 : i32
      %mul3A_51 = arith.muli %scan3A_49, %mul3A_50 : i32
      %add3A_52 = arith.constant 1 : i32
      %add3A_53 = arith.addi %mul3A_51, %add3A_52 : i32
      %mul3A_54 = arith.constant 32 : i32
      %mul3A_55 = arith.muli %add3A_53, %mul3A_54 : i32
      %add3A_56 = arith.addi %add3A, %mul3A_55 : i32
      %lt3A_57 = arith.constant 4000 : i32
      %lt3A_58 = arith.cmpi slt, %add3A_56, %lt3A_57 : i32
      %convert_element_type3A_59 = arith.extui %lt3A_58 : i1 to i32
      %cond3A_60 = arith.constant 0 : i32
      %cond3A_61 = arith.cmpi ne, %convert_element_type3A_59, %cond3A_60 : i32
      scf.if %cond3A_61 {
        %mul3A_90 = arith.constant 80 : i32
        %mul3A_91 = arith.muli %add3A_56, %mul3A_90 : i32
        %multiple_of3A_92 = tpu.assume_multiple %mul3A_91, 80 : i32
        "tpu.region"() ({
          %run_scoped3A = tpu.sem_alloc : memref<!tpu.dma_semaphore, #tpu.memory_space<semaphore_mem>>
          %dma_start3A_108 = tpu.memref_slice %arg7[%multiple_of3A_92] : memref<320000xi32, #tpu.memory_space<hbm>> -> memref<80xi32, #tpu.memory_space<hbm>>
          %dma_start3A_109 = tpu.memref_slice %arg7[%multiple_of3A_92] : memref<320000xi32, #tpu.memory_space<hbm>> -> memref<80xi32, #tpu.memory_space<hbm>>
          tpu.enqueue_dma source(%dma_start3A_109 : memref<80xi32, #tpu.memory_space<hbm>>) target(%arg24 : memref<80xi32, #tpu.memory_space<vmem>>) target_semaphore(%run_scoped3A : memref<!tpu.dma_semaphore, #tpu.memory_space<semaphore_mem>>)
          %dma_wait3A = tpu.memref_slice %arg7[%multiple_of3A_92] : memref<320000xi32, #tpu.memory_space<hbm>> -> memref<80xi32, #tpu.memory_space<hbm>>
          %dma_wait3A_110 = tpu.memref_slice %arg7[%multiple_of3A_92] : memref<320000xi32, #tpu.memory_space<hbm>> -> memref<80xi32, #tpu.memory_space<hbm>>
          tpu.wait_dma2 semaphore(%run_scoped3A : memref<!tpu.dma_semaphore, #tpu.memory_space<semaphore_mem>>) src(%dma_wait3A_110 : memref<80xi32, #tpu.memory_space<hbm>>) dst(%arg24 : memref<80xi32, #tpu.memory_space<vmem>>)
          tpu.yield
        }) : () -> ()
        "tpu.region"() ({
          %run_scoped3A = tpu.sem_alloc : memref<!tpu.dma_semaphore, #tpu.memory_space<semaphore_mem>>
          %dma_start3A_108 = tpu.memref_slice %arg8[%multiple_of3A_92] : memref<320000xi32, #tpu.memory_space<hbm>> -> memref<80xi32, #tpu.memory_space<hbm>>
          %dma_start3A_109 = tpu.memref_slice %arg8[%multiple_of3A_92] : memref<320000xi32, #tpu.memory_space<hbm>> -> memref<80xi32, #tpu.memory_space<hbm>>
          tpu.enqueue_dma source(%dma_start3A_109 : memref<80xi32, #tpu.memory_space<hbm>>) target(%arg25 : memref<80xi32, #tpu.memory_space<vmem>>) target_semaphore(%run_scoped3A : memref<!tpu.dma_semaphore, #tpu.memory_space<semaphore_mem>>)
          %dma_wait3A = tpu.memref_slice %arg8[%multiple_of3A_92] : memref<320000xi32, #tpu.memory_space<hbm>> -> memref<80xi32, #tpu.memory_space<hbm>>
          %dma_wait3A_110 = tpu.memref_slice %arg8[%multiple_of3A_92] : memref<320000xi32, #tpu.memory_space<hbm>> -> memref<80xi32, #tpu.memory_space<hbm>>
          tpu.wait_dma2 semaphore(%run_scoped3A : memref<!tpu.dma_semaphore, #tpu.memory_space<semaphore_mem>>) src(%dma_wait3A_110 : memref<80xi32, #tpu.memory_space<hbm>>) dst(%arg25 : memref<80xi32, #tpu.memory_space<vmem>>)
          tpu.yield
        }) : () -> ()
        %dma_start3A = arith.constant 0 : i32
        %dma_start3A_93 = arith.constant 0 : i32
        %dma_start3A_94 = tpu.memref_slice %arg2[%dma_start3A, %dma_start3A_93] : memref<10000x128xf32, #tpu.memory_space<hbm>> -> memref<10000x128xf32, #tpu.memory_space<hbm>>
        tpu.enqueue_indirect_dma source(%dma_start3A_94 : memref<10000x128xf32, #tpu.memory_space<hbm>>) target(%arg26 : memref<80x128xf32, #tpu.memory_space<vmem>>) offsets(%arg25 : memref<80xi32, #tpu.memory_space<vmem>>) semaphore(%arg35 : memref<!tpu.dma_semaphore, #tpu.memory_space<semaphore_mem>>)
        %dma_start3A_95 = arith.constant 0 : i32
        %dma_start3A_96 = arith.constant 0 : i32
        %dma_start3A_97 = tpu.memref_slice %arg3[%dma_start3A_95, %dma_start3A_96] : memref<10000x128xf32, #tpu.memory_space<hbm>> -> memref<10000x128xf32, #tpu.memory_space<hbm>>
        tpu.enqueue_indirect_dma source(%dma_start3A_97 : memref<10000x128xf32, #tpu.memory_space<hbm>>) target(%arg27 : memref<80x128xf32, #tpu.memory_space<vmem>>) offsets(%arg24 : memref<80xi32, #tpu.memory_space<vmem>>) semaphore(%arg35 : memref<!tpu.dma_semaphore, #tpu.memory_space<semaphore_mem>>)
        %dma_start3A_98 = arith.constant 0 : i32
        %dma_start3A_99 = arith.constant 0 : i32
        %dma_start3A_100 = tpu.memref_slice %arg4[%dma_start3A_98, %dma_start3A_99] : memref<10000x64xf32, #tpu.memory_space<hbm>> -> memref<10000x64xf32, #tpu.memory_space<hbm>>
        tpu.enqueue_indirect_dma source(%dma_start3A_100 : memref<10000x64xf32, #tpu.memory_space<hbm>>) target(%arg28 : memref<80x64xf32, #tpu.memory_space<vmem>>) offsets(%arg24 : memref<80xi32, #tpu.memory_space<vmem>>) semaphore(%arg35 : memref<!tpu.dma_semaphore, #tpu.memory_space<semaphore_mem>>)
        %dma_start3A_101 = arith.constant 0 : i32
        %dma_start3A_102 = arith.constant 0 : i32
        %dma_start3A_103 = tpu.memref_slice %arg6[%dma_start3A_101, %dma_start3A_102] : memref<10000x16xf32, #tpu.memory_space<hbm>> -> memref<10000x16xf32, #tpu.memory_space<hbm>>
        tpu.enqueue_indirect_dma source(%dma_start3A_103 : memref<10000x16xf32, #tpu.memory_space<hbm>>) target(%arg30 : memref<80x16xf32, #tpu.memory_space<vmem>>) offsets(%arg25 : memref<80xi32, #tpu.memory_space<vmem>>) semaphore(%arg35 : memref<!tpu.dma_semaphore, #tpu.memory_space<semaphore_mem>>)
        %dma_start3A_104 = arith.constant 0 : i32
        %dma_start3A_105 = tpu.memref_slice %arg9[%multiple_of3A_92, %dma_start3A_104] : memref<320000x16xf32, #tpu.memory_space<hbm>> -> memref<80x16xf32, #tpu.memory_space<hbm>>
        %dma_start3A_106 = arith.constant 0 : i32
        %dma_start3A_107 = tpu.memref_slice %arg9[%multiple_of3A_92, %dma_start3A_106] : memref<320000x16xf32, #tpu.memory_space<hbm>> -> memref<80x16xf32, #tpu.memory_space<hbm>>
        tpu.enqueue_dma source(%dma_start3A_107 : memref<80x16xf32, #tpu.memory_space<hbm>>) target(%arg29 : memref<80x16xf32, #tpu.memory_space<vmem>>) target_semaphore(%arg35 : memref<!tpu.dma_semaphore, #tpu.memory_space<semaphore_mem>>)
      } else {
      }
      %mul3A_62 = arith.constant 32 : i32
      %mul3A_63 = arith.muli %mul3A_51, %mul3A_62 : i32
      %add3A_64 = arith.addi %add3A, %mul3A_63 : i32
      %lt3A_65 = arith.constant 4000 : i32
      %lt3A_66 = arith.cmpi slt, %add3A_64, %lt3A_65 : i32
      %convert_element_type3A_67 = arith.extui %lt3A_66 : i1 to i32
      %cond3A_68 = arith.constant 0 : i32
      %cond3A_69 = arith.cmpi ne, %convert_element_type3A_67, %cond3A_68 : i32
      scf.if %cond3A_69 {
        %mul3A_90 = arith.constant 80 : i32
        %mul3A_91 = arith.muli %add3A_64, %mul3A_90 : i32
        %multiple_of3A_92 = tpu.assume_multiple %mul3A_91, 80 : i32
        %dma_wait3A = arith.constant 0 : i32
        %dma_wait3A_93 = arith.constant 0 : i32
        %dma_wait3A_94 = tpu.memref_slice %arg2[%dma_wait3A, %dma_wait3A_93] : memref<10000x128xf32, #tpu.memory_space<hbm>> -> memref<80x128xf32, #tpu.memory_space<hbm>>
        %dma_wait3A_95 = arith.constant 0 : i32
        %dma_wait3A_96 = arith.constant 0 : i32
        %dma_wait3A_97 = tpu.memref_slice %arg2[%dma_wait3A_95, %dma_wait3A_96] : memref<10000x128xf32, #tpu.memory_space<hbm>> -> memref<80x128xf32, #tpu.memory_space<hbm>>
        tpu.wait_dma2 semaphore(%arg34 : memref<!tpu.dma_semaphore, #tpu.memory_space<semaphore_mem>>) src(%dma_wait3A_97 : memref<80x128xf32, #tpu.memory_space<hbm>>) dst(%arg18 : memref<80x128xf32, #tpu.memory_space<vmem>>)
        %dma_wait3A_98 = arith.constant 0 : i32
        %dma_wait3A_99 = arith.constant 0 : i32
        %dma_wait3A_100 = tpu.memref_slice %arg3[%dma_wait3A_98, %dma_wait3A_99] : memref<10000x128xf32, #tpu.memory_space<hbm>> -> memref<80x128xf32, #tpu.memory_space<hbm>>
        %dma_wait3A_101 = arith.constant 0 : i32
        %dma_wait3A_102 = arith.constant 0 : i32
        %dma_wait3A_103 = tpu.memref_slice %arg3[%dma_wait3A_101, %dma_wait3A_102] : memref<10000x128xf32, #tpu.memory_space<hbm>> -> memref<80x128xf32, #tpu.memory_space<hbm>>
        tpu.wait_dma2 semaphore(%arg34 : memref<!tpu.dma_semaphore, #tpu.memory_space<semaphore_mem>>) src(%dma_wait3A_103 : memref<80x128xf32, #tpu.memory_space<hbm>>) dst(%arg19 : memref<80x128xf32, #tpu.memory_space<vmem>>)
        %dma_wait3A_104 = arith.constant 0 : i32
        %dma_wait3A_105 = arith.constant 0 : i32
        %dma_wait3A_106 = tpu.memref_slice %arg4[%dma_wait3A_104, %dma_wait3A_105] : memref<10000x64xf32, #tpu.memory_space<hbm>> -> memref<80x64xf32, #tpu.memory_space<hbm>>
        %dma_wait3A_107 = arith.constant 0 : i32
        %dma_wait3A_108 = arith.constant 0 : i32
        %dma_wait3A_109 = tpu.memref_slice %arg4[%dma_wait3A_107, %dma_wait3A_108] : memref<10000x64xf32, #tpu.memory_space<hbm>> -> memref<80x64xf32, #tpu.memory_space<hbm>>
        tpu.wait_dma2 semaphore(%arg34 : memref<!tpu.dma_semaphore, #tpu.memory_space<semaphore_mem>>) src(%dma_wait3A_109 : memref<80x64xf32, #tpu.memory_space<hbm>>) dst(%arg20 : memref<80x64xf32, #tpu.memory_space<vmem>>)
        %dma_wait3A_110 = arith.constant 0 : i32
        %dma_wait3A_111 = arith.constant 0 : i32
        %dma_wait3A_112 = tpu.memref_slice %arg6[%dma_wait3A_110, %dma_wait3A_111] : memref<10000x16xf32, #tpu.memory_space<hbm>> -> memref<80x16xf32, #tpu.memory_space<hbm>>
        %dma_wait3A_113 = arith.constant 0 : i32
        %dma_wait3A_114 = arith.constant 0 : i32
        %dma_wait3A_115 = tpu.memref_slice %arg6[%dma_wait3A_113, %dma_wait3A_114] : memref<10000x16xf32, #tpu.memory_space<hbm>> -> memref<80x16xf32, #tpu.memory_space<hbm>>
        tpu.wait_dma2 semaphore(%arg34 : memref<!tpu.dma_semaphore, #tpu.memory_space<semaphore_mem>>) src(%dma_wait3A_115 : memref<80x16xf32, #tpu.memory_space<hbm>>) dst(%arg22 : memref<80x16xf32, #tpu.memory_space<vmem>>)
        %dma_wait3A_116 = arith.constant 0 : i32
        %dma_wait3A_117 = arith.constant 0 : i32
        %dma_wait3A_118 = tpu.memref_slice %arg9[%dma_wait3A_116, %dma_wait3A_117] : memref<320000x16xf32, #tpu.memory_space<hbm>> -> memref<80x16xf32, #tpu.memory_space<hbm>>
        %dma_wait3A_119 = arith.constant 0 : i32
        %dma_wait3A_120 = arith.constant 0 : i32
        %dma_wait3A_121 = tpu.memref_slice %arg9[%dma_wait3A_119, %dma_wait3A_120] : memref<320000x16xf32, #tpu.memory_space<hbm>> -> memref<80x16xf32, #tpu.memory_space<hbm>>
        tpu.wait_dma2 semaphore(%arg34 : memref<!tpu.dma_semaphore, #tpu.memory_space<semaphore_mem>>) src(%dma_wait3A_121 : memref<80x16xf32, #tpu.memory_space<hbm>>) dst(%arg21 : memref<80x16xf32, #tpu.memory_space<vmem>>)
        %scan3A_122 = arith.constant 0 : i32
        %scan3A_123 = arith.constant 0 : i32
        %scan3A_124 = arith.constant 80 : i32
        %scan3A_125 = arith.addi %scan3A_123, %scan3A_124 : i32
        %scan3A_126 = arith.constant 1 : i32
        scf.for %scan3A_128 = %scan3A_123 to %scan3A_125 step %scan3A_126  : i32 {
          %get3A = arith.index_cast %scan3A_128 : i32 to index
          %get3A_129 = arith.constant 0 : index
          %get3A_130 = tpu.vector_load %arg21[%get3A, %get3A_129] {strides = array<i32>} : memref<80x16xf32, #tpu.memory_space<vmem>>, vector<1x16xf32>,
          %get3A_131 = vector.shape_cast %get3A_130 : vector<1x16xf32> to vector<16xf32>
          %get3A_132 = arith.index_cast %scan3A_128 : i32 to index
          %get3A_133 = arith.constant 0 : index
          %get3A_134 = tpu.vector_load %arg22[%get3A_132, %get3A_133] {strides = array<i32>} : memref<80x16xf32, #tpu.memory_space<vmem>>, vector<1x16xf32>,
          %get3A_135 = vector.shape_cast %get3A_134 : vector<1x16xf32> to vector<16xf32>
          %mul3A_136 = arith.mulf %get3A_131, %get3A_135 : vector<16xf32>
          %get3A_137 = arith.index_cast %scan3A_128 : i32 to index
          %get3A_138 = arith.constant 0 : index
          %get3A_139 = tpu.vector_load %arg18[%get3A_137, %get3A_138] {strides = array<i32>} : memref<80x128xf32, #tpu.memory_space<vmem>>, vector<1x16xf32>,
          %get3A_140 = vector.shape_cast %get3A_139 : vector<1x16xf32> to vector<16xf32>
          %get3A_141 = arith.index_cast %scan3A_128 : i32 to index
          %get3A_142 = arith.constant 0 : index
          %get3A_143 = tpu.vector_load %arg19[%get3A_141, %get3A_142] {strides = array<i32>} : memref<80x128xf32, #tpu.memory_space<vmem>>, vector<1x16xf32>,
          %get3A_144 = vector.shape_cast %get3A_143 : vector<1x16xf32> to vector<16xf32>
          %mul3A_145 = arith.mulf %get3A_140, %get3A_144 : vector<16xf32>
          %add3A_146 = arith.addf %mul3A_136, %mul3A_145 : vector<16xf32>
          %get3A_147 = arith.index_cast %scan3A_128 : i32 to index
          %get3A_148 = arith.constant 16 : index
          %get3A_149 = tpu.vector_load %arg18[%get3A_147, %get3A_148] {strides = array<i32>} : memref<80x128xf32, #tpu.memory_space<vmem>>, vector<1x16xf32>,
          %get3A_150 = vector.shape_cast %get3A_149 : vector<1x16xf32> to vector<16xf32>
          %get3A_151 = arith.index_cast %scan3A_128 : i32 to index
          %get3A_152 = arith.constant 16 : index
          %get3A_153 = tpu.vector_load %arg19[%get3A_151, %get3A_152] {strides = array<i32>} : memref<80x128xf32, #tpu.memory_space<vmem>>, vector<1x16xf32>,
          %get3A_154 = vector.shape_cast %get3A_153 : vector<1x16xf32> to vector<16xf32>
          %mul3A_155 = arith.mulf %get3A_150, %get3A_154 : vector<16xf32>
          %add3A_156 = arith.addf %add3A_146, %mul3A_155 : vector<16xf32>
          %get3A_157 = arith.index_cast %scan3A_128 : i32 to index
          %get3A_158 = arith.constant 32 : index
          %get3A_159 = tpu.vector_load %arg18[%get3A_157, %get3A_158] {strides = array<i32>} : memref<80x128xf32, #tpu.memory_space<vmem>>, vector<1x16xf32>,
          %get3A_160 = vector.shape_cast %get3A_159 : vector<1x16xf32> to vector<16xf32>
          %get3A_161 = arith.index_cast %scan3A_128 : i32 to index
          %get3A_162 = arith.constant 32 : index
          %get3A_163 = tpu.vector_load %arg19[%get3A_161, %get3A_162] {strides = array<i32>} : memref<80x128xf32, #tpu.memory_space<vmem>>, vector<1x16xf32>,
          %get3A_164 = vector.shape_cast %get3A_163 : vector<1x16xf32> to vector<16xf32>
          %mul3A_165 = arith.mulf %get3A_160, %get3A_164 : vector<16xf32>
          %add3A_166 = arith.addf %add3A_156, %mul3A_165 : vector<16xf32>
          %get3A_167 = arith.index_cast %scan3A_128 : i32 to index
          %get3A_168 = arith.constant 48 : index
          %get3A_169 = tpu.vector_load %arg18[%get3A_167, %get3A_168] {strides = array<i32>} : memref<80x128xf32, #tpu.memory_space<vmem>>, vector<1x16xf32>,
          %get3A_170 = vector.shape_cast %get3A_169 : vector<1x16xf32> to vector<16xf32>
          %get3A_171 = arith.index_cast %scan3A_128 : i32 to index
          %get3A_172 = arith.constant 48 : index
          %get3A_173 = tpu.vector_load %arg19[%get3A_171, %get3A_172] {strides = array<i32>} : memref<80x128xf32, #tpu.memory_space<vmem>>, vector<1x16xf32>,
          %get3A_174 = vector.shape_cast %get3A_173 : vector<1x16xf32> to vector<16xf32>
          %mul3A_175 = arith.mulf %get3A_170, %get3A_174 : vector<16xf32>
          %add3A_176 = arith.addf %add3A_166, %mul3A_175 : vector<16xf32>
          %get3A_177 = arith.index_cast %scan3A_128 : i32 to index
          %get3A_178 = arith.constant 64 : index
          %get3A_179 = tpu.vector_load %arg18[%get3A_177, %get3A_178] {strides = array<i32>} : memref<80x128xf32, #tpu.memory_space<vmem>>, vector<1x16xf32>,
          %get3A_180 = vector.shape_cast %get3A_179 : vector<1x16xf32> to vector<16xf32>
          %get3A_181 = arith.index_cast %scan3A_128 : i32 to index
          %get3A_182 = arith.constant 64 : index
          %get3A_183 = tpu.vector_load %arg19[%get3A_181, %get3A_182] {strides = array<i32>} : memref<80x128xf32, #tpu.memory_space<vmem>>, vector<1x16xf32>,
          %get3A_184 = vector.shape_cast %get3A_183 : vector<1x16xf32> to vector<16xf32>
          %mul3A_185 = arith.mulf %get3A_180, %get3A_184 : vector<16xf32>
          %add3A_186 = arith.addf %add3A_176, %mul3A_185 : vector<16xf32>
          %get3A_187 = arith.index_cast %scan3A_128 : i32 to index
          %get3A_188 = arith.constant 80 : index
          %get3A_189 = tpu.vector_load %arg18[%get3A_187, %get3A_188] {strides = array<i32>} : memref<80x128xf32, #tpu.memory_space<vmem>>, vector<1x16xf32>,
          %get3A_190 = vector.shape_cast %get3A_189 : vector<1x16xf32> to vector<16xf32>
          %get3A_191 = arith.index_cast %scan3A_128 : i32 to index
          %get3A_192 = arith.constant 80 : index
          %get3A_193 = tpu.vector_load %arg19[%get3A_191, %get3A_192] {strides = array<i32>} : memref<80x128xf32, #tpu.memory_space<vmem>>, vector<1x16xf32>,
          %get3A_194 = vector.shape_cast %get3A_193 : vector<1x16xf32> to vector<16xf32>
          %mul3A_195 = arith.mulf %get3A_190, %get3A_194 : vector<16xf32>
          %add3A_196 = arith.addf %add3A_186, %mul3A_195 : vector<16xf32>
          %get3A_197 = arith.index_cast %scan3A_128 : i32 to index
          %get3A_198 = arith.constant 96 : index
          %get3A_199 = tpu.vector_load %arg18[%get3A_197, %get3A_198] {strides = array<i32>} : memref<80x128xf32, #tpu.memory_space<vmem>>, vector<1x16xf32>,
          %get3A_200 = vector.shape_cast %get3A_199 : vector<1x16xf32> to vector<16xf32>
          %get3A_201 = arith.index_cast %scan3A_128 : i32 to index
          %get3A_202 = arith.constant 96 : index
          %get3A_203 = tpu.vector_load %arg19[%get3A_201, %get3A_202] {strides = array<i32>} : memref<80x128xf32, #tpu.memory_space<vmem>>, vector<1x16xf32>,
          %get3A_204 = vector.shape_cast %get3A_203 : vector<1x16xf32> to vector<16xf32>
          %mul3A_205 = arith.mulf %get3A_200, %get3A_204 : vector<16xf32>
          %add3A_206 = arith.addf %add3A_196, %mul3A_205 : vector<16xf32>
          %get3A_207 = arith.index_cast %scan3A_128 : i32 to index
          %get3A_208 = arith.constant 112 : index
          %get3A_209 = tpu.vector_load %arg18[%get3A_207, %get3A_208] {strides = array<i32>} : memref<80x128xf32, #tpu.memory_space<vmem>>, vector<1x16xf32>,
          %get3A_210 = vector.shape_cast %get3A_209 : vector<1x16xf32> to vector<16xf32>
          %get3A_211 = arith.index_cast %scan3A_128 : i32 to index
          %get3A_212 = arith.constant 112 : index
          %get3A_213 = tpu.vector_load %arg19[%get3A_211, %get3A_212] {strides = array<i32>} : memref<80x128xf32, #tpu.memory_space<vmem>>, vector<1x16xf32>,
          %get3A_214 = vector.shape_cast %get3A_213 : vector<1x16xf32> to vector<16xf32>
          %mul3A_215 = arith.mulf %get3A_210, %get3A_214 : vector<16xf32>
          %add3A_216 = arith.addf %add3A_206, %mul3A_215 : vector<16xf32>
          %iota3A = tpu.iota {dimensions = array<i32: 0>} : vector<16xi32>
          %xor3A = arith.constant 1 : i32
          %xor3A_217 = vector.broadcast %xor3A : i32 to vector<16xi32>
          %xor3A_218 = arith.xori %iota3A, %xor3A_217 : vector<16xi32>
          %reshape3A = vector.shape_cast %xor3A_218 : vector<16xi32> to vector<16x1xi32>
          %gather3A = vector.shape_cast %reshape3A : vector<16x1xi32> to vector<16xi32>
          %gather3A_219 = tpu.dynamic_gather %add3A_216[%gather3A] in [0] : vector<16xf32>, vector<16xi32> -> vector<16xf32>
          %add3A_220 = arith.addf %add3A_216, %gather3A_219 : vector<16xf32>
          %iota3A_221 = tpu.iota {dimensions = array<i32: 0>} : vector<16xi32>
          %xor3A_222 = arith.constant 2 : i32
          %xor3A_223 = vector.broadcast %xor3A_222 : i32 to vector<16xi32>
          %xor3A_224 = arith.xori %iota3A_221, %xor3A_223 : vector<16xi32>
          %reshape3A_225 = vector.shape_cast %xor3A_224 : vector<16xi32> to vector<16x1xi32>
          %gather3A_226 = vector.shape_cast %reshape3A_225 : vector<16x1xi32> to vector<16xi32>
          %gather3A_227 = tpu.dynamic_gather %add3A_220[%gather3A_226] in [0] : vector<16xf32>, vector<16xi32> -> vector<16xf32>
          %add3A_228 = arith.addf %add3A_220, %gather3A_227 : vector<16xf32>
          %iota3A_229 = tpu.iota {dimensions = array<i32: 0>} : vector<16xi32>
          %xor3A_230 = arith.constant 4 : i32
          %xor3A_231 = vector.broadcast %xor3A_230 : i32 to vector<16xi32>
          %xor3A_232 = arith.xori %iota3A_229, %xor3A_231 : vector<16xi32>
          %reshape3A_233 = vector.shape_cast %xor3A_232 : vector<16xi32> to vector<16x1xi32>
          %gather3A_234 = vector.shape_cast %reshape3A_233 : vector<16x1xi32> to vector<16xi32>
          %gather3A_235 = tpu.dynamic_gather %add3A_228[%gather3A_234] in [0] : vector<16xf32>, vector<16xi32> -> vector<16xf32>
          %add3A_236 = arith.addf %add3A_228, %gather3A_235 : vector<16xf32>
          %iota3A_237 = tpu.iota {dimensions = array<i32: 0>} : vector<16xi32>
          %xor3A_238 = arith.constant 8 : i32
          %xor3A_239 = vector.broadcast %xor3A_238 : i32 to vector<16xi32>
          %xor3A_240 = arith.xori %iota3A_237, %xor3A_239 : vector<16xi32>
          %reshape3A_241 = vector.shape_cast %xor3A_240 : vector<16xi32> to vector<16x1xi32>
          %gather3A_242 = vector.shape_cast %reshape3A_241 : vector<16x1xi32> to vector<16xi32>
          %gather3A_243 = tpu.dynamic_gather %add3A_236[%gather3A_242] in [0] : vector<16xf32>, vector<16xi32> -> vector<16xf32>
          %add3A_244 = arith.addf %add3A_236, %gather3A_243 : vector<16xf32>
          %mul3A_245 = arith.constant 0.0883883461 : f32
          %mul3A_246 = vector.broadcast %mul3A_245 : f32 to vector<16xf32>
          %mul3A_247 = arith.mulf %add3A_244, %mul3A_246 : vector<16xf32>
          %exp3A = math.exp %mul3A_247 : vector<16xf32>
          %get3A_248 = arith.index_cast %scan3A_128 : i32 to index
          %get3A_249 = arith.constant 0 : index
          %get3A_250 = tpu.vector_load %arg20[%get3A_248, %get3A_249] {strides = array<i32>} : memref<80x64xf32, #tpu.memory_space<vmem>>, vector<1x16xf32>,
          %get3A_251 = vector.shape_cast %get3A_250 : vector<1x16xf32> to vector<16xf32>
          %mul3A_252 = arith.mulf %get3A_251, %exp3A : vector<16xf32>
          %swap3A = arith.index_cast %scan3A_128 : i32 to index
          %swap3A_253 = arith.constant 0 : index
          %swap3A_254 = tpu.vector_load %arg20[%swap3A, %swap3A_253] {strides = array<i32>} : memref<80x64xf32, #tpu.memory_space<vmem>>, vector<1x16xf32>,
          %swap3A_255 = vector.shape_cast %swap3A_254 : vector<1x16xf32> to vector<16xf32>
          %swap3A_256 = vector.shape_cast %mul3A_252 : vector<16xf32> to vector<1x16xf32>
          tpu.vector_store %arg20[%swap3A, %swap3A_253], %swap3A_256 {strides = array<i32>} : memref<80x64xf32, #tpu.memory_space<vmem>>, vector<1x16xf32>,
          %get3A_257 = arith.index_cast %scan3A_128 : i32 to index
          %get3A_258 = arith.constant 16 : index
          %get3A_259 = tpu.vector_load %arg20[%get3A_257, %get3A_258] {strides = array<i32>} : memref<80x64xf32, #tpu.memory_space<vmem>>, vector<1x16xf32>,
          %get3A_260 = vector.shape_cast %get3A_259 : vector<1x16xf32> to vector<16xf32>
          %mul3A_261 = arith.mulf %get3A_260, %exp3A : vector<16xf32>
          %swap3A_262 = arith.index_cast %scan3A_128 : i32 to index
          %swap3A_263 = arith.constant 16 : index
          %swap3A_264 = tpu.vector_load %arg20[%swap3A_262, %swap3A_263] {strides = array<i32>} : memref<80x64xf32, #tpu.memory_space<vmem>>, vector<1x16xf32>,
          %swap3A_265 = vector.shape_cast %swap3A_264 : vector<1x16xf32> to vector<16xf32>
          %swap3A_266 = vector.shape_cast %mul3A_261 : vector<16xf32> to vector<1x16xf32>
          tpu.vector_store %arg20[%swap3A_262, %swap3A_263], %swap3A_266 {strides = array<i32>} : memref<80x64xf32, #tpu.memory_space<vmem>>, vector<1x16xf32>,
          %get3A_267 = arith.index_cast %scan3A_128 : i32 to index
          %get3A_268 = arith.constant 32 : index
          %get3A_269 = tpu.vector_load %arg20[%get3A_267, %get3A_268] {strides = array<i32>} : memref<80x64xf32, #tpu.memory_space<vmem>>, vector<1x16xf32>,
          %get3A_270 = vector.shape_cast %get3A_269 : vector<1x16xf32> to vector<16xf32>
          %mul3A_271 = arith.mulf %get3A_270, %exp3A : vector<16xf32>
          %swap3A_272 = arith.index_cast %scan3A_128 : i32 to index
          %swap3A_273 = arith.constant 32 : index
          %swap3A_274 = tpu.vector_load %arg20[%swap3A_272, %swap3A_273] {strides = array<i32>} : memref<80x64xf32, #tpu.memory_space<vmem>>, vector<1x16xf32>,
          %swap3A_275 = vector.shape_cast %swap3A_274 : vector<1x16xf32> to vector<16xf32>
          %swap3A_276 = vector.shape_cast %mul3A_271 : vector<16xf32> to vector<1x16xf32>
          tpu.vector_store %arg20[%swap3A_272, %swap3A_273], %swap3A_276 {strides = array<i32>} : memref<80x64xf32, #tpu.memory_space<vmem>>, vector<1x16xf32>,
          %get3A_277 = arith.index_cast %scan3A_128 : i32 to index
          %get3A_278 = arith.constant 48 : index
          %get3A_279 = tpu.vector_load %arg20[%get3A_277, %get3A_278] {strides = array<i32>} : memref<80x64xf32, #tpu.memory_space<vmem>>, vector<1x16xf32>,
          %get3A_280 = vector.shape_cast %get3A_279 : vector<1x16xf32> to vector<16xf32>
          %mul3A_281 = arith.mulf %get3A_280, %exp3A : vector<16xf32>
          %swap3A_282 = arith.index_cast %scan3A_128 : i32 to index
          %swap3A_283 = arith.constant 48 : index
          %swap3A_284 = tpu.vector_load %arg20[%swap3A_282, %swap3A_283] {strides = array<i32>} : memref<80x64xf32, #tpu.memory_space<vmem>>, vector<1x16xf32>,
          %swap3A_285 = vector.shape_cast %swap3A_284 : vector<1x16xf32> to vector<16xf32>
          %swap3A_286 = vector.shape_cast %mul3A_281 : vector<16xf32> to vector<1x16xf32>
          tpu.vector_store %arg20[%swap3A_282, %swap3A_283], %swap3A_286 {strides = array<i32>} : memref<80x64xf32, #tpu.memory_space<vmem>>, vector<1x16xf32>,
          %get3A_287 = arith.index_cast %scan3A_128 : i32 to index
          %get3A_288 = arith.constant 0 : index
          %get3A_289 = tpu.vector_load %arg21[%get3A_287, %get3A_288] {strides = array<i32>} : memref<80x16xf32, #tpu.memory_space<vmem>>, vector<1x16xf32>,
          %get3A_290 = vector.shape_cast %get3A_289 : vector<1x16xf32> to vector<16xf32>
          %mul3A_291 = arith.mulf %get3A_290, %exp3A : vector<16xf32>
          %swap3A_292 = arith.index_cast %scan3A_128 : i32 to index
          %swap3A_293 = arith.constant 0 : index
          %swap3A_294 = tpu.vector_load %arg23[%swap3A_292, %swap3A_293] {strides = array<i32>} : memref<80x32xf32, #tpu.memory_space<vmem>>, vector<1x16xf32>,
          %swap3A_295 = vector.shape_cast %swap3A_294 : vector<1x16xf32> to vector<16xf32>
          %swap3A_296 = vector.shape_cast %mul3A_291 : vector<16xf32> to vector<1x16xf32>
          tpu.vector_store %arg23[%swap3A_292, %swap3A_293], %swap3A_296 {strides = array<i32>} : memref<80x32xf32, #tpu.memory_space<vmem>>, vector<1x16xf32>,
          %iota3A_297 = tpu.iota {dimensions = array<i32: 0>} : vector<16xi32>
          %eq3A_298 = arith.constant 0 : i32
          %eq3A_299 = vector.broadcast %eq3A_298 : i32 to vector<16xi32>
          %eq3A_300 = arith.cmpi eq, %iota3A_297, %eq3A_299 : vector<16xi32>
          %broadcast_in_dim3A = arith.constant 0.000000e+00 : f32
          %broadcast_in_dim3A_301 = vector.broadcast %broadcast_in_dim3A : f32 to vector<16xf32>
          %select_n3A = arith.select %eq3A_300, %exp3A, %broadcast_in_dim3A_301 : vector<16xi1>, vector<16xf32>
          %swap3A_302 = arith.index_cast %scan3A_128 : i32 to index
          %swap3A_303 = arith.constant 16 : index
          %swap3A_304 = tpu.vector_load %arg23[%swap3A_302, %swap3A_303] {strides = array<i32>} : memref<80x32xf32, #tpu.memory_space<vmem>>, vector<1x16xf32>,
          %swap3A_305 = vector.shape_cast %swap3A_304 : vector<1x16xf32> to vector<16xf32>
          %swap3A_306 = vector.shape_cast %select_n3A : vector<16xf32> to vector<1x16xf32>
          tpu.vector_store %arg23[%swap3A_302, %swap3A_303], %swap3A_306 {strides = array<i32>} : memref<80x32xf32, #tpu.memory_space<vmem>>, vector<1x16xf32>,
        }
        %scan3A_127 = arith.constant 80 : i32
        "tpu.region"() ({
          %run_scoped3A = tpu.sem_alloc : memref<!tpu.dma_semaphore, #tpu.memory_space<semaphore_mem>>
          %dma_start3A = arith.constant 0 : i32
          %dma_start3A_128 = arith.constant 0 : i32
          %dma_start3A_129 = tpu.memref_slice %arg32[%dma_start3A, %dma_start3A_128] : memref<10000x64xf32, #tpu.memory_space<vmem_shared>> -> memref<10000x64xf32, #tpu.memory_space<vmem_shared>>
          tpu.enqueue_indirect_dma source(%arg20 : memref<80x64xf32, #tpu.memory_space<vmem>>) target(%dma_start3A_129 : memref<10000x64xf32, #tpu.memory_space<vmem_shared>>) offsets(%arg17 : memref<80xi32, #tpu.memory_space<vmem>>) semaphore(%run_scoped3A : memref<!tpu.dma_semaphore, #tpu.memory_space<semaphore_mem>>) {add = true}
          %dma_wait3A_130 = arith.constant 0 : i32
          %dma_wait3A_131 = arith.constant 0 : i32
          %dma_wait3A_132 = tpu.memref_slice %arg32[%dma_wait3A_130, %dma_wait3A_131] : memref<10000x64xf32, #tpu.memory_space<vmem_shared>> -> memref<10000x64xf32, #tpu.memory_space<vmem_shared>>
          tpu.wait_indirect_dma semaphore(%run_scoped3A : memref<!tpu.dma_semaphore, #tpu.memory_space<semaphore_mem>>) src(%arg20 : memref<80x64xf32, #tpu.memory_space<vmem>>) dst(%dma_wait3A_132 : memref<10000x64xf32, #tpu.memory_space<vmem_shared>>)
          tpu.yield
        }) : () -> ()
        "tpu.region"() ({
          %run_scoped3A = tpu.sem_alloc : memref<!tpu.dma_semaphore, #tpu.memory_space<semaphore_mem>>
          %dma_start3A = arith.constant 0 : i32
          %dma_start3A_128 = arith.constant 0 : i32
          %dma_start3A_129 = tpu.memref_slice %arg33[%dma_start3A, %dma_start3A_128] : memref<10000x32xf32, #tpu.memory_space<vmem_shared>> -> memref<10000x32xf32, #tpu.memory_space<vmem_shared>>
          tpu.enqueue_indirect_dma source(%arg23 : memref<80x32xf32, #tpu.memory_space<vmem>>) target(%dma_start3A_129 : memref<10000x32xf32, #tpu.memory_space<vmem_shared>>) offsets(%arg17 : memref<80xi32, #tpu.memory_space<vmem>>) semaphore(%run_scoped3A : memref<!tpu.dma_semaphore, #tpu.memory_space<semaphore_mem>>) {add = true}
          %dma_wait3A_130 = arith.constant 0 : i32
          %dma_wait3A_131 = arith.constant 0 : i32
          %dma_wait3A_132 = tpu.memref_slice %arg33[%dma_wait3A_130, %dma_wait3A_131] : memref<10000x32xf32, #tpu.memory_space<vmem_shared>> -> memref<10000x32xf32, #tpu.memory_space<vmem_shared>>
          tpu.wait_indirect_dma semaphore(%run_scoped3A : memref<!tpu.dma_semaphore, #tpu.memory_space<semaphore_mem>>) src(%arg23 : memref<80x32xf32, #tpu.memory_space<vmem>>) dst(%dma_wait3A_132 : memref<10000x32xf32, #tpu.memory_space<vmem_shared>>)
          tpu.yield
        }) : () -> ()
        "tpu.region"() ({
          %run_scoped3A = tpu.sem_alloc : memref<!tpu.dma_semaphore, #tpu.memory_space<semaphore_mem>>
          %dma_start3A = arith.constant 0 : i32
          %dma_start3A_128 = tpu.memref_slice %arg15[%multiple_of3A_92, %dma_start3A] : memref<320000x32xf32, #tpu.memory_space<hbm>> -> memref<80x32xf32, #tpu.memory_space<hbm>>
          %dma_start3A_129 = arith.constant 0 : i32
          %dma_start3A_130 = tpu.memref_slice %arg15[%multiple_of3A_92, %dma_start3A_129] : memref<320000x32xf32, #tpu.memory_space<hbm>> -> memref<80x32xf32, #tpu.memory_space<hbm>>
          tpu.enqueue_dma source(%arg23 : memref<80x32xf32, #tpu.memory_space<vmem>>) target(%dma_start3A_130 : memref<80x32xf32, #tpu.memory_space<hbm>>) target_semaphore(%run_scoped3A : memref<!tpu.dma_semaphore, #tpu.memory_space<semaphore_mem>>)
          %dma_wait3A_131 = arith.constant 0 : i32
          %dma_wait3A_132 = tpu.memref_slice %arg15[%multiple_of3A_92, %dma_wait3A_131] : memref<320000x32xf32, #tpu.memory_space<hbm>> -> memref<80x32xf32, #tpu.memory_space<hbm>>
          %dma_wait3A_133 = arith.constant 0 : i32
          %dma_wait3A_134 = tpu.memref_slice %arg15[%multiple_of3A_92, %dma_wait3A_133] : memref<320000x32xf32, #tpu.memory_space<hbm>> -> memref<80x32xf32, #tpu.memory_space<hbm>>
          tpu.wait_dma2 semaphore(%run_scoped3A : memref<!tpu.dma_semaphore, #tpu.memory_space<semaphore_mem>>) src(%arg23 : memref<80x32xf32, #tpu.memory_space<vmem>>) dst(%dma_wait3A_134 : memref<80x32xf32, #tpu.memory_space<hbm>>)
          tpu.yield
        }) : () -> ()
      } else {
      }
      %add3A_70 = arith.constant 2 : i32
      %add3A_71 = arith.addi %mul3A_51, %add3A_70 : i32
      %mul3A_72 = arith.constant 32 : i32
      %mul3A_73 = arith.muli %add3A_71, %mul3A_72 : i32
      %add3A_74 = arith.addi %add3A, %mul3A_73 : i32
      %lt3A_75 = arith.constant 4000 : i32
      %lt3A_76 = arith.cmpi slt, %add3A_74, %lt3A_75 : i32
      %convert_element_type3A_77 = arith.extui %lt3A_76 : i1 to i32
      %cond3A_78 = arith.constant 0 : i32
      %cond3A_79 = arith.cmpi ne, %convert_element_type3A_77, %cond3A_78 : i32
      scf.if %cond3A_79 {
        %mul3A_90 = arith.constant 80 : i32
        %mul3A_91 = arith.muli %add3A_74, %mul3A_90 : i32
        %multiple_of3A_92 = tpu.assume_multiple %mul3A_91, 80 : i32
        "tpu.region"() ({
          %run_scoped3A = tpu.sem_alloc : memref<!tpu.dma_semaphore, #tpu.memory_space<semaphore_mem>>
          %dma_start3A_108 = tpu.memref_slice %arg7[%multiple_of3A_92] : memref<320000xi32, #tpu.memory_space<hbm>> -> memref<80xi32, #tpu.memory_space<hbm>>
          %dma_start3A_109 = tpu.memref_slice %arg7[%multiple_of3A_92] : memref<320000xi32, #tpu.memory_space<hbm>> -> memref<80xi32, #tpu.memory_space<hbm>>
          tpu.enqueue_dma source(%dma_start3A_109 : memref<80xi32, #tpu.memory_space<hbm>>) target(%arg16 : memref<80xi32, #tpu.memory_space<vmem>>) target_semaphore(%run_scoped3A : memref<!tpu.dma_semaphore, #tpu.memory_space<semaphore_mem>>)
          %dma_wait3A = tpu.memref_slice %arg7[%multiple_of3A_92] : memref<320000xi32, #tpu.memory_space<hbm>> -> memref<80xi32, #tpu.memory_space<hbm>>
          %dma_wait3A_110 = tpu.memref_slice %arg7[%multiple_of3A_92] : memref<320000xi32, #tpu.memory_space<hbm>> -> memref<80xi32, #tpu.memory_space<hbm>>
          tpu.wait_dma2 semaphore(%run_scoped3A : memref<!tpu.dma_semaphore, #tpu.memory_space<semaphore_mem>>) src(%dma_wait3A_110 : memref<80xi32, #tpu.memory_space<hbm>>) dst(%arg16 : memref<80xi32, #tpu.memory_space<vmem>>)
          tpu.yield
        }) : () -> ()
        "tpu.region"() ({
          %run_scoped3A = tpu.sem_alloc : memref<!tpu.dma_semaphore, #tpu.memory_space<semaphore_mem>>
          %dma_start3A_108 = tpu.memref_slice %arg8[%multiple_of3A_92] : memref<320000xi32, #tpu.memory_space<hbm>> -> memref<80xi32, #tpu.memory_space<hbm>>
          %dma_start3A_109 = tpu.memref_slice %arg8[%multiple_of3A_92] : memref<320000xi32, #tpu.memory_space<hbm>> -> memref<80xi32, #tpu.memory_space<hbm>>
          tpu.enqueue_dma source(%dma_start3A_109 : memref<80xi32, #tpu.memory_space<hbm>>) target(%arg17 : memref<80xi32, #tpu.memory_space<vmem>>) target_semaphore(%run_scoped3A : memref<!tpu.dma_semaphore, #tpu.memory_space<semaphore_mem>>)
          %dma_wait3A = tpu.memref_slice %arg8[%multiple_of3A_92] : memref<320000xi32, #tpu.memory_space<hbm>> -> memref<80xi32, #tpu.memory_space<hbm>>
          %dma_wait3A_110 = tpu.memref_slice %arg8[%multiple_of3A_92] : memref<320000xi32, #tpu.memory_space<hbm>> -> memref<80xi32, #tpu.memory_space<hbm>>
          tpu.wait_dma2 semaphore(%run_scoped3A : memref<!tpu.dma_semaphore, #tpu.memory_space<semaphore_mem>>) src(%dma_wait3A_110 : memref<80xi32, #tpu.memory_space<hbm>>) dst(%arg17 : memref<80xi32, #tpu.memory_space<vmem>>)
          tpu.yield
        }) : () -> ()
        %dma_start3A = arith.constant 0 : i32
        %dma_start3A_93 = arith.constant 0 : i32
        %dma_start3A_94 = tpu.memref_slice %arg2[%dma_start3A, %dma_start3A_93] : memref<10000x128xf32, #tpu.memory_space<hbm>> -> memref<10000x128xf32, #tpu.memory_space<hbm>>
        tpu.enqueue_indirect_dma source(%dma_start3A_94 : memref<10000x128xf32, #tpu.memory_space<hbm>>) target(%arg18 : memref<80x128xf32, #tpu.memory_space<vmem>>) offsets(%arg17 : memref<80xi32, #tpu.memory_space<vmem>>) semaphore(%arg34 : memref<!tpu.dma_semaphore, #tpu.memory_space<semaphore_mem>>)
        %dma_start3A_95 = arith.constant 0 : i32
        %dma_start3A_96 = arith.constant 0 : i32
        %dma_start3A_97 = tpu.memref_slice %arg3[%dma_start3A_95, %dma_start3A_96] : memref<10000x128xf32, #tpu.memory_space<hbm>> -> memref<10000x128xf32, #tpu.memory_space<hbm>>
        tpu.enqueue_indirect_dma source(%dma_start3A_97 : memref<10000x128xf32, #tpu.memory_space<hbm>>) target(%arg19 : memref<80x128xf32, #tpu.memory_space<vmem>>) offsets(%arg16 : memref<80xi32, #tpu.memory_space<vmem>>) semaphore(%arg34 : memref<!tpu.dma_semaphore, #tpu.memory_space<semaphore_mem>>)
        %dma_start3A_98 = arith.constant 0 : i32
        %dma_start3A_99 = arith.constant 0 : i32
        %dma_start3A_100 = tpu.memref_slice %arg4[%dma_start3A_98, %dma_start3A_99] : memref<10000x64xf32, #tpu.memory_space<hbm>> -> memref<10000x64xf32, #tpu.memory_space<hbm>>
        tpu.enqueue_indirect_dma source(%dma_start3A_100 : memref<10000x64xf32, #tpu.memory_space<hbm>>) target(%arg20 : memref<80x64xf32, #tpu.memory_space<vmem>>) offsets(%arg16 : memref<80xi32, #tpu.memory_space<vmem>>) semaphore(%arg34 : memref<!tpu.dma_semaphore, #tpu.memory_space<semaphore_mem>>)
        %dma_start3A_101 = arith.constant 0 : i32
        %dma_start3A_102 = arith.constant 0 : i32
        %dma_start3A_103 = tpu.memref_slice %arg6[%dma_start3A_101, %dma_start3A_102] : memref<10000x16xf32, #tpu.memory_space<hbm>> -> memref<10000x16xf32, #tpu.memory_space<hbm>>
        tpu.enqueue_indirect_dma source(%dma_start3A_103 : memref<10000x16xf32, #tpu.memory_space<hbm>>) target(%arg22 : memref<80x16xf32, #tpu.memory_space<vmem>>) offsets(%arg17 : memref<80xi32, #tpu.memory_space<vmem>>) semaphore(%arg34 : memref<!tpu.dma_semaphore, #tpu.memory_space<semaphore_mem>>)
        %dma_start3A_104 = arith.constant 0 : i32
        %dma_start3A_105 = tpu.memref_slice %arg9[%multiple_of3A_92, %dma_start3A_104] : memref<320000x16xf32, #tpu.memory_space<hbm>> -> memref<80x16xf32, #tpu.memory_space<hbm>>
        %dma_start3A_106 = arith.constant 0 : i32
        %dma_start3A_107 = tpu.memref_slice %arg9[%multiple_of3A_92, %dma_start3A_106] : memref<320000x16xf32, #tpu.memory_space<hbm>> -> memref<80x16xf32, #tpu.memory_space<hbm>>
        tpu.enqueue_dma source(%dma_start3A_107 : memref<80x16xf32, #tpu.memory_space<hbm>>) target(%arg21 : memref<80x16xf32, #tpu.memory_space<vmem>>) target_semaphore(%arg34 : memref<!tpu.dma_semaphore, #tpu.memory_space<semaphore_mem>>)
      } else {
      }
      %add3A_80 = arith.constant 1 : i32
      %add3A_81 = arith.addi %mul3A_51, %add3A_80 : i32
      %mul3A_82 = arith.constant 32 : i32
      %mul3A_83 = arith.muli %add3A_81, %mul3A_82 : i32
      %add3A_84 = arith.addi %add3A, %mul3A_83 : i32
      %lt3A_85 = arith.constant 4000 : i32
      %lt3A_86 = arith.cmpi slt, %add3A_84, %lt3A_85 : i32
      %convert_element_type3A_87 = arith.extui %lt3A_86 : i1 to i32
      %cond3A_88 = arith.constant 0 : i32
      %cond3A_89 = arith.cmpi ne, %convert_element_type3A_87, %cond3A_88 : i32
      scf.if %cond3A_89 {
        %mul3A_90 = arith.constant 80 : i32
        %mul3A_91 = arith.muli %add3A_84, %mul3A_90 : i32
        %multiple_of3A_92 = tpu.assume_multiple %mul3A_91, 80 : i32
        %dma_wait3A = arith.constant 0 : i32
        %dma_wait3A_93 = arith.constant 0 : i32
        %dma_wait3A_94 = tpu.memref_slice %arg2[%dma_wait3A, %dma_wait3A_93] : memref<10000x128xf32, #tpu.memory_space<hbm>> -> memref<80x128xf32, #tpu.memory_space<hbm>>
        %dma_wait3A_95 = arith.constant 0 : i32
        %dma_wait3A_96 = arith.constant 0 : i32
        %dma_wait3A_97 = tpu.memref_slice %arg2[%dma_wait3A_95, %dma_wait3A_96] : memref<10000x128xf32, #tpu.memory_space<hbm>> -> memref<80x128xf32, #tpu.memory_space<hbm>>
        tpu.wait_dma2 semaphore(%arg35 : memref<!tpu.dma_semaphore, #tpu.memory_space<semaphore_mem>>) src(%dma_wait3A_97 : memref<80x128xf32, #tpu.memory_space<hbm>>) dst(%arg26 : memref<80x128xf32, #tpu.memory_space<vmem>>)
        %dma_wait3A_98 = arith.constant 0 : i32
        %dma_wait3A_99 = arith.constant 0 : i32
        %dma_wait3A_100 = tpu.memref_slice %arg3[%dma_wait3A_98, %dma_wait3A_99] : memref<10000x128xf32, #tpu.memory_space<hbm>> -> memref<80x128xf32, #tpu.memory_space<hbm>>
        %dma_wait3A_101 = arith.constant 0 : i32
        %dma_wait3A_102 = arith.constant 0 : i32
        %dma_wait3A_103 = tpu.memref_slice %arg3[%dma_wait3A_101, %dma_wait3A_102] : memref<10000x128xf32, #tpu.memory_space<hbm>> -> memref<80x128xf32, #tpu.memory_space<hbm>>
        tpu.wait_dma2 semaphore(%arg35 : memref<!tpu.dma_semaphore, #tpu.memory_space<semaphore_mem>>) src(%dma_wait3A_103 : memref<80x128xf32, #tpu.memory_space<hbm>>) dst(%arg27 : memref<80x128xf32, #tpu.memory_space<vmem>>)
        %dma_wait3A_104 = arith.constant 0 : i32
        %dma_wait3A_105 = arith.constant 0 : i32
        %dma_wait3A_106 = tpu.memref_slice %arg4[%dma_wait3A_104, %dma_wait3A_105] : memref<10000x64xf32, #tpu.memory_space<hbm>> -> memref<80x64xf32, #tpu.memory_space<hbm>>
        %dma_wait3A_107 = arith.constant 0 : i32
        %dma_wait3A_108 = arith.constant 0 : i32
        %dma_wait3A_109 = tpu.memref_slice %arg4[%dma_wait3A_107, %dma_wait3A_108] : memref<10000x64xf32, #tpu.memory_space<hbm>> -> memref<80x64xf32, #tpu.memory_space<hbm>>
        tpu.wait_dma2 semaphore(%arg35 : memref<!tpu.dma_semaphore, #tpu.memory_space<semaphore_mem>>) src(%dma_wait3A_109 : memref<80x64xf32, #tpu.memory_space<hbm>>) dst(%arg28 : memref<80x64xf32, #tpu.memory_space<vmem>>)
        %dma_wait3A_110 = arith.constant 0 : i32
        %dma_wait3A_111 = arith.constant 0 : i32
        %dma_wait3A_112 = tpu.memref_slice %arg6[%dma_wait3A_110, %dma_wait3A_111] : memref<10000x16xf32, #tpu.memory_space<hbm>> -> memref<80x16xf32, #tpu.memory_space<hbm>>
        %dma_wait3A_113 = arith.constant 0 : i32
        %dma_wait3A_114 = arith.constant 0 : i32
        %dma_wait3A_115 = tpu.memref_slice %arg6[%dma_wait3A_113, %dma_wait3A_114] : memref<10000x16xf32, #tpu.memory_space<hbm>> -> memref<80x16xf32, #tpu.memory_space<hbm>>
        tpu.wait_dma2 semaphore(%arg35 : memref<!tpu.dma_semaphore, #tpu.memory_space<semaphore_mem>>) src(%dma_wait3A_115 : memref<80x16xf32, #tpu.memory_space<hbm>>) dst(%arg30 : memref<80x16xf32, #tpu.memory_space<vmem>>)
        %dma_wait3A_116 = arith.constant 0 : i32
        %dma_wait3A_117 = arith.constant 0 : i32
        %dma_wait3A_118 = tpu.memref_slice %arg9[%dma_wait3A_116, %dma_wait3A_117] : memref<320000x16xf32, #tpu.memory_space<hbm>> -> memref<80x16xf32, #tpu.memory_space<hbm>>
        %dma_wait3A_119 = arith.constant 0 : i32
        %dma_wait3A_120 = arith.constant 0 : i32
        %dma_wait3A_121 = tpu.memref_slice %arg9[%dma_wait3A_119, %dma_wait3A_120] : memref<320000x16xf32, #tpu.memory_space<hbm>> -> memref<80x16xf32, #tpu.memory_space<hbm>>
        tpu.wait_dma2 semaphore(%arg35 : memref<!tpu.dma_semaphore, #tpu.memory_space<semaphore_mem>>) src(%dma_wait3A_121 : memref<80x16xf32, #tpu.memory_space<hbm>>) dst(%arg29 : memref<80x16xf32, #tpu.memory_space<vmem>>)
        %scan3A_122 = arith.constant 0 : i32
        %scan3A_123 = arith.constant 0 : i32
        %scan3A_124 = arith.constant 80 : i32
        %scan3A_125 = arith.addi %scan3A_123, %scan3A_124 : i32
        %scan3A_126 = arith.constant 1 : i32
        scf.for %scan3A_128 = %scan3A_123 to %scan3A_125 step %scan3A_126  : i32 {
          %get3A = arith.index_cast %scan3A_128 : i32 to index
          %get3A_129 = arith.constant 0 : index
          %get3A_130 = tpu.vector_load %arg29[%get3A, %get3A_129] {strides = array<i32>} : memref<80x16xf32, #tpu.memory_space<vmem>>, vector<1x16xf32>,
          %get3A_131 = vector.shape_cast %get3A_130 : vector<1x16xf32> to vector<16xf32>
          %get3A_132 = arith.index_cast %scan3A_128 : i32 to index
          %get3A_133 = arith.constant 0 : index
          %get3A_134 = tpu.vector_load %arg30[%get3A_132, %get3A_133] {strides = array<i32>} : memref<80x16xf32, #tpu.memory_space<vmem>>, vector<1x16xf32>,
          %get3A_135 = vector.shape_cast %get3A_134 : vector<1x16xf32> to vector<16xf32>
          %mul3A_136 = arith.mulf %get3A_131, %get3A_135 : vector<16xf32>
          %get3A_137 = arith.index_cast %scan3A_128 : i32 to index
          %get3A_138 = arith.constant 0 : index
          %get3A_139 = tpu.vector_load %arg26[%get3A_137, %get3A_138] {strides = array<i32>} : memref<80x128xf32, #tpu.memory_space<vmem>>, vector<1x16xf32>,
          %get3A_140 = vector.shape_cast %get3A_139 : vector<1x16xf32> to vector<16xf32>
          %get3A_141 = arith.index_cast %scan3A_128 : i32 to index
          %get3A_142 = arith.constant 0 : index
          %get3A_143 = tpu.vector_load %arg27[%get3A_141, %get3A_142] {strides = array<i32>} : memref<80x128xf32, #tpu.memory_space<vmem>>, vector<1x16xf32>,
          %get3A_144 = vector.shape_cast %get3A_143 : vector<1x16xf32> to vector<16xf32>
          %mul3A_145 = arith.mulf %get3A_140, %get3A_144 : vector<16xf32>
          %add3A_146 = arith.addf %mul3A_136, %mul3A_145 : vector<16xf32>
          %get3A_147 = arith.index_cast %scan3A_128 : i32 to index
          %get3A_148 = arith.constant 16 : index
          %get3A_149 = tpu.vector_load %arg26[%get3A_147, %get3A_148] {strides = array<i32>} : memref<80x128xf32, #tpu.memory_space<vmem>>, vector<1x16xf32>,
          %get3A_150 = vector.shape_cast %get3A_149 : vector<1x16xf32> to vector<16xf32>
          %get3A_151 = arith.index_cast %scan3A_128 : i32 to index
          %get3A_152 = arith.constant 16 : index
          %get3A_153 = tpu.vector_load %arg27[%get3A_151, %get3A_152] {strides = array<i32>} : memref<80x128xf32, #tpu.memory_space<vmem>>, vector<1x16xf32>,
          %get3A_154 = vector.shape_cast %get3A_153 : vector<1x16xf32> to vector<16xf32>
          %mul3A_155 = arith.mulf %get3A_150, %get3A_154 : vector<16xf32>
          %add3A_156 = arith.addf %add3A_146, %mul3A_155 : vector<16xf32>
          %get3A_157 = arith.index_cast %scan3A_128 : i32 to index
          %get3A_158 = arith.constant 32 : index
          %get3A_159 = tpu.vector_load %arg26[%get3A_157, %get3A_158] {strides = array<i32>} : memref<80x128xf32, #tpu.memory_space<vmem>>, vector<1x16xf32>,
          %get3A_160 = vector.shape_cast %get3A_159 : vector<1x16xf32> to vector<16xf32>
          %get3A_161 = arith.index_cast %scan3A_128 : i32 to index
          %get3A_162 = arith.constant 32 : index
          %get3A_163 = tpu.vector_load %arg27[%get3A_161, %get3A_162] {strides = array<i32>} : memref<80x128xf32, #tpu.memory_space<vmem>>, vector<1x16xf32>,
          %get3A_164 = vector.shape_cast %get3A_163 : vector<1x16xf32> to vector<16xf32>
          %mul3A_165 = arith.mulf %get3A_160, %get3A_164 : vector<16xf32>
          %add3A_166 = arith.addf %add3A_156, %mul3A_165 : vector<16xf32>
          %get3A_167 = arith.index_cast %scan3A_128 : i32 to index
          %get3A_168 = arith.constant 48 : index
          %get3A_169 = tpu.vector_load %arg26[%get3A_167, %get3A_168] {strides = array<i32>} : memref<80x128xf32, #tpu.memory_space<vmem>>, vector<1x16xf32>,
          %get3A_170 = vector.shape_cast %get3A_169 : vector<1x16xf32> to vector<16xf32>
          %get3A_171 = arith.index_cast %scan3A_128 : i32 to index
          %get3A_172 = arith.constant 48 : index
          %get3A_173 = tpu.vector_load %arg27[%get3A_171, %get3A_172] {strides = array<i32>} : memref<80x128xf32, #tpu.memory_space<vmem>>, vector<1x16xf32>,
          %get3A_174 = vector.shape_cast %get3A_173 : vector<1x16xf32> to vector<16xf32>
          %mul3A_175 = arith.mulf %get3A_170, %get3A_174 : vector<16xf32>
          %add3A_176 = arith.addf %add3A_166, %mul3A_175 : vector<16xf32>
          %get3A_177 = arith.index_cast %scan3A_128 : i32 to index
          %get3A_178 = arith.constant 64 : index
          %get3A_179 = tpu.vector_load %arg26[%get3A_177, %get3A_178] {strides = array<i32>} : memref<80x128xf32, #tpu.memory_space<vmem>>, vector<1x16xf32>,
          %get3A_180 = vector.shape_cast %get3A_179 : vector<1x16xf32> to vector<16xf32>
          %get3A_181 = arith.index_cast %scan3A_128 : i32 to index
          %get3A_182 = arith.constant 64 : index
          %get3A_183 = tpu.vector_load %arg27[%get3A_181, %get3A_182] {strides = array<i32>} : memref<80x128xf32, #tpu.memory_space<vmem>>, vector<1x16xf32>,
          %get3A_184 = vector.shape_cast %get3A_183 : vector<1x16xf32> to vector<16xf32>
          %mul3A_185 = arith.mulf %get3A_180, %get3A_184 : vector<16xf32>
          %add3A_186 = arith.addf %add3A_176, %mul3A_185 : vector<16xf32>
          %get3A_187 = arith.index_cast %scan3A_128 : i32 to index
          %get3A_188 = arith.constant 80 : index
          %get3A_189 = tpu.vector_load %arg26[%get3A_187, %get3A_188] {strides = array<i32>} : memref<80x128xf32, #tpu.memory_space<vmem>>, vector<1x16xf32>,
          %get3A_190 = vector.shape_cast %get3A_189 : vector<1x16xf32> to vector<16xf32>
          %get3A_191 = arith.index_cast %scan3A_128 : i32 to index
          %get3A_192 = arith.constant 80 : index
          %get3A_193 = tpu.vector_load %arg27[%get3A_191, %get3A_192] {strides = array<i32>} : memref<80x128xf32, #tpu.memory_space<vmem>>, vector<1x16xf32>,
          %get3A_194 = vector.shape_cast %get3A_193 : vector<1x16xf32> to vector<16xf32>
          %mul3A_195 = arith.mulf %get3A_190, %get3A_194 : vector<16xf32>
          %add3A_196 = arith.addf %add3A_186, %mul3A_195 : vector<16xf32>
          %get3A_197 = arith.index_cast %scan3A_128 : i32 to index
          %get3A_198 = arith.constant 96 : index
          %get3A_199 = tpu.vector_load %arg26[%get3A_197, %get3A_198] {strides = array<i32>} : memref<80x128xf32, #tpu.memory_space<vmem>>, vector<1x16xf32>,
          %get3A_200 = vector.shape_cast %get3A_199 : vector<1x16xf32> to vector<16xf32>
          %get3A_201 = arith.index_cast %scan3A_128 : i32 to index
          %get3A_202 = arith.constant 96 : index
          %get3A_203 = tpu.vector_load %arg27[%get3A_201, %get3A_202] {strides = array<i32>} : memref<80x128xf32, #tpu.memory_space<vmem>>, vector<1x16xf32>,
          %get3A_204 = vector.shape_cast %get3A_203 : vector<1x16xf32> to vector<16xf32>
          %mul3A_205 = arith.mulf %get3A_200, %get3A_204 : vector<16xf32>
          %add3A_206 = arith.addf %add3A_196, %mul3A_205 : vector<16xf32>
          %get3A_207 = arith.index_cast %scan3A_128 : i32 to index
          %get3A_208 = arith.constant 112 : index
          %get3A_209 = tpu.vector_load %arg26[%get3A_207, %get3A_208] {strides = array<i32>} : memref<80x128xf32, #tpu.memory_space<vmem>>, vector<1x16xf32>,
          %get3A_210 = vector.shape_cast %get3A_209 : vector<1x16xf32> to vector<16xf32>
          %get3A_211 = arith.index_cast %scan3A_128 : i32 to index
          %get3A_212 = arith.constant 112 : index
          %get3A_213 = tpu.vector_load %arg27[%get3A_211, %get3A_212] {strides = array<i32>} : memref<80x128xf32, #tpu.memory_space<vmem>>, vector<1x16xf32>,
          %get3A_214 = vector.shape_cast %get3A_213 : vector<1x16xf32> to vector<16xf32>
          %mul3A_215 = arith.mulf %get3A_210, %get3A_214 : vector<16xf32>
          %add3A_216 = arith.addf %add3A_206, %mul3A_215 : vector<16xf32>
          %iota3A = tpu.iota {dimensions = array<i32: 0>} : vector<16xi32>
          %xor3A = arith.constant 1 : i32
          %xor3A_217 = vector.broadcast %xor3A : i32 to vector<16xi32>
          %xor3A_218 = arith.xori %iota3A, %xor3A_217 : vector<16xi32>
          %reshape3A = vector.shape_cast %xor3A_218 : vector<16xi32> to vector<16x1xi32>
          %gather3A = vector.shape_cast %reshape3A : vector<16x1xi32> to vector<16xi32>
          %gather3A_219 = tpu.dynamic_gather %add3A_216[%gather3A] in [0] : vector<16xf32>, vector<16xi32> -> vector<16xf32>
          %add3A_220 = arith.addf %add3A_216, %gather3A_219 : vector<16xf32>
          %iota3A_221 = tpu.iota {dimensions = array<i32: 0>} : vector<16xi32>
          %xor3A_222 = arith.constant 2 : i32
          %xor3A_223 = vector.broadcast %xor3A_222 : i32 to vector<16xi32>
          %xor3A_224 = arith.xori %iota3A_221, %xor3A_223 : vector<16xi32>
          %reshape3A_225 = vector.shape_cast %xor3A_224 : vector<16xi32> to vector<16x1xi32>
          %gather3A_226 = vector.shape_cast %reshape3A_225 : vector<16x1xi32> to vector<16xi32>
          %gather3A_227 = tpu.dynamic_gather %add3A_220[%gather3A_226] in [0] : vector<16xf32>, vector<16xi32> -> vector<16xf32>
          %add3A_228 = arith.addf %add3A_220, %gather3A_227 : vector<16xf32>
          %iota3A_229 = tpu.iota {dimensions = array<i32: 0>} : vector<16xi32>
          %xor3A_230 = arith.constant 4 : i32
          %xor3A_231 = vector.broadcast %xor3A_230 : i32 to vector<16xi32>
          %xor3A_232 = arith.xori %iota3A_229, %xor3A_231 : vector<16xi32>
          %reshape3A_233 = vector.shape_cast %xor3A_232 : vector<16xi32> to vector<16x1xi32>
          %gather3A_234 = vector.shape_cast %reshape3A_233 : vector<16x1xi32> to vector<16xi32>
          %gather3A_235 = tpu.dynamic_gather %add3A_228[%gather3A_234] in [0] : vector<16xf32>, vector<16xi32> -> vector<16xf32>
          %add3A_236 = arith.addf %add3A_228, %gather3A_235 : vector<16xf32>
          %iota3A_237 = tpu.iota {dimensions = array<i32: 0>} : vector<16xi32>
          %xor3A_238 = arith.constant 8 : i32
          %xor3A_239 = vector.broadcast %xor3A_238 : i32 to vector<16xi32>
          %xor3A_240 = arith.xori %iota3A_237, %xor3A_239 : vector<16xi32>
          %reshape3A_241 = vector.shape_cast %xor3A_240 : vector<16xi32> to vector<16x1xi32>
          %gather3A_242 = vector.shape_cast %reshape3A_241 : vector<16x1xi32> to vector<16xi32>
          %gather3A_243 = tpu.dynamic_gather %add3A_236[%gather3A_242] in [0] : vector<16xf32>, vector<16xi32> -> vector<16xf32>
          %add3A_244 = arith.addf %add3A_236, %gather3A_243 : vector<16xf32>
          %mul3A_245 = arith.constant 0.0883883461 : f32
          %mul3A_246 = vector.broadcast %mul3A_245 : f32 to vector<16xf32>
          %mul3A_247 = arith.mulf %add3A_244, %mul3A_246 : vector<16xf32>
          %exp3A = math.exp %mul3A_247 : vector<16xf32>
          %get3A_248 = arith.index_cast %scan3A_128 : i32 to index
          %get3A_249 = arith.constant 0 : index
          %get3A_250 = tpu.vector_load %arg28[%get3A_248, %get3A_249] {strides = array<i32>} : memref<80x64xf32, #tpu.memory_space<vmem>>, vector<1x16xf32>,
          %get3A_251 = vector.shape_cast %get3A_250 : vector<1x16xf32> to vector<16xf32>
          %mul3A_252 = arith.mulf %get3A_251, %exp3A : vector<16xf32>
          %swap3A = arith.index_cast %scan3A_128 : i32 to index
          %swap3A_253 = arith.constant 0 : index
          %swap3A_254 = tpu.vector_load %arg28[%swap3A, %swap3A_253] {strides = array<i32>} : memref<80x64xf32, #tpu.memory_space<vmem>>, vector<1x16xf32>,
          %swap3A_255 = vector.shape_cast %swap3A_254 : vector<1x16xf32> to vector<16xf32>
          %swap3A_256 = vector.shape_cast %mul3A_252 : vector<16xf32> to vector<1x16xf32>
          tpu.vector_store %arg28[%swap3A, %swap3A_253], %swap3A_256 {strides = array<i32>} : memref<80x64xf32, #tpu.memory_space<vmem>>, vector<1x16xf32>,
          %get3A_257 = arith.index_cast %scan3A_128 : i32 to index
          %get3A_258 = arith.constant 16 : index
          %get3A_259 = tpu.vector_load %arg28[%get3A_257, %get3A_258] {strides = array<i32>} : memref<80x64xf32, #tpu.memory_space<vmem>>, vector<1x16xf32>,
          %get3A_260 = vector.shape_cast %get3A_259 : vector<1x16xf32> to vector<16xf32>
          %mul3A_261 = arith.mulf %get3A_260, %exp3A : vector<16xf32>
          %swap3A_262 = arith.index_cast %scan3A_128 : i32 to index
          %swap3A_263 = arith.constant 16 : index
          %swap3A_264 = tpu.vector_load %arg28[%swap3A_262, %swap3A_263] {strides = array<i32>} : memref<80x64xf32, #tpu.memory_space<vmem>>, vector<1x16xf32>,
          %swap3A_265 = vector.shape_cast %swap3A_264 : vector<1x16xf32> to vector<16xf32>
          %swap3A_266 = vector.shape_cast %mul3A_261 : vector<16xf32> to vector<1x16xf32>
          tpu.vector_store %arg28[%swap3A_262, %swap3A_263], %swap3A_266 {strides = array<i32>} : memref<80x64xf32, #tpu.memory_space<vmem>>, vector<1x16xf32>,
          %get3A_267 = arith.index_cast %scan3A_128 : i32 to index
          %get3A_268 = arith.constant 32 : index
          %get3A_269 = tpu.vector_load %arg28[%get3A_267, %get3A_268] {strides = array<i32>} : memref<80x64xf32, #tpu.memory_space<vmem>>, vector<1x16xf32>,
          %get3A_270 = vector.shape_cast %get3A_269 : vector<1x16xf32> to vector<16xf32>
          %mul3A_271 = arith.mulf %get3A_270, %exp3A : vector<16xf32>
          %swap3A_272 = arith.index_cast %scan3A_128 : i32 to index
          %swap3A_273 = arith.constant 32 : index
          %swap3A_274 = tpu.vector_load %arg28[%swap3A_272, %swap3A_273] {strides = array<i32>} : memref<80x64xf32, #tpu.memory_space<vmem>>, vector<1x16xf32>,
          %swap3A_275 = vector.shape_cast %swap3A_274 : vector<1x16xf32> to vector<16xf32>
          %swap3A_276 = vector.shape_cast %mul3A_271 : vector<16xf32> to vector<1x16xf32>
          tpu.vector_store %arg28[%swap3A_272, %swap3A_273], %swap3A_276 {strides = array<i32>} : memref<80x64xf32, #tpu.memory_space<vmem>>, vector<1x16xf32>,
          %get3A_277 = arith.index_cast %scan3A_128 : i32 to index
          %get3A_278 = arith.constant 48 : index
          %get3A_279 = tpu.vector_load %arg28[%get3A_277, %get3A_278] {strides = array<i32>} : memref<80x64xf32, #tpu.memory_space<vmem>>, vector<1x16xf32>,
          %get3A_280 = vector.shape_cast %get3A_279 : vector<1x16xf32> to vector<16xf32>
          %mul3A_281 = arith.mulf %get3A_280, %exp3A : vector<16xf32>
          %swap3A_282 = arith.index_cast %scan3A_128 : i32 to index
          %swap3A_283 = arith.constant 48 : index
          %swap3A_284 = tpu.vector_load %arg28[%swap3A_282, %swap3A_283] {strides = array<i32>} : memref<80x64xf32, #tpu.memory_space<vmem>>, vector<1x16xf32>,
          %swap3A_285 = vector.shape_cast %swap3A_284 : vector<1x16xf32> to vector<16xf32>
          %swap3A_286 = vector.shape_cast %mul3A_281 : vector<16xf32> to vector<1x16xf32>
          tpu.vector_store %arg28[%swap3A_282, %swap3A_283], %swap3A_286 {strides = array<i32>} : memref<80x64xf32, #tpu.memory_space<vmem>>, vector<1x16xf32>,
          %get3A_287 = arith.index_cast %scan3A_128 : i32 to index
          %get3A_288 = arith.constant 0 : index
          %get3A_289 = tpu.vector_load %arg29[%get3A_287, %get3A_288] {strides = array<i32>} : memref<80x16xf32, #tpu.memory_space<vmem>>, vector<1x16xf32>,
          %get3A_290 = vector.shape_cast %get3A_289 : vector<1x16xf32> to vector<16xf32>
          %mul3A_291 = arith.mulf %get3A_290, %exp3A : vector<16xf32>
          %swap3A_292 = arith.index_cast %scan3A_128 : i32 to index
          %swap3A_293 = arith.constant 0 : index
          %swap3A_294 = tpu.vector_load %arg23[%swap3A_292, %swap3A_293] {strides = array<i32>} : memref<80x32xf32, #tpu.memory_space<vmem>>, vector<1x16xf32>,
          %swap3A_295 = vector.shape_cast %swap3A_294 : vector<1x16xf32> to vector<16xf32>
          %swap3A_296 = vector.shape_cast %mul3A_291 : vector<16xf32> to vector<1x16xf32>
          tpu.vector_store %arg23[%swap3A_292, %swap3A_293], %swap3A_296 {strides = array<i32>} : memref<80x32xf32, #tpu.memory_space<vmem>>, vector<1x16xf32>,
          %iota3A_297 = tpu.iota {dimensions = array<i32: 0>} : vector<16xi32>
          %eq3A_298 = arith.constant 0 : i32
          %eq3A_299 = vector.broadcast %eq3A_298 : i32 to vector<16xi32>
          %eq3A_300 = arith.cmpi eq, %iota3A_297, %eq3A_299 : vector<16xi32>
          %broadcast_in_dim3A = arith.constant 0.000000e+00 : f32
          %broadcast_in_dim3A_301 = vector.broadcast %broadcast_in_dim3A : f32 to vector<16xf32>
          %select_n3A = arith.select %eq3A_300, %exp3A, %broadcast_in_dim3A_301 : vector<16xi1>, vector<16xf32>
          %swap3A_302 = arith.index_cast %scan3A_128 : i32 to index
          %swap3A_303 = arith.constant 16 : index
          %swap3A_304 = tpu.vector_load %arg23[%swap3A_302, %swap3A_303] {strides = array<i32>} : memref<80x32xf32, #tpu.memory_space<vmem>>, vector<1x16xf32>,
          %swap3A_305 = vector.shape_cast %swap3A_304 : vector<1x16xf32> to vector<16xf32>
          %swap3A_306 = vector.shape_cast %select_n3A : vector<16xf32> to vector<1x16xf32>
          tpu.vector_store %arg23[%swap3A_302, %swap3A_303], %swap3A_306 {strides = array<i32>} : memref<80x32xf32, #tpu.memory_space<vmem>>, vector<1x16xf32>,
        }
        %scan3A_127 = arith.constant 80 : i32
        "tpu.region"() ({
          %run_scoped3A = tpu.sem_alloc : memref<!tpu.dma_semaphore, #tpu.memory_space<semaphore_mem>>
          %dma_start3A = arith.constant 0 : i32
          %dma_start3A_128 = arith.constant 0 : i32
          %dma_start3A_129 = tpu.memref_slice %arg32[%dma_start3A, %dma_start3A_128] : memref<10000x64xf32, #tpu.memory_space<vmem_shared>> -> memref<10000x64xf32, #tpu.memory_space<vmem_shared>>
          tpu.enqueue_indirect_dma source(%arg28 : memref<80x64xf32, #tpu.memory_space<vmem>>) target(%dma_start3A_129 : memref<10000x64xf32, #tpu.memory_space<vmem_shared>>) offsets(%arg25 : memref<80xi32, #tpu.memory_space<vmem>>) semaphore(%run_scoped3A : memref<!tpu.dma_semaphore, #tpu.memory_space<semaphore_mem>>) {add = true}
          %dma_wait3A_130 = arith.constant 0 : i32
          %dma_wait3A_131 = arith.constant 0 : i32
          %dma_wait3A_132 = tpu.memref_slice %arg32[%dma_wait3A_130, %dma_wait3A_131] : memref<10000x64xf32, #tpu.memory_space<vmem_shared>> -> memref<10000x64xf32, #tpu.memory_space<vmem_shared>>
          tpu.wait_indirect_dma semaphore(%run_scoped3A : memref<!tpu.dma_semaphore, #tpu.memory_space<semaphore_mem>>) src(%arg28 : memref<80x64xf32, #tpu.memory_space<vmem>>) dst(%dma_wait3A_132 : memref<10000x64xf32, #tpu.memory_space<vmem_shared>>)
          tpu.yield
        }) : () -> ()
        "tpu.region"() ({
          %run_scoped3A = tpu.sem_alloc : memref<!tpu.dma_semaphore, #tpu.memory_space<semaphore_mem>>
          %dma_start3A = arith.constant 0 : i32
          %dma_start3A_128 = arith.constant 0 : i32
          %dma_start3A_129 = tpu.memref_slice %arg33[%dma_start3A, %dma_start3A_128] : memref<10000x32xf32, #tpu.memory_space<vmem_shared>> -> memref<10000x32xf32, #tpu.memory_space<vmem_shared>>
          tpu.enqueue_indirect_dma source(%arg23 : memref<80x32xf32, #tpu.memory_space<vmem>>) target(%dma_start3A_129 : memref<10000x32xf32, #tpu.memory_space<vmem_shared>>) offsets(%arg25 : memref<80xi32, #tpu.memory_space<vmem>>) semaphore(%run_scoped3A : memref<!tpu.dma_semaphore, #tpu.memory_space<semaphore_mem>>) {add = true}
          %dma_wait3A_130 = arith.constant 0 : i32
          %dma_wait3A_131 = arith.constant 0 : i32
          %dma_wait3A_132 = tpu.memref_slice %arg33[%dma_wait3A_130, %dma_wait3A_131] : memref<10000x32xf32, #tpu.memory_space<vmem_shared>> -> memref<10000x32xf32, #tpu.memory_space<vmem_shared>>
          tpu.wait_indirect_dma semaphore(%run_scoped3A : memref<!tpu.dma_semaphore, #tpu.memory_space<semaphore_mem>>) src(%arg23 : memref<80x32xf32, #tpu.memory_space<vmem>>) dst(%dma_wait3A_132 : memref<10000x32xf32, #tpu.memory_space<vmem_shared>>)
          tpu.yield
        }) : () -> ()
        "tpu.region"() ({
          %run_scoped3A = tpu.sem_alloc : memref<!tpu.dma_semaphore, #tpu.memory_space<semaphore_mem>>
          %dma_start3A = arith.constant 0 : i32
          %dma_start3A_128 = tpu.memref_slice %arg15[%multiple_of3A_92, %dma_start3A] : memref<320000x32xf32, #tpu.memory_space<hbm>> -> memref<80x32xf32, #tpu.memory_space<hbm>>
          %dma_start3A_129 = arith.constant 0 : i32
          %dma_start3A_130 = tpu.memref_slice %arg15[%multiple_of3A_92, %dma_start3A_129] : memref<320000x32xf32, #tpu.memory_space<hbm>> -> memref<80x32xf32, #tpu.memory_space<hbm>>
          tpu.enqueue_dma source(%arg23 : memref<80x32xf32, #tpu.memory_space<vmem>>) target(%dma_start3A_130 : memref<80x32xf32, #tpu.memory_space<hbm>>) target_semaphore(%run_scoped3A : memref<!tpu.dma_semaphore, #tpu.memory_space<semaphore_mem>>)
          %dma_wait3A_131 = arith.constant 0 : i32
          %dma_wait3A_132 = tpu.memref_slice %arg15[%multiple_of3A_92, %dma_wait3A_131] : memref<320000x32xf32, #tpu.memory_space<hbm>> -> memref<80x32xf32, #tpu.memory_space<hbm>>
          %dma_wait3A_133 = arith.constant 0 : i32
          %dma_wait3A_134 = tpu.memref_slice %arg15[%multiple_of3A_92, %dma_wait3A_133] : memref<320000x32xf32, #tpu.memory_space<hbm>> -> memref<80x32xf32, #tpu.memory_space<hbm>>
          tpu.wait_dma2 semaphore(%run_scoped3A : memref<!tpu.dma_semaphore, #tpu.memory_space<semaphore_mem>>) src(%arg23 : memref<80x32xf32, #tpu.memory_space<vmem>>) dst(%dma_wait3A_134 : memref<80x32xf32, #tpu.memory_space<hbm>>)
          tpu.yield
        }) : () -> ()
      } else {
      }
    }
    %scan3A_15 = arith.constant 63 : i32
    %barrier3A_16 = arith.constant 0 : index
    tpu.barrier barrier_id(%barrier3A_16)
    "tpu.region"() ({
      %run_scoped3A = tpu.sem_alloc : memref<!tpu.dma_semaphore, #tpu.memory_space<semaphore_mem>>
      %dma_start3A = arith.constant 0 : i32
      %dma_start3A_49 = tpu.memref_slice %arg12[%arg0, %multiple_of3A, %dma_start3A] : memref<2x10000x64xf32, #tpu.memory_space<hbm>> -> memref<1x624x64xf32, #tpu.memory_space<hbm>>
      %dma_start3A_50 = tpu.memref_squeeze %dma_start3A_49 : memref<1x624x64xf32, #tpu.memory_space<hbm>> -> memref<624x64xf32, #tpu.memory_space<hbm>>
      %dma_start3A_51 = arith.constant 0 : i32
      %dma_start3A_52 = tpu.memref_slice %arg32[%multiple_of3A, %dma_start3A_51] : memref<10000x64xf32, #tpu.memory_space<vmem_shared>> -> memref<624x64xf32, #tpu.memory_space<vmem_shared>>
      tpu.enqueue_dma source(%dma_start3A_52 : memref<624x64xf32, #tpu.memory_space<vmem_shared>>) target(%dma_start3A_50 : memref<624x64xf32, #tpu.memory_space<hbm>>) target_semaphore(%run_scoped3A : memref<!tpu.dma_semaphore, #tpu.memory_space<semaphore_mem>>)
      %dma_wait3A = arith.constant 0 : i32
      %dma_wait3A_53 = tpu.memref_slice %arg12[%arg0, %multiple_of3A, %dma_wait3A] : memref<2x10000x64xf32, #tpu.memory_space<hbm>> -> memref<1x624x64xf32, #tpu.memory_space<hbm>>
      %dma_wait3A_54 = tpu.memref_squeeze %dma_wait3A_53 : memref<1x624x64xf32, #tpu.memory_space<hbm>> -> memref<624x64xf32, #tpu.memory_space<hbm>>
      %dma_wait3A_55 = arith.constant 0 : i32
      %dma_wait3A_56 = tpu.memref_slice %arg32[%multiple_of3A, %dma_wait3A_55] : memref<10000x64xf32, #tpu.memory_space<vmem_shared>> -> memref<624x64xf32, #tpu.memory_space<vmem_shared>>
      tpu.wait_dma2 semaphore(%run_scoped3A : memref<!tpu.dma_semaphore, #tpu.memory_space<semaphore_mem>>) src(%dma_wait3A_56 : memref<624x64xf32, #tpu.memory_space<vmem_shared>>) dst(%dma_wait3A_54 : memref<624x64xf32, #tpu.memory_space<hbm>>)
      tpu.yield
    }) : () -> ()
    "tpu.region"() ({
      %run_scoped3A = tpu.sem_alloc : memref<!tpu.dma_semaphore, #tpu.memory_space<semaphore_mem>>
      %dma_start3A = arith.constant 0 : i32
      %dma_start3A_49 = tpu.memref_slice %arg14[%arg0, %multiple_of3A, %dma_start3A] : memref<2x10000x32xf32, #tpu.memory_space<hbm>> -> memref<1x624x32xf32, #tpu.memory_space<hbm>>
      %dma_start3A_50 = tpu.memref_squeeze %dma_start3A_49 : memref<1x624x32xf32, #tpu.memory_space<hbm>> -> memref<624x32xf32, #tpu.memory_space<hbm>>
      %dma_start3A_51 = arith.constant 0 : i32
      %dma_start3A_52 = tpu.memref_slice %arg33[%multiple_of3A, %dma_start3A_51] : memref<10000x32xf32, #tpu.memory_space<vmem_shared>> -> memref<624x32xf32, #tpu.memory_space<vmem_shared>>
      tpu.enqueue_dma source(%dma_start3A_52 : memref<624x32xf32, #tpu.memory_space<vmem_shared>>) target(%dma_start3A_50 : memref<624x32xf32, #tpu.memory_space<hbm>>) target_semaphore(%run_scoped3A : memref<!tpu.dma_semaphore, #tpu.memory_space<semaphore_mem>>)
      %dma_wait3A = arith.constant 0 : i32
      %dma_wait3A_53 = tpu.memref_slice %arg14[%arg0, %multiple_of3A, %dma_wait3A] : memref<2x10000x32xf32, #tpu.memory_space<hbm>> -> memref<1x624x32xf32, #tpu.memory_space<hbm>>
      %dma_wait3A_54 = tpu.memref_squeeze %dma_wait3A_53 : memref<1x624x32xf32, #tpu.memory_space<hbm>> -> memref<624x32xf32, #tpu.memory_space<hbm>>
      %dma_wait3A_55 = arith.constant 0 : i32
      %dma_wait3A_56 = tpu.memref_slice %arg33[%multiple_of3A, %dma_wait3A_55] : memref<10000x32xf32, #tpu.memory_space<vmem_shared>> -> memref<624x32xf32, #tpu.memory_space<vmem_shared>>
      tpu.wait_dma2 semaphore(%run_scoped3A : memref<!tpu.dma_semaphore, #tpu.memory_space<semaphore_mem>>) src(%dma_wait3A_56 : memref<624x32xf32, #tpu.memory_space<vmem_shared>>) dst(%dma_wait3A_54 : memref<624x32xf32, #tpu.memory_space<hbm>>)
      tpu.yield
    }) : () -> ()
    %eq3A_17 = arith.constant 15 : i32
    %eq3A_18 = arith.cmpi eq, %arg1, %eq3A_17 : i32
    %convert_element_type3A_19 = arith.extui %eq3A_18 : i1 to i32
    %cond3A_20 = arith.constant 0 : i32
    %cond3A_21 = arith.cmpi ne, %convert_element_type3A_19, %cond3A_20 : i32
    scf.if %cond3A_21 {
      "tpu.region"() ({
        %run_scoped3A = tpu.sem_alloc : memref<!tpu.dma_semaphore, #tpu.memory_space<semaphore_mem>>
        %dma_start3A = arith.constant 9984 : i32
        %dma_start3A_49 = arith.constant 0 : i32
        %dma_start3A_50 = tpu.memref_slice %arg12[%arg0, %dma_start3A, %dma_start3A_49] : memref<2x10000x64xf32, #tpu.memory_space<hbm>> -> memref<1x16x64xf32, #tpu.memory_space<hbm>>
        %dma_start3A_51 = tpu.memref_squeeze %dma_start3A_50 : memref<1x16x64xf32, #tpu.memory_space<hbm>> -> memref<16x64xf32, #tpu.memory_space<hbm>>
        %dma_start3A_52 = arith.constant 9984 : i32
        %dma_start3A_53 = arith.constant 0 : i32
        %dma_start3A_54 = tpu.memref_slice %arg32[%dma_start3A_52, %dma_start3A_53] : memref<10000x64xf32, #tpu.memory_space<vmem_shared>> -> memref<16x64xf32, #tpu.memory_space<vmem_shared>>
        tpu.enqueue_dma source(%dma_start3A_54 : memref<16x64xf32, #tpu.memory_space<vmem_shared>>) target(%dma_start3A_51 : memref<16x64xf32, #tpu.memory_space<hbm>>) target_semaphore(%run_scoped3A : memref<!tpu.dma_semaphore, #tpu.memory_space<semaphore_mem>>)
        %dma_wait3A = arith.constant 9984 : i32
        %dma_wait3A_55 = arith.constant 0 : i32
        %dma_wait3A_56 = tpu.memref_slice %arg12[%arg0, %dma_wait3A, %dma_wait3A_55] : memref<2x10000x64xf32, #tpu.memory_space<hbm>> -> memref<1x16x64xf32, #tpu.memory_space<hbm>>
        %dma_wait3A_57 = tpu.memref_squeeze %dma_wait3A_56 : memref<1x16x64xf32, #tpu.memory_space<hbm>> -> memref<16x64xf32, #tpu.memory_space<hbm>>
        %dma_wait3A_58 = arith.constant 9984 : i32
        %dma_wait3A_59 = arith.constant 0 : i32
        %dma_wait3A_60 = tpu.memref_slice %arg32[%dma_wait3A_58, %dma_wait3A_59] : memref<10000x64xf32, #tpu.memory_space<vmem_shared>> -> memref<16x64xf32, #tpu.memory_space<vmem_shared>>
        tpu.wait_dma2 semaphore(%run_scoped3A : memref<!tpu.dma_semaphore, #tpu.memory_space<semaphore_mem>>) src(%dma_wait3A_60 : memref<16x64xf32, #tpu.memory_space<vmem_shared>>) dst(%dma_wait3A_57 : memref<16x64xf32, #tpu.memory_space<hbm>>)
        tpu.yield
      }) : () -> ()
      "tpu.region"() ({
        %run_scoped3A = tpu.sem_alloc : memref<!tpu.dma_semaphore, #tpu.memory_space<semaphore_mem>>
        %dma_start3A = arith.constant 9984 : i32
        %dma_start3A_49 = arith.constant 0 : i32
        %dma_start3A_50 = tpu.memref_slice %arg14[%arg0, %dma_start3A, %dma_start3A_49] : memref<2x10000x32xf32, #tpu.memory_space<hbm>> -> memref<1x16x32xf32, #tpu.memory_space<hbm>>
        %dma_start3A_51 = tpu.memref_squeeze %dma_start3A_50 : memref<1x16x32xf32, #tpu.memory_space<hbm>> -> memref<16x32xf32, #tpu.memory_space<hbm>>
        %dma_start3A_52 = arith.constant 9984 : i32
        %dma_start3A_53 = arith.constant 0 : i32
        %dma_start3A_54 = tpu.memref_slice %arg33[%dma_start3A_52, %dma_start3A_53] : memref<10000x32xf32, #tpu.memory_space<vmem_shared>> -> memref<16x32xf32, #tpu.memory_space<vmem_shared>>
        tpu.enqueue_dma source(%dma_start3A_54 : memref<16x32xf32, #tpu.memory_space<vmem_shared>>) target(%dma_start3A_51 : memref<16x32xf32, #tpu.memory_space<hbm>>) target_semaphore(%run_scoped3A : memref<!tpu.dma_semaphore, #tpu.memory_space<semaphore_mem>>)
        %dma_wait3A = arith.constant 9984 : i32
        %dma_wait3A_55 = arith.constant 0 : i32
        %dma_wait3A_56 = tpu.memref_slice %arg14[%arg0, %dma_wait3A, %dma_wait3A_55] : memref<2x10000x32xf32, #tpu.memory_space<hbm>> -> memref<1x16x32xf32, #tpu.memory_space<hbm>>
        %dma_wait3A_57 = tpu.memref_squeeze %dma_wait3A_56 : memref<1x16x32xf32, #tpu.memory_space<hbm>> -> memref<16x32xf32, #tpu.memory_space<hbm>>
        %dma_wait3A_58 = arith.constant 9984 : i32
        %dma_wait3A_59 = arith.constant 0 : i32
        %dma_wait3A_60 = tpu.memref_slice %arg33[%dma_wait3A_58, %dma_wait3A_59] : memref<10000x32xf32, #tpu.memory_space<vmem_shared>> -> memref<16x32xf32, #tpu.memory_space<vmem_shared>>
        tpu.wait_dma2 semaphore(%run_scoped3A : memref<!tpu.dma_semaphore, #tpu.memory_space<semaphore_mem>>) src(%dma_wait3A_60 : memref<16x32xf32, #tpu.memory_space<vmem_shared>>) dst(%dma_wait3A_57 : memref<16x32xf32, #tpu.memory_space<hbm>>)
        tpu.yield
      }) : () -> ()
    } else {
    }
    %barrier3A_22 = arith.constant 0 : index
    tpu.barrier barrier_id(%barrier3A_22)
    "tpu.region"() ({
      %run_scoped3A = tpu.sem_alloc : memref<!tpu.dma_semaphore, #tpu.memory_space<semaphore_mem>>
      %dma_start3A = arith.constant 0 : i32
      %dma_start3A_49 = tpu.memref_slice %arg32[%multiple_of3A, %dma_start3A] : memref<10000x64xf32, #tpu.memory_space<vmem_shared>> -> memref<624x64xf32, #tpu.memory_space<vmem_shared>>
      %dma_start3A_50 = arith.constant 0 : i32
      %dma_start3A_51 = tpu.memref_slice %arg10[%multiple_of3A, %dma_start3A_50] : memref<10000x64xf32, #tpu.memory_space<hbm>> -> memref<624x64xf32, #tpu.memory_space<hbm>>
      tpu.enqueue_dma source(%dma_start3A_51 : memref<624x64xf32, #tpu.memory_space<hbm>>) target(%dma_start3A_49 : memref<624x64xf32, #tpu.memory_space<vmem_shared>>) target_semaphore(%run_scoped3A : memref<!tpu.dma_semaphore, #tpu.memory_space<semaphore_mem>>)
      %dma_wait3A = arith.constant 0 : i32
      %dma_wait3A_52 = tpu.memref_slice %arg32[%multiple_of3A, %dma_wait3A] : memref<10000x64xf32, #tpu.memory_space<vmem_shared>> -> memref<624x64xf32, #tpu.memory_space<vmem_shared>>
      %dma_wait3A_53 = arith.constant 0 : i32
      %dma_wait3A_54 = tpu.memref_slice %arg10[%multiple_of3A, %dma_wait3A_53] : memref<10000x64xf32, #tpu.memory_space<hbm>> -> memref<624x64xf32, #tpu.memory_space<hbm>>
      tpu.wait_dma2 semaphore(%run_scoped3A : memref<!tpu.dma_semaphore, #tpu.memory_space<semaphore_mem>>) src(%dma_wait3A_54 : memref<624x64xf32, #tpu.memory_space<hbm>>) dst(%dma_wait3A_52 : memref<624x64xf32, #tpu.memory_space<vmem_shared>>)
      tpu.yield
    }) : () -> ()
    %eq3A_23 = arith.constant 15 : i32
    %eq3A_24 = arith.cmpi eq, %arg1, %eq3A_23 : i32
    %convert_element_type3A_25 = arith.extui %eq3A_24 : i1 to i32
    %cond3A_26 = arith.constant 0 : i32
    %cond3A_27 = arith.cmpi ne, %convert_element_type3A_25, %cond3A_26 : i32
    scf.if %cond3A_27 {
      "tpu.region"() ({
        %run_scoped3A = tpu.sem_alloc : memref<!tpu.dma_semaphore, #tpu.memory_space<semaphore_mem>>
        %dma_start3A = arith.constant 9984 : i32
        %dma_start3A_49 = arith.constant 0 : i32
        %dma_start3A_50 = tpu.memref_slice %arg32[%dma_start3A, %dma_start3A_49] : memref<10000x64xf32, #tpu.memory_space<vmem_shared>> -> memref<16x64xf32, #tpu.memory_space<vmem_shared>>
        %dma_start3A_51 = arith.constant 9984 : i32
        %dma_start3A_52 = arith.constant 0 : i32
        %dma_start3A_53 = tpu.memref_slice %arg10[%dma_start3A_51, %dma_start3A_52] : memref<10000x64xf32, #tpu.memory_space<hbm>> -> memref<16x64xf32, #tpu.memory_space<hbm>>
        tpu.enqueue_dma source(%dma_start3A_53 : memref<16x64xf32, #tpu.memory_space<hbm>>) target(%dma_start3A_50 : memref<16x64xf32, #tpu.memory_space<vmem_shared>>) target_semaphore(%run_scoped3A : memref<!tpu.dma_semaphore, #tpu.memory_space<semaphore_mem>>)
        %dma_wait3A = arith.constant 9984 : i32
        %dma_wait3A_54 = arith.constant 0 : i32
        %dma_wait3A_55 = tpu.memref_slice %arg32[%dma_wait3A, %dma_wait3A_54] : memref<10000x64xf32, #tpu.memory_space<vmem_shared>> -> memref<16x64xf32, #tpu.memory_space<vmem_shared>>
        %dma_wait3A_56 = arith.constant 9984 : i32
        %dma_wait3A_57 = arith.constant 0 : i32
        %dma_wait3A_58 = tpu.memref_slice %arg10[%dma_wait3A_56, %dma_wait3A_57] : memref<10000x64xf32, #tpu.memory_space<hbm>> -> memref<16x64xf32, #tpu.memory_space<hbm>>
        tpu.wait_dma2 semaphore(%run_scoped3A : memref<!tpu.dma_semaphore, #tpu.memory_space<semaphore_mem>>) src(%dma_wait3A_58 : memref<16x64xf32, #tpu.memory_space<hbm>>) dst(%dma_wait3A_55 : memref<16x64xf32, #tpu.memory_space<vmem_shared>>)
        tpu.yield
      }) : () -> ()
    } else {
    }
    %barrier3A_28 = arith.constant 0 : index
    tpu.barrier barrier_id(%barrier3A_28)
    %add3A_29 = arith.constant 0 : i32
    %add3A_30 = arith.addi %add3A, %add3A_29 : i32
    %lt3A_31 = arith.constant 4000 : i32
    %lt3A_32 = arith.cmpi slt, %add3A_30, %lt3A_31 : i32
    %convert_element_type3A_33 = arith.extui %lt3A_32 : i1 to i32
    %cond3A_34 = arith.constant 0 : i32
    %cond3A_35 = arith.cmpi ne, %convert_element_type3A_33, %cond3A_34 : i32
    scf.if %cond3A_35 {
      %mul3A_49 = arith.constant 80 : i32
      %mul3A_50 = arith.muli %add3A_30, %mul3A_49 : i32
      %multiple_of3A_51 = tpu.assume_multiple %mul3A_50, 80 : i32
      "tpu.region"() ({
        %run_scoped3A = tpu.sem_alloc : memref<!tpu.dma_semaphore, #tpu.memory_space<semaphore_mem>>
        %dma_start3A_58 = tpu.memref_slice %arg7[%multiple_of3A_51] : memref<320000xi32, #tpu.memory_space<hbm>> -> memref<80xi32, #tpu.memory_space<hbm>>
        %dma_start3A_59 = tpu.memref_slice %arg7[%multiple_of3A_51] : memref<320000xi32, #tpu.memory_space<hbm>> -> memref<80xi32, #tpu.memory_space<hbm>>
        tpu.enqueue_dma source(%dma_start3A_59 : memref<80xi32, #tpu.memory_space<hbm>>) target(%arg16 : memref<80xi32, #tpu.memory_space<vmem>>) target_semaphore(%run_scoped3A : memref<!tpu.dma_semaphore, #tpu.memory_space<semaphore_mem>>)
        %dma_wait3A = tpu.memref_slice %arg7[%multiple_of3A_51] : memref<320000xi32, #tpu.memory_space<hbm>> -> memref<80xi32, #tpu.memory_space<hbm>>
        %dma_wait3A_60 = tpu.memref_slice %arg7[%multiple_of3A_51] : memref<320000xi32, #tpu.memory_space<hbm>> -> memref<80xi32, #tpu.memory_space<hbm>>
        tpu.wait_dma2 semaphore(%run_scoped3A : memref<!tpu.dma_semaphore, #tpu.memory_space<semaphore_mem>>) src(%dma_wait3A_60 : memref<80xi32, #tpu.memory_space<hbm>>) dst(%arg16 : memref<80xi32, #tpu.memory_space<vmem>>)
        tpu.yield
      }) : () -> ()
      "tpu.region"() ({
        %run_scoped3A = tpu.sem_alloc : memref<!tpu.dma_semaphore, #tpu.memory_space<semaphore_mem>>
        %dma_start3A_58 = tpu.memref_slice %arg8[%multiple_of3A_51] : memref<320000xi32, #tpu.memory_space<hbm>> -> memref<80xi32, #tpu.memory_space<hbm>>
        %dma_start3A_59 = tpu.memref_slice %arg8[%multiple_of3A_51] : memref<320000xi32, #tpu.memory_space<hbm>> -> memref<80xi32, #tpu.memory_space<hbm>>
        tpu.enqueue_dma source(%dma_start3A_59 : memref<80xi32, #tpu.memory_space<hbm>>) target(%arg17 : memref<80xi32, #tpu.memory_space<vmem>>) target_semaphore(%run_scoped3A : memref<!tpu.dma_semaphore, #tpu.memory_space<semaphore_mem>>)
        %dma_wait3A = tpu.memref_slice %arg8[%multiple_of3A_51] : memref<320000xi32, #tpu.memory_space<hbm>> -> memref<80xi32, #tpu.memory_space<hbm>>
        %dma_wait3A_60 = tpu.memref_slice %arg8[%multiple_of3A_51] : memref<320000xi32, #tpu.memory_space<hbm>> -> memref<80xi32, #tpu.memory_space<hbm>>
        tpu.wait_dma2 semaphore(%run_scoped3A : memref<!tpu.dma_semaphore, #tpu.memory_space<semaphore_mem>>) src(%dma_wait3A_60 : memref<80xi32, #tpu.memory_space<hbm>>) dst(%arg17 : memref<80xi32, #tpu.memory_space<vmem>>)
        tpu.yield
      }) : () -> ()
      %dma_start3A = arith.constant 0 : i32
      %dma_start3A_52 = arith.constant 0 : i32
      %dma_start3A_53 = tpu.memref_slice %arg5[%dma_start3A, %dma_start3A_52] : memref<10000x64xf32, #tpu.memory_space<hbm>> -> memref<10000x64xf32, #tpu.memory_space<hbm>>
      tpu.enqueue_indirect_dma source(%dma_start3A_53 : memref<10000x64xf32, #tpu.memory_space<hbm>>) target(%arg20 : memref<80x64xf32, #tpu.memory_space<vmem>>) offsets(%arg16 : memref<80xi32, #tpu.memory_space<vmem>>) semaphore(%arg34 : memref<!tpu.dma_semaphore, #tpu.memory_space<semaphore_mem>>)
      %dma_start3A_54 = arith.constant 0 : i32
      %dma_start3A_55 = tpu.memref_slice %arg15[%multiple_of3A_51, %dma_start3A_54] : memref<320000x32xf32, #tpu.memory_space<hbm>> -> memref<80x32xf32, #tpu.memory_space<hbm>>
      %dma_start3A_56 = arith.constant 0 : i32
      %dma_start3A_57 = tpu.memref_slice %arg15[%multiple_of3A_51, %dma_start3A_56] : memref<320000x32xf32, #tpu.memory_space<hbm>> -> memref<80x32xf32, #tpu.memory_space<hbm>>
      tpu.enqueue_dma source(%dma_start3A_57 : memref<80x32xf32, #tpu.memory_space<hbm>>) target(%arg23 : memref<80x32xf32, #tpu.memory_space<vmem>>) target_semaphore(%arg34 : memref<!tpu.dma_semaphore, #tpu.memory_space<semaphore_mem>>)
    } else {
    }
    %scan3A_36 = arith.constant 0 : i32
    %scan3A_37 = arith.constant 0 : i32
    %scan3A_38 = arith.constant 63 : i32
    %scan3A_39 = arith.addi %scan3A_37, %scan3A_38 : i32
    %scan3A_40 = arith.constant 1 : i32
    scf.for %scan3A_49 = %scan3A_37 to %scan3A_39 step %scan3A_40  : i32 {
      %mul3A_50 = arith.constant 2 : i32
      %mul3A_51 = arith.muli %scan3A_49, %mul3A_50 : i32
      %add3A_52 = arith.constant 1 : i32
      %add3A_53 = arith.addi %mul3A_51, %add3A_52 : i32
      %mul3A_54 = arith.constant 32 : i32
      %mul3A_55 = arith.muli %add3A_53, %mul3A_54 : i32
      %add3A_56 = arith.addi %add3A, %mul3A_55 : i32
      %lt3A_57 = arith.constant 4000 : i32
      %lt3A_58 = arith.cmpi slt, %add3A_56, %lt3A_57 : i32
      %convert_element_type3A_59 = arith.extui %lt3A_58 : i1 to i32
      %cond3A_60 = arith.constant 0 : i32
      %cond3A_61 = arith.cmpi ne, %convert_element_type3A_59, %cond3A_60 : i32
      scf.if %cond3A_61 {
        %mul3A_90 = arith.constant 80 : i32
        %mul3A_91 = arith.muli %add3A_56, %mul3A_90 : i32
        %multiple_of3A_92 = tpu.assume_multiple %mul3A_91, 80 : i32
        "tpu.region"() ({
          %run_scoped3A = tpu.sem_alloc : memref<!tpu.dma_semaphore, #tpu.memory_space<semaphore_mem>>
          %dma_start3A_99 = tpu.memref_slice %arg7[%multiple_of3A_92] : memref<320000xi32, #tpu.memory_space<hbm>> -> memref<80xi32, #tpu.memory_space<hbm>>
          %dma_start3A_100 = tpu.memref_slice %arg7[%multiple_of3A_92] : memref<320000xi32, #tpu.memory_space<hbm>> -> memref<80xi32, #tpu.memory_space<hbm>>
          tpu.enqueue_dma source(%dma_start3A_100 : memref<80xi32, #tpu.memory_space<hbm>>) target(%arg24 : memref<80xi32, #tpu.memory_space<vmem>>) target_semaphore(%run_scoped3A : memref<!tpu.dma_semaphore, #tpu.memory_space<semaphore_mem>>)
          %dma_wait3A = tpu.memref_slice %arg7[%multiple_of3A_92] : memref<320000xi32, #tpu.memory_space<hbm>> -> memref<80xi32, #tpu.memory_space<hbm>>
          %dma_wait3A_101 = tpu.memref_slice %arg7[%multiple_of3A_92] : memref<320000xi32, #tpu.memory_space<hbm>> -> memref<80xi32, #tpu.memory_space<hbm>>
          tpu.wait_dma2 semaphore(%run_scoped3A : memref<!tpu.dma_semaphore, #tpu.memory_space<semaphore_mem>>) src(%dma_wait3A_101 : memref<80xi32, #tpu.memory_space<hbm>>) dst(%arg24 : memref<80xi32, #tpu.memory_space<vmem>>)
          tpu.yield
        }) : () -> ()
        "tpu.region"() ({
          %run_scoped3A = tpu.sem_alloc : memref<!tpu.dma_semaphore, #tpu.memory_space<semaphore_mem>>
          %dma_start3A_99 = tpu.memref_slice %arg8[%multiple_of3A_92] : memref<320000xi32, #tpu.memory_space<hbm>> -> memref<80xi32, #tpu.memory_space<hbm>>
          %dma_start3A_100 = tpu.memref_slice %arg8[%multiple_of3A_92] : memref<320000xi32, #tpu.memory_space<hbm>> -> memref<80xi32, #tpu.memory_space<hbm>>
          tpu.enqueue_dma source(%dma_start3A_100 : memref<80xi32, #tpu.memory_space<hbm>>) target(%arg25 : memref<80xi32, #tpu.memory_space<vmem>>) target_semaphore(%run_scoped3A : memref<!tpu.dma_semaphore, #tpu.memory_space<semaphore_mem>>)
          %dma_wait3A = tpu.memref_slice %arg8[%multiple_of3A_92] : memref<320000xi32, #tpu.memory_space<hbm>> -> memref<80xi32, #tpu.memory_space<hbm>>
          %dma_wait3A_101 = tpu.memref_slice %arg8[%multiple_of3A_92] : memref<320000xi32, #tpu.memory_space<hbm>> -> memref<80xi32, #tpu.memory_space<hbm>>
          tpu.wait_dma2 semaphore(%run_scoped3A : memref<!tpu.dma_semaphore, #tpu.memory_space<semaphore_mem>>) src(%dma_wait3A_101 : memref<80xi32, #tpu.memory_space<hbm>>) dst(%arg25 : memref<80xi32, #tpu.memory_space<vmem>>)
          tpu.yield
        }) : () -> ()
        %dma_start3A = arith.constant 0 : i32
        %dma_start3A_93 = arith.constant 0 : i32
        %dma_start3A_94 = tpu.memref_slice %arg5[%dma_start3A, %dma_start3A_93] : memref<10000x64xf32, #tpu.memory_space<hbm>> -> memref<10000x64xf32, #tpu.memory_space<hbm>>
        tpu.enqueue_indirect_dma source(%dma_start3A_94 : memref<10000x64xf32, #tpu.memory_space<hbm>>) target(%arg28 : memref<80x64xf32, #tpu.memory_space<vmem>>) offsets(%arg24 : memref<80xi32, #tpu.memory_space<vmem>>) semaphore(%arg35 : memref<!tpu.dma_semaphore, #tpu.memory_space<semaphore_mem>>)
        %dma_start3A_95 = arith.constant 0 : i32
        %dma_start3A_96 = tpu.memref_slice %arg15[%multiple_of3A_92, %dma_start3A_95] : memref<320000x32xf32, #tpu.memory_space<hbm>> -> memref<80x32xf32, #tpu.memory_space<hbm>>
        %dma_start3A_97 = arith.constant 0 : i32
        %dma_start3A_98 = tpu.memref_slice %arg15[%multiple_of3A_92, %dma_start3A_97] : memref<320000x32xf32, #tpu.memory_space<hbm>> -> memref<80x32xf32, #tpu.memory_space<hbm>>
        tpu.enqueue_dma source(%dma_start3A_98 : memref<80x32xf32, #tpu.memory_space<hbm>>) target(%arg31 : memref<80x32xf32, #tpu.memory_space<vmem>>) target_semaphore(%arg35 : memref<!tpu.dma_semaphore, #tpu.memory_space<semaphore_mem>>)
      } else {
      }
      %mul3A_62 = arith.constant 32 : i32
      %mul3A_63 = arith.muli %mul3A_51, %mul3A_62 : i32
      %add3A_64 = arith.addi %add3A, %mul3A_63 : i32
      %lt3A_65 = arith.constant 4000 : i32
      %lt3A_66 = arith.cmpi slt, %add3A_64, %lt3A_65 : i32
      %convert_element_type3A_67 = arith.extui %lt3A_66 : i1 to i32
      %cond3A_68 = arith.constant 0 : i32
      %cond3A_69 = arith.cmpi ne, %convert_element_type3A_67, %cond3A_68 : i32
      scf.if %cond3A_69 {
        %dma_wait3A = arith.constant 0 : i32
        %dma_wait3A_90 = arith.constant 0 : i32
        %dma_wait3A_91 = tpu.memref_slice %arg5[%dma_wait3A, %dma_wait3A_90] : memref<10000x64xf32, #tpu.memory_space<hbm>> -> memref<80x64xf32, #tpu.memory_space<hbm>>
        %dma_wait3A_92 = arith.constant 0 : i32
        %dma_wait3A_93 = arith.constant 0 : i32
        %dma_wait3A_94 = tpu.memref_slice %arg5[%dma_wait3A_92, %dma_wait3A_93] : memref<10000x64xf32, #tpu.memory_space<hbm>> -> memref<80x64xf32, #tpu.memory_space<hbm>>
        tpu.wait_dma2 semaphore(%arg34 : memref<!tpu.dma_semaphore, #tpu.memory_space<semaphore_mem>>) src(%dma_wait3A_94 : memref<80x64xf32, #tpu.memory_space<hbm>>) dst(%arg20 : memref<80x64xf32, #tpu.memory_space<vmem>>)
        %dma_wait3A_95 = arith.constant 0 : i32
        %dma_wait3A_96 = arith.constant 0 : i32
        %dma_wait3A_97 = tpu.memref_slice %arg15[%dma_wait3A_95, %dma_wait3A_96] : memref<320000x32xf32, #tpu.memory_space<hbm>> -> memref<80x32xf32, #tpu.memory_space<hbm>>
        %dma_wait3A_98 = arith.constant 0 : i32
        %dma_wait3A_99 = arith.constant 0 : i32
        %dma_wait3A_100 = tpu.memref_slice %arg15[%dma_wait3A_98, %dma_wait3A_99] : memref<320000x32xf32, #tpu.memory_space<hbm>> -> memref<80x32xf32, #tpu.memory_space<hbm>>
        tpu.wait_dma2 semaphore(%arg34 : memref<!tpu.dma_semaphore, #tpu.memory_space<semaphore_mem>>) src(%dma_wait3A_100 : memref<80x32xf32, #tpu.memory_space<hbm>>) dst(%arg23 : memref<80x32xf32, #tpu.memory_space<vmem>>)
        %scan3A_101 = arith.constant 0 : i32
        %scan3A_102 = arith.constant 0 : i32
        %scan3A_103 = arith.constant 80 : i32
        %scan3A_104 = arith.addi %scan3A_102, %scan3A_103 : i32
        %scan3A_105 = arith.constant 1 : i32
        scf.for %scan3A_107 = %scan3A_102 to %scan3A_104 step %scan3A_105  : i32 {
          %get3A = arith.index_cast %scan3A_107 : i32 to index
          %get3A_108 = arith.constant 16 : index
          %get3A_109 = tpu.vector_load %arg23[%get3A, %get3A_108] {strides = array<i32>} : memref<80x32xf32, #tpu.memory_space<vmem>>, vector<1x16xf32>,
          %get3A_110 = vector.shape_cast %get3A_109 : vector<1x16xf32> to vector<16xf32>
          %broadcast_in_dim3A = arith.constant 0 : i32
          %broadcast_in_dim3A_111 = vector.broadcast %broadcast_in_dim3A : i32 to vector<16xi32>
          %reshape3A = vector.shape_cast %broadcast_in_dim3A_111 : vector<16xi32> to vector<16x1xi32>
          %gather3A = vector.shape_cast %reshape3A : vector<16x1xi32> to vector<16xi32>
          %gather3A_112 = tpu.dynamic_gather %get3A_110[%gather3A] in [0] : vector<16xf32>, vector<16xi32> -> vector<16xf32>
          %get3A_113 = arith.index_cast %scan3A_107 : i32 to index
          %get3A_114 = arith.constant 0 : index
          %get3A_115 = tpu.vector_load %arg20[%get3A_113, %get3A_114] {strides = array<i32>} : memref<80x64xf32, #tpu.memory_space<vmem>>, vector<1x16xf32>,
          %get3A_116 = vector.shape_cast %get3A_115 : vector<1x16xf32> to vector<16xf32>
          %mul3A_117 = arith.mulf %get3A_116, %gather3A_112 : vector<16xf32>
          %swap3A = arith.index_cast %scan3A_107 : i32 to index
          %swap3A_118 = arith.constant 0 : index
          %swap3A_119 = tpu.vector_load %arg20[%swap3A, %swap3A_118] {strides = array<i32>} : memref<80x64xf32, #tpu.memory_space<vmem>>, vector<1x16xf32>,
          %swap3A_120 = vector.shape_cast %swap3A_119 : vector<1x16xf32> to vector<16xf32>
          %swap3A_121 = vector.shape_cast %mul3A_117 : vector<16xf32> to vector<1x16xf32>
          tpu.vector_store %arg20[%swap3A, %swap3A_118], %swap3A_121 {strides = array<i32>} : memref<80x64xf32, #tpu.memory_space<vmem>>, vector<1x16xf32>,
          %get3A_122 = arith.index_cast %scan3A_107 : i32 to index
          %get3A_123 = arith.constant 16 : index
          %get3A_124 = tpu.vector_load %arg20[%get3A_122, %get3A_123] {strides = array<i32>} : memref<80x64xf32, #tpu.memory_space<vmem>>, vector<1x16xf32>,
          %get3A_125 = vector.shape_cast %get3A_124 : vector<1x16xf32> to vector<16xf32>
          %mul3A_126 = arith.mulf %get3A_125, %gather3A_112 : vector<16xf32>
          %swap3A_127 = arith.index_cast %scan3A_107 : i32 to index
          %swap3A_128 = arith.constant 16 : index
          %swap3A_129 = tpu.vector_load %arg20[%swap3A_127, %swap3A_128] {strides = array<i32>} : memref<80x64xf32, #tpu.memory_space<vmem>>, vector<1x16xf32>,
          %swap3A_130 = vector.shape_cast %swap3A_129 : vector<1x16xf32> to vector<16xf32>
          %swap3A_131 = vector.shape_cast %mul3A_126 : vector<16xf32> to vector<1x16xf32>
          tpu.vector_store %arg20[%swap3A_127, %swap3A_128], %swap3A_131 {strides = array<i32>} : memref<80x64xf32, #tpu.memory_space<vmem>>, vector<1x16xf32>,
          %get3A_132 = arith.index_cast %scan3A_107 : i32 to index
          %get3A_133 = arith.constant 32 : index
          %get3A_134 = tpu.vector_load %arg20[%get3A_132, %get3A_133] {strides = array<i32>} : memref<80x64xf32, #tpu.memory_space<vmem>>, vector<1x16xf32>,
          %get3A_135 = vector.shape_cast %get3A_134 : vector<1x16xf32> to vector<16xf32>
          %mul3A_136 = arith.mulf %get3A_135, %gather3A_112 : vector<16xf32>
          %swap3A_137 = arith.index_cast %scan3A_107 : i32 to index
          %swap3A_138 = arith.constant 32 : index
          %swap3A_139 = tpu.vector_load %arg20[%swap3A_137, %swap3A_138] {strides = array<i32>} : memref<80x64xf32, #tpu.memory_space<vmem>>, vector<1x16xf32>,
          %swap3A_140 = vector.shape_cast %swap3A_139 : vector<1x16xf32> to vector<16xf32>
          %swap3A_141 = vector.shape_cast %mul3A_136 : vector<16xf32> to vector<1x16xf32>
          tpu.vector_store %arg20[%swap3A_137, %swap3A_138], %swap3A_141 {strides = array<i32>} : memref<80x64xf32, #tpu.memory_space<vmem>>, vector<1x16xf32>,
          %get3A_142 = arith.index_cast %scan3A_107 : i32 to index
          %get3A_143 = arith.constant 48 : index
          %get3A_144 = tpu.vector_load %arg20[%get3A_142, %get3A_143] {strides = array<i32>} : memref<80x64xf32, #tpu.memory_space<vmem>>, vector<1x16xf32>,
          %get3A_145 = vector.shape_cast %get3A_144 : vector<1x16xf32> to vector<16xf32>
          %mul3A_146 = arith.mulf %get3A_145, %gather3A_112 : vector<16xf32>
          %swap3A_147 = arith.index_cast %scan3A_107 : i32 to index
          %swap3A_148 = arith.constant 48 : index
          %swap3A_149 = tpu.vector_load %arg20[%swap3A_147, %swap3A_148] {strides = array<i32>} : memref<80x64xf32, #tpu.memory_space<vmem>>, vector<1x16xf32>,
          %swap3A_150 = vector.shape_cast %swap3A_149 : vector<1x16xf32> to vector<16xf32>
          %swap3A_151 = vector.shape_cast %mul3A_146 : vector<16xf32> to vector<1x16xf32>
          tpu.vector_store %arg20[%swap3A_147, %swap3A_148], %swap3A_151 {strides = array<i32>} : memref<80x64xf32, #tpu.memory_space<vmem>>, vector<1x16xf32>,
        }
        %scan3A_106 = arith.constant 80 : i32
        "tpu.region"() ({
          %run_scoped3A = tpu.sem_alloc : memref<!tpu.dma_semaphore, #tpu.memory_space<semaphore_mem>>
          %dma_start3A = arith.constant 0 : i32
          %dma_start3A_107 = arith.constant 0 : i32
          %dma_start3A_108 = tpu.memref_slice %arg32[%dma_start3A, %dma_start3A_107] : memref<10000x64xf32, #tpu.memory_space<vmem_shared>> -> memref<10000x64xf32, #tpu.memory_space<vmem_shared>>
          tpu.enqueue_indirect_dma source(%arg20 : memref<80x64xf32, #tpu.memory_space<vmem>>) target(%dma_start3A_108 : memref<10000x64xf32, #tpu.memory_space<vmem_shared>>) offsets(%arg17 : memref<80xi32, #tpu.memory_space<vmem>>) semaphore(%run_scoped3A : memref<!tpu.dma_semaphore, #tpu.memory_space<semaphore_mem>>) {add = true}
          %dma_wait3A_109 = arith.constant 0 : i32
          %dma_wait3A_110 = arith.constant 0 : i32
          %dma_wait3A_111 = tpu.memref_slice %arg32[%dma_wait3A_109, %dma_wait3A_110] : memref<10000x64xf32, #tpu.memory_space<vmem_shared>> -> memref<10000x64xf32, #tpu.memory_space<vmem_shared>>
          tpu.wait_indirect_dma semaphore(%run_scoped3A : memref<!tpu.dma_semaphore, #tpu.memory_space<semaphore_mem>>) src(%arg20 : memref<80x64xf32, #tpu.memory_space<vmem>>) dst(%dma_wait3A_111 : memref<10000x64xf32, #tpu.memory_space<vmem_shared>>)
          tpu.yield
        }) : () -> ()
      } else {
      }
      %add3A_70 = arith.constant 2 : i32
      %add3A_71 = arith.addi %mul3A_51, %add3A_70 : i32
      %mul3A_72 = arith.constant 32 : i32
      %mul3A_73 = arith.muli %add3A_71, %mul3A_72 : i32
      %add3A_74 = arith.addi %add3A, %mul3A_73 : i32
      %lt3A_75 = arith.constant 4000 : i32
      %lt3A_76 = arith.cmpi slt, %add3A_74, %lt3A_75 : i32
      %convert_element_type3A_77 = arith.extui %lt3A_76 : i1 to i32
      %cond3A_78 = arith.constant 0 : i32
      %cond3A_79 = arith.cmpi ne, %convert_element_type3A_77, %cond3A_78 : i32
      scf.if %cond3A_79 {
        %mul3A_90 = arith.constant 80 : i32
        %mul3A_91 = arith.muli %add3A_74, %mul3A_90 : i32
        %multiple_of3A_92 = tpu.assume_multiple %mul3A_91, 80 : i32
        "tpu.region"() ({
          %run_scoped3A = tpu.sem_alloc : memref<!tpu.dma_semaphore, #tpu.memory_space<semaphore_mem>>
          %dma_start3A_99 = tpu.memref_slice %arg7[%multiple_of3A_92] : memref<320000xi32, #tpu.memory_space<hbm>> -> memref<80xi32, #tpu.memory_space<hbm>>
          %dma_start3A_100 = tpu.memref_slice %arg7[%multiple_of3A_92] : memref<320000xi32, #tpu.memory_space<hbm>> -> memref<80xi32, #tpu.memory_space<hbm>>
          tpu.enqueue_dma source(%dma_start3A_100 : memref<80xi32, #tpu.memory_space<hbm>>) target(%arg16 : memref<80xi32, #tpu.memory_space<vmem>>) target_semaphore(%run_scoped3A : memref<!tpu.dma_semaphore, #tpu.memory_space<semaphore_mem>>)
          %dma_wait3A = tpu.memref_slice %arg7[%multiple_of3A_92] : memref<320000xi32, #tpu.memory_space<hbm>> -> memref<80xi32, #tpu.memory_space<hbm>>
          %dma_wait3A_101 = tpu.memref_slice %arg7[%multiple_of3A_92] : memref<320000xi32, #tpu.memory_space<hbm>> -> memref<80xi32, #tpu.memory_space<hbm>>
          tpu.wait_dma2 semaphore(%run_scoped3A : memref<!tpu.dma_semaphore, #tpu.memory_space<semaphore_mem>>) src(%dma_wait3A_101 : memref<80xi32, #tpu.memory_space<hbm>>) dst(%arg16 : memref<80xi32, #tpu.memory_space<vmem>>)
          tpu.yield
        }) : () -> ()
        "tpu.region"() ({
          %run_scoped3A = tpu.sem_alloc : memref<!tpu.dma_semaphore, #tpu.memory_space<semaphore_mem>>
          %dma_start3A_99 = tpu.memref_slice %arg8[%multiple_of3A_92] : memref<320000xi32, #tpu.memory_space<hbm>> -> memref<80xi32, #tpu.memory_space<hbm>>
          %dma_start3A_100 = tpu.memref_slice %arg8[%multiple_of3A_92] : memref<320000xi32, #tpu.memory_space<hbm>> -> memref<80xi32, #tpu.memory_space<hbm>>
          tpu.enqueue_dma source(%dma_start3A_100 : memref<80xi32, #tpu.memory_space<hbm>>) target(%arg17 : memref<80xi32, #tpu.memory_space<vmem>>) target_semaphore(%run_scoped3A : memref<!tpu.dma_semaphore, #tpu.memory_space<semaphore_mem>>)
          %dma_wait3A = tpu.memref_slice %arg8[%multiple_of3A_92] : memref<320000xi32, #tpu.memory_space<hbm>> -> memref<80xi32, #tpu.memory_space<hbm>>
          %dma_wait3A_101 = tpu.memref_slice %arg8[%multiple_of3A_92] : memref<320000xi32, #tpu.memory_space<hbm>> -> memref<80xi32, #tpu.memory_space<hbm>>
          tpu.wait_dma2 semaphore(%run_scoped3A : memref<!tpu.dma_semaphore, #tpu.memory_space<semaphore_mem>>) src(%dma_wait3A_101 : memref<80xi32, #tpu.memory_space<hbm>>) dst(%arg17 : memref<80xi32, #tpu.memory_space<vmem>>)
          tpu.yield
        }) : () -> ()
        %dma_start3A = arith.constant 0 : i32
        %dma_start3A_93 = arith.constant 0 : i32
        %dma_start3A_94 = tpu.memref_slice %arg5[%dma_start3A, %dma_start3A_93] : memref<10000x64xf32, #tpu.memory_space<hbm>> -> memref<10000x64xf32, #tpu.memory_space<hbm>>
        tpu.enqueue_indirect_dma source(%dma_start3A_94 : memref<10000x64xf32, #tpu.memory_space<hbm>>) target(%arg20 : memref<80x64xf32, #tpu.memory_space<vmem>>) offsets(%arg16 : memref<80xi32, #tpu.memory_space<vmem>>) semaphore(%arg34 : memref<!tpu.dma_semaphore, #tpu.memory_space<semaphore_mem>>)
        %dma_start3A_95 = arith.constant 0 : i32
        %dma_start3A_96 = tpu.memref_slice %arg15[%multiple_of3A_92, %dma_start3A_95] : memref<320000x32xf32, #tpu.memory_space<hbm>> -> memref<80x32xf32, #tpu.memory_space<hbm>>
        %dma_start3A_97 = arith.constant 0 : i32
        %dma_start3A_98 = tpu.memref_slice %arg15[%multiple_of3A_92, %dma_start3A_97] : memref<320000x32xf32, #tpu.memory_space<hbm>> -> memref<80x32xf32, #tpu.memory_space<hbm>>
        tpu.enqueue_dma source(%dma_start3A_98 : memref<80x32xf32, #tpu.memory_space<hbm>>) target(%arg23 : memref<80x32xf32, #tpu.memory_space<vmem>>) target_semaphore(%arg34 : memref<!tpu.dma_semaphore, #tpu.memory_space<semaphore_mem>>)
      } else {
      }
      %add3A_80 = arith.constant 1 : i32
      %add3A_81 = arith.addi %mul3A_51, %add3A_80 : i32
      %mul3A_82 = arith.constant 32 : i32
      %mul3A_83 = arith.muli %add3A_81, %mul3A_82 : i32
      %add3A_84 = arith.addi %add3A, %mul3A_83 : i32
      %lt3A_85 = arith.constant 4000 : i32
      %lt3A_86 = arith.cmpi slt, %add3A_84, %lt3A_85 : i32
      %convert_element_type3A_87 = arith.extui %lt3A_86 : i1 to i32
      %cond3A_88 = arith.constant 0 : i32
      %cond3A_89 = arith.cmpi ne, %convert_element_type3A_87, %cond3A_88 : i32
      scf.if %cond3A_89 {
        %dma_wait3A = arith.constant 0 : i32
        %dma_wait3A_90 = arith.constant 0 : i32
        %dma_wait3A_91 = tpu.memref_slice %arg5[%dma_wait3A, %dma_wait3A_90] : memref<10000x64xf32, #tpu.memory_space<hbm>> -> memref<80x64xf32, #tpu.memory_space<hbm>>
        %dma_wait3A_92 = arith.constant 0 : i32
        %dma_wait3A_93 = arith.constant 0 : i32
        %dma_wait3A_94 = tpu.memref_slice %arg5[%dma_wait3A_92, %dma_wait3A_93] : memref<10000x64xf32, #tpu.memory_space<hbm>> -> memref<80x64xf32, #tpu.memory_space<hbm>>
        tpu.wait_dma2 semaphore(%arg35 : memref<!tpu.dma_semaphore, #tpu.memory_space<semaphore_mem>>) src(%dma_wait3A_94 : memref<80x64xf32, #tpu.memory_space<hbm>>) dst(%arg28 : memref<80x64xf32, #tpu.memory_space<vmem>>)
        %dma_wait3A_95 = arith.constant 0 : i32
        %dma_wait3A_96 = arith.constant 0 : i32
        %dma_wait3A_97 = tpu.memref_slice %arg15[%dma_wait3A_95, %dma_wait3A_96] : memref<320000x32xf32, #tpu.memory_space<hbm>> -> memref<80x32xf32, #tpu.memory_space<hbm>>
        %dma_wait3A_98 = arith.constant 0 : i32
        %dma_wait3A_99 = arith.constant 0 : i32
        %dma_wait3A_100 = tpu.memref_slice %arg15[%dma_wait3A_98, %dma_wait3A_99] : memref<320000x32xf32, #tpu.memory_space<hbm>> -> memref<80x32xf32, #tpu.memory_space<hbm>>
        tpu.wait_dma2 semaphore(%arg35 : memref<!tpu.dma_semaphore, #tpu.memory_space<semaphore_mem>>) src(%dma_wait3A_100 : memref<80x32xf32, #tpu.memory_space<hbm>>) dst(%arg31 : memref<80x32xf32, #tpu.memory_space<vmem>>)
        %scan3A_101 = arith.constant 0 : i32
        %scan3A_102 = arith.constant 0 : i32
        %scan3A_103 = arith.constant 80 : i32
        %scan3A_104 = arith.addi %scan3A_102, %scan3A_103 : i32
        %scan3A_105 = arith.constant 1 : i32
        scf.for %scan3A_107 = %scan3A_102 to %scan3A_104 step %scan3A_105  : i32 {
          %get3A = arith.index_cast %scan3A_107 : i32 to index
          %get3A_108 = arith.constant 16 : index
          %get3A_109 = tpu.vector_load %arg31[%get3A, %get3A_108] {strides = array<i32>} : memref<80x32xf32, #tpu.memory_space<vmem>>, vector<1x16xf32>,
          %get3A_110 = vector.shape_cast %get3A_109 : vector<1x16xf32> to vector<16xf32>
          %broadcast_in_dim3A = arith.constant 0 : i32
          %broadcast_in_dim3A_111 = vector.broadcast %broadcast_in_dim3A : i32 to vector<16xi32>
          %reshape3A = vector.shape_cast %broadcast_in_dim3A_111 : vector<16xi32> to vector<16x1xi32>
          %gather3A = vector.shape_cast %reshape3A : vector<16x1xi32> to vector<16xi32>
          %gather3A_112 = tpu.dynamic_gather %get3A_110[%gather3A] in [0] : vector<16xf32>, vector<16xi32> -> vector<16xf32>
          %get3A_113 = arith.index_cast %scan3A_107 : i32 to index
          %get3A_114 = arith.constant 0 : index
          %get3A_115 = tpu.vector_load %arg28[%get3A_113, %get3A_114] {strides = array<i32>} : memref<80x64xf32, #tpu.memory_space<vmem>>, vector<1x16xf32>,
          %get3A_116 = vector.shape_cast %get3A_115 : vector<1x16xf32> to vector<16xf32>
          %mul3A_117 = arith.mulf %get3A_116, %gather3A_112 : vector<16xf32>
          %swap3A = arith.index_cast %scan3A_107 : i32 to index
          %swap3A_118 = arith.constant 0 : index
          %swap3A_119 = tpu.vector_load %arg28[%swap3A, %swap3A_118] {strides = array<i32>} : memref<80x64xf32, #tpu.memory_space<vmem>>, vector<1x16xf32>,
          %swap3A_120 = vector.shape_cast %swap3A_119 : vector<1x16xf32> to vector<16xf32>
          %swap3A_121 = vector.shape_cast %mul3A_117 : vector<16xf32> to vector<1x16xf32>
          tpu.vector_store %arg28[%swap3A, %swap3A_118], %swap3A_121 {strides = array<i32>} : memref<80x64xf32, #tpu.memory_space<vmem>>, vector<1x16xf32>,
          %get3A_122 = arith.index_cast %scan3A_107 : i32 to index
          %get3A_123 = arith.constant 16 : index
          %get3A_124 = tpu.vector_load %arg28[%get3A_122, %get3A_123] {strides = array<i32>} : memref<80x64xf32, #tpu.memory_space<vmem>>, vector<1x16xf32>,
          %get3A_125 = vector.shape_cast %get3A_124 : vector<1x16xf32> to vector<16xf32>
          %mul3A_126 = arith.mulf %get3A_125, %gather3A_112 : vector<16xf32>
          %swap3A_127 = arith.index_cast %scan3A_107 : i32 to index
          %swap3A_128 = arith.constant 16 : index
          %swap3A_129 = tpu.vector_load %arg28[%swap3A_127, %swap3A_128] {strides = array<i32>} : memref<80x64xf32, #tpu.memory_space<vmem>>, vector<1x16xf32>,
          %swap3A_130 = vector.shape_cast %swap3A_129 : vector<1x16xf32> to vector<16xf32>
          %swap3A_131 = vector.shape_cast %mul3A_126 : vector<16xf32> to vector<1x16xf32>
          tpu.vector_store %arg28[%swap3A_127, %swap3A_128], %swap3A_131 {strides = array<i32>} : memref<80x64xf32, #tpu.memory_space<vmem>>, vector<1x16xf32>,
          %get3A_132 = arith.index_cast %scan3A_107 : i32 to index
          %get3A_133 = arith.constant 32 : index
          %get3A_134 = tpu.vector_load %arg28[%get3A_132, %get3A_133] {strides = array<i32>} : memref<80x64xf32, #tpu.memory_space<vmem>>, vector<1x16xf32>,
          %get3A_135 = vector.shape_cast %get3A_134 : vector<1x16xf32> to vector<16xf32>
          %mul3A_136 = arith.mulf %get3A_135, %gather3A_112 : vector<16xf32>
          %swap3A_137 = arith.index_cast %scan3A_107 : i32 to index
          %swap3A_138 = arith.constant 32 : index
          %swap3A_139 = tpu.vector_load %arg28[%swap3A_137, %swap3A_138] {strides = array<i32>} : memref<80x64xf32, #tpu.memory_space<vmem>>, vector<1x16xf32>,
          %swap3A_140 = vector.shape_cast %swap3A_139 : vector<1x16xf32> to vector<16xf32>
          %swap3A_141 = vector.shape_cast %mul3A_136 : vector<16xf32> to vector<1x16xf32>
          tpu.vector_store %arg28[%swap3A_137, %swap3A_138], %swap3A_141 {strides = array<i32>} : memref<80x64xf32, #tpu.memory_space<vmem>>, vector<1x16xf32>,
          %get3A_142 = arith.index_cast %scan3A_107 : i32 to index
          %get3A_143 = arith.constant 48 : index
          %get3A_144 = tpu.vector_load %arg28[%get3A_142, %get3A_143] {strides = array<i32>} : memref<80x64xf32, #tpu.memory_space<vmem>>, vector<1x16xf32>,
          %get3A_145 = vector.shape_cast %get3A_144 : vector<1x16xf32> to vector<16xf32>
          %mul3A_146 = arith.mulf %get3A_145, %gather3A_112 : vector<16xf32>
          %swap3A_147 = arith.index_cast %scan3A_107 : i32 to index
          %swap3A_148 = arith.constant 48 : index
          %swap3A_149 = tpu.vector_load %arg28[%swap3A_147, %swap3A_148] {strides = array<i32>} : memref<80x64xf32, #tpu.memory_space<vmem>>, vector<1x16xf32>,
          %swap3A_150 = vector.shape_cast %swap3A_149 : vector<1x16xf32> to vector<16xf32>
          %swap3A_151 = vector.shape_cast %mul3A_146 : vector<16xf32> to vector<1x16xf32>
          tpu.vector_store %arg28[%swap3A_147, %swap3A_148], %swap3A_151 {strides = array<i32>} : memref<80x64xf32, #tpu.memory_space<vmem>>, vector<1x16xf32>,
        }
        %scan3A_106 = arith.constant 80 : i32
        "tpu.region"() ({
          %run_scoped3A = tpu.sem_alloc : memref<!tpu.dma_semaphore, #tpu.memory_space<semaphore_mem>>
          %dma_start3A = arith.constant 0 : i32
          %dma_start3A_107 = arith.constant 0 : i32
          %dma_start3A_108 = tpu.memref_slice %arg32[%dma_start3A, %dma_start3A_107] : memref<10000x64xf32, #tpu.memory_space<vmem_shared>> -> memref<10000x64xf32, #tpu.memory_space<vmem_shared>>
          tpu.enqueue_indirect_dma source(%arg28 : memref<80x64xf32, #tpu.memory_space<vmem>>) target(%dma_start3A_108 : memref<10000x64xf32, #tpu.memory_space<vmem_shared>>) offsets(%arg25 : memref<80xi32, #tpu.memory_space<vmem>>) semaphore(%run_scoped3A : memref<!tpu.dma_semaphore, #tpu.memory_space<semaphore_mem>>) {add = true}
          %dma_wait3A_109 = arith.constant 0 : i32
          %dma_wait3A_110 = arith.constant 0 : i32
          %dma_wait3A_111 = tpu.memref_slice %arg32[%dma_wait3A_109, %dma_wait3A_110] : memref<10000x64xf32, #tpu.memory_space<vmem_shared>> -> memref<10000x64xf32, #tpu.memory_space<vmem_shared>>
          tpu.wait_indirect_dma semaphore(%run_scoped3A : memref<!tpu.dma_semaphore, #tpu.memory_space<semaphore_mem>>) src(%arg28 : memref<80x64xf32, #tpu.memory_space<vmem>>) dst(%dma_wait3A_111 : memref<10000x64xf32, #tpu.memory_space<vmem_shared>>)
          tpu.yield
        }) : () -> ()
      } else {
      }
    }
    %scan3A_41 = arith.constant 63 : i32
    %barrier3A_42 = arith.constant 0 : index
    tpu.barrier barrier_id(%barrier3A_42)
    "tpu.region"() ({
      %run_scoped3A = tpu.sem_alloc : memref<!tpu.dma_semaphore, #tpu.memory_space<semaphore_mem>>
      %dma_start3A = arith.constant 0 : i32
      %dma_start3A_49 = tpu.memref_slice %arg13[%arg0, %multiple_of3A, %dma_start3A] : memref<2x10000x64xf32, #tpu.memory_space<hbm>> -> memref<1x624x64xf32, #tpu.memory_space<hbm>>
      %dma_start3A_50 = tpu.memref_squeeze %dma_start3A_49 : memref<1x624x64xf32, #tpu.memory_space<hbm>> -> memref<624x64xf32, #tpu.memory_space<hbm>>
      %dma_start3A_51 = arith.constant 0 : i32
      %dma_start3A_52 = tpu.memref_slice %arg32[%multiple_of3A, %dma_start3A_51] : memref<10000x64xf32, #tpu.memory_space<vmem_shared>> -> memref<624x64xf32, #tpu.memory_space<vmem_shared>>
      tpu.enqueue_dma source(%dma_start3A_52 : memref<624x64xf32, #tpu.memory_space<vmem_shared>>) target(%dma_start3A_50 : memref<624x64xf32, #tpu.memory_space<hbm>>) target_semaphore(%run_scoped3A : memref<!tpu.dma_semaphore, #tpu.memory_space<semaphore_mem>>)
      %dma_wait3A = arith.constant 0 : i32
      %dma_wait3A_53 = tpu.memref_slice %arg13[%arg0, %multiple_of3A, %dma_wait3A] : memref<2x10000x64xf32, #tpu.memory_space<hbm>> -> memref<1x624x64xf32, #tpu.memory_space<hbm>>
      %dma_wait3A_54 = tpu.memref_squeeze %dma_wait3A_53 : memref<1x624x64xf32, #tpu.memory_space<hbm>> -> memref<624x64xf32, #tpu.memory_space<hbm>>
      %dma_wait3A_55 = arith.constant 0 : i32
      %dma_wait3A_56 = tpu.memref_slice %arg32[%multiple_of3A, %dma_wait3A_55] : memref<10000x64xf32, #tpu.memory_space<vmem_shared>> -> memref<624x64xf32, #tpu.memory_space<vmem_shared>>
      tpu.wait_dma2 semaphore(%run_scoped3A : memref<!tpu.dma_semaphore, #tpu.memory_space<semaphore_mem>>) src(%dma_wait3A_56 : memref<624x64xf32, #tpu.memory_space<vmem_shared>>) dst(%dma_wait3A_54 : memref<624x64xf32, #tpu.memory_space<hbm>>)
      tpu.yield
    }) : () -> ()
    %eq3A_43 = arith.constant 15 : i32
    %eq3A_44 = arith.cmpi eq, %arg1, %eq3A_43 : i32
    %convert_element_type3A_45 = arith.extui %eq3A_44 : i1 to i32
    %cond3A_46 = arith.constant 0 : i32
    %cond3A_47 = arith.cmpi ne, %convert_element_type3A_45, %cond3A_46 : i32
    scf.if %cond3A_47 {
      "tpu.region"() ({
        %run_scoped3A = tpu.sem_alloc : memref<!tpu.dma_semaphore, #tpu.memory_space<semaphore_mem>>
        %dma_start3A = arith.constant 9984 : i32
        %dma_start3A_49 = arith.constant 0 : i32
        %dma_start3A_50 = tpu.memref_slice %arg13[%arg0, %dma_start3A, %dma_start3A_49] : memref<2x10000x64xf32, #tpu.memory_space<hbm>> -> memref<1x16x64xf32, #tpu.memory_space<hbm>>
        %dma_start3A_51 = tpu.memref_squeeze %dma_start3A_50 : memref<1x16x64xf32, #tpu.memory_space<hbm>> -> memref<16x64xf32, #tpu.memory_space<hbm>>
        %dma_start3A_52 = arith.constant 9984 : i32
        %dma_start3A_53 = arith.constant 0 : i32
        %dma_start3A_54 = tpu.memref_slice %arg32[%dma_start3A_52, %dma_start3A_53] : memref<10000x64xf32, #tpu.memory_space<vmem_shared>> -> memref<16x64xf32, #tpu.memory_space<vmem_shared>>
        tpu.enqueue_dma source(%dma_start3A_54 : memref<16x64xf32, #tpu.memory_space<vmem_shared>>) target(%dma_start3A_51 : memref<16x64xf32, #tpu.memory_space<hbm>>) target_semaphore(%run_scoped3A : memref<!tpu.dma_semaphore, #tpu.memory_space<semaphore_mem>>)
        %dma_wait3A = arith.constant 9984 : i32
        %dma_wait3A_55 = arith.constant 0 : i32
        %dma_wait3A_56 = tpu.memref_slice %arg13[%arg0, %dma_wait3A, %dma_wait3A_55] : memref<2x10000x64xf32, #tpu.memory_space<hbm>> -> memref<1x16x64xf32, #tpu.memory_space<hbm>>
        %dma_wait3A_57 = tpu.memref_squeeze %dma_wait3A_56 : memref<1x16x64xf32, #tpu.memory_space<hbm>> -> memref<16x64xf32, #tpu.memory_space<hbm>>
        %dma_wait3A_58 = arith.constant 9984 : i32
        %dma_wait3A_59 = arith.constant 0 : i32
        %dma_wait3A_60 = tpu.memref_slice %arg32[%dma_wait3A_58, %dma_wait3A_59] : memref<10000x64xf32, #tpu.memory_space<vmem_shared>> -> memref<16x64xf32, #tpu.memory_space<vmem_shared>>
        tpu.wait_dma2 semaphore(%run_scoped3A : memref<!tpu.dma_semaphore, #tpu.memory_space<semaphore_mem>>) src(%dma_wait3A_60 : memref<16x64xf32, #tpu.memory_space<vmem_shared>>) dst(%dma_wait3A_57 : memref<16x64xf32, #tpu.memory_space<hbm>>)
        tpu.yield
      }) : () -> ()
    } else {
    }
    %barrier3A_48 = arith.constant 0 : index
    tpu.barrier barrier_id(%barrier3A_48)
    return
  }
}

#map = affine_map<(d0, d1) -> (0, 0)>
#map1 = affine_map<(d0, d1) -> (0)>
#map2 = affine_map<(d0, d1) -> (0, 0, 0)>
module attributes {stable_mosaic.version = 14 : i64} {
  func.func @_sc_edge_body(%arg0: i32, %arg1: i32, %arg2: memref<10000x128xf32, #tpu.memory_space<hbm>>, %arg3: memref<10000x128xf32, #tpu.memory_space<hbm>>, %arg4: memref<10000x64xf32, #tpu.memory_space<hbm>>, %arg5: memref<10000x64xf32, #tpu.memory_space<hbm>>, %arg6: memref<10000x16xf32, #tpu.memory_space<hbm>>, %arg7: memref<320000xi32, #tpu.memory_space<hbm>>, %arg8: memref<320000xi32, #tpu.memory_space<hbm>>, %arg9: memref<320000x16xf32, #tpu.memory_space<hbm>>, %arg10: memref<10000x64xf32, #tpu.memory_space<hbm>>, %arg11: memref<10000x32xf32, #tpu.memory_space<hbm>>, %arg12: memref<2x10000x64xf32, #tpu.memory_space<hbm>>, %arg13: memref<2x10000x64xf32, #tpu.memory_space<hbm>>, %arg14: memref<2x10000x32xf32, #tpu.memory_space<hbm>>, %arg15: memref<320000x32xf32, #tpu.memory_space<hbm>>, %arg16: memref<80xi32, #tpu.memory_space<vmem>>, %arg17: memref<80xi32, #tpu.memory_space<vmem>>, %arg18: memref<80x128xf32, #tpu.memory_space<vmem>>, %arg19: memref<80x128xf32, #tpu.memory_space<vmem>>, %arg20: memref<80x64xf32, #tpu.memory_space<vmem>>, %arg21: memref<80x16xf32, #tpu.memory_space<vmem>>, %arg22: memref<80x16xf32, #tpu.memory_space<vmem>>, %arg23: memref<80x32xf32, #tpu.memory_space<vmem>>, %arg24: memref<80xi32, #tpu.memory_space<vmem>>, %arg25: memref<80xi32, #tpu.memory_space<vmem>>, %arg26: memref<80x128xf32, #tpu.memory_space<vmem>>, %arg27: memref<80x128xf32, #tpu.memory_space<vmem>>, %arg28: memref<80x64xf32, #tpu.memory_space<vmem>>, %arg29: memref<80x16xf32, #tpu.memory_space<vmem>>, %arg30: memref<80x16xf32, #tpu.memory_space<vmem>>, %arg31: memref<80x32xf32, #tpu.memory_space<vmem>>, %arg32: memref<10000x64xf32, #tpu.memory_space<vmem_shared>>, %arg33: memref<10000x32xf32, #tpu.memory_space<vmem_shared>>, %arg34: memref<!tpu.dma_semaphore, #tpu.memory_space<semaphore_mem>>, %arg35: memref<!tpu.dma_semaphore, #tpu.memory_space<semaphore_mem>>) attributes {dimension_semantics = [#tpu.dimension_semantics<core_parallel>, #tpu.dimension_semantics<subcore_parallel>], iteration_bounds = array<i64: 2, 16>, scalar_prefetch = 0 : i64, scratch_operands = 20 : i64, tpu.core_type = #tpu.core_type<sc_vector_subcore>, window_params = [{transform_indices = #map}, {transform_indices = #map}, {transform_indices = #map}, {transform_indices = #map}, {transform_indices = #map}, {transform_indices = #map1}, {transform_indices = #map1}, {transform_indices = #map}, {transform_indices = #map}, {transform_indices = #map}, {transform_indices = #map2}, {transform_indices = #map2}, {transform_indices = #map2}, {transform_indices = #map}]} {
    %mul3A = arith.constant 16 : i32
    %mul3A_0 = arith.muli %arg0, %mul3A : i32
    %add3A = arith.addi %mul3A_0, %arg1 : i32
    %mul3A_1 = arith.constant 624 : i32
    %mul3A_2 = arith.muli %arg1, %mul3A_1 : i32
    %multiple_of3A = tpu.assume_multiple %mul3A_2, 8 : i32
    "tpu.region"() ({
      %run_scoped3A = tpu.sem_alloc : memref<!tpu.dma_semaphore, #tpu.memory_space<semaphore_mem>>
      %dma_start3A = arith.constant 0 : i32
      %dma_start3A_49 = tpu.memref_slice %arg32[%multiple_of3A, %dma_start3A] : memref<10000x64xf32, #tpu.memory_space<vmem_shared>> -> memref<624x64xf32, #tpu.memory_space<vmem_shared>>
      %dma_start3A_50 = arith.constant 0 : i32
      %dma_start3A_51 = tpu.memref_slice %arg10[%multiple_of3A, %dma_start3A_50] : memref<10000x64xf32, #tpu.memory_space<hbm>> -> memref<624x64xf32, #tpu.memory_space<hbm>>
      tpu.enqueue_dma source(%dma_start3A_51 : memref<624x64xf32, #tpu.memory_space<hbm>>) target(%dma_start3A_49 : memref<624x64xf32, #tpu.memory_space<vmem_shared>>) target_semaphore(%run_scoped3A : memref<!tpu.dma_semaphore, #tpu.memory_space<semaphore_mem>>)
      %dma_wait3A = arith.constant 0 : i32
      %dma_wait3A_52 = tpu.memref_slice %arg32[%multiple_of3A, %dma_wait3A] : memref<10000x64xf32, #tpu.memory_space<vmem_shared>> -> memref<624x64xf32, #tpu.memory_space<vmem_shared>>
      %dma_wait3A_53 = arith.constant 0 : i32
      %dma_wait3A_54 = tpu.memref_slice %arg10[%multiple_of3A, %dma_wait3A_53] : memref<10000x64xf32, #tpu.memory_space<hbm>> -> memref<624x64xf32, #tpu.memory_space<hbm>>
      tpu.wait_dma2 semaphore(%run_scoped3A : memref<!tpu.dma_semaphore, #tpu.memory_space<semaphore_mem>>) src(%dma_wait3A_54 : memref<624x64xf32, #tpu.memory_space<hbm>>) dst(%dma_wait3A_52 : memref<624x64xf32, #tpu.memory_space<vmem_shared>>)
      tpu.yield
    }) : () -> ()
    "tpu.region"() ({
      %run_scoped3A = tpu.sem_alloc : memref<!tpu.dma_semaphore, #tpu.memory_space<semaphore_mem>>
      %dma_start3A = arith.constant 0 : i32
      %dma_start3A_49 = tpu.memref_slice %arg33[%multiple_of3A, %dma_start3A] : memref<10000x32xf32, #tpu.memory_space<vmem_shared>> -> memref<624x32xf32, #tpu.memory_space<vmem_shared>>
      %dma_start3A_50 = arith.constant 0 : i32
      %dma_start3A_51 = tpu.memref_slice %arg11[%multiple_of3A, %dma_start3A_50] : memref<10000x32xf32, #tpu.memory_space<hbm>> -> memref<624x32xf32, #tpu.memory_space<hbm>>
      tpu.enqueue_dma source(%dma_start3A_51 : memref<624x32xf32, #tpu.memory_space<hbm>>) target(%dma_start3A_49 : memref<624x32xf32, #tpu.memory_space<vmem_shared>>) target_semaphore(%run_scoped3A : memref<!tpu.dma_semaphore, #tpu.memory_space<semaphore_mem>>)
      %dma_wait3A = arith.constant 0 : i32
      %dma_wait3A_52 = tpu.memref_slice %arg33[%multiple_of3A, %dma_wait3A] : memref<10000x32xf32, #tpu.memory_space<vmem_shared>> -> memref<624x32xf32, #tpu.memory_space<vmem_shared>>
      %dma_wait3A_53 = arith.constant 0 : i32
      %dma_wait3A_54 = tpu.memref_slice %arg11[%multiple_of3A, %dma_wait3A_53] : memref<10000x32xf32, #tpu.memory_space<hbm>> -> memref<624x32xf32, #tpu.memory_space<hbm>>
      tpu.wait_dma2 semaphore(%run_scoped3A : memref<!tpu.dma_semaphore, #tpu.memory_space<semaphore_mem>>) src(%dma_wait3A_54 : memref<624x32xf32, #tpu.memory_space<hbm>>) dst(%dma_wait3A_52 : memref<624x32xf32, #tpu.memory_space<vmem_shared>>)
      tpu.yield
    }) : () -> ()
    %eq3A = arith.constant 15 : i32
    %eq3A_3 = arith.cmpi eq, %arg1, %eq3A : i32
    %convert_element_type3A = arith.extui %eq3A_3 : i1 to i32
    %cond3A = arith.constant 0 : i32
    %cond3A_4 = arith.cmpi ne, %convert_element_type3A, %cond3A : i32
    scf.if %cond3A_4 {
      "tpu.region"() ({
        %run_scoped3A = tpu.sem_alloc : memref<!tpu.dma_semaphore, #tpu.memory_space<semaphore_mem>>
        %dma_start3A = arith.constant 9984 : i32
        %dma_start3A_49 = arith.constant 0 : i32
        %dma_start3A_50 = tpu.memref_slice %arg32[%dma_start3A, %dma_start3A_49] : memref<10000x64xf32, #tpu.memory_space<vmem_shared>> -> memref<16x64xf32, #tpu.memory_space<vmem_shared>>
        %dma_start3A_51 = arith.constant 9984 : i32
        %dma_start3A_52 = arith.constant 0 : i32
        %dma_start3A_53 = tpu.memref_slice %arg10[%dma_start3A_51, %dma_start3A_52] : memref<10000x64xf32, #tpu.memory_space<hbm>> -> memref<16x64xf32, #tpu.memory_space<hbm>>
        tpu.enqueue_dma source(%dma_start3A_53 : memref<16x64xf32, #tpu.memory_space<hbm>>) target(%dma_start3A_50 : memref<16x64xf32, #tpu.memory_space<vmem_shared>>) target_semaphore(%run_scoped3A : memref<!tpu.dma_semaphore, #tpu.memory_space<semaphore_mem>>)
        %dma_wait3A = arith.constant 9984 : i32
        %dma_wait3A_54 = arith.constant 0 : i32
        %dma_wait3A_55 = tpu.memref_slice %arg32[%dma_wait3A, %dma_wait3A_54] : memref<10000x64xf32, #tpu.memory_space<vmem_shared>> -> memref<16x64xf32, #tpu.memory_space<vmem_shared>>
        %dma_wait3A_56 = arith.constant 9984 : i32
        %dma_wait3A_57 = arith.constant 0 : i32
        %dma_wait3A_58 = tpu.memref_slice %arg10[%dma_wait3A_56, %dma_wait3A_57] : memref<10000x64xf32, #tpu.memory_space<hbm>> -> memref<16x64xf32, #tpu.memory_space<hbm>>
        tpu.wait_dma2 semaphore(%run_scoped3A : memref<!tpu.dma_semaphore, #tpu.memory_space<semaphore_mem>>) src(%dma_wait3A_58 : memref<16x64xf32, #tpu.memory_space<hbm>>) dst(%dma_wait3A_55 : memref<16x64xf32, #tpu.memory_space<vmem_shared>>)
        tpu.yield
      }) : () -> ()
      "tpu.region"() ({
        %run_scoped3A = tpu.sem_alloc : memref<!tpu.dma_semaphore, #tpu.memory_space<semaphore_mem>>
        %dma_start3A = arith.constant 9984 : i32
        %dma_start3A_49 = arith.constant 0 : i32
        %dma_start3A_50 = tpu.memref_slice %arg33[%dma_start3A, %dma_start3A_49] : memref<10000x32xf32, #tpu.memory_space<vmem_shared>> -> memref<16x32xf32, #tpu.memory_space<vmem_shared>>
        %dma_start3A_51 = arith.constant 9984 : i32
        %dma_start3A_52 = arith.constant 0 : i32
        %dma_start3A_53 = tpu.memref_slice %arg11[%dma_start3A_51, %dma_start3A_52] : memref<10000x32xf32, #tpu.memory_space<hbm>> -> memref<16x32xf32, #tpu.memory_space<hbm>>
        tpu.enqueue_dma source(%dma_start3A_53 : memref<16x32xf32, #tpu.memory_space<hbm>>) target(%dma_start3A_50 : memref<16x32xf32, #tpu.memory_space<vmem_shared>>) target_semaphore(%run_scoped3A : memref<!tpu.dma_semaphore, #tpu.memory_space<semaphore_mem>>)
        %dma_wait3A = arith.constant 9984 : i32
        %dma_wait3A_54 = arith.constant 0 : i32
        %dma_wait3A_55 = tpu.memref_slice %arg33[%dma_wait3A, %dma_wait3A_54] : memref<10000x32xf32, #tpu.memory_space<vmem_shared>> -> memref<16x32xf32, #tpu.memory_space<vmem_shared>>
        %dma_wait3A_56 = arith.constant 9984 : i32
        %dma_wait3A_57 = arith.constant 0 : i32
        %dma_wait3A_58 = tpu.memref_slice %arg11[%dma_wait3A_56, %dma_wait3A_57] : memref<10000x32xf32, #tpu.memory_space<hbm>> -> memref<16x32xf32, #tpu.memory_space<hbm>>
        tpu.wait_dma2 semaphore(%run_scoped3A : memref<!tpu.dma_semaphore, #tpu.memory_space<semaphore_mem>>) src(%dma_wait3A_58 : memref<16x32xf32, #tpu.memory_space<hbm>>) dst(%dma_wait3A_55 : memref<16x32xf32, #tpu.memory_space<vmem_shared>>)
        tpu.yield
      }) : () -> ()
    } else {
    }
    %barrier3A = arith.constant 0 : index
    tpu.barrier barrier_id(%barrier3A)
    %add3A_5 = arith.constant 0 : i32
    %add3A_6 = arith.addi %add3A, %add3A_5 : i32
    %lt3A = arith.constant 4000 : i32
    %lt3A_7 = arith.cmpi slt, %add3A_6, %lt3A : i32
    %convert_element_type3A_8 = arith.extui %lt3A_7 : i1 to i32
    %cond3A_9 = arith.constant 0 : i32
    %cond3A_10 = arith.cmpi ne, %convert_element_type3A_8, %cond3A_9 : i32
    scf.if %cond3A_10 {
      %mul3A_49 = arith.constant 80 : i32
      %mul3A_50 = arith.muli %add3A_6, %mul3A_49 : i32
      %multiple_of3A_51 = tpu.assume_multiple %mul3A_50, 80 : i32
      "tpu.region"() ({
        %run_scoped3A = tpu.sem_alloc : memref<!tpu.dma_semaphore, #tpu.memory_space<semaphore_mem>>
        %dma_start3A_67 = tpu.memref_slice %arg7[%multiple_of3A_51] : memref<320000xi32, #tpu.memory_space<hbm>> -> memref<80xi32, #tpu.memory_space<hbm>>
        %dma_start3A_68 = tpu.memref_slice %arg7[%multiple_of3A_51] : memref<320000xi32, #tpu.memory_space<hbm>> -> memref<80xi32, #tpu.memory_space<hbm>>
        tpu.enqueue_dma source(%dma_start3A_68 : memref<80xi32, #tpu.memory_space<hbm>>) target(%arg16 : memref<80xi32, #tpu.memory_space<vmem>>) target_semaphore(%run_scoped3A : memref<!tpu.dma_semaphore, #tpu.memory_space<semaphore_mem>>)
        %dma_wait3A = tpu.memref_slice %arg7[%multiple_of3A_51] : memref<320000xi32, #tpu.memory_space<hbm>> -> memref<80xi32, #tpu.memory_space<hbm>>
        %dma_wait3A_69 = tpu.memref_slice %arg7[%multiple_of3A_51] : memref<320000xi32, #tpu.memory_space<hbm>> -> memref<80xi32, #tpu.memory_space<hbm>>
        tpu.wait_dma2 semaphore(%run_scoped3A : memref<!tpu.dma_semaphore, #tpu.memory_space<semaphore_mem>>) src(%dma_wait3A_69 : memref<80xi32, #tpu.memory_space<hbm>>) dst(%arg16 : memref<80xi32, #tpu.memory_space<vmem>>)
        tpu.yield
      }) : () -> ()
      "tpu.region"() ({
        %run_scoped3A = tpu.sem_alloc : memref<!tpu.dma_semaphore, #tpu.memory_space<semaphore_mem>>
        %dma_start3A_67 = tpu.memref_slice %arg8[%multiple_of3A_51] : memref<320000xi32, #tpu.memory_space<hbm>> -> memref<80xi32, #tpu.memory_space<hbm>>
        %dma_start3A_68 = tpu.memref_slice %arg8[%multiple_of3A_51] : memref<320000xi32, #tpu.memory_space<hbm>> -> memref<80xi32, #tpu.memory_space<hbm>>
        tpu.enqueue_dma source(%dma_start3A_68 : memref<80xi32, #tpu.memory_space<hbm>>) target(%arg17 : memref<80xi32, #tpu.memory_space<vmem>>) target_semaphore(%run_scoped3A : memref<!tpu.dma_semaphore, #tpu.memory_space<semaphore_mem>>)
        %dma_wait3A = tpu.memref_slice %arg8[%multiple_of3A_51] : memref<320000xi32, #tpu.memory_space<hbm>> -> memref<80xi32, #tpu.memory_space<hbm>>
        %dma_wait3A_69 = tpu.memref_slice %arg8[%multiple_of3A_51] : memref<320000xi32, #tpu.memory_space<hbm>> -> memref<80xi32, #tpu.memory_space<hbm>>
        tpu.wait_dma2 semaphore(%run_scoped3A : memref<!tpu.dma_semaphore, #tpu.memory_space<semaphore_mem>>) src(%dma_wait3A_69 : memref<80xi32, #tpu.memory_space<hbm>>) dst(%arg17 : memref<80xi32, #tpu.memory_space<vmem>>)
        tpu.yield
      }) : () -> ()
      %dma_start3A = arith.constant 0 : i32
      %dma_start3A_52 = arith.constant 0 : i32
      %dma_start3A_53 = tpu.memref_slice %arg2[%dma_start3A, %dma_start3A_52] : memref<10000x128xf32, #tpu.memory_space<hbm>> -> memref<10000x128xf32, #tpu.memory_space<hbm>>
      tpu.enqueue_indirect_dma source(%dma_start3A_53 : memref<10000x128xf32, #tpu.memory_space<hbm>>) target(%arg18 : memref<80x128xf32, #tpu.memory_space<vmem>>) offsets(%arg17 : memref<80xi32, #tpu.memory_space<vmem>>) semaphore(%arg34 : memref<!tpu.dma_semaphore, #tpu.memory_space<semaphore_mem>>)
      %dma_start3A_54 = arith.constant 0 : i32
      %dma_start3A_55 = arith.constant 0 : i32
      %dma_start3A_56 = tpu.memref_slice %arg3[%dma_start3A_54, %dma_start3A_55] : memref<10000x128xf32, #tpu.memory_space<hbm>> -> memref<10000x128xf32, #tpu.memory_space<hbm>>
      tpu.enqueue_indirect_dma source(%dma_start3A_56 : memref<10000x128xf32, #tpu.memory_space<hbm>>) target(%arg19 : memref<80x128xf32, #tpu.memory_space<vmem>>) offsets(%arg16 : memref<80xi32, #tpu.memory_space<vmem>>) semaphore(%arg34 : memref<!tpu.dma_semaphore, #tpu.memory_space<semaphore_mem>>)
      %dma_start3A_57 = arith.constant 0 : i32
      %dma_start3A_58 = arith.constant 0 : i32
      %dma_start3A_59 = tpu.memref_slice %arg4[%dma_start3A_57, %dma_start3A_58] : memref<10000x64xf32, #tpu.memory_space<hbm>> -> memref<10000x64xf32, #tpu.memory_space<hbm>>
      tpu.enqueue_indirect_dma source(%dma_start3A_59 : memref<10000x64xf32, #tpu.memory_space<hbm>>) target(%arg20 : memref<80x64xf32, #tpu.memory_space<vmem>>) offsets(%arg16 : memref<80xi32, #tpu.memory_space<vmem>>) semaphore(%arg34 : memref<!tpu.dma_semaphore, #tpu.memory_space<semaphore_mem>>)
      %dma_start3A_60 = arith.constant 0 : i32
      %dma_start3A_61 = arith.constant 0 : i32
      %dma_start3A_62 = tpu.memref_slice %arg6[%dma_start3A_60, %dma_start3A_61] : memref<10000x16xf32, #tpu.memory_space<hbm>> -> memref<10000x16xf32, #tpu.memory_space<hbm>>
      tpu.enqueue_indirect_dma source(%dma_start3A_62 : memref<10000x16xf32, #tpu.memory_space<hbm>>) target(%arg22 : memref<80x16xf32, #tpu.memory_space<vmem>>) offsets(%arg17 : memref<80xi32, #tpu.memory_space<vmem>>) semaphore(%arg34 : memref<!tpu.dma_semaphore, #tpu.memory_space<semaphore_mem>>)
      %dma_start3A_63 = arith.constant 0 : i32
      %dma_start3A_64 = tpu.memref_slice %arg9[%multiple_of3A_51, %dma_start3A_63] : memref<320000x16xf32, #tpu.memory_space<hbm>> -> memref<80x16xf32, #tpu.memory_space<hbm>>
      %dma_start3A_65 = arith.constant 0 : i32
      %dma_start3A_66 = tpu.memref_slice %arg9[%multiple_of3A_51, %dma_start3A_65] : memref<320000x16xf32, #tpu.memory_space<hbm>> -> memref<80x16xf32, #tpu.memory_space<hbm>>
      tpu.enqueue_dma source(%dma_start3A_66 : memref<80x16xf32, #tpu.memory_space<hbm>>) target(%arg21 : memref<80x16xf32, #tpu.memory_space<vmem>>) target_semaphore(%arg34 : memref<!tpu.dma_semaphore, #tpu.memory_space<semaphore_mem>>)
    } else {
    }
    %scan3A = arith.constant 0 : i32
    %scan3A_11 = arith.constant 0 : i32
    %scan3A_12 = arith.constant 63 : i32
    %scan3A_13 = arith.addi %scan3A_11, %scan3A_12 : i32
    %scan3A_14 = arith.constant 1 : i32
    scf.for %scan3A_49 = %scan3A_11 to %scan3A_13 step %scan3A_14  : i32 {
      %mul3A_50 = arith.constant 2 : i32
      %mul3A_51 = arith.muli %scan3A_49, %mul3A_50 : i32
      %add3A_52 = arith.constant 1 : i32
      %add3A_53 = arith.addi %mul3A_51, %add3A_52 : i32
      %mul3A_54 = arith.constant 32 : i32
      %mul3A_55 = arith.muli %add3A_53, %mul3A_54 : i32
      %add3A_56 = arith.addi %add3A, %mul3A_55 : i32
      %lt3A_57 = arith.constant 4000 : i32
      %lt3A_58 = arith.cmpi slt, %add3A_56, %lt3A_57 : i32
      %convert_element_type3A_59 = arith.extui %lt3A_58 : i1 to i32
      %cond3A_60 = arith.constant 0 : i32
      %cond3A_61 = arith.cmpi ne, %convert_element_type3A_59, %cond3A_60 : i32
      scf.if %cond3A_61 {
        %mul3A_90 = arith.constant 80 : i32
        %mul3A_91 = arith.muli %add3A_56, %mul3A_90 : i32
        %multiple_of3A_92 = tpu.assume_multiple %mul3A_91, 80 : i32
        "tpu.region"() ({
          %run_scoped3A = tpu.sem_alloc : memref<!tpu.dma_semaphore, #tpu.memory_space<semaphore_mem>>
          %dma_start3A_108 = tpu.memref_slice %arg7[%multiple_of3A_92] : memref<320000xi32, #tpu.memory_space<hbm>> -> memref<80xi32, #tpu.memory_space<hbm>>
          %dma_start3A_109 = tpu.memref_slice %arg7[%multiple_of3A_92] : memref<320000xi32, #tpu.memory_space<hbm>> -> memref<80xi32, #tpu.memory_space<hbm>>
          tpu.enqueue_dma source(%dma_start3A_109 : memref<80xi32, #tpu.memory_space<hbm>>) target(%arg24 : memref<80xi32, #tpu.memory_space<vmem>>) target_semaphore(%run_scoped3A : memref<!tpu.dma_semaphore, #tpu.memory_space<semaphore_mem>>)
          %dma_wait3A = tpu.memref_slice %arg7[%multiple_of3A_92] : memref<320000xi32, #tpu.memory_space<hbm>> -> memref<80xi32, #tpu.memory_space<hbm>>
          %dma_wait3A_110 = tpu.memref_slice %arg7[%multiple_of3A_92] : memref<320000xi32, #tpu.memory_space<hbm>> -> memref<80xi32, #tpu.memory_space<hbm>>
          tpu.wait_dma2 semaphore(%run_scoped3A : memref<!tpu.dma_semaphore, #tpu.memory_space<semaphore_mem>>) src(%dma_wait3A_110 : memref<80xi32, #tpu.memory_space<hbm>>) dst(%arg24 : memref<80xi32, #tpu.memory_space<vmem>>)
          tpu.yield
        }) : () -> ()
        "tpu.region"() ({
          %run_scoped3A = tpu.sem_alloc : memref<!tpu.dma_semaphore, #tpu.memory_space<semaphore_mem>>
          %dma_start3A_108 = tpu.memref_slice %arg8[%multiple_of3A_92] : memref<320000xi32, #tpu.memory_space<hbm>> -> memref<80xi32, #tpu.memory_space<hbm>>
          %dma_start3A_109 = tpu.memref_slice %arg8[%multiple_of3A_92] : memref<320000xi32, #tpu.memory_space<hbm>> -> memref<80xi32, #tpu.memory_space<hbm>>
          tpu.enqueue_dma source(%dma_start3A_109 : memref<80xi32, #tpu.memory_space<hbm>>) target(%arg25 : memref<80xi32, #tpu.memory_space<vmem>>) target_semaphore(%run_scoped3A : memref<!tpu.dma_semaphore, #tpu.memory_space<semaphore_mem>>)
          %dma_wait3A = tpu.memref_slice %arg8[%multiple_of3A_92] : memref<320000xi32, #tpu.memory_space<hbm>> -> memref<80xi32, #tpu.memory_space<hbm>>
          %dma_wait3A_110 = tpu.memref_slice %arg8[%multiple_of3A_92] : memref<320000xi32, #tpu.memory_space<hbm>> -> memref<80xi32, #tpu.memory_space<hbm>>
          tpu.wait_dma2 semaphore(%run_scoped3A : memref<!tpu.dma_semaphore, #tpu.memory_space<semaphore_mem>>) src(%dma_wait3A_110 : memref<80xi32, #tpu.memory_space<hbm>>) dst(%arg25 : memref<80xi32, #tpu.memory_space<vmem>>)
          tpu.yield
        }) : () -> ()
        %dma_start3A = arith.constant 0 : i32
        %dma_start3A_93 = arith.constant 0 : i32
        %dma_start3A_94 = tpu.memref_slice %arg2[%dma_start3A, %dma_start3A_93] : memref<10000x128xf32, #tpu.memory_space<hbm>> -> memref<10000x128xf32, #tpu.memory_space<hbm>>
        tpu.enqueue_indirect_dma source(%dma_start3A_94 : memref<10000x128xf32, #tpu.memory_space<hbm>>) target(%arg26 : memref<80x128xf32, #tpu.memory_space<vmem>>) offsets(%arg25 : memref<80xi32, #tpu.memory_space<vmem>>) semaphore(%arg35 : memref<!tpu.dma_semaphore, #tpu.memory_space<semaphore_mem>>)
        %dma_start3A_95 = arith.constant 0 : i32
        %dma_start3A_96 = arith.constant 0 : i32
        %dma_start3A_97 = tpu.memref_slice %arg3[%dma_start3A_95, %dma_start3A_96] : memref<10000x128xf32, #tpu.memory_space<hbm>> -> memref<10000x128xf32, #tpu.memory_space<hbm>>
        tpu.enqueue_indirect_dma source(%dma_start3A_97 : memref<10000x128xf32, #tpu.memory_space<hbm>>) target(%arg27 : memref<80x128xf32, #tpu.memory_space<vmem>>) offsets(%arg24 : memref<80xi32, #tpu.memory_space<vmem>>) semaphore(%arg35 : memref<!tpu.dma_semaphore, #tpu.memory_space<semaphore_mem>>)
        %dma_start3A_98 = arith.constant 0 : i32
        %dma_start3A_99 = arith.constant 0 : i32
        %dma_start3A_100 = tpu.memref_slice %arg4[%dma_start3A_98, %dma_start3A_99] : memref<10000x64xf32, #tpu.memory_space<hbm>> -> memref<10000x64xf32, #tpu.memory_space<hbm>>
        tpu.enqueue_indirect_dma source(%dma_start3A_100 : memref<10000x64xf32, #tpu.memory_space<hbm>>) target(%arg28 : memref<80x64xf32, #tpu.memory_space<vmem>>) offsets(%arg24 : memref<80xi32, #tpu.memory_space<vmem>>) semaphore(%arg35 : memref<!tpu.dma_semaphore, #tpu.memory_space<semaphore_mem>>)
        %dma_start3A_101 = arith.constant 0 : i32
        %dma_start3A_102 = arith.constant 0 : i32
        %dma_start3A_103 = tpu.memref_slice %arg6[%dma_start3A_101, %dma_start3A_102] : memref<10000x16xf32, #tpu.memory_space<hbm>> -> memref<10000x16xf32, #tpu.memory_space<hbm>>
        tpu.enqueue_indirect_dma source(%dma_start3A_103 : memref<10000x16xf32, #tpu.memory_space<hbm>>) target(%arg30 : memref<80x16xf32, #tpu.memory_space<vmem>>) offsets(%arg25 : memref<80xi32, #tpu.memory_space<vmem>>) semaphore(%arg35 : memref<!tpu.dma_semaphore, #tpu.memory_space<semaphore_mem>>)
        %dma_start3A_104 = arith.constant 0 : i32
        %dma_start3A_105 = tpu.memref_slice %arg9[%multiple_of3A_92, %dma_start3A_104] : memref<320000x16xf32, #tpu.memory_space<hbm>> -> memref<80x16xf32, #tpu.memory_space<hbm>>
        %dma_start3A_106 = arith.constant 0 : i32
        %dma_start3A_107 = tpu.memref_slice %arg9[%multiple_of3A_92, %dma_start3A_106] : memref<320000x16xf32, #tpu.memory_space<hbm>> -> memref<80x16xf32, #tpu.memory_space<hbm>>
        tpu.enqueue_dma source(%dma_start3A_107 : memref<80x16xf32, #tpu.memory_space<hbm>>) target(%arg29 : memref<80x16xf32, #tpu.memory_space<vmem>>) target_semaphore(%arg35 : memref<!tpu.dma_semaphore, #tpu.memory_space<semaphore_mem>>)
      } else {
      }
      %mul3A_62 = arith.constant 32 : i32
      %mul3A_63 = arith.muli %mul3A_51, %mul3A_62 : i32
      %add3A_64 = arith.addi %add3A, %mul3A_63 : i32
      %lt3A_65 = arith.constant 4000 : i32
      %lt3A_66 = arith.cmpi slt, %add3A_64, %lt3A_65 : i32
      %convert_element_type3A_67 = arith.extui %lt3A_66 : i1 to i32
      %cond3A_68 = arith.constant 0 : i32
      %cond3A_69 = arith.cmpi ne, %convert_element_type3A_67, %cond3A_68 : i32
      scf.if %cond3A_69 {
        %mul3A_90 = arith.constant 80 : i32
        %mul3A_91 = arith.muli %add3A_64, %mul3A_90 : i32
        %multiple_of3A_92 = tpu.assume_multiple %mul3A_91, 80 : i32
        %dma_wait3A = arith.constant 0 : i32
        %dma_wait3A_93 = arith.constant 0 : i32
        %dma_wait3A_94 = tpu.memref_slice %arg2[%dma_wait3A, %dma_wait3A_93] : memref<10000x128xf32, #tpu.memory_space<hbm>> -> memref<80x128xf32, #tpu.memory_space<hbm>>
        %dma_wait3A_95 = arith.constant 0 : i32
        %dma_wait3A_96 = arith.constant 0 : i32
        %dma_wait3A_97 = tpu.memref_slice %arg2[%dma_wait3A_95, %dma_wait3A_96] : memref<10000x128xf32, #tpu.memory_space<hbm>> -> memref<80x128xf32, #tpu.memory_space<hbm>>
        tpu.wait_dma2 semaphore(%arg34 : memref<!tpu.dma_semaphore, #tpu.memory_space<semaphore_mem>>) src(%dma_wait3A_97 : memref<80x128xf32, #tpu.memory_space<hbm>>) dst(%arg18 : memref<80x128xf32, #tpu.memory_space<vmem>>)
        %dma_wait3A_98 = arith.constant 0 : i32
        %dma_wait3A_99 = arith.constant 0 : i32
        %dma_wait3A_100 = tpu.memref_slice %arg3[%dma_wait3A_98, %dma_wait3A_99] : memref<10000x128xf32, #tpu.memory_space<hbm>> -> memref<80x128xf32, #tpu.memory_space<hbm>>
        %dma_wait3A_101 = arith.constant 0 : i32
        %dma_wait3A_102 = arith.constant 0 : i32
        %dma_wait3A_103 = tpu.memref_slice %arg3[%dma_wait3A_101, %dma_wait3A_102] : memref<10000x128xf32, #tpu.memory_space<hbm>> -> memref<80x128xf32, #tpu.memory_space<hbm>>
        tpu.wait_dma2 semaphore(%arg34 : memref<!tpu.dma_semaphore, #tpu.memory_space<semaphore_mem>>) src(%dma_wait3A_103 : memref<80x128xf32, #tpu.memory_space<hbm>>) dst(%arg19 : memref<80x128xf32, #tpu.memory_space<vmem>>)
        %dma_wait3A_104 = arith.constant 0 : i32
        %dma_wait3A_105 = arith.constant 0 : i32
        %dma_wait3A_106 = tpu.memref_slice %arg4[%dma_wait3A_104, %dma_wait3A_105] : memref<10000x64xf32, #tpu.memory_space<hbm>> -> memref<80x64xf32, #tpu.memory_space<hbm>>
        %dma_wait3A_107 = arith.constant 0 : i32
        %dma_wait3A_108 = arith.constant 0 : i32
        %dma_wait3A_109 = tpu.memref_slice %arg4[%dma_wait3A_107, %dma_wait3A_108] : memref<10000x64xf32, #tpu.memory_space<hbm>> -> memref<80x64xf32, #tpu.memory_space<hbm>>
        tpu.wait_dma2 semaphore(%arg34 : memref<!tpu.dma_semaphore, #tpu.memory_space<semaphore_mem>>) src(%dma_wait3A_109 : memref<80x64xf32, #tpu.memory_space<hbm>>) dst(%arg20 : memref<80x64xf32, #tpu.memory_space<vmem>>)
        %dma_wait3A_110 = arith.constant 0 : i32
        %dma_wait3A_111 = arith.constant 0 : i32
        %dma_wait3A_112 = tpu.memref_slice %arg6[%dma_wait3A_110, %dma_wait3A_111] : memref<10000x16xf32, #tpu.memory_space<hbm>> -> memref<80x16xf32, #tpu.memory_space<hbm>>
        %dma_wait3A_113 = arith.constant 0 : i32
        %dma_wait3A_114 = arith.constant 0 : i32
        %dma_wait3A_115 = tpu.memref_slice %arg6[%dma_wait3A_113, %dma_wait3A_114] : memref<10000x16xf32, #tpu.memory_space<hbm>> -> memref<80x16xf32, #tpu.memory_space<hbm>>
        tpu.wait_dma2 semaphore(%arg34 : memref<!tpu.dma_semaphore, #tpu.memory_space<semaphore_mem>>) src(%dma_wait3A_115 : memref<80x16xf32, #tpu.memory_space<hbm>>) dst(%arg22 : memref<80x16xf32, #tpu.memory_space<vmem>>)
        %dma_wait3A_116 = arith.constant 0 : i32
        %dma_wait3A_117 = arith.constant 0 : i32
        %dma_wait3A_118 = tpu.memref_slice %arg9[%dma_wait3A_116, %dma_wait3A_117] : memref<320000x16xf32, #tpu.memory_space<hbm>> -> memref<80x16xf32, #tpu.memory_space<hbm>>
        %dma_wait3A_119 = arith.constant 0 : i32
        %dma_wait3A_120 = arith.constant 0 : i32
        %dma_wait3A_121 = tpu.memref_slice %arg9[%dma_wait3A_119, %dma_wait3A_120] : memref<320000x16xf32, #tpu.memory_space<hbm>> -> memref<80x16xf32, #tpu.memory_space<hbm>>
        tpu.wait_dma2 semaphore(%arg34 : memref<!tpu.dma_semaphore, #tpu.memory_space<semaphore_mem>>) src(%dma_wait3A_121 : memref<80x16xf32, #tpu.memory_space<hbm>>) dst(%arg21 : memref<80x16xf32, #tpu.memory_space<vmem>>)
        %scan3A_122 = arith.constant 0 : i32
        %scan3A_123 = arith.constant 0 : i32
        %scan3A_124 = arith.constant 80 : i32
        %scan3A_125 = arith.addi %scan3A_123, %scan3A_124 : i32
        %scan3A_126 = arith.constant 1 : i32
        scf.for %scan3A_128 = %scan3A_123 to %scan3A_125 step %scan3A_126  : i32 {
          %get3A = arith.index_cast %scan3A_128 : i32 to index
          %get3A_129 = arith.constant 0 : index
          %get3A_130 = tpu.vector_load %arg21[%get3A, %get3A_129] {strides = array<i32>} : memref<80x16xf32, #tpu.memory_space<vmem>>, vector<1x16xf32>,
          %get3A_131 = vector.shape_cast %get3A_130 : vector<1x16xf32> to vector<16xf32>
          %get3A_132 = arith.index_cast %scan3A_128 : i32 to index
          %get3A_133 = arith.constant 0 : index
          %get3A_134 = tpu.vector_load %arg22[%get3A_132, %get3A_133] {strides = array<i32>} : memref<80x16xf32, #tpu.memory_space<vmem>>, vector<1x16xf32>,
          %get3A_135 = vector.shape_cast %get3A_134 : vector<1x16xf32> to vector<16xf32>
          %mul3A_136 = arith.mulf %get3A_131, %get3A_135 : vector<16xf32>
          %get3A_137 = arith.index_cast %scan3A_128 : i32 to index
          %get3A_138 = arith.constant 0 : index
          %get3A_139 = tpu.vector_load %arg18[%get3A_137, %get3A_138] {strides = array<i32>} : memref<80x128xf32, #tpu.memory_space<vmem>>, vector<1x16xf32>,
          %get3A_140 = vector.shape_cast %get3A_139 : vector<1x16xf32> to vector<16xf32>
          %get3A_141 = arith.index_cast %scan3A_128 : i32 to index
          %get3A_142 = arith.constant 0 : index
          %get3A_143 = tpu.vector_load %arg19[%get3A_141, %get3A_142] {strides = array<i32>} : memref<80x128xf32, #tpu.memory_space<vmem>>, vector<1x16xf32>,
          %get3A_144 = vector.shape_cast %get3A_143 : vector<1x16xf32> to vector<16xf32>
          %mul3A_145 = arith.mulf %get3A_140, %get3A_144 : vector<16xf32>
          %add3A_146 = arith.addf %mul3A_136, %mul3A_145 : vector<16xf32>
          %get3A_147 = arith.index_cast %scan3A_128 : i32 to index
          %get3A_148 = arith.constant 16 : index
          %get3A_149 = tpu.vector_load %arg18[%get3A_147, %get3A_148] {strides = array<i32>} : memref<80x128xf32, #tpu.memory_space<vmem>>, vector<1x16xf32>,
          %get3A_150 = vector.shape_cast %get3A_149 : vector<1x16xf32> to vector<16xf32>
          %get3A_151 = arith.index_cast %scan3A_128 : i32 to index
          %get3A_152 = arith.constant 16 : index
          %get3A_153 = tpu.vector_load %arg19[%get3A_151, %get3A_152] {strides = array<i32>} : memref<80x128xf32, #tpu.memory_space<vmem>>, vector<1x16xf32>,
          %get3A_154 = vector.shape_cast %get3A_153 : vector<1x16xf32> to vector<16xf32>
          %mul3A_155 = arith.mulf %get3A_150, %get3A_154 : vector<16xf32>
          %add3A_156 = arith.addf %add3A_146, %mul3A_155 : vector<16xf32>
          %get3A_157 = arith.index_cast %scan3A_128 : i32 to index
          %get3A_158 = arith.constant 32 : index
          %get3A_159 = tpu.vector_load %arg18[%get3A_157, %get3A_158] {strides = array<i32>} : memref<80x128xf32, #tpu.memory_space<vmem>>, vector<1x16xf32>,
          %get3A_160 = vector.shape_cast %get3A_159 : vector<1x16xf32> to vector<16xf32>
          %get3A_161 = arith.index_cast %scan3A_128 : i32 to index
          %get3A_162 = arith.constant 32 : index
          %get3A_163 = tpu.vector_load %arg19[%get3A_161, %get3A_162] {strides = array<i32>} : memref<80x128xf32, #tpu.memory_space<vmem>>, vector<1x16xf32>,
          %get3A_164 = vector.shape_cast %get3A_163 : vector<1x16xf32> to vector<16xf32>
          %mul3A_165 = arith.mulf %get3A_160, %get3A_164 : vector<16xf32>
          %add3A_166 = arith.addf %add3A_156, %mul3A_165 : vector<16xf32>
          %get3A_167 = arith.index_cast %scan3A_128 : i32 to index
          %get3A_168 = arith.constant 48 : index
          %get3A_169 = tpu.vector_load %arg18[%get3A_167, %get3A_168] {strides = array<i32>} : memref<80x128xf32, #tpu.memory_space<vmem>>, vector<1x16xf32>,
          %get3A_170 = vector.shape_cast %get3A_169 : vector<1x16xf32> to vector<16xf32>
          %get3A_171 = arith.index_cast %scan3A_128 : i32 to index
          %get3A_172 = arith.constant 48 : index
          %get3A_173 = tpu.vector_load %arg19[%get3A_171, %get3A_172] {strides = array<i32>} : memref<80x128xf32, #tpu.memory_space<vmem>>, vector<1x16xf32>,
          %get3A_174 = vector.shape_cast %get3A_173 : vector<1x16xf32> to vector<16xf32>
          %mul3A_175 = arith.mulf %get3A_170, %get3A_174 : vector<16xf32>
          %add3A_176 = arith.addf %add3A_166, %mul3A_175 : vector<16xf32>
          %get3A_177 = arith.index_cast %scan3A_128 : i32 to index
          %get3A_178 = arith.constant 64 : index
          %get3A_179 = tpu.vector_load %arg18[%get3A_177, %get3A_178] {strides = array<i32>} : memref<80x128xf32, #tpu.memory_space<vmem>>, vector<1x16xf32>,
          %get3A_180 = vector.shape_cast %get3A_179 : vector<1x16xf32> to vector<16xf32>
          %get3A_181 = arith.index_cast %scan3A_128 : i32 to index
          %get3A_182 = arith.constant 64 : index
          %get3A_183 = tpu.vector_load %arg19[%get3A_181, %get3A_182] {strides = array<i32>} : memref<80x128xf32, #tpu.memory_space<vmem>>, vector<1x16xf32>,
          %get3A_184 = vector.shape_cast %get3A_183 : vector<1x16xf32> to vector<16xf32>
          %mul3A_185 = arith.mulf %get3A_180, %get3A_184 : vector<16xf32>
          %add3A_186 = arith.addf %add3A_176, %mul3A_185 : vector<16xf32>
          %get3A_187 = arith.index_cast %scan3A_128 : i32 to index
          %get3A_188 = arith.constant 80 : index
          %get3A_189 = tpu.vector_load %arg18[%get3A_187, %get3A_188] {strides = array<i32>} : memref<80x128xf32, #tpu.memory_space<vmem>>, vector<1x16xf32>,
          %get3A_190 = vector.shape_cast %get3A_189 : vector<1x16xf32> to vector<16xf32>
          %get3A_191 = arith.index_cast %scan3A_128 : i32 to index
          %get3A_192 = arith.constant 80 : index
          %get3A_193 = tpu.vector_load %arg19[%get3A_191, %get3A_192] {strides = array<i32>} : memref<80x128xf32, #tpu.memory_space<vmem>>, vector<1x16xf32>,
          %get3A_194 = vector.shape_cast %get3A_193 : vector<1x16xf32> to vector<16xf32>
          %mul3A_195 = arith.mulf %get3A_190, %get3A_194 : vector<16xf32>
          %add3A_196 = arith.addf %add3A_186, %mul3A_195 : vector<16xf32>
          %get3A_197 = arith.index_cast %scan3A_128 : i32 to index
          %get3A_198 = arith.constant 96 : index
          %get3A_199 = tpu.vector_load %arg18[%get3A_197, %get3A_198] {strides = array<i32>} : memref<80x128xf32, #tpu.memory_space<vmem>>, vector<1x16xf32>,
          %get3A_200 = vector.shape_cast %get3A_199 : vector<1x16xf32> to vector<16xf32>
          %get3A_201 = arith.index_cast %scan3A_128 : i32 to index
          %get3A_202 = arith.constant 96 : index
          %get3A_203 = tpu.vector_load %arg19[%get3A_201, %get3A_202] {strides = array<i32>} : memref<80x128xf32, #tpu.memory_space<vmem>>, vector<1x16xf32>,
          %get3A_204 = vector.shape_cast %get3A_203 : vector<1x16xf32> to vector<16xf32>
          %mul3A_205 = arith.mulf %get3A_200, %get3A_204 : vector<16xf32>
          %add3A_206 = arith.addf %add3A_196, %mul3A_205 : vector<16xf32>
          %get3A_207 = arith.index_cast %scan3A_128 : i32 to index
          %get3A_208 = arith.constant 112 : index
          %get3A_209 = tpu.vector_load %arg18[%get3A_207, %get3A_208] {strides = array<i32>} : memref<80x128xf32, #tpu.memory_space<vmem>>, vector<1x16xf32>,
          %get3A_210 = vector.shape_cast %get3A_209 : vector<1x16xf32> to vector<16xf32>
          %get3A_211 = arith.index_cast %scan3A_128 : i32 to index
          %get3A_212 = arith.constant 112 : index
          %get3A_213 = tpu.vector_load %arg19[%get3A_211, %get3A_212] {strides = array<i32>} : memref<80x128xf32, #tpu.memory_space<vmem>>, vector<1x16xf32>,
          %get3A_214 = vector.shape_cast %get3A_213 : vector<1x16xf32> to vector<16xf32>
          %mul3A_215 = arith.mulf %get3A_210, %get3A_214 : vector<16xf32>
          %add3A_216 = arith.addf %add3A_206, %mul3A_215 : vector<16xf32>
          %iota3A = tpu.iota {dimensions = array<i32: 0>} : vector<16xi32>
          %xor3A = arith.constant 1 : i32
          %xor3A_217 = vector.broadcast %xor3A : i32 to vector<16xi32>
          %xor3A_218 = arith.xori %iota3A, %xor3A_217 : vector<16xi32>
          %reshape3A = vector.shape_cast %xor3A_218 : vector<16xi32> to vector<16x1xi32>
          %gather3A = vector.shape_cast %reshape3A : vector<16x1xi32> to vector<16xi32>
          %gather3A_219 = tpu.dynamic_gather %add3A_216[%gather3A] in [0] : vector<16xf32>, vector<16xi32> -> vector<16xf32>
          %add3A_220 = arith.addf %add3A_216, %gather3A_219 : vector<16xf32>
          %iota3A_221 = tpu.iota {dimensions = array<i32: 0>} : vector<16xi32>
          %xor3A_222 = arith.constant 2 : i32
          %xor3A_223 = vector.broadcast %xor3A_222 : i32 to vector<16xi32>
          %xor3A_224 = arith.xori %iota3A_221, %xor3A_223 : vector<16xi32>
          %reshape3A_225 = vector.shape_cast %xor3A_224 : vector<16xi32> to vector<16x1xi32>
          %gather3A_226 = vector.shape_cast %reshape3A_225 : vector<16x1xi32> to vector<16xi32>
          %gather3A_227 = tpu.dynamic_gather %add3A_220[%gather3A_226] in [0] : vector<16xf32>, vector<16xi32> -> vector<16xf32>
          %add3A_228 = arith.addf %add3A_220, %gather3A_227 : vector<16xf32>
          %iota3A_229 = tpu.iota {dimensions = array<i32: 0>} : vector<16xi32>
          %xor3A_230 = arith.constant 4 : i32
          %xor3A_231 = vector.broadcast %xor3A_230 : i32 to vector<16xi32>
          %xor3A_232 = arith.xori %iota3A_229, %xor3A_231 : vector<16xi32>
          %reshape3A_233 = vector.shape_cast %xor3A_232 : vector<16xi32> to vector<16x1xi32>
          %gather3A_234 = vector.shape_cast %reshape3A_233 : vector<16x1xi32> to vector<16xi32>
          %gather3A_235 = tpu.dynamic_gather %add3A_228[%gather3A_234] in [0] : vector<16xf32>, vector<16xi32> -> vector<16xf32>
          %add3A_236 = arith.addf %add3A_228, %gather3A_235 : vector<16xf32>
          %iota3A_237 = tpu.iota {dimensions = array<i32: 0>} : vector<16xi32>
          %xor3A_238 = arith.constant 8 : i32
          %xor3A_239 = vector.broadcast %xor3A_238 : i32 to vector<16xi32>
          %xor3A_240 = arith.xori %iota3A_237, %xor3A_239 : vector<16xi32>
          %reshape3A_241 = vector.shape_cast %xor3A_240 : vector<16xi32> to vector<16x1xi32>
          %gather3A_242 = vector.shape_cast %reshape3A_241 : vector<16x1xi32> to vector<16xi32>
          %gather3A_243 = tpu.dynamic_gather %add3A_236[%gather3A_242] in [0] : vector<16xf32>, vector<16xi32> -> vector<16xf32>
          %add3A_244 = arith.addf %add3A_236, %gather3A_243 : vector<16xf32>
          %mul3A_245 = arith.constant 0.0883883461 : f32
          %mul3A_246 = vector.broadcast %mul3A_245 : f32 to vector<16xf32>
          %mul3A_247 = arith.mulf %add3A_244, %mul3A_246 : vector<16xf32>
          %exp3A = math.exp %mul3A_247 : vector<16xf32>
          %get3A_248 = arith.index_cast %scan3A_128 : i32 to index
          %get3A_249 = arith.constant 0 : index
          %get3A_250 = tpu.vector_load %arg20[%get3A_248, %get3A_249] {strides = array<i32>} : memref<80x64xf32, #tpu.memory_space<vmem>>, vector<1x16xf32>,
          %get3A_251 = vector.shape_cast %get3A_250 : vector<1x16xf32> to vector<16xf32>
          %mul3A_252 = arith.mulf %get3A_251, %exp3A : vector<16xf32>
          %swap3A = arith.index_cast %scan3A_128 : i32 to index
          %swap3A_253 = arith.constant 0 : index
          %swap3A_254 = tpu.vector_load %arg20[%swap3A, %swap3A_253] {strides = array<i32>} : memref<80x64xf32, #tpu.memory_space<vmem>>, vector<1x16xf32>,
          %swap3A_255 = vector.shape_cast %swap3A_254 : vector<1x16xf32> to vector<16xf32>
          %swap3A_256 = vector.shape_cast %mul3A_252 : vector<16xf32> to vector<1x16xf32>
          tpu.vector_store %arg20[%swap3A, %swap3A_253], %swap3A_256 {strides = array<i32>} : memref<80x64xf32, #tpu.memory_space<vmem>>, vector<1x16xf32>,
          %get3A_257 = arith.index_cast %scan3A_128 : i32 to index
          %get3A_258 = arith.constant 16 : index
          %get3A_259 = tpu.vector_load %arg20[%get3A_257, %get3A_258] {strides = array<i32>} : memref<80x64xf32, #tpu.memory_space<vmem>>, vector<1x16xf32>,
          %get3A_260 = vector.shape_cast %get3A_259 : vector<1x16xf32> to vector<16xf32>
          %mul3A_261 = arith.mulf %get3A_260, %exp3A : vector<16xf32>
          %swap3A_262 = arith.index_cast %scan3A_128 : i32 to index
          %swap3A_263 = arith.constant 16 : index
          %swap3A_264 = tpu.vector_load %arg20[%swap3A_262, %swap3A_263] {strides = array<i32>} : memref<80x64xf32, #tpu.memory_space<vmem>>, vector<1x16xf32>,
          %swap3A_265 = vector.shape_cast %swap3A_264 : vector<1x16xf32> to vector<16xf32>
          %swap3A_266 = vector.shape_cast %mul3A_261 : vector<16xf32> to vector<1x16xf32>
          tpu.vector_store %arg20[%swap3A_262, %swap3A_263], %swap3A_266 {strides = array<i32>} : memref<80x64xf32, #tpu.memory_space<vmem>>, vector<1x16xf32>,
          %get3A_267 = arith.index_cast %scan3A_128 : i32 to index
          %get3A_268 = arith.constant 32 : index
          %get3A_269 = tpu.vector_load %arg20[%get3A_267, %get3A_268] {strides = array<i32>} : memref<80x64xf32, #tpu.memory_space<vmem>>, vector<1x16xf32>,
          %get3A_270 = vector.shape_cast %get3A_269 : vector<1x16xf32> to vector<16xf32>
          %mul3A_271 = arith.mulf %get3A_270, %exp3A : vector<16xf32>
          %swap3A_272 = arith.index_cast %scan3A_128 : i32 to index
          %swap3A_273 = arith.constant 32 : index
          %swap3A_274 = tpu.vector_load %arg20[%swap3A_272, %swap3A_273] {strides = array<i32>} : memref<80x64xf32, #tpu.memory_space<vmem>>, vector<1x16xf32>,
          %swap3A_275 = vector.shape_cast %swap3A_274 : vector<1x16xf32> to vector<16xf32>
          %swap3A_276 = vector.shape_cast %mul3A_271 : vector<16xf32> to vector<1x16xf32>
          tpu.vector_store %arg20[%swap3A_272, %swap3A_273], %swap3A_276 {strides = array<i32>} : memref<80x64xf32, #tpu.memory_space<vmem>>, vector<1x16xf32>,
          %get3A_277 = arith.index_cast %scan3A_128 : i32 to index
          %get3A_278 = arith.constant 48 : index
          %get3A_279 = tpu.vector_load %arg20[%get3A_277, %get3A_278] {strides = array<i32>} : memref<80x64xf32, #tpu.memory_space<vmem>>, vector<1x16xf32>,
          %get3A_280 = vector.shape_cast %get3A_279 : vector<1x16xf32> to vector<16xf32>
          %mul3A_281 = arith.mulf %get3A_280, %exp3A : vector<16xf32>
          %swap3A_282 = arith.index_cast %scan3A_128 : i32 to index
          %swap3A_283 = arith.constant 48 : index
          %swap3A_284 = tpu.vector_load %arg20[%swap3A_282, %swap3A_283] {strides = array<i32>} : memref<80x64xf32, #tpu.memory_space<vmem>>, vector<1x16xf32>,
          %swap3A_285 = vector.shape_cast %swap3A_284 : vector<1x16xf32> to vector<16xf32>
          %swap3A_286 = vector.shape_cast %mul3A_281 : vector<16xf32> to vector<1x16xf32>
          tpu.vector_store %arg20[%swap3A_282, %swap3A_283], %swap3A_286 {strides = array<i32>} : memref<80x64xf32, #tpu.memory_space<vmem>>, vector<1x16xf32>,
          %get3A_287 = arith.index_cast %scan3A_128 : i32 to index
          %get3A_288 = arith.constant 0 : index
          %get3A_289 = tpu.vector_load %arg21[%get3A_287, %get3A_288] {strides = array<i32>} : memref<80x16xf32, #tpu.memory_space<vmem>>, vector<1x16xf32>,
          %get3A_290 = vector.shape_cast %get3A_289 : vector<1x16xf32> to vector<16xf32>
          %mul3A_291 = arith.mulf %get3A_290, %exp3A : vector<16xf32>
          %swap3A_292 = arith.index_cast %scan3A_128 : i32 to index
          %swap3A_293 = arith.constant 0 : index
          %swap3A_294 = tpu.vector_load %arg23[%swap3A_292, %swap3A_293] {strides = array<i32>} : memref<80x32xf32, #tpu.memory_space<vmem>>, vector<1x16xf32>,
          %swap3A_295 = vector.shape_cast %swap3A_294 : vector<1x16xf32> to vector<16xf32>
          %swap3A_296 = vector.shape_cast %mul3A_291 : vector<16xf32> to vector<1x16xf32>
          tpu.vector_store %arg23[%swap3A_292, %swap3A_293], %swap3A_296 {strides = array<i32>} : memref<80x32xf32, #tpu.memory_space<vmem>>, vector<1x16xf32>,
          %iota3A_297 = tpu.iota {dimensions = array<i32: 0>} : vector<16xi32>
          %eq3A_298 = arith.constant 0 : i32
          %eq3A_299 = vector.broadcast %eq3A_298 : i32 to vector<16xi32>
          %eq3A_300 = arith.cmpi eq, %iota3A_297, %eq3A_299 : vector<16xi32>
          %broadcast_in_dim3A = arith.constant 0.000000e+00 : f32
          %broadcast_in_dim3A_301 = vector.broadcast %broadcast_in_dim3A : f32 to vector<16xf32>
          %select_n3A = arith.select %eq3A_300, %exp3A, %broadcast_in_dim3A_301 : vector<16xi1>, vector<16xf32>
          %swap3A_302 = arith.index_cast %scan3A_128 : i32 to index
          %swap3A_303 = arith.constant 16 : index
          %swap3A_304 = tpu.vector_load %arg23[%swap3A_302, %swap3A_303] {strides = array<i32>} : memref<80x32xf32, #tpu.memory_space<vmem>>, vector<1x16xf32>,
          %swap3A_305 = vector.shape_cast %swap3A_304 : vector<1x16xf32> to vector<16xf32>
          %swap3A_306 = vector.shape_cast %select_n3A : vector<16xf32> to vector<1x16xf32>
          tpu.vector_store %arg23[%swap3A_302, %swap3A_303], %swap3A_306 {strides = array<i32>} : memref<80x32xf32, #tpu.memory_space<vmem>>, vector<1x16xf32>,
        }
        %scan3A_127 = arith.constant 80 : i32
        "tpu.region"() ({
          %run_scoped3A = tpu.sem_alloc : memref<!tpu.dma_semaphore, #tpu.memory_space<semaphore_mem>>
          %dma_start3A = arith.constant 0 : i32
          %dma_start3A_128 = arith.constant 0 : i32
          %dma_start3A_129 = tpu.memref_slice %arg32[%dma_start3A, %dma_start3A_128] : memref<10000x64xf32, #tpu.memory_space<vmem_shared>> -> memref<10000x64xf32, #tpu.memory_space<vmem_shared>>
          tpu.enqueue_indirect_dma source(%arg20 : memref<80x64xf32, #tpu.memory_space<vmem>>) target(%dma_start3A_129 : memref<10000x64xf32, #tpu.memory_space<vmem_shared>>) offsets(%arg17 : memref<80xi32, #tpu.memory_space<vmem>>) semaphore(%run_scoped3A : memref<!tpu.dma_semaphore, #tpu.memory_space<semaphore_mem>>) {add = true}
          %dma_wait3A_130 = arith.constant 0 : i32
          %dma_wait3A_131 = arith.constant 0 : i32
          %dma_wait3A_132 = tpu.memref_slice %arg32[%dma_wait3A_130, %dma_wait3A_131] : memref<10000x64xf32, #tpu.memory_space<vmem_shared>> -> memref<10000x64xf32, #tpu.memory_space<vmem_shared>>
          tpu.wait_indirect_dma semaphore(%run_scoped3A : memref<!tpu.dma_semaphore, #tpu.memory_space<semaphore_mem>>) src(%arg20 : memref<80x64xf32, #tpu.memory_space<vmem>>) dst(%dma_wait3A_132 : memref<10000x64xf32, #tpu.memory_space<vmem_shared>>)
          tpu.yield
        }) : () -> ()
        "tpu.region"() ({
          %run_scoped3A = tpu.sem_alloc : memref<!tpu.dma_semaphore, #tpu.memory_space<semaphore_mem>>
          %dma_start3A = arith.constant 0 : i32
          %dma_start3A_128 = arith.constant 0 : i32
          %dma_start3A_129 = tpu.memref_slice %arg33[%dma_start3A, %dma_start3A_128] : memref<10000x32xf32, #tpu.memory_space<vmem_shared>> -> memref<10000x32xf32, #tpu.memory_space<vmem_shared>>
          tpu.enqueue_indirect_dma source(%arg23 : memref<80x32xf32, #tpu.memory_space<vmem>>) target(%dma_start3A_129 : memref<10000x32xf32, #tpu.memory_space<vmem_shared>>) offsets(%arg17 : memref<80xi32, #tpu.memory_space<vmem>>) semaphore(%run_scoped3A : memref<!tpu.dma_semaphore, #tpu.memory_space<semaphore_mem>>) {add = true}
          %dma_wait3A_130 = arith.constant 0 : i32
          %dma_wait3A_131 = arith.constant 0 : i32
          %dma_wait3A_132 = tpu.memref_slice %arg33[%dma_wait3A_130, %dma_wait3A_131] : memref<10000x32xf32, #tpu.memory_space<vmem_shared>> -> memref<10000x32xf32, #tpu.memory_space<vmem_shared>>
          tpu.wait_indirect_dma semaphore(%run_scoped3A : memref<!tpu.dma_semaphore, #tpu.memory_space<semaphore_mem>>) src(%arg23 : memref<80x32xf32, #tpu.memory_space<vmem>>) dst(%dma_wait3A_132 : memref<10000x32xf32, #tpu.memory_space<vmem_shared>>)
          tpu.yield
        }) : () -> ()
        "tpu.region"() ({
          %run_scoped3A = tpu.sem_alloc : memref<!tpu.dma_semaphore, #tpu.memory_space<semaphore_mem>>
          %dma_start3A = arith.constant 0 : i32
          %dma_start3A_128 = tpu.memref_slice %arg15[%multiple_of3A_92, %dma_start3A] : memref<320000x32xf32, #tpu.memory_space<hbm>> -> memref<80x32xf32, #tpu.memory_space<hbm>>
          %dma_start3A_129 = arith.constant 0 : i32
          %dma_start3A_130 = tpu.memref_slice %arg15[%multiple_of3A_92, %dma_start3A_129] : memref<320000x32xf32, #tpu.memory_space<hbm>> -> memref<80x32xf32, #tpu.memory_space<hbm>>
          tpu.enqueue_dma source(%arg23 : memref<80x32xf32, #tpu.memory_space<vmem>>) target(%dma_start3A_130 : memref<80x32xf32, #tpu.memory_space<hbm>>) target_semaphore(%run_scoped3A : memref<!tpu.dma_semaphore, #tpu.memory_space<semaphore_mem>>)
          %dma_wait3A_131 = arith.constant 0 : i32
          %dma_wait3A_132 = tpu.memref_slice %arg15[%multiple_of3A_92, %dma_wait3A_131] : memref<320000x32xf32, #tpu.memory_space<hbm>> -> memref<80x32xf32, #tpu.memory_space<hbm>>
          %dma_wait3A_133 = arith.constant 0 : i32
          %dma_wait3A_134 = tpu.memref_slice %arg15[%multiple_of3A_92, %dma_wait3A_133] : memref<320000x32xf32, #tpu.memory_space<hbm>> -> memref<80x32xf32, #tpu.memory_space<hbm>>
          tpu.wait_dma2 semaphore(%run_scoped3A : memref<!tpu.dma_semaphore, #tpu.memory_space<semaphore_mem>>) src(%arg23 : memref<80x32xf32, #tpu.memory_space<vmem>>) dst(%dma_wait3A_134 : memref<80x32xf32, #tpu.memory_space<hbm>>)
          tpu.yield
        }) : () -> ()
      } else {
      }
      %add3A_70 = arith.constant 2 : i32
      %add3A_71 = arith.addi %mul3A_51, %add3A_70 : i32
      %mul3A_72 = arith.constant 32 : i32
      %mul3A_73 = arith.muli %add3A_71, %mul3A_72 : i32
      %add3A_74 = arith.addi %add3A, %mul3A_73 : i32
      %lt3A_75 = arith.constant 4000 : i32
      %lt3A_76 = arith.cmpi slt, %add3A_74, %lt3A_75 : i32
      %convert_element_type3A_77 = arith.extui %lt3A_76 : i1 to i32
      %cond3A_78 = arith.constant 0 : i32
      %cond3A_79 = arith.cmpi ne, %convert_element_type3A_77, %cond3A_78 : i32
      scf.if %cond3A_79 {
        %mul3A_90 = arith.constant 80 : i32
        %mul3A_91 = arith.muli %add3A_74, %mul3A_90 : i32
        %multiple_of3A_92 = tpu.assume_multiple %mul3A_91, 80 : i32
        "tpu.region"() ({
          %run_scoped3A = tpu.sem_alloc : memref<!tpu.dma_semaphore, #tpu.memory_space<semaphore_mem>>
          %dma_start3A_108 = tpu.memref_slice %arg7[%multiple_of3A_92] : memref<320000xi32, #tpu.memory_space<hbm>> -> memref<80xi32, #tpu.memory_space<hbm>>
          %dma_start3A_109 = tpu.memref_slice %arg7[%multiple_of3A_92] : memref<320000xi32, #tpu.memory_space<hbm>> -> memref<80xi32, #tpu.memory_space<hbm>>
          tpu.enqueue_dma source(%dma_start3A_109 : memref<80xi32, #tpu.memory_space<hbm>>) target(%arg16 : memref<80xi32, #tpu.memory_space<vmem>>) target_semaphore(%run_scoped3A : memref<!tpu.dma_semaphore, #tpu.memory_space<semaphore_mem>>)
          %dma_wait3A = tpu.memref_slice %arg7[%multiple_of3A_92] : memref<320000xi32, #tpu.memory_space<hbm>> -> memref<80xi32, #tpu.memory_space<hbm>>
          %dma_wait3A_110 = tpu.memref_slice %arg7[%multiple_of3A_92] : memref<320000xi32, #tpu.memory_space<hbm>> -> memref<80xi32, #tpu.memory_space<hbm>>
          tpu.wait_dma2 semaphore(%run_scoped3A : memref<!tpu.dma_semaphore, #tpu.memory_space<semaphore_mem>>) src(%dma_wait3A_110 : memref<80xi32, #tpu.memory_space<hbm>>) dst(%arg16 : memref<80xi32, #tpu.memory_space<vmem>>)
          tpu.yield
        }) : () -> ()
        "tpu.region"() ({
          %run_scoped3A = tpu.sem_alloc : memref<!tpu.dma_semaphore, #tpu.memory_space<semaphore_mem>>
          %dma_start3A_108 = tpu.memref_slice %arg8[%multiple_of3A_92] : memref<320000xi32, #tpu.memory_space<hbm>> -> memref<80xi32, #tpu.memory_space<hbm>>
          %dma_start3A_109 = tpu.memref_slice %arg8[%multiple_of3A_92] : memref<320000xi32, #tpu.memory_space<hbm>> -> memref<80xi32, #tpu.memory_space<hbm>>
          tpu.enqueue_dma source(%dma_start3A_109 : memref<80xi32, #tpu.memory_space<hbm>>) target(%arg17 : memref<80xi32, #tpu.memory_space<vmem>>) target_semaphore(%run_scoped3A : memref<!tpu.dma_semaphore, #tpu.memory_space<semaphore_mem>>)
          %dma_wait3A = tpu.memref_slice %arg8[%multiple_of3A_92] : memref<320000xi32, #tpu.memory_space<hbm>> -> memref<80xi32, #tpu.memory_space<hbm>>
          %dma_wait3A_110 = tpu.memref_slice %arg8[%multiple_of3A_92] : memref<320000xi32, #tpu.memory_space<hbm>> -> memref<80xi32, #tpu.memory_space<hbm>>
          tpu.wait_dma2 semaphore(%run_scoped3A : memref<!tpu.dma_semaphore, #tpu.memory_space<semaphore_mem>>) src(%dma_wait3A_110 : memref<80xi32, #tpu.memory_space<hbm>>) dst(%arg17 : memref<80xi32, #tpu.memory_space<vmem>>)
          tpu.yield
        }) : () -> ()
        %dma_start3A = arith.constant 0 : i32
        %dma_start3A_93 = arith.constant 0 : i32
        %dma_start3A_94 = tpu.memref_slice %arg2[%dma_start3A, %dma_start3A_93] : memref<10000x128xf32, #tpu.memory_space<hbm>> -> memref<10000x128xf32, #tpu.memory_space<hbm>>
        tpu.enqueue_indirect_dma source(%dma_start3A_94 : memref<10000x128xf32, #tpu.memory_space<hbm>>) target(%arg18 : memref<80x128xf32, #tpu.memory_space<vmem>>) offsets(%arg17 : memref<80xi32, #tpu.memory_space<vmem>>) semaphore(%arg34 : memref<!tpu.dma_semaphore, #tpu.memory_space<semaphore_mem>>)
        %dma_start3A_95 = arith.constant 0 : i32
        %dma_start3A_96 = arith.constant 0 : i32
        %dma_start3A_97 = tpu.memref_slice %arg3[%dma_start3A_95, %dma_start3A_96] : memref<10000x128xf32, #tpu.memory_space<hbm>> -> memref<10000x128xf32, #tpu.memory_space<hbm>>
        tpu.enqueue_indirect_dma source(%dma_start3A_97 : memref<10000x128xf32, #tpu.memory_space<hbm>>) target(%arg19 : memref<80x128xf32, #tpu.memory_space<vmem>>) offsets(%arg16 : memref<80xi32, #tpu.memory_space<vmem>>) semaphore(%arg34 : memref<!tpu.dma_semaphore, #tpu.memory_space<semaphore_mem>>)
        %dma_start3A_98 = arith.constant 0 : i32
        %dma_start3A_99 = arith.constant 0 : i32
        %dma_start3A_100 = tpu.memref_slice %arg4[%dma_start3A_98, %dma_start3A_99] : memref<10000x64xf32, #tpu.memory_space<hbm>> -> memref<10000x64xf32, #tpu.memory_space<hbm>>
        tpu.enqueue_indirect_dma source(%dma_start3A_100 : memref<10000x64xf32, #tpu.memory_space<hbm>>) target(%arg20 : memref<80x64xf32, #tpu.memory_space<vmem>>) offsets(%arg16 : memref<80xi32, #tpu.memory_space<vmem>>) semaphore(%arg34 : memref<!tpu.dma_semaphore, #tpu.memory_space<semaphore_mem>>)
        %dma_start3A_101 = arith.constant 0 : i32
        %dma_start3A_102 = arith.constant 0 : i32
        %dma_start3A_103 = tpu.memref_slice %arg6[%dma_start3A_101, %dma_start3A_102] : memref<10000x16xf32, #tpu.memory_space<hbm>> -> memref<10000x16xf32, #tpu.memory_space<hbm>>
        tpu.enqueue_indirect_dma source(%dma_start3A_103 : memref<10000x16xf32, #tpu.memory_space<hbm>>) target(%arg22 : memref<80x16xf32, #tpu.memory_space<vmem>>) offsets(%arg17 : memref<80xi32, #tpu.memory_space<vmem>>) semaphore(%arg34 : memref<!tpu.dma_semaphore, #tpu.memory_space<semaphore_mem>>)
        %dma_start3A_104 = arith.constant 0 : i32
        %dma_start3A_105 = tpu.memref_slice %arg9[%multiple_of3A_92, %dma_start3A_104] : memref<320000x16xf32, #tpu.memory_space<hbm>> -> memref<80x16xf32, #tpu.memory_space<hbm>>
        %dma_start3A_106 = arith.constant 0 : i32
        %dma_start3A_107 = tpu.memref_slice %arg9[%multiple_of3A_92, %dma_start3A_106] : memref<320000x16xf32, #tpu.memory_space<hbm>> -> memref<80x16xf32, #tpu.memory_space<hbm>>
        tpu.enqueue_dma source(%dma_start3A_107 : memref<80x16xf32, #tpu.memory_space<hbm>>) target(%arg21 : memref<80x16xf32, #tpu.memory_space<vmem>>) target_semaphore(%arg34 : memref<!tpu.dma_semaphore, #tpu.memory_space<semaphore_mem>>)
      } else {
      }
      %add3A_80 = arith.constant 1 : i32
      %add3A_81 = arith.addi %mul3A_51, %add3A_80 : i32
      %mul3A_82 = arith.constant 32 : i32
      %mul3A_83 = arith.muli %add3A_81, %mul3A_82 : i32
      %add3A_84 = arith.addi %add3A, %mul3A_83 : i32
      %lt3A_85 = arith.constant 4000 : i32
      %lt3A_86 = arith.cmpi slt, %add3A_84, %lt3A_85 : i32
      %convert_element_type3A_87 = arith.extui %lt3A_86 : i1 to i32
      %cond3A_88 = arith.constant 0 : i32
      %cond3A_89 = arith.cmpi ne, %convert_element_type3A_87, %cond3A_88 : i32
      scf.if %cond3A_89 {
        %mul3A_90 = arith.constant 80 : i32
        %mul3A_91 = arith.muli %add3A_84, %mul3A_90 : i32
        %multiple_of3A_92 = tpu.assume_multiple %mul3A_91, 80 : i32
        %dma_wait3A = arith.constant 0 : i32
        %dma_wait3A_93 = arith.constant 0 : i32
        %dma_wait3A_94 = tpu.memref_slice %arg2[%dma_wait3A, %dma_wait3A_93] : memref<10000x128xf32, #tpu.memory_space<hbm>> -> memref<80x128xf32, #tpu.memory_space<hbm>>
        %dma_wait3A_95 = arith.constant 0 : i32
        %dma_wait3A_96 = arith.constant 0 : i32
        %dma_wait3A_97 = tpu.memref_slice %arg2[%dma_wait3A_95, %dma_wait3A_96] : memref<10000x128xf32, #tpu.memory_space<hbm>> -> memref<80x128xf32, #tpu.memory_space<hbm>>
        tpu.wait_dma2 semaphore(%arg35 : memref<!tpu.dma_semaphore, #tpu.memory_space<semaphore_mem>>) src(%dma_wait3A_97 : memref<80x128xf32, #tpu.memory_space<hbm>>) dst(%arg26 : memref<80x128xf32, #tpu.memory_space<vmem>>)
        %dma_wait3A_98 = arith.constant 0 : i32
        %dma_wait3A_99 = arith.constant 0 : i32
        %dma_wait3A_100 = tpu.memref_slice %arg3[%dma_wait3A_98, %dma_wait3A_99] : memref<10000x128xf32, #tpu.memory_space<hbm>> -> memref<80x128xf32, #tpu.memory_space<hbm>>
        %dma_wait3A_101 = arith.constant 0 : i32
        %dma_wait3A_102 = arith.constant 0 : i32
        %dma_wait3A_103 = tpu.memref_slice %arg3[%dma_wait3A_101, %dma_wait3A_102] : memref<10000x128xf32, #tpu.memory_space<hbm>> -> memref<80x128xf32, #tpu.memory_space<hbm>>
        tpu.wait_dma2 semaphore(%arg35 : memref<!tpu.dma_semaphore, #tpu.memory_space<semaphore_mem>>) src(%dma_wait3A_103 : memref<80x128xf32, #tpu.memory_space<hbm>>) dst(%arg27 : memref<80x128xf32, #tpu.memory_space<vmem>>)
        %dma_wait3A_104 = arith.constant 0 : i32
        %dma_wait3A_105 = arith.constant 0 : i32
        %dma_wait3A_106 = tpu.memref_slice %arg4[%dma_wait3A_104, %dma_wait3A_105] : memref<10000x64xf32, #tpu.memory_space<hbm>> -> memref<80x64xf32, #tpu.memory_space<hbm>>
        %dma_wait3A_107 = arith.constant 0 : i32
        %dma_wait3A_108 = arith.constant 0 : i32
        %dma_wait3A_109 = tpu.memref_slice %arg4[%dma_wait3A_107, %dma_wait3A_108] : memref<10000x64xf32, #tpu.memory_space<hbm>> -> memref<80x64xf32, #tpu.memory_space<hbm>>
        tpu.wait_dma2 semaphore(%arg35 : memref<!tpu.dma_semaphore, #tpu.memory_space<semaphore_mem>>) src(%dma_wait3A_109 : memref<80x64xf32, #tpu.memory_space<hbm>>) dst(%arg28 : memref<80x64xf32, #tpu.memory_space<vmem>>)
        %dma_wait3A_110 = arith.constant 0 : i32
        %dma_wait3A_111 = arith.constant 0 : i32
        %dma_wait3A_112 = tpu.memref_slice %arg6[%dma_wait3A_110, %dma_wait3A_111] : memref<10000x16xf32, #tpu.memory_space<hbm>> -> memref<80x16xf32, #tpu.memory_space<hbm>>
        %dma_wait3A_113 = arith.constant 0 : i32
        %dma_wait3A_114 = arith.constant 0 : i32
        %dma_wait3A_115 = tpu.memref_slice %arg6[%dma_wait3A_113, %dma_wait3A_114] : memref<10000x16xf32, #tpu.memory_space<hbm>> -> memref<80x16xf32, #tpu.memory_space<hbm>>
        tpu.wait_dma2 semaphore(%arg35 : memref<!tpu.dma_semaphore, #tpu.memory_space<semaphore_mem>>) src(%dma_wait3A_115 : memref<80x16xf32, #tpu.memory_space<hbm>>) dst(%arg30 : memref<80x16xf32, #tpu.memory_space<vmem>>)
        %dma_wait3A_116 = arith.constant 0 : i32
        %dma_wait3A_117 = arith.constant 0 : i32
        %dma_wait3A_118 = tpu.memref_slice %arg9[%dma_wait3A_116, %dma_wait3A_117] : memref<320000x16xf32, #tpu.memory_space<hbm>> -> memref<80x16xf32, #tpu.memory_space<hbm>>
        %dma_wait3A_119 = arith.constant 0 : i32
        %dma_wait3A_120 = arith.constant 0 : i32
        %dma_wait3A_121 = tpu.memref_slice %arg9[%dma_wait3A_119, %dma_wait3A_120] : memref<320000x16xf32, #tpu.memory_space<hbm>> -> memref<80x16xf32, #tpu.memory_space<hbm>>
        tpu.wait_dma2 semaphore(%arg35 : memref<!tpu.dma_semaphore, #tpu.memory_space<semaphore_mem>>) src(%dma_wait3A_121 : memref<80x16xf32, #tpu.memory_space<hbm>>) dst(%arg29 : memref<80x16xf32, #tpu.memory_space<vmem>>)
        %scan3A_122 = arith.constant 0 : i32
        %scan3A_123 = arith.constant 0 : i32
        %scan3A_124 = arith.constant 80 : i32
        %scan3A_125 = arith.addi %scan3A_123, %scan3A_124 : i32
        %scan3A_126 = arith.constant 1 : i32
        scf.for %scan3A_128 = %scan3A_123 to %scan3A_125 step %scan3A_126  : i32 {
          %get3A = arith.index_cast %scan3A_128 : i32 to index
          %get3A_129 = arith.constant 0 : index
          %get3A_130 = tpu.vector_load %arg29[%get3A, %get3A_129] {strides = array<i32>} : memref<80x16xf32, #tpu.memory_space<vmem>>, vector<1x16xf32>,
          %get3A_131 = vector.shape_cast %get3A_130 : vector<1x16xf32> to vector<16xf32>
          %get3A_132 = arith.index_cast %scan3A_128 : i32 to index
          %get3A_133 = arith.constant 0 : index
          %get3A_134 = tpu.vector_load %arg30[%get3A_132, %get3A_133] {strides = array<i32>} : memref<80x16xf32, #tpu.memory_space<vmem>>, vector<1x16xf32>,
          %get3A_135 = vector.shape_cast %get3A_134 : vector<1x16xf32> to vector<16xf32>
          %mul3A_136 = arith.mulf %get3A_131, %get3A_135 : vector<16xf32>
          %get3A_137 = arith.index_cast %scan3A_128 : i32 to index
          %get3A_138 = arith.constant 0 : index
          %get3A_139 = tpu.vector_load %arg26[%get3A_137, %get3A_138] {strides = array<i32>} : memref<80x128xf32, #tpu.memory_space<vmem>>, vector<1x16xf32>,
          %get3A_140 = vector.shape_cast %get3A_139 : vector<1x16xf32> to vector<16xf32>
          %get3A_141 = arith.index_cast %scan3A_128 : i32 to index
          %get3A_142 = arith.constant 0 : index
          %get3A_143 = tpu.vector_load %arg27[%get3A_141, %get3A_142] {strides = array<i32>} : memref<80x128xf32, #tpu.memory_space<vmem>>, vector<1x16xf32>,
          %get3A_144 = vector.shape_cast %get3A_143 : vector<1x16xf32> to vector<16xf32>
          %mul3A_145 = arith.mulf %get3A_140, %get3A_144 : vector<16xf32>
          %add3A_146 = arith.addf %mul3A_136, %mul3A_145 : vector<16xf32>
          %get3A_147 = arith.index_cast %scan3A_128 : i32 to index
          %get3A_148 = arith.constant 16 : index
          %get3A_149 = tpu.vector_load %arg26[%get3A_147, %get3A_148] {strides = array<i32>} : memref<80x128xf32, #tpu.memory_space<vmem>>, vector<1x16xf32>,
          %get3A_150 = vector.shape_cast %get3A_149 : vector<1x16xf32> to vector<16xf32>
          %get3A_151 = arith.index_cast %scan3A_128 : i32 to index
          %get3A_152 = arith.constant 16 : index
          %get3A_153 = tpu.vector_load %arg27[%get3A_151, %get3A_152] {strides = array<i32>} : memref<80x128xf32, #tpu.memory_space<vmem>>, vector<1x16xf32>,
          %get3A_154 = vector.shape_cast %get3A_153 : vector<1x16xf32> to vector<16xf32>
          %mul3A_155 = arith.mulf %get3A_150, %get3A_154 : vector<16xf32>
          %add3A_156 = arith.addf %add3A_146, %mul3A_155 : vector<16xf32>
          %get3A_157 = arith.index_cast %scan3A_128 : i32 to index
          %get3A_158 = arith.constant 32 : index
          %get3A_159 = tpu.vector_load %arg26[%get3A_157, %get3A_158] {strides = array<i32>} : memref<80x128xf32, #tpu.memory_space<vmem>>, vector<1x16xf32>,
          %get3A_160 = vector.shape_cast %get3A_159 : vector<1x16xf32> to vector<16xf32>
          %get3A_161 = arith.index_cast %scan3A_128 : i32 to index
          %get3A_162 = arith.constant 32 : index
          %get3A_163 = tpu.vector_load %arg27[%get3A_161, %get3A_162] {strides = array<i32>} : memref<80x128xf32, #tpu.memory_space<vmem>>, vector<1x16xf32>,
          %get3A_164 = vector.shape_cast %get3A_163 : vector<1x16xf32> to vector<16xf32>
          %mul3A_165 = arith.mulf %get3A_160, %get3A_164 : vector<16xf32>
          %add3A_166 = arith.addf %add3A_156, %mul3A_165 : vector<16xf32>
          %get3A_167 = arith.index_cast %scan3A_128 : i32 to index
          %get3A_168 = arith.constant 48 : index
          %get3A_169 = tpu.vector_load %arg26[%get3A_167, %get3A_168] {strides = array<i32>} : memref<80x128xf32, #tpu.memory_space<vmem>>, vector<1x16xf32>,
          %get3A_170 = vector.shape_cast %get3A_169 : vector<1x16xf32> to vector<16xf32>
          %get3A_171 = arith.index_cast %scan3A_128 : i32 to index
          %get3A_172 = arith.constant 48 : index
          %get3A_173 = tpu.vector_load %arg27[%get3A_171, %get3A_172] {strides = array<i32>} : memref<80x128xf32, #tpu.memory_space<vmem>>, vector<1x16xf32>,
          %get3A_174 = vector.shape_cast %get3A_173 : vector<1x16xf32> to vector<16xf32>
          %mul3A_175 = arith.mulf %get3A_170, %get3A_174 : vector<16xf32>
          %add3A_176 = arith.addf %add3A_166, %mul3A_175 : vector<16xf32>
          %get3A_177 = arith.index_cast %scan3A_128 : i32 to index
          %get3A_178 = arith.constant 64 : index
          %get3A_179 = tpu.vector_load %arg26[%get3A_177, %get3A_178] {strides = array<i32>} : memref<80x128xf32, #tpu.memory_space<vmem>>, vector<1x16xf32>,
          %get3A_180 = vector.shape_cast %get3A_179 : vector<1x16xf32> to vector<16xf32>
          %get3A_181 = arith.index_cast %scan3A_128 : i32 to index
          %get3A_182 = arith.constant 64 : index
          %get3A_183 = tpu.vector_load %arg27[%get3A_181, %get3A_182] {strides = array<i32>} : memref<80x128xf32, #tpu.memory_space<vmem>>, vector<1x16xf32>,
          %get3A_184 = vector.shape_cast %get3A_183 : vector<1x16xf32> to vector<16xf32>
          %mul3A_185 = arith.mulf %get3A_180, %get3A_184 : vector<16xf32>
          %add3A_186 = arith.addf %add3A_176, %mul3A_185 : vector<16xf32>
          %get3A_187 = arith.index_cast %scan3A_128 : i32 to index
          %get3A_188 = arith.constant 80 : index
          %get3A_189 = tpu.vector_load %arg26[%get3A_187, %get3A_188] {strides = array<i32>} : memref<80x128xf32, #tpu.memory_space<vmem>>, vector<1x16xf32>,
          %get3A_190 = vector.shape_cast %get3A_189 : vector<1x16xf32> to vector<16xf32>
          %get3A_191 = arith.index_cast %scan3A_128 : i32 to index
          %get3A_192 = arith.constant 80 : index
          %get3A_193 = tpu.vector_load %arg27[%get3A_191, %get3A_192] {strides = array<i32>} : memref<80x128xf32, #tpu.memory_space<vmem>>, vector<1x16xf32>,
          %get3A_194 = vector.shape_cast %get3A_193 : vector<1x16xf32> to vector<16xf32>
          %mul3A_195 = arith.mulf %get3A_190, %get3A_194 : vector<16xf32>
          %add3A_196 = arith.addf %add3A_186, %mul3A_195 : vector<16xf32>
          %get3A_197 = arith.index_cast %scan3A_128 : i32 to index
          %get3A_198 = arith.constant 96 : index
          %get3A_199 = tpu.vector_load %arg26[%get3A_197, %get3A_198] {strides = array<i32>} : memref<80x128xf32, #tpu.memory_space<vmem>>, vector<1x16xf32>,
          %get3A_200 = vector.shape_cast %get3A_199 : vector<1x16xf32> to vector<16xf32>
          %get3A_201 = arith.index_cast %scan3A_128 : i32 to index
          %get3A_202 = arith.constant 96 : index
          %get3A_203 = tpu.vector_load %arg27[%get3A_201, %get3A_202] {strides = array<i32>} : memref<80x128xf32, #tpu.memory_space<vmem>>, vector<1x16xf32>,
          %get3A_204 = vector.shape_cast %get3A_203 : vector<1x16xf32> to vector<16xf32>
          %mul3A_205 = arith.mulf %get3A_200, %get3A_204 : vector<16xf32>
          %add3A_206 = arith.addf %add3A_196, %mul3A_205 : vector<16xf32>
          %get3A_207 = arith.index_cast %scan3A_128 : i32 to index
          %get3A_208 = arith.constant 112 : index
          %get3A_209 = tpu.vector_load %arg26[%get3A_207, %get3A_208] {strides = array<i32>} : memref<80x128xf32, #tpu.memory_space<vmem>>, vector<1x16xf32>,
          %get3A_210 = vector.shape_cast %get3A_209 : vector<1x16xf32> to vector<16xf32>
          %get3A_211 = arith.index_cast %scan3A_128 : i32 to index
          %get3A_212 = arith.constant 112 : index
          %get3A_213 = tpu.vector_load %arg27[%get3A_211, %get3A_212] {strides = array<i32>} : memref<80x128xf32, #tpu.memory_space<vmem>>, vector<1x16xf32>,
          %get3A_214 = vector.shape_cast %get3A_213 : vector<1x16xf32> to vector<16xf32>
          %mul3A_215 = arith.mulf %get3A_210, %get3A_214 : vector<16xf32>
          %add3A_216 = arith.addf %add3A_206, %mul3A_215 : vector<16xf32>
          %iota3A = tpu.iota {dimensions = array<i32: 0>} : vector<16xi32>
          %xor3A = arith.constant 1 : i32
          %xor3A_217 = vector.broadcast %xor3A : i32 to vector<16xi32>
          %xor3A_218 = arith.xori %iota3A, %xor3A_217 : vector<16xi32>
          %reshape3A = vector.shape_cast %xor3A_218 : vector<16xi32> to vector<16x1xi32>
          %gather3A = vector.shape_cast %reshape3A : vector<16x1xi32> to vector<16xi32>
          %gather3A_219 = tpu.dynamic_gather %add3A_216[%gather3A] in [0] : vector<16xf32>, vector<16xi32> -> vector<16xf32>
          %add3A_220 = arith.addf %add3A_216, %gather3A_219 : vector<16xf32>
          %iota3A_221 = tpu.iota {dimensions = array<i32: 0>} : vector<16xi32>
          %xor3A_222 = arith.constant 2 : i32
          %xor3A_223 = vector.broadcast %xor3A_222 : i32 to vector<16xi32>
          %xor3A_224 = arith.xori %iota3A_221, %xor3A_223 : vector<16xi32>
          %reshape3A_225 = vector.shape_cast %xor3A_224 : vector<16xi32> to vector<16x1xi32>
          %gather3A_226 = vector.shape_cast %reshape3A_225 : vector<16x1xi32> to vector<16xi32>
          %gather3A_227 = tpu.dynamic_gather %add3A_220[%gather3A_226] in [0] : vector<16xf32>, vector<16xi32> -> vector<16xf32>
          %add3A_228 = arith.addf %add3A_220, %gather3A_227 : vector<16xf32>
          %iota3A_229 = tpu.iota {dimensions = array<i32: 0>} : vector<16xi32>
          %xor3A_230 = arith.constant 4 : i32
          %xor3A_231 = vector.broadcast %xor3A_230 : i32 to vector<16xi32>
          %xor3A_232 = arith.xori %iota3A_229, %xor3A_231 : vector<16xi32>
          %reshape3A_233 = vector.shape_cast %xor3A_232 : vector<16xi32> to vector<16x1xi32>
          %gather3A_234 = vector.shape_cast %reshape3A_233 : vector<16x1xi32> to vector<16xi32>
          %gather3A_235 = tpu.dynamic_gather %add3A_228[%gather3A_234] in [0] : vector<16xf32>, vector<16xi32> -> vector<16xf32>
          %add3A_236 = arith.addf %add3A_228, %gather3A_235 : vector<16xf32>
          %iota3A_237 = tpu.iota {dimensions = array<i32: 0>} : vector<16xi32>
          %xor3A_238 = arith.constant 8 : i32
          %xor3A_239 = vector.broadcast %xor3A_238 : i32 to vector<16xi32>
          %xor3A_240 = arith.xori %iota3A_237, %xor3A_239 : vector<16xi32>
          %reshape3A_241 = vector.shape_cast %xor3A_240 : vector<16xi32> to vector<16x1xi32>
          %gather3A_242 = vector.shape_cast %reshape3A_241 : vector<16x1xi32> to vector<16xi32>
          %gather3A_243 = tpu.dynamic_gather %add3A_236[%gather3A_242] in [0] : vector<16xf32>, vector<16xi32> -> vector<16xf32>
          %add3A_244 = arith.addf %add3A_236, %gather3A_243 : vector<16xf32>
          %mul3A_245 = arith.constant 0.0883883461 : f32
          %mul3A_246 = vector.broadcast %mul3A_245 : f32 to vector<16xf32>
          %mul3A_247 = arith.mulf %add3A_244, %mul3A_246 : vector<16xf32>
          %exp3A = math.exp %mul3A_247 : vector<16xf32>
          %get3A_248 = arith.index_cast %scan3A_128 : i32 to index
          %get3A_249 = arith.constant 0 : index
          %get3A_250 = tpu.vector_load %arg28[%get3A_248, %get3A_249] {strides = array<i32>} : memref<80x64xf32, #tpu.memory_space<vmem>>, vector<1x16xf32>,
          %get3A_251 = vector.shape_cast %get3A_250 : vector<1x16xf32> to vector<16xf32>
          %mul3A_252 = arith.mulf %get3A_251, %exp3A : vector<16xf32>
          %swap3A = arith.index_cast %scan3A_128 : i32 to index
          %swap3A_253 = arith.constant 0 : index
          %swap3A_254 = tpu.vector_load %arg28[%swap3A, %swap3A_253] {strides = array<i32>} : memref<80x64xf32, #tpu.memory_space<vmem>>, vector<1x16xf32>,
          %swap3A_255 = vector.shape_cast %swap3A_254 : vector<1x16xf32> to vector<16xf32>
          %swap3A_256 = vector.shape_cast %mul3A_252 : vector<16xf32> to vector<1x16xf32>
          tpu.vector_store %arg28[%swap3A, %swap3A_253], %swap3A_256 {strides = array<i32>} : memref<80x64xf32, #tpu.memory_space<vmem>>, vector<1x16xf32>,
          %get3A_257 = arith.index_cast %scan3A_128 : i32 to index
          %get3A_258 = arith.constant 16 : index
          %get3A_259 = tpu.vector_load %arg28[%get3A_257, %get3A_258] {strides = array<i32>} : memref<80x64xf32, #tpu.memory_space<vmem>>, vector<1x16xf32>,
          %get3A_260 = vector.shape_cast %get3A_259 : vector<1x16xf32> to vector<16xf32>
          %mul3A_261 = arith.mulf %get3A_260, %exp3A : vector<16xf32>
          %swap3A_262 = arith.index_cast %scan3A_128 : i32 to index
          %swap3A_263 = arith.constant 16 : index
          %swap3A_264 = tpu.vector_load %arg28[%swap3A_262, %swap3A_263] {strides = array<i32>} : memref<80x64xf32, #tpu.memory_space<vmem>>, vector<1x16xf32>,
          %swap3A_265 = vector.shape_cast %swap3A_264 : vector<1x16xf32> to vector<16xf32>
          %swap3A_266 = vector.shape_cast %mul3A_261 : vector<16xf32> to vector<1x16xf32>
          tpu.vector_store %arg28[%swap3A_262, %swap3A_263], %swap3A_266 {strides = array<i32>} : memref<80x64xf32, #tpu.memory_space<vmem>>, vector<1x16xf32>,
          %get3A_267 = arith.index_cast %scan3A_128 : i32 to index
          %get3A_268 = arith.constant 32 : index
          %get3A_269 = tpu.vector_load %arg28[%get3A_267, %get3A_268] {strides = array<i32>} : memref<80x64xf32, #tpu.memory_space<vmem>>, vector<1x16xf32>,
          %get3A_270 = vector.shape_cast %get3A_269 : vector<1x16xf32> to vector<16xf32>
          %mul3A_271 = arith.mulf %get3A_270, %exp3A : vector<16xf32>
          %swap3A_272 = arith.index_cast %scan3A_128 : i32 to index
          %swap3A_273 = arith.constant 32 : index
          %swap3A_274 = tpu.vector_load %arg28[%swap3A_272, %swap3A_273] {strides = array<i32>} : memref<80x64xf32, #tpu.memory_space<vmem>>, vector<1x16xf32>,
          %swap3A_275 = vector.shape_cast %swap3A_274 : vector<1x16xf32> to vector<16xf32>
          %swap3A_276 = vector.shape_cast %mul3A_271 : vector<16xf32> to vector<1x16xf32>
          tpu.vector_store %arg28[%swap3A_272, %swap3A_273], %swap3A_276 {strides = array<i32>} : memref<80x64xf32, #tpu.memory_space<vmem>>, vector<1x16xf32>,
          %get3A_277 = arith.index_cast %scan3A_128 : i32 to index
          %get3A_278 = arith.constant 48 : index
          %get3A_279 = tpu.vector_load %arg28[%get3A_277, %get3A_278] {strides = array<i32>} : memref<80x64xf32, #tpu.memory_space<vmem>>, vector<1x16xf32>,
          %get3A_280 = vector.shape_cast %get3A_279 : vector<1x16xf32> to vector<16xf32>
          %mul3A_281 = arith.mulf %get3A_280, %exp3A : vector<16xf32>
          %swap3A_282 = arith.index_cast %scan3A_128 : i32 to index
          %swap3A_283 = arith.constant 48 : index
          %swap3A_284 = tpu.vector_load %arg28[%swap3A_282, %swap3A_283] {strides = array<i32>} : memref<80x64xf32, #tpu.memory_space<vmem>>, vector<1x16xf32>,
          %swap3A_285 = vector.shape_cast %swap3A_284 : vector<1x16xf32> to vector<16xf32>
          %swap3A_286 = vector.shape_cast %mul3A_281 : vector<16xf32> to vector<1x16xf32>
          tpu.vector_store %arg28[%swap3A_282, %swap3A_283], %swap3A_286 {strides = array<i32>} : memref<80x64xf32, #tpu.memory_space<vmem>>, vector<1x16xf32>,
          %get3A_287 = arith.index_cast %scan3A_128 : i32 to index
          %get3A_288 = arith.constant 0 : index
          %get3A_289 = tpu.vector_load %arg29[%get3A_287, %get3A_288] {strides = array<i32>} : memref<80x16xf32, #tpu.memory_space<vmem>>, vector<1x16xf32>,
          %get3A_290 = vector.shape_cast %get3A_289 : vector<1x16xf32> to vector<16xf32>
          %mul3A_291 = arith.mulf %get3A_290, %exp3A : vector<16xf32>
          %swap3A_292 = arith.index_cast %scan3A_128 : i32 to index
          %swap3A_293 = arith.constant 0 : index
          %swap3A_294 = tpu.vector_load %arg23[%swap3A_292, %swap3A_293] {strides = array<i32>} : memref<80x32xf32, #tpu.memory_space<vmem>>, vector<1x16xf32>,
          %swap3A_295 = vector.shape_cast %swap3A_294 : vector<1x16xf32> to vector<16xf32>
          %swap3A_296 = vector.shape_cast %mul3A_291 : vector<16xf32> to vector<1x16xf32>
          tpu.vector_store %arg23[%swap3A_292, %swap3A_293], %swap3A_296 {strides = array<i32>} : memref<80x32xf32, #tpu.memory_space<vmem>>, vector<1x16xf32>,
          %iota3A_297 = tpu.iota {dimensions = array<i32: 0>} : vector<16xi32>
          %eq3A_298 = arith.constant 0 : i32
          %eq3A_299 = vector.broadcast %eq3A_298 : i32 to vector<16xi32>
          %eq3A_300 = arith.cmpi eq, %iota3A_297, %eq3A_299 : vector<16xi32>
          %broadcast_in_dim3A = arith.constant 0.000000e+00 : f32
          %broadcast_in_dim3A_301 = vector.broadcast %broadcast_in_dim3A : f32 to vector<16xf32>
          %select_n3A = arith.select %eq3A_300, %exp3A, %broadcast_in_dim3A_301 : vector<16xi1>, vector<16xf32>
          %swap3A_302 = arith.index_cast %scan3A_128 : i32 to index
          %swap3A_303 = arith.constant 16 : index
          %swap3A_304 = tpu.vector_load %arg23[%swap3A_302, %swap3A_303] {strides = array<i32>} : memref<80x32xf32, #tpu.memory_space<vmem>>, vector<1x16xf32>,
          %swap3A_305 = vector.shape_cast %swap3A_304 : vector<1x16xf32> to vector<16xf32>
          %swap3A_306 = vector.shape_cast %select_n3A : vector<16xf32> to vector<1x16xf32>
          tpu.vector_store %arg23[%swap3A_302, %swap3A_303], %swap3A_306 {strides = array<i32>} : memref<80x32xf32, #tpu.memory_space<vmem>>, vector<1x16xf32>,
        }
        %scan3A_127 = arith.constant 80 : i32
        "tpu.region"() ({
          %run_scoped3A = tpu.sem_alloc : memref<!tpu.dma_semaphore, #tpu.memory_space<semaphore_mem>>
          %dma_start3A = arith.constant 0 : i32
          %dma_start3A_128 = arith.constant 0 : i32
          %dma_start3A_129 = tpu.memref_slice %arg32[%dma_start3A, %dma_start3A_128] : memref<10000x64xf32, #tpu.memory_space<vmem_shared>> -> memref<10000x64xf32, #tpu.memory_space<vmem_shared>>
          tpu.enqueue_indirect_dma source(%arg28 : memref<80x64xf32, #tpu.memory_space<vmem>>) target(%dma_start3A_129 : memref<10000x64xf32, #tpu.memory_space<vmem_shared>>) offsets(%arg25 : memref<80xi32, #tpu.memory_space<vmem>>) semaphore(%run_scoped3A : memref<!tpu.dma_semaphore, #tpu.memory_space<semaphore_mem>>) {add = true}
          %dma_wait3A_130 = arith.constant 0 : i32
          %dma_wait3A_131 = arith.constant 0 : i32
          %dma_wait3A_132 = tpu.memref_slice %arg32[%dma_wait3A_130, %dma_wait3A_131] : memref<10000x64xf32, #tpu.memory_space<vmem_shared>> -> memref<10000x64xf32, #tpu.memory_space<vmem_shared>>
          tpu.wait_indirect_dma semaphore(%run_scoped3A : memref<!tpu.dma_semaphore, #tpu.memory_space<semaphore_mem>>) src(%arg28 : memref<80x64xf32, #tpu.memory_space<vmem>>) dst(%dma_wait3A_132 : memref<10000x64xf32, #tpu.memory_space<vmem_shared>>)
          tpu.yield
        }) : () -> ()
        "tpu.region"() ({
          %run_scoped3A = tpu.sem_alloc : memref<!tpu.dma_semaphore, #tpu.memory_space<semaphore_mem>>
          %dma_start3A = arith.constant 0 : i32
          %dma_start3A_128 = arith.constant 0 : i32
          %dma_start3A_129 = tpu.memref_slice %arg33[%dma_start3A, %dma_start3A_128] : memref<10000x32xf32, #tpu.memory_space<vmem_shared>> -> memref<10000x32xf32, #tpu.memory_space<vmem_shared>>
          tpu.enqueue_indirect_dma source(%arg23 : memref<80x32xf32, #tpu.memory_space<vmem>>) target(%dma_start3A_129 : memref<10000x32xf32, #tpu.memory_space<vmem_shared>>) offsets(%arg25 : memref<80xi32, #tpu.memory_space<vmem>>) semaphore(%run_scoped3A : memref<!tpu.dma_semaphore, #tpu.memory_space<semaphore_mem>>) {add = true}
          %dma_wait3A_130 = arith.constant 0 : i32
          %dma_wait3A_131 = arith.constant 0 : i32
          %dma_wait3A_132 = tpu.memref_slice %arg33[%dma_wait3A_130, %dma_wait3A_131] : memref<10000x32xf32, #tpu.memory_space<vmem_shared>> -> memref<10000x32xf32, #tpu.memory_space<vmem_shared>>
          tpu.wait_indirect_dma semaphore(%run_scoped3A : memref<!tpu.dma_semaphore, #tpu.memory_space<semaphore_mem>>) src(%arg23 : memref<80x32xf32, #tpu.memory_space<vmem>>) dst(%dma_wait3A_132 : memref<10000x32xf32, #tpu.memory_space<vmem_shared>>)
          tpu.yield
        }) : () -> ()
        "tpu.region"() ({
          %run_scoped3A = tpu.sem_alloc : memref<!tpu.dma_semaphore, #tpu.memory_space<semaphore_mem>>
          %dma_start3A = arith.constant 0 : i32
          %dma_start3A_128 = tpu.memref_slice %arg15[%multiple_of3A_92, %dma_start3A] : memref<320000x32xf32, #tpu.memory_space<hbm>> -> memref<80x32xf32, #tpu.memory_space<hbm>>
          %dma_start3A_129 = arith.constant 0 : i32
          %dma_start3A_130 = tpu.memref_slice %arg15[%multiple_of3A_92, %dma_start3A_129] : memref<320000x32xf32, #tpu.memory_space<hbm>> -> memref<80x32xf32, #tpu.memory_space<hbm>>
          tpu.enqueue_dma source(%arg23 : memref<80x32xf32, #tpu.memory_space<vmem>>) target(%dma_start3A_130 : memref<80x32xf32, #tpu.memory_space<hbm>>) target_semaphore(%run_scoped3A : memref<!tpu.dma_semaphore, #tpu.memory_space<semaphore_mem>>)
          %dma_wait3A_131 = arith.constant 0 : i32
          %dma_wait3A_132 = tpu.memref_slice %arg15[%multiple_of3A_92, %dma_wait3A_131] : memref<320000x32xf32, #tpu.memory_space<hbm>> -> memref<80x32xf32, #tpu.memory_space<hbm>>
          %dma_wait3A_133 = arith.constant 0 : i32
          %dma_wait3A_134 = tpu.memref_slice %arg15[%multiple_of3A_92, %dma_wait3A_133] : memref<320000x32xf32, #tpu.memory_space<hbm>> -> memref<80x32xf32, #tpu.memory_space<hbm>>
          tpu.wait_dma2 semaphore(%run_scoped3A : memref<!tpu.dma_semaphore, #tpu.memory_space<semaphore_mem>>) src(%arg23 : memref<80x32xf32, #tpu.memory_space<vmem>>) dst(%dma_wait3A_134 : memref<80x32xf32, #tpu.memory_space<hbm>>)
          tpu.yield
        }) : () -> ()
      } else {
      }
    }
    %scan3A_15 = arith.constant 63 : i32
    %barrier3A_16 = arith.constant 0 : index
    tpu.barrier barrier_id(%barrier3A_16)
    "tpu.region"() ({
      %run_scoped3A = tpu.sem_alloc : memref<!tpu.dma_semaphore, #tpu.memory_space<semaphore_mem>>
      %dma_start3A = arith.constant 0 : i32
      %dma_start3A_49 = tpu.memref_slice %arg12[%arg0, %multiple_of3A, %dma_start3A] : memref<2x10000x64xf32, #tpu.memory_space<hbm>> -> memref<1x624x64xf32, #tpu.memory_space<hbm>>
      %dma_start3A_50 = tpu.memref_squeeze %dma_start3A_49 : memref<1x624x64xf32, #tpu.memory_space<hbm>> -> memref<624x64xf32, #tpu.memory_space<hbm>>
      %dma_start3A_51 = arith.constant 0 : i32
      %dma_start3A_52 = tpu.memref_slice %arg32[%multiple_of3A, %dma_start3A_51] : memref<10000x64xf32, #tpu.memory_space<vmem_shared>> -> memref<624x64xf32, #tpu.memory_space<vmem_shared>>
      tpu.enqueue_dma source(%dma_start3A_52 : memref<624x64xf32, #tpu.memory_space<vmem_shared>>) target(%dma_start3A_50 : memref<624x64xf32, #tpu.memory_space<hbm>>) target_semaphore(%run_scoped3A : memref<!tpu.dma_semaphore, #tpu.memory_space<semaphore_mem>>)
      %dma_wait3A = arith.constant 0 : i32
      %dma_wait3A_53 = tpu.memref_slice %arg12[%arg0, %multiple_of3A, %dma_wait3A] : memref<2x10000x64xf32, #tpu.memory_space<hbm>> -> memref<1x624x64xf32, #tpu.memory_space<hbm>>
      %dma_wait3A_54 = tpu.memref_squeeze %dma_wait3A_53 : memref<1x624x64xf32, #tpu.memory_space<hbm>> -> memref<624x64xf32, #tpu.memory_space<hbm>>
      %dma_wait3A_55 = arith.constant 0 : i32
      %dma_wait3A_56 = tpu.memref_slice %arg32[%multiple_of3A, %dma_wait3A_55] : memref<10000x64xf32, #tpu.memory_space<vmem_shared>> -> memref<624x64xf32, #tpu.memory_space<vmem_shared>>
      tpu.wait_dma2 semaphore(%run_scoped3A : memref<!tpu.dma_semaphore, #tpu.memory_space<semaphore_mem>>) src(%dma_wait3A_56 : memref<624x64xf32, #tpu.memory_space<vmem_shared>>) dst(%dma_wait3A_54 : memref<624x64xf32, #tpu.memory_space<hbm>>)
      tpu.yield
    }) : () -> ()
    "tpu.region"() ({
      %run_scoped3A = tpu.sem_alloc : memref<!tpu.dma_semaphore, #tpu.memory_space<semaphore_mem>>
      %dma_start3A = arith.constant 0 : i32
      %dma_start3A_49 = tpu.memref_slice %arg14[%arg0, %multiple_of3A, %dma_start3A] : memref<2x10000x32xf32, #tpu.memory_space<hbm>> -> memref<1x624x32xf32, #tpu.memory_space<hbm>>
      %dma_start3A_50 = tpu.memref_squeeze %dma_start3A_49 : memref<1x624x32xf32, #tpu.memory_space<hbm>> -> memref<624x32xf32, #tpu.memory_space<hbm>>
      %dma_start3A_51 = arith.constant 0 : i32
      %dma_start3A_52 = tpu.memref_slice %arg33[%multiple_of3A, %dma_start3A_51] : memref<10000x32xf32, #tpu.memory_space<vmem_shared>> -> memref<624x32xf32, #tpu.memory_space<vmem_shared>>
      tpu.enqueue_dma source(%dma_start3A_52 : memref<624x32xf32, #tpu.memory_space<vmem_shared>>) target(%dma_start3A_50 : memref<624x32xf32, #tpu.memory_space<hbm>>) target_semaphore(%run_scoped3A : memref<!tpu.dma_semaphore, #tpu.memory_space<semaphore_mem>>)
      %dma_wait3A = arith.constant 0 : i32
      %dma_wait3A_53 = tpu.memref_slice %arg14[%arg0, %multiple_of3A, %dma_wait3A] : memref<2x10000x32xf32, #tpu.memory_space<hbm>> -> memref<1x624x32xf32, #tpu.memory_space<hbm>>
      %dma_wait3A_54 = tpu.memref_squeeze %dma_wait3A_53 : memref<1x624x32xf32, #tpu.memory_space<hbm>> -> memref<624x32xf32, #tpu.memory_space<hbm>>
      %dma_wait3A_55 = arith.constant 0 : i32
      %dma_wait3A_56 = tpu.memref_slice %arg33[%multiple_of3A, %dma_wait3A_55] : memref<10000x32xf32, #tpu.memory_space<vmem_shared>> -> memref<624x32xf32, #tpu.memory_space<vmem_shared>>
      tpu.wait_dma2 semaphore(%run_scoped3A : memref<!tpu.dma_semaphore, #tpu.memory_space<semaphore_mem>>) src(%dma_wait3A_56 : memref<624x32xf32, #tpu.memory_space<vmem_shared>>) dst(%dma_wait3A_54 : memref<624x32xf32, #tpu.memory_space<hbm>>)
      tpu.yield
    }) : () -> ()
    %eq3A_17 = arith.constant 15 : i32
    %eq3A_18 = arith.cmpi eq, %arg1, %eq3A_17 : i32
    %convert_element_type3A_19 = arith.extui %eq3A_18 : i1 to i32
    %cond3A_20 = arith.constant 0 : i32
    %cond3A_21 = arith.cmpi ne, %convert_element_type3A_19, %cond3A_20 : i32
    scf.if %cond3A_21 {
      "tpu.region"() ({
        %run_scoped3A = tpu.sem_alloc : memref<!tpu.dma_semaphore, #tpu.memory_space<semaphore_mem>>
        %dma_start3A = arith.constant 9984 : i32
        %dma_start3A_49 = arith.constant 0 : i32
        %dma_start3A_50 = tpu.memref_slice %arg12[%arg0, %dma_start3A, %dma_start3A_49] : memref<2x10000x64xf32, #tpu.memory_space<hbm>> -> memref<1x16x64xf32, #tpu.memory_space<hbm>>
        %dma_start3A_51 = tpu.memref_squeeze %dma_start3A_50 : memref<1x16x64xf32, #tpu.memory_space<hbm>> -> memref<16x64xf32, #tpu.memory_space<hbm>>
        %dma_start3A_52 = arith.constant 9984 : i32
        %dma_start3A_53 = arith.constant 0 : i32
        %dma_start3A_54 = tpu.memref_slice %arg32[%dma_start3A_52, %dma_start3A_53] : memref<10000x64xf32, #tpu.memory_space<vmem_shared>> -> memref<16x64xf32, #tpu.memory_space<vmem_shared>>
        tpu.enqueue_dma source(%dma_start3A_54 : memref<16x64xf32, #tpu.memory_space<vmem_shared>>) target(%dma_start3A_51 : memref<16x64xf32, #tpu.memory_space<hbm>>) target_semaphore(%run_scoped3A : memref<!tpu.dma_semaphore, #tpu.memory_space<semaphore_mem>>)
        %dma_wait3A = arith.constant 9984 : i32
        %dma_wait3A_55 = arith.constant 0 : i32
        %dma_wait3A_56 = tpu.memref_slice %arg12[%arg0, %dma_wait3A, %dma_wait3A_55] : memref<2x10000x64xf32, #tpu.memory_space<hbm>> -> memref<1x16x64xf32, #tpu.memory_space<hbm>>
        %dma_wait3A_57 = tpu.memref_squeeze %dma_wait3A_56 : memref<1x16x64xf32, #tpu.memory_space<hbm>> -> memref<16x64xf32, #tpu.memory_space<hbm>>
        %dma_wait3A_58 = arith.constant 9984 : i32
        %dma_wait3A_59 = arith.constant 0 : i32
        %dma_wait3A_60 = tpu.memref_slice %arg32[%dma_wait3A_58, %dma_wait3A_59] : memref<10000x64xf32, #tpu.memory_space<vmem_shared>> -> memref<16x64xf32, #tpu.memory_space<vmem_shared>>
        tpu.wait_dma2 semaphore(%run_scoped3A : memref<!tpu.dma_semaphore, #tpu.memory_space<semaphore_mem>>) src(%dma_wait3A_60 : memref<16x64xf32, #tpu.memory_space<vmem_shared>>) dst(%dma_wait3A_57 : memref<16x64xf32, #tpu.memory_space<hbm>>)
        tpu.yield
      }) : () -> ()
      "tpu.region"() ({
        %run_scoped3A = tpu.sem_alloc : memref<!tpu.dma_semaphore, #tpu.memory_space<semaphore_mem>>
        %dma_start3A = arith.constant 9984 : i32
        %dma_start3A_49 = arith.constant 0 : i32
        %dma_start3A_50 = tpu.memref_slice %arg14[%arg0, %dma_start3A, %dma_start3A_49] : memref<2x10000x32xf32, #tpu.memory_space<hbm>> -> memref<1x16x32xf32, #tpu.memory_space<hbm>>
        %dma_start3A_51 = tpu.memref_squeeze %dma_start3A_50 : memref<1x16x32xf32, #tpu.memory_space<hbm>> -> memref<16x32xf32, #tpu.memory_space<hbm>>
        %dma_start3A_52 = arith.constant 9984 : i32
        %dma_start3A_53 = arith.constant 0 : i32
        %dma_start3A_54 = tpu.memref_slice %arg33[%dma_start3A_52, %dma_start3A_53] : memref<10000x32xf32, #tpu.memory_space<vmem_shared>> -> memref<16x32xf32, #tpu.memory_space<vmem_shared>>
        tpu.enqueue_dma source(%dma_start3A_54 : memref<16x32xf32, #tpu.memory_space<vmem_shared>>) target(%dma_start3A_51 : memref<16x32xf32, #tpu.memory_space<hbm>>) target_semaphore(%run_scoped3A : memref<!tpu.dma_semaphore, #tpu.memory_space<semaphore_mem>>)
        %dma_wait3A = arith.constant 9984 : i32
        %dma_wait3A_55 = arith.constant 0 : i32
        %dma_wait3A_56 = tpu.memref_slice %arg14[%arg0, %dma_wait3A, %dma_wait3A_55] : memref<2x10000x32xf32, #tpu.memory_space<hbm>> -> memref<1x16x32xf32, #tpu.memory_space<hbm>>
        %dma_wait3A_57 = tpu.memref_squeeze %dma_wait3A_56 : memref<1x16x32xf32, #tpu.memory_space<hbm>> -> memref<16x32xf32, #tpu.memory_space<hbm>>
        %dma_wait3A_58 = arith.constant 9984 : i32
        %dma_wait3A_59 = arith.constant 0 : i32
        %dma_wait3A_60 = tpu.memref_slice %arg33[%dma_wait3A_58, %dma_wait3A_59] : memref<10000x32xf32, #tpu.memory_space<vmem_shared>> -> memref<16x32xf32, #tpu.memory_space<vmem_shared>>
        tpu.wait_dma2 semaphore(%run_scoped3A : memref<!tpu.dma_semaphore, #tpu.memory_space<semaphore_mem>>) src(%dma_wait3A_60 : memref<16x32xf32, #tpu.memory_space<vmem_shared>>) dst(%dma_wait3A_57 : memref<16x32xf32, #tpu.memory_space<hbm>>)
        tpu.yield
      }) : () -> ()
    } else {
    }
    %barrier3A_22 = arith.constant 0 : index
    tpu.barrier barrier_id(%barrier3A_22)
    "tpu.region"() ({
      %run_scoped3A = tpu.sem_alloc : memref<!tpu.dma_semaphore, #tpu.memory_space<semaphore_mem>>
      %dma_start3A = arith.constant 0 : i32
      %dma_start3A_49 = tpu.memref_slice %arg32[%multiple_of3A, %dma_start3A] : memref<10000x64xf32, #tpu.memory_space<vmem_shared>> -> memref<624x64xf32, #tpu.memory_space<vmem_shared>>
      %dma_start3A_50 = arith.constant 0 : i32
      %dma_start3A_51 = tpu.memref_slice %arg10[%multiple_of3A, %dma_start3A_50] : memref<10000x64xf32, #tpu.memory_space<hbm>> -> memref<624x64xf32, #tpu.memory_space<hbm>>
      tpu.enqueue_dma source(%dma_start3A_51 : memref<624x64xf32, #tpu.memory_space<hbm>>) target(%dma_start3A_49 : memref<624x64xf32, #tpu.memory_space<vmem_shared>>) target_semaphore(%run_scoped3A : memref<!tpu.dma_semaphore, #tpu.memory_space<semaphore_mem>>)
      %dma_wait3A = arith.constant 0 : i32
      %dma_wait3A_52 = tpu.memref_slice %arg32[%multiple_of3A, %dma_wait3A] : memref<10000x64xf32, #tpu.memory_space<vmem_shared>> -> memref<624x64xf32, #tpu.memory_space<vmem_shared>>
      %dma_wait3A_53 = arith.constant 0 : i32
      %dma_wait3A_54 = tpu.memref_slice %arg10[%multiple_of3A, %dma_wait3A_53] : memref<10000x64xf32, #tpu.memory_space<hbm>> -> memref<624x64xf32, #tpu.memory_space<hbm>>
      tpu.wait_dma2 semaphore(%run_scoped3A : memref<!tpu.dma_semaphore, #tpu.memory_space<semaphore_mem>>) src(%dma_wait3A_54 : memref<624x64xf32, #tpu.memory_space<hbm>>) dst(%dma_wait3A_52 : memref<624x64xf32, #tpu.memory_space<vmem_shared>>)
      tpu.yield
    }) : () -> ()
    %eq3A_23 = arith.constant 15 : i32
    %eq3A_24 = arith.cmpi eq, %arg1, %eq3A_23 : i32
    %convert_element_type3A_25 = arith.extui %eq3A_24 : i1 to i32
    %cond3A_26 = arith.constant 0 : i32
    %cond3A_27 = arith.cmpi ne, %convert_element_type3A_25, %cond3A_26 : i32
    scf.if %cond3A_27 {
      "tpu.region"() ({
        %run_scoped3A = tpu.sem_alloc : memref<!tpu.dma_semaphore, #tpu.memory_space<semaphore_mem>>
        %dma_start3A = arith.constant 9984 : i32
        %dma_start3A_49 = arith.constant 0 : i32
        %dma_start3A_50 = tpu.memref_slice %arg32[%dma_start3A, %dma_start3A_49] : memref<10000x64xf32, #tpu.memory_space<vmem_shared>> -> memref<16x64xf32, #tpu.memory_space<vmem_shared>>
        %dma_start3A_51 = arith.constant 9984 : i32
        %dma_start3A_52 = arith.constant 0 : i32
        %dma_start3A_53 = tpu.memref_slice %arg10[%dma_start3A_51, %dma_start3A_52] : memref<10000x64xf32, #tpu.memory_space<hbm>> -> memref<16x64xf32, #tpu.memory_space<hbm>>
        tpu.enqueue_dma source(%dma_start3A_53 : memref<16x64xf32, #tpu.memory_space<hbm>>) target(%dma_start3A_50 : memref<16x64xf32, #tpu.memory_space<vmem_shared>>) target_semaphore(%run_scoped3A : memref<!tpu.dma_semaphore, #tpu.memory_space<semaphore_mem>>)
        %dma_wait3A = arith.constant 9984 : i32
        %dma_wait3A_54 = arith.constant 0 : i32
        %dma_wait3A_55 = tpu.memref_slice %arg32[%dma_wait3A, %dma_wait3A_54] : memref<10000x64xf32, #tpu.memory_space<vmem_shared>> -> memref<16x64xf32, #tpu.memory_space<vmem_shared>>
        %dma_wait3A_56 = arith.constant 9984 : i32
        %dma_wait3A_57 = arith.constant 0 : i32
        %dma_wait3A_58 = tpu.memref_slice %arg10[%dma_wait3A_56, %dma_wait3A_57] : memref<10000x64xf32, #tpu.memory_space<hbm>> -> memref<16x64xf32, #tpu.memory_space<hbm>>
        tpu.wait_dma2 semaphore(%run_scoped3A : memref<!tpu.dma_semaphore, #tpu.memory_space<semaphore_mem>>) src(%dma_wait3A_58 : memref<16x64xf32, #tpu.memory_space<hbm>>) dst(%dma_wait3A_55 : memref<16x64xf32, #tpu.memory_space<vmem_shared>>)
        tpu.yield
      }) : () -> ()
    } else {
    }
    %barrier3A_28 = arith.constant 0 : index
    tpu.barrier barrier_id(%barrier3A_28)
    %add3A_29 = arith.constant 0 : i32
    %add3A_30 = arith.addi %add3A, %add3A_29 : i32
    %lt3A_31 = arith.constant 4000 : i32
    %lt3A_32 = arith.cmpi slt, %add3A_30, %lt3A_31 : i32
    %convert_element_type3A_33 = arith.extui %lt3A_32 : i1 to i32
    %cond3A_34 = arith.constant 0 : i32
    %cond3A_35 = arith.cmpi ne, %convert_element_type3A_33, %cond3A_34 : i32
    scf.if %cond3A_35 {
      %mul3A_49 = arith.constant 80 : i32
      %mul3A_50 = arith.muli %add3A_30, %mul3A_49 : i32
      %multiple_of3A_51 = tpu.assume_multiple %mul3A_50, 80 : i32
      "tpu.region"() ({
        %run_scoped3A = tpu.sem_alloc : memref<!tpu.dma_semaphore, #tpu.memory_space<semaphore_mem>>
        %dma_start3A_58 = tpu.memref_slice %arg7[%multiple_of3A_51] : memref<320000xi32, #tpu.memory_space<hbm>> -> memref<80xi32, #tpu.memory_space<hbm>>
        %dma_start3A_59 = tpu.memref_slice %arg7[%multiple_of3A_51] : memref<320000xi32, #tpu.memory_space<hbm>> -> memref<80xi32, #tpu.memory_space<hbm>>
        tpu.enqueue_dma source(%dma_start3A_59 : memref<80xi32, #tpu.memory_space<hbm>>) target(%arg16 : memref<80xi32, #tpu.memory_space<vmem>>) target_semaphore(%run_scoped3A : memref<!tpu.dma_semaphore, #tpu.memory_space<semaphore_mem>>)
        %dma_wait3A = tpu.memref_slice %arg7[%multiple_of3A_51] : memref<320000xi32, #tpu.memory_space<hbm>> -> memref<80xi32, #tpu.memory_space<hbm>>
        %dma_wait3A_60 = tpu.memref_slice %arg7[%multiple_of3A_51] : memref<320000xi32, #tpu.memory_space<hbm>> -> memref<80xi32, #tpu.memory_space<hbm>>
        tpu.wait_dma2 semaphore(%run_scoped3A : memref<!tpu.dma_semaphore, #tpu.memory_space<semaphore_mem>>) src(%dma_wait3A_60 : memref<80xi32, #tpu.memory_space<hbm>>) dst(%arg16 : memref<80xi32, #tpu.memory_space<vmem>>)
        tpu.yield
      }) : () -> ()
      "tpu.region"() ({
        %run_scoped3A = tpu.sem_alloc : memref<!tpu.dma_semaphore, #tpu.memory_space<semaphore_mem>>
        %dma_start3A_58 = tpu.memref_slice %arg8[%multiple_of3A_51] : memref<320000xi32, #tpu.memory_space<hbm>> -> memref<80xi32, #tpu.memory_space<hbm>>
        %dma_start3A_59 = tpu.memref_slice %arg8[%multiple_of3A_51] : memref<320000xi32, #tpu.memory_space<hbm>> -> memref<80xi32, #tpu.memory_space<hbm>>
        tpu.enqueue_dma source(%dma_start3A_59 : memref<80xi32, #tpu.memory_space<hbm>>) target(%arg17 : memref<80xi32, #tpu.memory_space<vmem>>) target_semaphore(%run_scoped3A : memref<!tpu.dma_semaphore, #tpu.memory_space<semaphore_mem>>)
        %dma_wait3A = tpu.memref_slice %arg8[%multiple_of3A_51] : memref<320000xi32, #tpu.memory_space<hbm>> -> memref<80xi32, #tpu.memory_space<hbm>>
        %dma_wait3A_60 = tpu.memref_slice %arg8[%multiple_of3A_51] : memref<320000xi32, #tpu.memory_space<hbm>> -> memref<80xi32, #tpu.memory_space<hbm>>
        tpu.wait_dma2 semaphore(%run_scoped3A : memref<!tpu.dma_semaphore, #tpu.memory_space<semaphore_mem>>) src(%dma_wait3A_60 : memref<80xi32, #tpu.memory_space<hbm>>) dst(%arg17 : memref<80xi32, #tpu.memory_space<vmem>>)
        tpu.yield
      }) : () -> ()
      %dma_start3A = arith.constant 0 : i32
      %dma_start3A_52 = arith.constant 0 : i32
      %dma_start3A_53 = tpu.memref_slice %arg5[%dma_start3A, %dma_start3A_52] : memref<10000x64xf32, #tpu.memory_space<hbm>> -> memref<10000x64xf32, #tpu.memory_space<hbm>>
      tpu.enqueue_indirect_dma source(%dma_start3A_53 : memref<10000x64xf32, #tpu.memory_space<hbm>>) target(%arg20 : memref<80x64xf32, #tpu.memory_space<vmem>>) offsets(%arg16 : memref<80xi32, #tpu.memory_space<vmem>>) semaphore(%arg34 : memref<!tpu.dma_semaphore, #tpu.memory_space<semaphore_mem>>)
      %dma_start3A_54 = arith.constant 0 : i32
      %dma_start3A_55 = tpu.memref_slice %arg15[%multiple_of3A_51, %dma_start3A_54] : memref<320000x32xf32, #tpu.memory_space<hbm>> -> memref<80x32xf32, #tpu.memory_space<hbm>>
      %dma_start3A_56 = arith.constant 0 : i32
      %dma_start3A_57 = tpu.memref_slice %arg15[%multiple_of3A_51, %dma_start3A_56] : memref<320000x32xf32, #tpu.memory_space<hbm>> -> memref<80x32xf32, #tpu.memory_space<hbm>>
      tpu.enqueue_dma source(%dma_start3A_57 : memref<80x32xf32, #tpu.memory_space<hbm>>) target(%arg23 : memref<80x32xf32, #tpu.memory_space<vmem>>) target_semaphore(%arg34 : memref<!tpu.dma_semaphore, #tpu.memory_space<semaphore_mem>>)
    } else {
    }
    %scan3A_36 = arith.constant 0 : i32
    %scan3A_37 = arith.constant 0 : i32
    %scan3A_38 = arith.constant 63 : i32
    %scan3A_39 = arith.addi %scan3A_37, %scan3A_38 : i32
    %scan3A_40 = arith.constant 1 : i32
    scf.for %scan3A_49 = %scan3A_37 to %scan3A_39 step %scan3A_40  : i32 {
      %mul3A_50 = arith.constant 2 : i32
      %mul3A_51 = arith.muli %scan3A_49, %mul3A_50 : i32
      %add3A_52 = arith.constant 1 : i32
      %add3A_53 = arith.addi %mul3A_51, %add3A_52 : i32
      %mul3A_54 = arith.constant 32 : i32
      %mul3A_55 = arith.muli %add3A_53, %mul3A_54 : i32
      %add3A_56 = arith.addi %add3A, %mul3A_55 : i32
      %lt3A_57 = arith.constant 4000 : i32
      %lt3A_58 = arith.cmpi slt, %add3A_56, %lt3A_57 : i32
      %convert_element_type3A_59 = arith.extui %lt3A_58 : i1 to i32
      %cond3A_60 = arith.constant 0 : i32
      %cond3A_61 = arith.cmpi ne, %convert_element_type3A_59, %cond3A_60 : i32
      scf.if %cond3A_61 {
        %mul3A_90 = arith.constant 80 : i32
        %mul3A_91 = arith.muli %add3A_56, %mul3A_90 : i32
        %multiple_of3A_92 = tpu.assume_multiple %mul3A_91, 80 : i32
        "tpu.region"() ({
          %run_scoped3A = tpu.sem_alloc : memref<!tpu.dma_semaphore, #tpu.memory_space<semaphore_mem>>
          %dma_start3A_99 = tpu.memref_slice %arg7[%multiple_of3A_92] : memref<320000xi32, #tpu.memory_space<hbm>> -> memref<80xi32, #tpu.memory_space<hbm>>
          %dma_start3A_100 = tpu.memref_slice %arg7[%multiple_of3A_92] : memref<320000xi32, #tpu.memory_space<hbm>> -> memref<80xi32, #tpu.memory_space<hbm>>
          tpu.enqueue_dma source(%dma_start3A_100 : memref<80xi32, #tpu.memory_space<hbm>>) target(%arg24 : memref<80xi32, #tpu.memory_space<vmem>>) target_semaphore(%run_scoped3A : memref<!tpu.dma_semaphore, #tpu.memory_space<semaphore_mem>>)
          %dma_wait3A = tpu.memref_slice %arg7[%multiple_of3A_92] : memref<320000xi32, #tpu.memory_space<hbm>> -> memref<80xi32, #tpu.memory_space<hbm>>
          %dma_wait3A_101 = tpu.memref_slice %arg7[%multiple_of3A_92] : memref<320000xi32, #tpu.memory_space<hbm>> -> memref<80xi32, #tpu.memory_space<hbm>>
          tpu.wait_dma2 semaphore(%run_scoped3A : memref<!tpu.dma_semaphore, #tpu.memory_space<semaphore_mem>>) src(%dma_wait3A_101 : memref<80xi32, #tpu.memory_space<hbm>>) dst(%arg24 : memref<80xi32, #tpu.memory_space<vmem>>)
          tpu.yield
        }) : () -> ()
        "tpu.region"() ({
          %run_scoped3A = tpu.sem_alloc : memref<!tpu.dma_semaphore, #tpu.memory_space<semaphore_mem>>
          %dma_start3A_99 = tpu.memref_slice %arg8[%multiple_of3A_92] : memref<320000xi32, #tpu.memory_space<hbm>> -> memref<80xi32, #tpu.memory_space<hbm>>
          %dma_start3A_100 = tpu.memref_slice %arg8[%multiple_of3A_92] : memref<320000xi32, #tpu.memory_space<hbm>> -> memref<80xi32, #tpu.memory_space<hbm>>
          tpu.enqueue_dma source(%dma_start3A_100 : memref<80xi32, #tpu.memory_space<hbm>>) target(%arg25 : memref<80xi32, #tpu.memory_space<vmem>>) target_semaphore(%run_scoped3A : memref<!tpu.dma_semaphore, #tpu.memory_space<semaphore_mem>>)
          %dma_wait3A = tpu.memref_slice %arg8[%multiple_of3A_92] : memref<320000xi32, #tpu.memory_space<hbm>> -> memref<80xi32, #tpu.memory_space<hbm>>
          %dma_wait3A_101 = tpu.memref_slice %arg8[%multiple_of3A_92] : memref<320000xi32, #tpu.memory_space<hbm>> -> memref<80xi32, #tpu.memory_space<hbm>>
          tpu.wait_dma2 semaphore(%run_scoped3A : memref<!tpu.dma_semaphore, #tpu.memory_space<semaphore_mem>>) src(%dma_wait3A_101 : memref<80xi32, #tpu.memory_space<hbm>>) dst(%arg25 : memref<80xi32, #tpu.memory_space<vmem>>)
          tpu.yield
        }) : () -> ()
        %dma_start3A = arith.constant 0 : i32
        %dma_start3A_93 = arith.constant 0 : i32
        %dma_start3A_94 = tpu.memref_slice %arg5[%dma_start3A, %dma_start3A_93] : memref<10000x64xf32, #tpu.memory_space<hbm>> -> memref<10000x64xf32, #tpu.memory_space<hbm>>
        tpu.enqueue_indirect_dma source(%dma_start3A_94 : memref<10000x64xf32, #tpu.memory_space<hbm>>) target(%arg28 : memref<80x64xf32, #tpu.memory_space<vmem>>) offsets(%arg24 : memref<80xi32, #tpu.memory_space<vmem>>) semaphore(%arg35 : memref<!tpu.dma_semaphore, #tpu.memory_space<semaphore_mem>>)
        %dma_start3A_95 = arith.constant 0 : i32
        %dma_start3A_96 = tpu.memref_slice %arg15[%multiple_of3A_92, %dma_start3A_95] : memref<320000x32xf32, #tpu.memory_space<hbm>> -> memref<80x32xf32, #tpu.memory_space<hbm>>
        %dma_start3A_97 = arith.constant 0 : i32
        %dma_start3A_98 = tpu.memref_slice %arg15[%multiple_of3A_92, %dma_start3A_97] : memref<320000x32xf32, #tpu.memory_space<hbm>> -> memref<80x32xf32, #tpu.memory_space<hbm>>
        tpu.enqueue_dma source(%dma_start3A_98 : memref<80x32xf32, #tpu.memory_space<hbm>>) target(%arg31 : memref<80x32xf32, #tpu.memory_space<vmem>>) target_semaphore(%arg35 : memref<!tpu.dma_semaphore, #tpu.memory_space<semaphore_mem>>)
      } else {
      }
      %mul3A_62 = arith.constant 32 : i32
      %mul3A_63 = arith.muli %mul3A_51, %mul3A_62 : i32
      %add3A_64 = arith.addi %add3A, %mul3A_63 : i32
      %lt3A_65 = arith.constant 4000 : i32
      %lt3A_66 = arith.cmpi slt, %add3A_64, %lt3A_65 : i32
      %convert_element_type3A_67 = arith.extui %lt3A_66 : i1 to i32
      %cond3A_68 = arith.constant 0 : i32
      %cond3A_69 = arith.cmpi ne, %convert_element_type3A_67, %cond3A_68 : i32
      scf.if %cond3A_69 {
        %dma_wait3A = arith.constant 0 : i32
        %dma_wait3A_90 = arith.constant 0 : i32
        %dma_wait3A_91 = tpu.memref_slice %arg5[%dma_wait3A, %dma_wait3A_90] : memref<10000x64xf32, #tpu.memory_space<hbm>> -> memref<80x64xf32, #tpu.memory_space<hbm>>
        %dma_wait3A_92 = arith.constant 0 : i32
        %dma_wait3A_93 = arith.constant 0 : i32
        %dma_wait3A_94 = tpu.memref_slice %arg5[%dma_wait3A_92, %dma_wait3A_93] : memref<10000x64xf32, #tpu.memory_space<hbm>> -> memref<80x64xf32, #tpu.memory_space<hbm>>
        tpu.wait_dma2 semaphore(%arg34 : memref<!tpu.dma_semaphore, #tpu.memory_space<semaphore_mem>>) src(%dma_wait3A_94 : memref<80x64xf32, #tpu.memory_space<hbm>>) dst(%arg20 : memref<80x64xf32, #tpu.memory_space<vmem>>)
        %dma_wait3A_95 = arith.constant 0 : i32
        %dma_wait3A_96 = arith.constant 0 : i32
        %dma_wait3A_97 = tpu.memref_slice %arg15[%dma_wait3A_95, %dma_wait3A_96] : memref<320000x32xf32, #tpu.memory_space<hbm>> -> memref<80x32xf32, #tpu.memory_space<hbm>>
        %dma_wait3A_98 = arith.constant 0 : i32
        %dma_wait3A_99 = arith.constant 0 : i32
        %dma_wait3A_100 = tpu.memref_slice %arg15[%dma_wait3A_98, %dma_wait3A_99] : memref<320000x32xf32, #tpu.memory_space<hbm>> -> memref<80x32xf32, #tpu.memory_space<hbm>>
        tpu.wait_dma2 semaphore(%arg34 : memref<!tpu.dma_semaphore, #tpu.memory_space<semaphore_mem>>) src(%dma_wait3A_100 : memref<80x32xf32, #tpu.memory_space<hbm>>) dst(%arg23 : memref<80x32xf32, #tpu.memory_space<vmem>>)
        %scan3A_101 = arith.constant 0 : i32
        %scan3A_102 = arith.constant 0 : i32
        %scan3A_103 = arith.constant 80 : i32
        %scan3A_104 = arith.addi %scan3A_102, %scan3A_103 : i32
        %scan3A_105 = arith.constant 1 : i32
        scf.for %scan3A_107 = %scan3A_102 to %scan3A_104 step %scan3A_105  : i32 {
          %get3A = arith.index_cast %scan3A_107 : i32 to index
          %get3A_108 = arith.constant 16 : index
          %get3A_109 = tpu.vector_load %arg23[%get3A, %get3A_108] {strides = array<i32>} : memref<80x32xf32, #tpu.memory_space<vmem>>, vector<1x16xf32>,
          %get3A_110 = vector.shape_cast %get3A_109 : vector<1x16xf32> to vector<16xf32>
          %broadcast_in_dim3A = arith.constant 0 : i32
          %broadcast_in_dim3A_111 = vector.broadcast %broadcast_in_dim3A : i32 to vector<16xi32>
          %reshape3A = vector.shape_cast %broadcast_in_dim3A_111 : vector<16xi32> to vector<16x1xi32>
          %gather3A = vector.shape_cast %reshape3A : vector<16x1xi32> to vector<16xi32>
          %gather3A_112 = tpu.dynamic_gather %get3A_110[%gather3A] in [0] : vector<16xf32>, vector<16xi32> -> vector<16xf32>
          %get3A_113 = arith.index_cast %scan3A_107 : i32 to index
          %get3A_114 = arith.constant 0 : index
          %get3A_115 = tpu.vector_load %arg20[%get3A_113, %get3A_114] {strides = array<i32>} : memref<80x64xf32, #tpu.memory_space<vmem>>, vector<1x16xf32>,
          %get3A_116 = vector.shape_cast %get3A_115 : vector<1x16xf32> to vector<16xf32>
          %mul3A_117 = arith.mulf %get3A_116, %gather3A_112 : vector<16xf32>
          %swap3A = arith.index_cast %scan3A_107 : i32 to index
          %swap3A_118 = arith.constant 0 : index
          %swap3A_119 = tpu.vector_load %arg20[%swap3A, %swap3A_118] {strides = array<i32>} : memref<80x64xf32, #tpu.memory_space<vmem>>, vector<1x16xf32>,
          %swap3A_120 = vector.shape_cast %swap3A_119 : vector<1x16xf32> to vector<16xf32>
          %swap3A_121 = vector.shape_cast %mul3A_117 : vector<16xf32> to vector<1x16xf32>
          tpu.vector_store %arg20[%swap3A, %swap3A_118], %swap3A_121 {strides = array<i32>} : memref<80x64xf32, #tpu.memory_space<vmem>>, vector<1x16xf32>,
          %get3A_122 = arith.index_cast %scan3A_107 : i32 to index
          %get3A_123 = arith.constant 16 : index
          %get3A_124 = tpu.vector_load %arg20[%get3A_122, %get3A_123] {strides = array<i32>} : memref<80x64xf32, #tpu.memory_space<vmem>>, vector<1x16xf32>,
          %get3A_125 = vector.shape_cast %get3A_124 : vector<1x16xf32> to vector<16xf32>
          %mul3A_126 = arith.mulf %get3A_125, %gather3A_112 : vector<16xf32>
          %swap3A_127 = arith.index_cast %scan3A_107 : i32 to index
          %swap3A_128 = arith.constant 16 : index
          %swap3A_129 = tpu.vector_load %arg20[%swap3A_127, %swap3A_128] {strides = array<i32>} : memref<80x64xf32, #tpu.memory_space<vmem>>, vector<1x16xf32>,
          %swap3A_130 = vector.shape_cast %swap3A_129 : vector<1x16xf32> to vector<16xf32>
          %swap3A_131 = vector.shape_cast %mul3A_126 : vector<16xf32> to vector<1x16xf32>
          tpu.vector_store %arg20[%swap3A_127, %swap3A_128], %swap3A_131 {strides = array<i32>} : memref<80x64xf32, #tpu.memory_space<vmem>>, vector<1x16xf32>,
          %get3A_132 = arith.index_cast %scan3A_107 : i32 to index
          %get3A_133 = arith.constant 32 : index
          %get3A_134 = tpu.vector_load %arg20[%get3A_132, %get3A_133] {strides = array<i32>} : memref<80x64xf32, #tpu.memory_space<vmem>>, vector<1x16xf32>,
          %get3A_135 = vector.shape_cast %get3A_134 : vector<1x16xf32> to vector<16xf32>
          %mul3A_136 = arith.mulf %get3A_135, %gather3A_112 : vector<16xf32>
          %swap3A_137 = arith.index_cast %scan3A_107 : i32 to index
          %swap3A_138 = arith.constant 32 : index
          %swap3A_139 = tpu.vector_load %arg20[%swap3A_137, %swap3A_138] {strides = array<i32>} : memref<80x64xf32, #tpu.memory_space<vmem>>, vector<1x16xf32>,
          %swap3A_140 = vector.shape_cast %swap3A_139 : vector<1x16xf32> to vector<16xf32>
          %swap3A_141 = vector.shape_cast %mul3A_136 : vector<16xf32> to vector<1x16xf32>
          tpu.vector_store %arg20[%swap3A_137, %swap3A_138], %swap3A_141 {strides = array<i32>} : memref<80x64xf32, #tpu.memory_space<vmem>>, vector<1x16xf32>,
          %get3A_142 = arith.index_cast %scan3A_107 : i32 to index
          %get3A_143 = arith.constant 48 : index
          %get3A_144 = tpu.vector_load %arg20[%get3A_142, %get3A_143] {strides = array<i32>} : memref<80x64xf32, #tpu.memory_space<vmem>>, vector<1x16xf32>,
          %get3A_145 = vector.shape_cast %get3A_144 : vector<1x16xf32> to vector<16xf32>
          %mul3A_146 = arith.mulf %get3A_145, %gather3A_112 : vector<16xf32>
          %swap3A_147 = arith.index_cast %scan3A_107 : i32 to index
          %swap3A_148 = arith.constant 48 : index
          %swap3A_149 = tpu.vector_load %arg20[%swap3A_147, %swap3A_148] {strides = array<i32>} : memref<80x64xf32, #tpu.memory_space<vmem>>, vector<1x16xf32>,
          %swap3A_150 = vector.shape_cast %swap3A_149 : vector<1x16xf32> to vector<16xf32>
          %swap3A_151 = vector.shape_cast %mul3A_146 : vector<16xf32> to vector<1x16xf32>
          tpu.vector_store %arg20[%swap3A_147, %swap3A_148], %swap3A_151 {strides = array<i32>} : memref<80x64xf32, #tpu.memory_space<vmem>>, vector<1x16xf32>,
        }
        %scan3A_106 = arith.constant 80 : i32
        "tpu.region"() ({
          %run_scoped3A = tpu.sem_alloc : memref<!tpu.dma_semaphore, #tpu.memory_space<semaphore_mem>>
          %dma_start3A = arith.constant 0 : i32
          %dma_start3A_107 = arith.constant 0 : i32
          %dma_start3A_108 = tpu.memref_slice %arg32[%dma_start3A, %dma_start3A_107] : memref<10000x64xf32, #tpu.memory_space<vmem_shared>> -> memref<10000x64xf32, #tpu.memory_space<vmem_shared>>
          tpu.enqueue_indirect_dma source(%arg20 : memref<80x64xf32, #tpu.memory_space<vmem>>) target(%dma_start3A_108 : memref<10000x64xf32, #tpu.memory_space<vmem_shared>>) offsets(%arg17 : memref<80xi32, #tpu.memory_space<vmem>>) semaphore(%run_scoped3A : memref<!tpu.dma_semaphore, #tpu.memory_space<semaphore_mem>>) {add = true}
          %dma_wait3A_109 = arith.constant 0 : i32
          %dma_wait3A_110 = arith.constant 0 : i32
          %dma_wait3A_111 = tpu.memref_slice %arg32[%dma_wait3A_109, %dma_wait3A_110] : memref<10000x64xf32, #tpu.memory_space<vmem_shared>> -> memref<10000x64xf32, #tpu.memory_space<vmem_shared>>
          tpu.wait_indirect_dma semaphore(%run_scoped3A : memref<!tpu.dma_semaphore, #tpu.memory_space<semaphore_mem>>) src(%arg20 : memref<80x64xf32, #tpu.memory_space<vmem>>) dst(%dma_wait3A_111 : memref<10000x64xf32, #tpu.memory_space<vmem_shared>>)
          tpu.yield
        }) : () -> ()
      } else {
      }
      %add3A_70 = arith.constant 2 : i32
      %add3A_71 = arith.addi %mul3A_51, %add3A_70 : i32
      %mul3A_72 = arith.constant 32 : i32
      %mul3A_73 = arith.muli %add3A_71, %mul3A_72 : i32
      %add3A_74 = arith.addi %add3A, %mul3A_73 : i32
      %lt3A_75 = arith.constant 4000 : i32
      %lt3A_76 = arith.cmpi slt, %add3A_74, %lt3A_75 : i32
      %convert_element_type3A_77 = arith.extui %lt3A_76 : i1 to i32
      %cond3A_78 = arith.constant 0 : i32
      %cond3A_79 = arith.cmpi ne, %convert_element_type3A_77, %cond3A_78 : i32
      scf.if %cond3A_79 {
        %mul3A_90 = arith.constant 80 : i32
        %mul3A_91 = arith.muli %add3A_74, %mul3A_90 : i32
        %multiple_of3A_92 = tpu.assume_multiple %mul3A_91, 80 : i32
        "tpu.region"() ({
          %run_scoped3A = tpu.sem_alloc : memref<!tpu.dma_semaphore, #tpu.memory_space<semaphore_mem>>
          %dma_start3A_99 = tpu.memref_slice %arg7[%multiple_of3A_92] : memref<320000xi32, #tpu.memory_space<hbm>> -> memref<80xi32, #tpu.memory_space<hbm>>
          %dma_start3A_100 = tpu.memref_slice %arg7[%multiple_of3A_92] : memref<320000xi32, #tpu.memory_space<hbm>> -> memref<80xi32, #tpu.memory_space<hbm>>
          tpu.enqueue_dma source(%dma_start3A_100 : memref<80xi32, #tpu.memory_space<hbm>>) target(%arg16 : memref<80xi32, #tpu.memory_space<vmem>>) target_semaphore(%run_scoped3A : memref<!tpu.dma_semaphore, #tpu.memory_space<semaphore_mem>>)
          %dma_wait3A = tpu.memref_slice %arg7[%multiple_of3A_92] : memref<320000xi32, #tpu.memory_space<hbm>> -> memref<80xi32, #tpu.memory_space<hbm>>
          %dma_wait3A_101 = tpu.memref_slice %arg7[%multiple_of3A_92] : memref<320000xi32, #tpu.memory_space<hbm>> -> memref<80xi32, #tpu.memory_space<hbm>>
          tpu.wait_dma2 semaphore(%run_scoped3A : memref<!tpu.dma_semaphore, #tpu.memory_space<semaphore_mem>>) src(%dma_wait3A_101 : memref<80xi32, #tpu.memory_space<hbm>>) dst(%arg16 : memref<80xi32, #tpu.memory_space<vmem>>)
          tpu.yield
        }) : () -> ()
        "tpu.region"() ({
          %run_scoped3A = tpu.sem_alloc : memref<!tpu.dma_semaphore, #tpu.memory_space<semaphore_mem>>
          %dma_start3A_99 = tpu.memref_slice %arg8[%multiple_of3A_92] : memref<320000xi32, #tpu.memory_space<hbm>> -> memref<80xi32, #tpu.memory_space<hbm>>
          %dma_start3A_100 = tpu.memref_slice %arg8[%multiple_of3A_92] : memref<320000xi32, #tpu.memory_space<hbm>> -> memref<80xi32, #tpu.memory_space<hbm>>
          tpu.enqueue_dma source(%dma_start3A_100 : memref<80xi32, #tpu.memory_space<hbm>>) target(%arg17 : memref<80xi32, #tpu.memory_space<vmem>>) target_semaphore(%run_scoped3A : memref<!tpu.dma_semaphore, #tpu.memory_space<semaphore_mem>>)
          %dma_wait3A = tpu.memref_slice %arg8[%multiple_of3A_92] : memref<320000xi32, #tpu.memory_space<hbm>> -> memref<80xi32, #tpu.memory_space<hbm>>
          %dma_wait3A_101 = tpu.memref_slice %arg8[%multiple_of3A_92] : memref<320000xi32, #tpu.memory_space<hbm>> -> memref<80xi32, #tpu.memory_space<hbm>>
          tpu.wait_dma2 semaphore(%run_scoped3A : memref<!tpu.dma_semaphore, #tpu.memory_space<semaphore_mem>>) src(%dma_wait3A_101 : memref<80xi32, #tpu.memory_space<hbm>>) dst(%arg17 : memref<80xi32, #tpu.memory_space<vmem>>)
          tpu.yield
        }) : () -> ()
        %dma_start3A = arith.constant 0 : i32
        %dma_start3A_93 = arith.constant 0 : i32
        %dma_start3A_94 = tpu.memref_slice %arg5[%dma_start3A, %dma_start3A_93] : memref<10000x64xf32, #tpu.memory_space<hbm>> -> memref<10000x64xf32, #tpu.memory_space<hbm>>
        tpu.enqueue_indirect_dma source(%dma_start3A_94 : memref<10000x64xf32, #tpu.memory_space<hbm>>) target(%arg20 : memref<80x64xf32, #tpu.memory_space<vmem>>) offsets(%arg16 : memref<80xi32, #tpu.memory_space<vmem>>) semaphore(%arg34 : memref<!tpu.dma_semaphore, #tpu.memory_space<semaphore_mem>>)
        %dma_start3A_95 = arith.constant 0 : i32
        %dma_start3A_96 = tpu.memref_slice %arg15[%multiple_of3A_92, %dma_start3A_95] : memref<320000x32xf32, #tpu.memory_space<hbm>> -> memref<80x32xf32, #tpu.memory_space<hbm>>
        %dma_start3A_97 = arith.constant 0 : i32
        %dma_start3A_98 = tpu.memref_slice %arg15[%multiple_of3A_92, %dma_start3A_97] : memref<320000x32xf32, #tpu.memory_space<hbm>> -> memref<80x32xf32, #tpu.memory_space<hbm>>
        tpu.enqueue_dma source(%dma_start3A_98 : memref<80x32xf32, #tpu.memory_space<hbm>>) target(%arg23 : memref<80x32xf32, #tpu.memory_space<vmem>>) target_semaphore(%arg34 : memref<!tpu.dma_semaphore, #tpu.memory_space<semaphore_mem>>)
      } else {
      }
      %add3A_80 = arith.constant 1 : i32
      %add3A_81 = arith.addi %mul3A_51, %add3A_80 : i32
      %mul3A_82 = arith.constant 32 : i32
      %mul3A_83 = arith.muli %add3A_81, %mul3A_82 : i32
      %add3A_84 = arith.addi %add3A, %mul3A_83 : i32
      %lt3A_85 = arith.constant 4000 : i32
      %lt3A_86 = arith.cmpi slt, %add3A_84, %lt3A_85 : i32
      %convert_element_type3A_87 = arith.extui %lt3A_86 : i1 to i32
      %cond3A_88 = arith.constant 0 : i32
      %cond3A_89 = arith.cmpi ne, %convert_element_type3A_87, %cond3A_88 : i32
      scf.if %cond3A_89 {
        %dma_wait3A = arith.constant 0 : i32
        %dma_wait3A_90 = arith.constant 0 : i32
        %dma_wait3A_91 = tpu.memref_slice %arg5[%dma_wait3A, %dma_wait3A_90] : memref<10000x64xf32, #tpu.memory_space<hbm>> -> memref<80x64xf32, #tpu.memory_space<hbm>>
        %dma_wait3A_92 = arith.constant 0 : i32
        %dma_wait3A_93 = arith.constant 0 : i32
        %dma_wait3A_94 = tpu.memref_slice %arg5[%dma_wait3A_92, %dma_wait3A_93] : memref<10000x64xf32, #tpu.memory_space<hbm>> -> memref<80x64xf32, #tpu.memory_space<hbm>>
        tpu.wait_dma2 semaphore(%arg35 : memref<!tpu.dma_semaphore, #tpu.memory_space<semaphore_mem>>) src(%dma_wait3A_94 : memref<80x64xf32, #tpu.memory_space<hbm>>) dst(%arg28 : memref<80x64xf32, #tpu.memory_space<vmem>>)
        %dma_wait3A_95 = arith.constant 0 : i32
        %dma_wait3A_96 = arith.constant 0 : i32
        %dma_wait3A_97 = tpu.memref_slice %arg15[%dma_wait3A_95, %dma_wait3A_96] : memref<320000x32xf32, #tpu.memory_space<hbm>> -> memref<80x32xf32, #tpu.memory_space<hbm>>
        %dma_wait3A_98 = arith.constant 0 : i32
        %dma_wait3A_99 = arith.constant 0 : i32
        %dma_wait3A_100 = tpu.memref_slice %arg15[%dma_wait3A_98, %dma_wait3A_99] : memref<320000x32xf32, #tpu.memory_space<hbm>> -> memref<80x32xf32, #tpu.memory_space<hbm>>
        tpu.wait_dma2 semaphore(%arg35 : memref<!tpu.dma_semaphore, #tpu.memory_space<semaphore_mem>>) src(%dma_wait3A_100 : memref<80x32xf32, #tpu.memory_space<hbm>>) dst(%arg31 : memref<80x32xf32, #tpu.memory_space<vmem>>)
        %scan3A_101 = arith.constant 0 : i32
        %scan3A_102 = arith.constant 0 : i32
        %scan3A_103 = arith.constant 80 : i32
        %scan3A_104 = arith.addi %scan3A_102, %scan3A_103 : i32
        %scan3A_105 = arith.constant 1 : i32
        scf.for %scan3A_107 = %scan3A_102 to %scan3A_104 step %scan3A_105  : i32 {
          %get3A = arith.index_cast %scan3A_107 : i32 to index
          %get3A_108 = arith.constant 16 : index
          %get3A_109 = tpu.vector_load %arg31[%get3A, %get3A_108] {strides = array<i32>} : memref<80x32xf32, #tpu.memory_space<vmem>>, vector<1x16xf32>,
          %get3A_110 = vector.shape_cast %get3A_109 : vector<1x16xf32> to vector<16xf32>
          %broadcast_in_dim3A = arith.constant 0 : i32
          %broadcast_in_dim3A_111 = vector.broadcast %broadcast_in_dim3A : i32 to vector<16xi32>
          %reshape3A = vector.shape_cast %broadcast_in_dim3A_111 : vector<16xi32> to vector<16x1xi32>
          %gather3A = vector.shape_cast %reshape3A : vector<16x1xi32> to vector<16xi32>
          %gather3A_112 = tpu.dynamic_gather %get3A_110[%gather3A] in [0] : vector<16xf32>, vector<16xi32> -> vector<16xf32>
          %get3A_113 = arith.index_cast %scan3A_107 : i32 to index
          %get3A_114 = arith.constant 0 : index
          %get3A_115 = tpu.vector_load %arg28[%get3A_113, %get3A_114] {strides = array<i32>} : memref<80x64xf32, #tpu.memory_space<vmem>>, vector<1x16xf32>,
          %get3A_116 = vector.shape_cast %get3A_115 : vector<1x16xf32> to vector<16xf32>
          %mul3A_117 = arith.mulf %get3A_116, %gather3A_112 : vector<16xf32>
          %swap3A = arith.index_cast %scan3A_107 : i32 to index
          %swap3A_118 = arith.constant 0 : index
          %swap3A_119 = tpu.vector_load %arg28[%swap3A, %swap3A_118] {strides = array<i32>} : memref<80x64xf32, #tpu.memory_space<vmem>>, vector<1x16xf32>,
          %swap3A_120 = vector.shape_cast %swap3A_119 : vector<1x16xf32> to vector<16xf32>
          %swap3A_121 = vector.shape_cast %mul3A_117 : vector<16xf32> to vector<1x16xf32>
          tpu.vector_store %arg28[%swap3A, %swap3A_118], %swap3A_121 {strides = array<i32>} : memref<80x64xf32, #tpu.memory_space<vmem>>, vector<1x16xf32>,
          %get3A_122 = arith.index_cast %scan3A_107 : i32 to index
          %get3A_123 = arith.constant 16 : index
          %get3A_124 = tpu.vector_load %arg28[%get3A_122, %get3A_123] {strides = array<i32>} : memref<80x64xf32, #tpu.memory_space<vmem>>, vector<1x16xf32>,
          %get3A_125 = vector.shape_cast %get3A_124 : vector<1x16xf32> to vector<16xf32>
          %mul3A_126 = arith.mulf %get3A_125, %gather3A_112 : vector<16xf32>
          %swap3A_127 = arith.index_cast %scan3A_107 : i32 to index
          %swap3A_128 = arith.constant 16 : index
          %swap3A_129 = tpu.vector_load %arg28[%swap3A_127, %swap3A_128] {strides = array<i32>} : memref<80x64xf32, #tpu.memory_space<vmem>>, vector<1x16xf32>,
          %swap3A_130 = vector.shape_cast %swap3A_129 : vector<1x16xf32> to vector<16xf32>
          %swap3A_131 = vector.shape_cast %mul3A_126 : vector<16xf32> to vector<1x16xf32>
          tpu.vector_store %arg28[%swap3A_127, %swap3A_128], %swap3A_131 {strides = array<i32>} : memref<80x64xf32, #tpu.memory_space<vmem>>, vector<1x16xf32>,
          %get3A_132 = arith.index_cast %scan3A_107 : i32 to index
          %get3A_133 = arith.constant 32 : index
          %get3A_134 = tpu.vector_load %arg28[%get3A_132, %get3A_133] {strides = array<i32>} : memref<80x64xf32, #tpu.memory_space<vmem>>, vector<1x16xf32>,
          %get3A_135 = vector.shape_cast %get3A_134 : vector<1x16xf32> to vector<16xf32>
          %mul3A_136 = arith.mulf %get3A_135, %gather3A_112 : vector<16xf32>
          %swap3A_137 = arith.index_cast %scan3A_107 : i32 to index
          %swap3A_138 = arith.constant 32 : index
          %swap3A_139 = tpu.vector_load %arg28[%swap3A_137, %swap3A_138] {strides = array<i32>} : memref<80x64xf32, #tpu.memory_space<vmem>>, vector<1x16xf32>,
          %swap3A_140 = vector.shape_cast %swap3A_139 : vector<1x16xf32> to vector<16xf32>
          %swap3A_141 = vector.shape_cast %mul3A_136 : vector<16xf32> to vector<1x16xf32>
          tpu.vector_store %arg28[%swap3A_137, %swap3A_138], %swap3A_141 {strides = array<i32>} : memref<80x64xf32, #tpu.memory_space<vmem>>, vector<1x16xf32>,
          %get3A_142 = arith.index_cast %scan3A_107 : i32 to index
          %get3A_143 = arith.constant 48 : index
          %get3A_144 = tpu.vector_load %arg28[%get3A_142, %get3A_143] {strides = array<i32>} : memref<80x64xf32, #tpu.memory_space<vmem>>, vector<1x16xf32>,
          %get3A_145 = vector.shape_cast %get3A_144 : vector<1x16xf32> to vector<16xf32>
          %mul3A_146 = arith.mulf %get3A_145, %gather3A_112 : vector<16xf32>
          %swap3A_147 = arith.index_cast %scan3A_107 : i32 to index
          %swap3A_148 = arith.constant 48 : index
          %swap3A_149 = tpu.vector_load %arg28[%swap3A_147, %swap3A_148] {strides = array<i32>} : memref<80x64xf32, #tpu.memory_space<vmem>>, vector<1x16xf32>,
          %swap3A_150 = vector.shape_cast %swap3A_149 : vector<1x16xf32> to vector<16xf32>
          %swap3A_151 = vector.shape_cast %mul3A_146 : vector<16xf32> to vector<1x16xf32>
          tpu.vector_store %arg28[%swap3A_147, %swap3A_148], %swap3A_151 {strides = array<i32>} : memref<80x64xf32, #tpu.memory_space<vmem>>, vector<1x16xf32>,
        }
        %scan3A_106 = arith.constant 80 : i32
        "tpu.region"() ({
          %run_scoped3A = tpu.sem_alloc : memref<!tpu.dma_semaphore, #tpu.memory_space<semaphore_mem>>
          %dma_start3A = arith.constant 0 : i32
          %dma_start3A_107 = arith.constant 0 : i32
          %dma_start3A_108 = tpu.memref_slice %arg32[%dma_start3A, %dma_start3A_107] : memref<10000x64xf32, #tpu.memory_space<vmem_shared>> -> memref<10000x64xf32, #tpu.memory_space<vmem_shared>>
          tpu.enqueue_indirect_dma source(%arg28 : memref<80x64xf32, #tpu.memory_space<vmem>>) target(%dma_start3A_108 : memref<10000x64xf32, #tpu.memory_space<vmem_shared>>) offsets(%arg25 : memref<80xi32, #tpu.memory_space<vmem>>) semaphore(%run_scoped3A : memref<!tpu.dma_semaphore, #tpu.memory_space<semaphore_mem>>) {add = true}
          %dma_wait3A_109 = arith.constant 0 : i32
          %dma_wait3A_110 = arith.constant 0 : i32
          %dma_wait3A_111 = tpu.memref_slice %arg32[%dma_wait3A_109, %dma_wait3A_110] : memref<10000x64xf32, #tpu.memory_space<vmem_shared>> -> memref<10000x64xf32, #tpu.memory_space<vmem_shared>>
          tpu.wait_indirect_dma semaphore(%run_scoped3A : memref<!tpu.dma_semaphore, #tpu.memory_space<semaphore_mem>>) src(%arg28 : memref<80x64xf32, #tpu.memory_space<vmem>>) dst(%dma_wait3A_111 : memref<10000x64xf32, #tpu.memory_space<vmem_shared>>)
          tpu.yield
        }) : () -> ()
      } else {
      }
    }
    %scan3A_41 = arith.constant 63 : i32
    %barrier3A_42 = arith.constant 0 : index
    tpu.barrier barrier_id(%barrier3A_42)
    "tpu.region"() ({
      %run_scoped3A = tpu.sem_alloc : memref<!tpu.dma_semaphore, #tpu.memory_space<semaphore_mem>>
      %dma_start3A = arith.constant 0 : i32
      %dma_start3A_49 = tpu.memref_slice %arg13[%arg0, %multiple_of3A, %dma_start3A] : memref<2x10000x64xf32, #tpu.memory_space<hbm>> -> memref<1x624x64xf32, #tpu.memory_space<hbm>>
      %dma_start3A_50 = tpu.memref_squeeze %dma_start3A_49 : memref<1x624x64xf32, #tpu.memory_space<hbm>> -> memref<624x64xf32, #tpu.memory_space<hbm>>
      %dma_start3A_51 = arith.constant 0 : i32
      %dma_start3A_52 = tpu.memref_slice %arg32[%multiple_of3A, %dma_start3A_51] : memref<10000x64xf32, #tpu.memory_space<vmem_shared>> -> memref<624x64xf32, #tpu.memory_space<vmem_shared>>
      tpu.enqueue_dma source(%dma_start3A_52 : memref<624x64xf32, #tpu.memory_space<vmem_shared>>) target(%dma_start3A_50 : memref<624x64xf32, #tpu.memory_space<hbm>>) target_semaphore(%run_scoped3A : memref<!tpu.dma_semaphore, #tpu.memory_space<semaphore_mem>>)
      %dma_wait3A = arith.constant 0 : i32
      %dma_wait3A_53 = tpu.memref_slice %arg13[%arg0, %multiple_of3A, %dma_wait3A] : memref<2x10000x64xf32, #tpu.memory_space<hbm>> -> memref<1x624x64xf32, #tpu.memory_space<hbm>>
      %dma_wait3A_54 = tpu.memref_squeeze %dma_wait3A_53 : memref<1x624x64xf32, #tpu.memory_space<hbm>> -> memref<624x64xf32, #tpu.memory_space<hbm>>
      %dma_wait3A_55 = arith.constant 0 : i32
      %dma_wait3A_56 = tpu.memref_slice %arg32[%multiple_of3A, %dma_wait3A_55] : memref<10000x64xf32, #tpu.memory_space<vmem_shared>> -> memref<624x64xf32, #tpu.memory_space<vmem_shared>>
      tpu.wait_dma2 semaphore(%run_scoped3A : memref<!tpu.dma_semaphore, #tpu.memory_space<semaphore_mem>>) src(%dma_wait3A_56 : memref<624x64xf32, #tpu.memory_space<vmem_shared>>) dst(%dma_wait3A_54 : memref<624x64xf32, #tpu.memory_space<hbm>>)
      tpu.yield
    }) : () -> ()
    %eq3A_43 = arith.constant 15 : i32
    %eq3A_44 = arith.cmpi eq, %arg1, %eq3A_43 : i32
    %convert_element_type3A_45 = arith.extui %eq3A_44 : i1 to i32
    %cond3A_46 = arith.constant 0 : i32
    %cond3A_47 = arith.cmpi ne, %convert_element_type3A_45, %cond3A_46 : i32
    scf.if %cond3A_47 {
      "tpu.region"() ({
        %run_scoped3A = tpu.sem_alloc : memref<!tpu.dma_semaphore, #tpu.memory_space<semaphore_mem>>
        %dma_start3A = arith.constant 9984 : i32
        %dma_start3A_49 = arith.constant 0 : i32
        %dma_start3A_50 = tpu.memref_slice %arg13[%arg0, %dma_start3A, %dma_start3A_49] : memref<2x10000x64xf32, #tpu.memory_space<hbm>> -> memref<1x16x64xf32, #tpu.memory_space<hbm>>
        %dma_start3A_51 = tpu.memref_squeeze %dma_start3A_50 : memref<1x16x64xf32, #tpu.memory_space<hbm>> -> memref<16x64xf32, #tpu.memory_space<hbm>>
        %dma_start3A_52 = arith.constant 9984 : i32
        %dma_start3A_53 = arith.constant 0 : i32
        %dma_start3A_54 = tpu.memref_slice %arg32[%dma_start3A_52, %dma_start3A_53] : memref<10000x64xf32, #tpu.memory_space<vmem_shared>> -> memref<16x64xf32, #tpu.memory_space<vmem_shared>>
        tpu.enqueue_dma source(%dma_start3A_54 : memref<16x64xf32, #tpu.memory_space<vmem_shared>>) target(%dma_start3A_51 : memref<16x64xf32, #tpu.memory_space<hbm>>) target_semaphore(%run_scoped3A : memref<!tpu.dma_semaphore, #tpu.memory_space<semaphore_mem>>)
        %dma_wait3A = arith.constant 9984 : i32
        %dma_wait3A_55 = arith.constant 0 : i32
        %dma_wait3A_56 = tpu.memref_slice %arg13[%arg0, %dma_wait3A, %dma_wait3A_55] : memref<2x10000x64xf32, #tpu.memory_space<hbm>> -> memref<1x16x64xf32, #tpu.memory_space<hbm>>
        %dma_wait3A_57 = tpu.memref_squeeze %dma_wait3A_56 : memref<1x16x64xf32, #tpu.memory_space<hbm>> -> memref<16x64xf32, #tpu.memory_space<hbm>>
        %dma_wait3A_58 = arith.constant 9984 : i32
        %dma_wait3A_59 = arith.constant 0 : i32
        %dma_wait3A_60 = tpu.memref_slice %arg32[%dma_wait3A_58, %dma_wait3A_59] : memref<10000x64xf32, #tpu.memory_space<vmem_shared>> -> memref<16x64xf32, #tpu.memory_space<vmem_shared>>
        tpu.wait_dma2 semaphore(%run_scoped3A : memref<!tpu.dma_semaphore, #tpu.memory_space<semaphore_mem>>) src(%dma_wait3A_60 : memref<16x64xf32, #tpu.memory_space<vmem_shared>>) dst(%dma_wait3A_57 : memref<16x64xf32, #tpu.memory_space<hbm>>)
        tpu.yield
      }) : () -> ()
    } else {
    }
    %barrier3A_48 = arith.constant 0 : index
    tpu.barrier barrier_id(%barrier3A_48)
    return
  }
}

module attributes {stable_mosaic.version = 14 : i64} {
  func.func @_tc_fc1_body(%arg0: memref<10000x128xf32, #tpu.memory_space<vmem>>, %arg1: memref<128x128xf32, #tpu.memory_space<vmem>>, %arg2: memref<1x128xf32, #tpu.memory_space<vmem>>, %arg3: memref<10000x128xf32, #tpu.memory_space<vmem>>) attributes {dimension_semantics = [], scalar_prefetch = 0 : i64, scratch_operands = 0 : i64, tpu.core_type = #tpu.core_type<tc>} {
    %get3A = arith.constant 0 : index
    %get3A_0 = arith.constant 0 : index
    %get3A_1 = vector.load %arg0[%get3A, %get3A_0] : memref<10000x128xf32, #tpu.memory_space<vmem>>, vector<10000x128xf32>
    %get3A_2 = arith.constant 0 : index
    %get3A_3 = arith.constant 0 : index
    %get3A_4 = vector.load %arg1[%get3A_2, %get3A_3] : memref<128x128xf32, #tpu.memory_space<vmem>>, vector<128x128xf32>
    %dot_general3A = arith.constant dense<0.000000e+00> : vector<10000x128xf32>
    %dot_general3A_5 = tpu.matmul %get3A_1, %get3A_4, %dot_general3A {dimension_numbers = #tpu.dot_dimension_numbers<[1], [1], [0], [0], [0, 0, 1, 0], [], []>, transpose_lhs_hint = false} : vector<10000x128xf32>, vector<128x128xf32>, vector<10000x128xf32> -> vector<10000x128xf32>
    %get3A_6 = arith.constant 0 : index
    %get3A_7 = arith.constant 0 : index
    %get3A_8 = vector.load %arg2[%get3A_6, %get3A_7] : memref<1x128xf32, #tpu.memory_space<vmem>>, vector<1x128xf32>
    %add3A = vector.broadcast %get3A_8 : vector<1x128xf32> to vector<10000x128xf32>
    %add3A_9 = arith.addf %dot_general3A_5, %add3A : vector<10000x128xf32>
    %swap3A = arith.constant 0 : index
    %swap3A_10 = arith.constant 0 : index
    %swap3A_11 = vector.load %arg3[%swap3A, %swap3A_10] : memref<10000x128xf32, #tpu.memory_space<vmem>>, vector<10000x128xf32>
    tpu.vector_store %arg3[%swap3A, %swap3A_10], %add3A_9 {strides = array<i32>} : memref<10000x128xf32, #tpu.memory_space<vmem>>, vector<10000x128xf32>,
    return
  }
}

module attributes {stable_mosaic.version = 14 : i64} {
  func.func @_tc_proj_body(%arg0: memref<10000x128xf32, #tpu.memory_space<vmem>>, %arg1: memref<128x128xf32, #tpu.memory_space<vmem>>, %arg2: memref<1x128xf32, #tpu.memory_space<vmem>>, %arg3: memref<128x128xf32, #tpu.memory_space<vmem>>, %arg4: memref<1x128xf32, #tpu.memory_space<vmem>>, %arg5: memref<128x128xf32, #tpu.memory_space<vmem>>, %arg6: memref<1x128xf32, #tpu.memory_space<vmem>>, %arg7: memref<128x16xf32, #tpu.memory_space<vmem>>, %arg8: memref<10000x128xf32, #tpu.memory_space<vmem>>, %arg9: memref<10000x128xf32, #tpu.memory_space<vmem>>, %arg10: memref<10000x64xf32, #tpu.memory_space<vmem>>, %arg11: memref<10000x64xf32, #tpu.memory_space<vmem>>, %arg12: memref<10000x16xf32, #tpu.memory_space<vmem>>) attributes {dimension_semantics = [], scalar_prefetch = 0 : i64, scratch_operands = 0 : i64, tpu.core_type = #tpu.core_type<tc>} {
    %get3A = arith.constant 0 : index
    %get3A_0 = arith.constant 0 : index
    %get3A_1 = vector.load %arg0[%get3A, %get3A_0] : memref<10000x128xf32, #tpu.memory_space<vmem>>, vector<10000x128xf32>
    %get3A_2 = arith.constant 0 : index
    %get3A_3 = arith.constant 0 : index
    %get3A_4 = vector.load %arg1[%get3A_2, %get3A_3] : memref<128x128xf32, #tpu.memory_space<vmem>>, vector<128x128xf32>
    %dot_general3A = arith.constant dense<0.000000e+00> : vector<10000x128xf32>
    %dot_general3A_5 = tpu.matmul %get3A_1, %get3A_4, %dot_general3A {dimension_numbers = #tpu.dot_dimension_numbers<[1], [1], [0], [0], [0, 0, 1, 0], [], []>, transpose_lhs_hint = false} : vector<10000x128xf32>, vector<128x128xf32>, vector<10000x128xf32> -> vector<10000x128xf32>
    %get3A_6 = arith.constant 0 : index
    %get3A_7 = arith.constant 0 : index
    %get3A_8 = vector.load %arg2[%get3A_6, %get3A_7] : memref<1x128xf32, #tpu.memory_space<vmem>>, vector<1x128xf32>
    %add3A = vector.broadcast %get3A_8 : vector<1x128xf32> to vector<10000x128xf32>
    %add3A_9 = arith.addf %dot_general3A_5, %add3A : vector<10000x128xf32>
    %swap3A = arith.constant 0 : index
    %swap3A_10 = arith.constant 0 : index
    %swap3A_11 = vector.load %arg8[%swap3A, %swap3A_10] : memref<10000x128xf32, #tpu.memory_space<vmem>>, vector<10000x128xf32>
    tpu.vector_store %arg8[%swap3A, %swap3A_10], %add3A_9 {strides = array<i32>} : memref<10000x128xf32, #tpu.memory_space<vmem>>, vector<10000x128xf32>,
    %get3A_12 = arith.constant 0 : index
    %get3A_13 = arith.constant 0 : index
    %get3A_14 = vector.load %arg0[%get3A_12, %get3A_13] : memref<10000x128xf32, #tpu.memory_space<vmem>>, vector<10000x128xf32>
    %get3A_15 = arith.constant 0 : index
    %get3A_16 = arith.constant 0 : index
    %get3A_17 = vector.load %arg3[%get3A_15, %get3A_16] : memref<128x128xf32, #tpu.memory_space<vmem>>, vector<128x128xf32>
    %dot_general3A_18 = arith.constant dense<0.000000e+00> : vector<10000x128xf32>
    %dot_general3A_19 = tpu.matmul %get3A_14, %get3A_17, %dot_general3A_18 {dimension_numbers = #tpu.dot_dimension_numbers<[1], [1], [0], [0], [0, 0, 1, 0], [], []>, transpose_lhs_hint = false} : vector<10000x128xf32>, vector<128x128xf32>, vector<10000x128xf32> -> vector<10000x128xf32>
    %get3A_20 = arith.constant 0 : index
    %get3A_21 = arith.constant 0 : index
    %get3A_22 = vector.load %arg4[%get3A_20, %get3A_21] : memref<1x128xf32, #tpu.memory_space<vmem>>, vector<1x128xf32>
    %add3A_23 = vector.broadcast %get3A_22 : vector<1x128xf32> to vector<10000x128xf32>
    %add3A_24 = arith.addf %dot_general3A_19, %add3A_23 : vector<10000x128xf32>
    %swap3A_25 = arith.constant 0 : index
    %swap3A_26 = arith.constant 0 : index
    %swap3A_27 = vector.load %arg9[%swap3A_25, %swap3A_26] : memref<10000x128xf32, #tpu.memory_space<vmem>>, vector<10000x128xf32>
    tpu.vector_store %arg9[%swap3A_25, %swap3A_26], %add3A_24 {strides = array<i32>} : memref<10000x128xf32, #tpu.memory_space<vmem>>, vector<10000x128xf32>,
    %get3A_28 = arith.constant 0 : index
    %get3A_29 = arith.constant 0 : index
    %get3A_30 = vector.load %arg0[%get3A_28, %get3A_29] : memref<10000x128xf32, #tpu.memory_space<vmem>>, vector<10000x128xf32>
    %get3A_31 = arith.constant 0 : index
    %get3A_32 = arith.constant 0 : index
    %get3A_33 = vector.load %arg5[%get3A_31, %get3A_32] : memref<128x128xf32, #tpu.memory_space<vmem>>, vector<128x128xf32>
    %dot_general3A_34 = arith.constant dense<0.000000e+00> : vector<10000x128xf32>
    %dot_general3A_35 = tpu.matmul %get3A_30, %get3A_33, %dot_general3A_34 {dimension_numbers = #tpu.dot_dimension_numbers<[1], [1], [0], [0], [0, 0, 1, 0], [], []>, transpose_lhs_hint = false} : vector<10000x128xf32>, vector<128x128xf32>, vector<10000x128xf32> -> vector<10000x128xf32>
    %get3A_36 = arith.constant 0 : index
    %get3A_37 = arith.constant 0 : index
    %get3A_38 = vector.load %arg6[%get3A_36, %get3A_37] : memref<1x128xf32, #tpu.memory_space<vmem>>, vector<1x128xf32>
    %add3A_39 = vector.broadcast %get3A_38 : vector<1x128xf32> to vector<10000x128xf32>
    %add3A_40 = arith.addf %dot_general3A_35, %add3A_39 : vector<10000x128xf32>
    %slice3A = vector.extract_strided_slice %add3A_40 {offsets = [0, 0], sizes = [10000, 64], strides = [1, 1]} : vector<10000x128xf32> to vector<10000x64xf32>
    %swap3A_41 = arith.constant 0 : index
    %swap3A_42 = arith.constant 0 : index
    %swap3A_43 = vector.load %arg10[%swap3A_41, %swap3A_42] : memref<10000x64xf32, #tpu.memory_space<vmem>>, vector<10000x64xf32>
    tpu.vector_store %arg10[%swap3A_41, %swap3A_42], %slice3A {strides = array<i32>} : memref<10000x64xf32, #tpu.memory_space<vmem>>, vector<10000x64xf32>,
    %slice3A_44 = vector.extract_strided_slice %add3A_40 {offsets = [0, 64], sizes = [10000, 64], strides = [1, 1]} : vector<10000x128xf32> to vector<10000x64xf32>
    %swap3A_45 = arith.constant 0 : index
    %swap3A_46 = arith.constant 0 : index
    %swap3A_47 = vector.load %arg11[%swap3A_45, %swap3A_46] : memref<10000x64xf32, #tpu.memory_space<vmem>>, vector<10000x64xf32>
    tpu.vector_store %arg11[%swap3A_45, %swap3A_46], %slice3A_44 {strides = array<i32>} : memref<10000x64xf32, #tpu.memory_space<vmem>>, vector<10000x64xf32>,
    %get3A_48 = arith.constant 0 : index
    %get3A_49 = arith.constant 0 : index
    %get3A_50 = vector.load %arg7[%get3A_48, %get3A_49] : memref<128x16xf32, #tpu.memory_space<vmem>>, vector<128x16xf32>
    %dot_general3A_51 = arith.constant dense<0.000000e+00> : vector<10000x16xf32>
    %dot_general3A_52 = tpu.matmul %add3A_9, %get3A_50, %dot_general3A_51 {dimension_numbers = #tpu.dot_dimension_numbers<[1], [0], [0], [1], [0, 0, 1, 1], [], []>, transpose_lhs_hint = false} : vector<10000x128xf32>, vector<128x16xf32>, vector<10000x16xf32> -> vector<10000x16xf32>
    %swap3A_53 = arith.constant 0 : index
    %swap3A_54 = arith.constant 0 : index
    %swap3A_55 = vector.load %arg12[%swap3A_53, %swap3A_54] : memref<10000x16xf32, #tpu.memory_space<vmem>>, vector<10000x16xf32>
    tpu.vector_store %arg12[%swap3A_53, %swap3A_54], %dot_general3A_52 {strides = array<i32>} : memref<10000x16xf32, #tpu.memory_space<vmem>>, vector<10000x16xf32>,
    return
  }
}

module attributes {stable_mosaic.version = 14 : i64} {
  func.func @_tc_combine_body(%arg0: memref<2x10000x64xf32, #tpu.memory_space<vmem>>, %arg1: memref<2x10000x64xf32, #tpu.memory_space<vmem>>, %arg2: memref<2x10000x32xf32, #tpu.memory_space<vmem>>, %arg3: memref<10000x128xf32, #tpu.memory_space<vmem>>, %arg4: memref<128x16xf32, #tpu.memory_space<vmem>>, %arg5: memref<128x128xf32, #tpu.memory_space<vmem>>, %arg6: memref<1x128xf32, #tpu.memory_space<vmem>>, %arg7: memref<1x128xf32, #tpu.memory_space<vmem>>, %arg8: memref<1x128xf32, #tpu.memory_space<vmem>>, %arg9: memref<10000x128xf32, #tpu.memory_space<vmem>>) attributes {dimension_semantics = [], scalar_prefetch = 0 : i64, scratch_operands = 0 : i64, tpu.core_type = #tpu.core_type<tc>} {
    %get3A = arith.constant 0 : index
    %get3A_0 = arith.constant 0 : index
    %get3A_1 = arith.constant 0 : index
    %get3A_2 = vector.load %arg0[%get3A, %get3A_0, %get3A_1] : memref<2x10000x64xf32, #tpu.memory_space<vmem>>, vector<1x10000x64xf32>
    %get3A_3 = vector.shape_cast %get3A_2 : vector<1x10000x64xf32> to vector<10000x64xf32>
    %get3A_4 = arith.constant 1 : index
    %get3A_5 = arith.constant 0 : index
    %get3A_6 = arith.constant 0 : index
    %get3A_7 = vector.load %arg0[%get3A_4, %get3A_5, %get3A_6] : memref<2x10000x64xf32, #tpu.memory_space<vmem>>, vector<1x10000x64xf32>
    %get3A_8 = vector.shape_cast %get3A_7 : vector<1x10000x64xf32> to vector<10000x64xf32>
    %add3A = arith.addf %get3A_3, %get3A_8 : vector<10000x64xf32>
    %get3A_9 = arith.constant 0 : index
    %get3A_10 = arith.constant 0 : index
    %get3A_11 = arith.constant 0 : index
    %get3A_12 = vector.load %arg1[%get3A_9, %get3A_10, %get3A_11] : memref<2x10000x64xf32, #tpu.memory_space<vmem>>, vector<1x10000x64xf32>
    %get3A_13 = vector.shape_cast %get3A_12 : vector<1x10000x64xf32> to vector<10000x64xf32>
    %get3A_14 = arith.constant 1 : index
    %get3A_15 = arith.constant 0 : index
    %get3A_16 = arith.constant 0 : index
    %get3A_17 = vector.load %arg1[%get3A_14, %get3A_15, %get3A_16] : memref<2x10000x64xf32, #tpu.memory_space<vmem>>, vector<1x10000x64xf32>
    %get3A_18 = vector.shape_cast %get3A_17 : vector<1x10000x64xf32> to vector<10000x64xf32>
    %add3A_19 = arith.addf %get3A_13, %get3A_18 : vector<10000x64xf32>
    %concatenate3A = tpu.concatenate %add3A, %add3A_19 in 1 : vector<10000x64xf32>, vector<10000x64xf32> -> vector<10000x128xf32>
    %get3A_20 = arith.constant 0 : index
    %get3A_21 = arith.constant 0 : index
    %get3A_22 = arith.constant 0 : index
    %get3A_23 = vector.load %arg2[%get3A_20, %get3A_21, %get3A_22] : memref<2x10000x32xf32, #tpu.memory_space<vmem>>, vector<1x10000x32xf32>
    %get3A_24 = vector.shape_cast %get3A_23 : vector<1x10000x32xf32> to vector<10000x32xf32>
    %get3A_25 = arith.constant 1 : index
    %get3A_26 = arith.constant 0 : index
    %get3A_27 = arith.constant 0 : index
    %get3A_28 = vector.load %arg2[%get3A_25, %get3A_26, %get3A_27] : memref<2x10000x32xf32, #tpu.memory_space<vmem>>, vector<1x10000x32xf32>
    %get3A_29 = vector.shape_cast %get3A_28 : vector<1x10000x32xf32> to vector<10000x32xf32>
    %add3A_30 = arith.addf %get3A_24, %get3A_29 : vector<10000x32xf32>
    %slice3A = vector.extract_strided_slice %add3A_30 {offsets = [0, 0], sizes = [10000, 16], strides = [1, 1]} : vector<10000x32xf32> to vector<10000x16xf32>
    %slice3A_31 = vector.extract_strided_slice %add3A_30 {offsets = [0, 16], sizes = [10000, 1], strides = [1, 1]} : vector<10000x32xf32> to vector<10000x1xf32>
    %add3A_32 = arith.constant 1.000000e-16 : f32
    %add3A_33 = vector.broadcast %add3A_32 : f32 to vector<10000x1xf32>
    %add3A_34 = arith.addf %slice3A_31, %add3A_33 : vector<10000x1xf32>
    %get3A_35 = arith.constant 0 : index
    %get3A_36 = arith.constant 0 : index
    %get3A_37 = vector.load %arg4[%get3A_35, %get3A_36] : memref<128x16xf32, #tpu.memory_space<vmem>>, vector<128x16xf32>
    %dot_general3A = arith.constant dense<0.000000e+00> : vector<10000x128xf32>
    %dot_general3A_38 = tpu.matmul %slice3A, %get3A_37, %dot_general3A {dimension_numbers = #tpu.dot_dimension_numbers<[1], [1], [0], [0], [0, 0, 1, 0], [], []>, transpose_lhs_hint = false} : vector<10000x16xf32>, vector<128x16xf32>, vector<10000x128xf32> -> vector<10000x128xf32>
    %add3A_39 = arith.addf %concatenate3A, %dot_general3A_38 : vector<10000x128xf32>
    %div3A = vector.broadcast %add3A_34 : vector<10000x1xf32> to vector<10000x128xf32>
    %div3A_40 = arith.divf %add3A_39, %div3A : vector<10000x128xf32>
    %get3A_41 = arith.constant 0 : index
    %get3A_42 = arith.constant 0 : index
    %get3A_43 = vector.load %arg3[%get3A_41, %get3A_42] : memref<10000x128xf32, #tpu.memory_space<vmem>>, vector<10000x128xf32>
    %get3A_44 = arith.constant 0 : index
    %get3A_45 = arith.constant 0 : index
    %get3A_46 = vector.load %arg5[%get3A_44, %get3A_45] : memref<128x128xf32, #tpu.memory_space<vmem>>, vector<128x128xf32>
    %dot_general3A_47 = arith.constant dense<0.000000e+00> : vector<10000x128xf32>
    %dot_general3A_48 = tpu.matmul %get3A_43, %get3A_46, %dot_general3A_47 {dimension_numbers = #tpu.dot_dimension_numbers<[1], [1], [0], [0], [0, 0, 1, 0], [], []>, transpose_lhs_hint = false} : vector<10000x128xf32>, vector<128x128xf32>, vector<10000x128xf32> -> vector<10000x128xf32>
    %add3A_49 = arith.addf %div3A_40, %dot_general3A_48 : vector<10000x128xf32>
    %get3A_50 = arith.constant 0 : index
    %get3A_51 = arith.constant 0 : index
    %get3A_52 = vector.load %arg6[%get3A_50, %get3A_51] : memref<1x128xf32, #tpu.memory_space<vmem>>, vector<1x128xf32>
    %add3A_53 = vector.broadcast %get3A_52 : vector<1x128xf32> to vector<10000x128xf32>
    %add3A_54 = arith.addf %add3A_49, %add3A_53 : vector<10000x128xf32>
    %reduce_sum3A = vector.shape_cast %add3A_54 : vector<10000x128xf32> to vector<1x10000x128xf32>
    %reduce_sum3A_55 = arith.constant dense<0.000000e+00> : vector<1xf32>
    %reduce_sum3A_56 = vector.multi_reduction <add>, %reduce_sum3A, %reduce_sum3A_55 [1, 2] : vector<1x10000x128xf32> to vector<1xf32>
    %reduce_sum3A_57 = vector.shape_cast %reduce_sum3A_56 : vector<1xf32> to vector<1x1x1xf32>
    %reduce_sum3A_58 = vector.extract %reduce_sum3A_57[0, 0, 0] : f32 from vector<1x1x1xf32>
    %div3A_59 = arith.constant 1.280000e+06 : f32
    %div3A_60 = arith.divf %reduce_sum3A_58, %div3A_59 : f32
    %sub3A = vector.broadcast %div3A_60 : f32 to vector<10000x128xf32>
    %sub3A_61 = arith.subf %add3A_54, %sub3A : vector<10000x128xf32>
    %mul3A = arith.mulf %sub3A_61, %sub3A_61 : vector<10000x128xf32>
    %reduce_sum3A_62 = vector.shape_cast %mul3A : vector<10000x128xf32> to vector<1x10000x128xf32>
    %reduce_sum3A_63 = arith.constant dense<0.000000e+00> : vector<1xf32>
    %reduce_sum3A_64 = vector.multi_reduction <add>, %reduce_sum3A_62, %reduce_sum3A_63 [1, 2] : vector<1x10000x128xf32> to vector<1xf32>
    %reduce_sum3A_65 = vector.shape_cast %reduce_sum3A_64 : vector<1xf32> to vector<1x1x1xf32>
    %reduce_sum3A_66 = vector.extract %reduce_sum3A_65[0, 0, 0] : f32 from vector<1x1x1xf32>
    %div3A_67 = arith.constant 1.280000e+06 : f32
    %div3A_68 = arith.divf %reduce_sum3A_66, %div3A_67 : f32
    %sqrt3A = math.sqrt %div3A_68 : f32
    %add3A_69 = arith.constant 9.99999974E-6 : f32
    %add3A_70 = arith.addf %sqrt3A, %add3A_69 : f32
    %div3A_71 = vector.broadcast %add3A_70 : f32 to vector<10000x128xf32>
    %div3A_72 = arith.divf %sub3A_61, %div3A_71 : vector<10000x128xf32>
    %get3A_73 = arith.constant 0 : index
    %get3A_74 = arith.constant 0 : index
    %get3A_75 = vector.load %arg7[%get3A_73, %get3A_74] : memref<1x128xf32, #tpu.memory_space<vmem>>, vector<1x128xf32>
    %mul3A_76 = vector.broadcast %get3A_75 : vector<1x128xf32> to vector<10000x128xf32>
    %mul3A_77 = arith.mulf %div3A_72, %mul3A_76 : vector<10000x128xf32>
    %get3A_78 = arith.constant 0 : index
    %get3A_79 = arith.constant 0 : index
    %get3A_80 = vector.load %arg8[%get3A_78, %get3A_79] : memref<1x128xf32, #tpu.memory_space<vmem>>, vector<1x128xf32>
    %add3A_81 = vector.broadcast %get3A_80 : vector<1x128xf32> to vector<10000x128xf32>
    %add3A_82 = arith.addf %mul3A_77, %add3A_81 : vector<10000x128xf32>
    %max3A = arith.constant 0.000000e+00 : f32
    %max3A_83 = vector.broadcast %max3A : f32 to vector<10000x128xf32>
    %max3A_84 = arith.maximumf %add3A_82, %max3A_83 : vector<10000x128xf32>
    %swap3A = arith.constant 0 : index
    %swap3A_85 = arith.constant 0 : index
    %swap3A_86 = vector.load %arg9[%swap3A, %swap3A_85] : memref<10000x128xf32, #tpu.memory_space<vmem>>, vector<10000x128xf32>
    tpu.vector_store %arg9[%swap3A, %swap3A_85], %max3A_84 {strides = array<i32>} : memref<10000x128xf32, #tpu.memory_space<vmem>>, vector<10000x128xf32>,
    return
  }
}

module attributes {stable_mosaic.version = 14 : i64} {
  func.func @_tc_fc2_body(%arg0: memref<10000x128xf32, #tpu.memory_space<vmem>>, %arg1: memref<128x128xf32, #tpu.memory_space<vmem>>, %arg2: memref<1x128xf32, #tpu.memory_space<vmem>>, %arg3: memref<10000x128xf32, #tpu.memory_space<vmem>>) attributes {dimension_semantics = [], scalar_prefetch = 0 : i64, scratch_operands = 0 : i64, tpu.core_type = #tpu.core_type<tc>} {
    %get3A = arith.constant 0 : index
    %get3A_0 = arith.constant 0 : index
    %get3A_1 = vector.load %arg0[%get3A, %get3A_0] : memref<10000x128xf32, #tpu.memory_space<vmem>>, vector<10000x128xf32>
    %get3A_2 = arith.constant 0 : index
    %get3A_3 = arith.constant 0 : index
    %get3A_4 = vector.load %arg1[%get3A_2, %get3A_3] : memref<128x128xf32, #tpu.memory_space<vmem>>, vector<128x128xf32>
    %dot_general3A = arith.constant dense<0.000000e+00> : vector<10000x128xf32>
    %dot_general3A_5 = tpu.matmul %get3A_1, %get3A_4, %dot_general3A {dimension_numbers = #tpu.dot_dimension_numbers<[1], [1], [0], [0], [0, 0, 1, 0], [], []>, transpose_lhs_hint = false} : vector<10000x128xf32>, vector<128x128xf32>, vector<10000x128xf32> -> vector<10000x128xf32>
    %get3A_6 = arith.constant 0 : index
    %get3A_7 = arith.constant 0 : index
    %get3A_8 = vector.load %arg2[%get3A_6, %get3A_7] : memref<1x128xf32, #tpu.memory_space<vmem>>, vector<1x128xf32>
    %add3A = vector.broadcast %get3A_8 : vector<1x128xf32> to vector<10000x128xf32>
    %add3A_9 = arith.addf %dot_general3A_5, %add3A : vector<10000x128xf32>
    %swap3A = arith.constant 0 : index
    %swap3A_10 = arith.constant 0 : index
    %swap3A_11 = vector.load %arg3[%swap3A, %swap3A_10] : memref<10000x128xf32, #tpu.memory_space<vmem>>, vector<10000x128xf32>
    tpu.vector_store %arg3[%swap3A, %swap3A_10], %add3A_9 {strides = array<i32>} : memref<10000x128xf32, #tpu.memory_space<vmem>>, vector<10000x128xf32>,
    return
  }
}

</mosaic_0001>

<sc_bundles>
// kernel: kernel.10.cloned.1.call-start
scs
__scs_entry_jumppad:
0x0: {  	(pc) =	sbr.rel $0x88, $3  }
0x1: {  	(tag) =	ssettag $0x0;
	lr =	simm.s32 $0x1  }
0x2: {  	[smem:$0x3F84] =	sst lr;
	_ =	strace $0xD0000000  }
0x3: {  	_ = 	snop  }
0x4: {  	_ = 	snop  }
0x5: {  	_ = 	snop  }
0x6: {  	_ = 	snop  }
0x7: {  	_ = 	snop  }
__scs_overlays_trampoline_lowered:
0x8: {  	[smem:$0x3F93] =	sst s0  }
0x9: {  	[smem:$0x3F94] =	sst s1  }
0xa: {  	[smem:$0x3F95] =	sst s2  }
0xb: {  	[smem:$0x3F96] =	sst s3  }
0xc: {  	[smem:$0x3F97] =	sst s4  }
0xd: {  	[smem:$0x3F98] =	sst s5  }
0xe: {  	[smem:$0x3F99] =	sst s6  }
0xf: {  	[smem:$0x3F9A] =	sst s7  }
0x10: {  	[smem:$0x3F9B] =	sst s8  }
0x11: {  	[smem:$0x3F9C] =	sst s9;
	s0 =	simm.s32 @!p0 $0x0  }
0x12: {  	s1 =	sld [smem:$0x3F82];
	s0 =	simm.s32 @p0 $0x1  }
0x13: {  	[smem:$0x3F9D] =	sst s0;
	s0 =	simm.s32 @!p1 $0x0  }
0x14: {  	s2 =	sld [smem:$0x3F81];
	s0 =	simm.s32 @p1 $0x1  }
0x15: {  	[smem:$0x3F9E] =	sst s0;
	s0 =	simm.s32 @!p2 $0x0  }
0x16: {  	s3 =	sld [smem:$0x3FDB];
	s0 =	simm.s32 @p2 $0x1  }
0x17: {  	s4 =	simm.s32 $0x1BF5;
	[smem:$0x3FA0] =	sst s0  }
0x18: {  	s0 =	sld [smem:$0x3F83];
	_ =	swait.ge [sflag:s4], $0x0  }
0x19: {  	s7 =	sld [smem:$0x3F84]  }
0x1a: {  	s8 =	sadd.s32 $0xFFFFE003, lr  }
0x1b: {  	s9 =	sadd.s32 $0xFFFFFEF7, lr;
	s5 =	simm.s32 $0xFFFFFFFF;
	p2 =	slt.u32 s8, $0xFFFFF086  }
0x1c: {  	p1 =	slt.u32 s9, $0xF7A;
	s5 =	simm.s32 @!p2 $0x0  }
0x1d: {  	s5 =	simm.s32 @p1 $0x1;
	p0 =	seq.s32 s7, s2  }
0x1e: {  	s7 =	smul.u32 @!p0 $0xF7A, s2;
	p2 =	seq.s32 @!p0 s5, $0x0  }
0x1f: {  	s9 =	smul.u32 $0xF7A, s1;
	s8 =	simm.s32 @!p0 $0x1BF5;
	p2 =	por !p2, p0  }
0x20: {  	[sflag:s8] =	ssyncset.s32 @!p0 $0xFFFFF086;
	s6 =	sadd.s32 @!p0 s3, s7;
	s7 =	simm.s32 @!p0 $0x108  }
0x21: {  	s3 =	sadd.s32 s3, s9;
	s6 =	sadd.s32 @!p0 $0x88, s6;
	s7 =	simm.s32 @p2 $0x1082  }
0x22: {  	[simem:s7], [sflag:s8] =	dma.local @!p0 [hbm:s6], $0xF7A  }
0x23: {  	s9 =	sor.u32 $0xD0000000, s2;
	s6 =	simm.s32 $0x108;
	_ =	swait.ge @!p0 [sflag:s8], $0x0  }
0x24: {  	s3 =	sadd.s32 $0x88, s3;
	s6 =	simm.s32 @!p1 $0x1082;
	[sflag:s4] =	ssyncset.s32 $0xFFFFF086  }
0x25: {  	[simem:s6], [sflag:s4] =	dma.local [hbm:s3], $0xF7A  }
0x26: {  	[smem:$0x3F84] =	sst s1;
	(tag) =	ssettag s2;
	_ =	strace s9  }
0x27: {  	s1 =	sld [smem:$0x3F94]  }
0x28: {  	s2 =	sld [smem:$0x3F95]  }
0x29: {  	s4 =	sld [smem:$0x3F97]  }
0x2a: {  	p0 =	seq.s32 s5, $0x0;
	s5 =	sld [smem:$0x3F98]  }
0x2b: {  	s6 =	sld [smem:$0x3F99]  }
0x2c: {  	s7 =	sld [smem:$0x3F9A]  }
0x2d: {  	s3 =	simm.s32 $0x108;
	s8 =	sld [smem:$0x3F9B]  }
0x2e: {  	s3 =	simm.s32 @!p0 $0x1082;
	s9 =	sld [smem:$0x3F9C]  }
0x2f: {  	lr =	sadd.s32 s0, s3;
	s0 =	sld [smem:$0x3F93]  }
0x30: {  	s3 =	sld [smem:$0x3F96]  }
0x31: {  	[smem:$0x3F9F] =	sst s10  }
0x32: {  	s10 =	sld [smem:$0x3F9D];
	_ =	sdelay $0x3  }
0x33: {  	p0 =	seq.s32 s10, $0x1;
	s10 =	sld [smem:$0x3F9F];
	_ =	sdelay $0x3  }
0x34: {  	[smem:$0x3F9F] =	sst s10  }
0x35: {  	s10 =	sld [smem:$0x3F9E];
	_ =	sdelay $0x3  }
0x36: {  	p1 =	seq.s32 s10, $0x1;
	s10 =	sld [smem:$0x3F9F];
	_ =	sdelay $0x3  }
0x37: {  	[smem:$0x3F9F] =	sst s10  }
0x38: {  	s10 =	sld [smem:$0x3FA0]  }
0x39: {  	_ = 	snop;
	(pc) =	sbr.ind lr, $3  }
0x3a: {  	_ = 	snop  }
0x3b: {  	_ = 	snop  }
0x3c: {  	p2 =	seq.s32 s10, $0x1;
	s10 =	sld [smem:$0x3F9F]  }
0x3d: {  	_ =	shalt  }
0x3e: {  	_ =	shalt  }
0x3f: {  	_ =	shalt  }
0x40: {  	_ =	shalt  }
0x41: {  	_ =	shalt  }
0x42: {  	_ =	shalt  }
0x43: {  	_ =	shalt  }
0x44: {  	_ =	shalt  }
0x45: {  	_ =	shalt  }
0x46: {  	_ =	shalt  }
0x47: {  	_ =	shalt  }
0x48: {  	_ =	shalt  }
0x49: {  	_ =	shalt  }
0x4a: {  	_ =	shalt  }
0x4b: {  	_ =	shalt  }
0x4c: {  	_ =	shalt  }
0x4d: {  	_ =	shalt  }
0x4e: {  	_ =	shalt  }
0x4f: {  	_ =	shalt  }
0x50: {  	_ =	shalt  }
0x51: {  	_ =	shalt  }
0x52: {  	_ =	shalt  }
0x53: {  	_ =	shalt  }
0x54: {  	_ =	shalt  }
0x55: {  	_ =	shalt  }
0x56: {  	_ =	shalt  }
0x57: {  	_ =	shalt  }
0x58: {  	_ =	shalt  }
0x59: {  	_ =	shalt  }
0x5a: {  	_ =	shalt  }
0x5b: {  	_ =	shalt  }
0x5c: {  	_ =	shalt  }
0x5d: {  	_ =	shalt  }
0x5e: {  	_ =	shalt  }
0x5f: {  	_ =	shalt  }
0x60: {  	_ =	shalt  }
0x61: {  	_ =	shalt  }
0x62: {  	_ =	shalt  }
0x63: {  	_ =	shalt  }
0x64: {  	_ =	shalt  }
0x65: {  	_ =	shalt  }
0x66: {  	_ =	shalt  }
0x67: {  	_ =	shalt  }
0x68: {  	_ =	shalt  }
0x69: {  	_ =	shalt  }
0x6a: {  	_ =	shalt  }
0x6b: {  	_ =	shalt  }
0x6c: {  	_ =	shalt  }
0x6d: {  	_ =	shalt  }
0x6e: {  	_ =	shalt  }
0x6f: {  	_ =	shalt  }
0x70: {  	_ =	shalt  }
0x71: {  	_ =	shalt  }
0x72: {  	_ =	shalt  }
0x73: {  	_ =	shalt  }
0x74: {  	_ =	shalt  }
0x75: {  	_ =	shalt  }
0x76: {  	_ =	shalt  }
0x77: {  	_ =	shalt  }
0x78: {  	_ =	shalt  }
0x79: {  	_ =	shalt  }
0x7a: {  	_ =	shalt  }
0x7b: {  	_ =	shalt  }
0x7c: {  	_ =	shalt  }
0x7d: {  	_ =	shalt  }
0x7e: {  	_ =	shalt  }
0x7f: {  	_ =	shalt  }
0x80: {  	_ =	shalt  }
0x81: {  	_ =	shalt  }
0x82: {  	_ =	shalt  }
0x83: {  	_ =	shalt  }
0x84: {  	_ =	shalt  }
0x85: {  	_ =	shalt  }
0x86: {  	_ =	shalt  }
0x87: {  	_ =	shalt  }
.Lfunc_end0:
.L_simem_size_0:
called_computation_lowered:
.L_overlay_start_0:
0x88: {  	s2 =	sld [smem:$0x3FD9]  }
0x89: {  	s3 =	sld [smem:$0x3FFE];
	_ =	sdelay $0x1  }
0x8a: {  	s1 =	srdreg.scid  }
0x8b: {  	s0 =	sand.u32 $0x1, s1  }
0x8c: {  	s16 =	sshll.u32 s0, $0xA;
	s2 =	sadd.s32 s3, s2  }
0x8d: {  	s2 =	sadd.s32 s2, s16  }
0x8e: {  	[smem:$0x3FAB] =	sst s2  }
0x8f: {  	_ = 	snop  }
0x90: {  	(tm) =	ssettm $0x1  }
0x91: {  	s17 =	sld [smem:$0x3FFB];
	_ =	sdelay $0x3  }
0x92: {  	_ =	strace s17  }
0x93: {  	s2 =	sld [smem:$0x3FFC];
	_ =	sdelay $0x3  }
0x94: {  	_ =	strace s2  }
0x95: {  	s2 =	sld [smem:$0x3FFD];
	_ =	sdelay $0x3  }
0x96: {  	_ =	strace s2  }
0x97: {  	_ =	strace $0x8FFFFFFF  }
0x98: {  	s18 =	sld [smem:$0x3FDB];
	_ =	sdelay $0x1  }
0x99: {  	s19 =	simm.s32 $_scs_section_size  }
0x9a: {  	s4 =	simm.s32 $_size__tile_overlayer_lowered;
	s5 =	simm.s32 $_tile_overlayer_lowered  }
0x9b: {  	s22 =	simm.s32 $0x1BFF;
	s21 =	sshll.u32 s5, $0x1;
	s2 =	sadd.s32 s19, s18  }
0x9c: {  	s6 =	simm.s32 $0x0;
	s20 =	sshll.u32 s4, $0x1;
	s4 =	sadd.s32 s21, s2  }
0x9d: {  	[timem:s6], [sflag:s22] =	dma.local [hbm:s4], s20  }
0x9e: {  	_ =	swait.ge [sflag:s22], s20  }
0x9f: {  	s3 =	ssub.s32 $0x0, s20;
	[sflag:s22] =	ssyncset.done $0x0  }
0xa0: {  	[sflag:s22] =	ssyncadd.s32 s3;
	_ =	sdelay $0x1  }
0xa1: {  	s23 =	simm.s32 $0x1B8B  }
0xa2: {  	_ =	swait.ge [sflag:s23], $0x1  }
0xa3: {  	[sflag:s23] =	ssyncset.done $0x0  }
0xa4: {  	s25 =	simm.s32 $0x1B8E;
	s24 =	sld [smem:$0x3FFE];
	[sflag:s23] =	ssyncadd.s32 $0xFFFFFFFF  }
0xa5: {  	s26 =	simm.s32 $execute0_lowered;
	[smem:$0x3FD2] =	sst s25  }
0xa6: {  	s4 =	sshll.u32 s26, $0x1;
	_ =	strace $0x80000046;
	[dreg:$0x1] =	wrdreg $0xFFFFFFFF  }
0xa7: {  	s28 =	simm.s32 $_size_execute0_lowered;
	s2 =	sadd.s32 s2, s4;
	[dreg:$0x0] =	wrdreg $0x0  }
0xa8: {  	s4 =	sshll.u32 s28, $0x1;
	[dreg:$0x2] =	wrdreg s2  }
0xa9: {  	[dreg:$0x3] =	wrdreg s4  }
0xaa: {  	[dreg:$0x4] =	wrdreg $0xC0  }
0xab: {  	_ =	task [dreg:s6], $0x5FFFF  }
0xac: {  	[dreg:$0x1] =	wrdreg $0xFFFFFFFF  }
0xad: {  	[dreg:$0x0] =	wrdreg $0x60  }
0xae: {  	[dreg:$0x2] =	wrdreg s24  }
0xaf: {  	[dreg:$0x3] =	wrdreg $0xF1400  }
0xb0: {  	[dreg:$0x4] =	wrdreg $0x18D800  }
0xb1: {  	[dreg:$0x5] =	wrdreg $0x9  }
0xb2: {  	_ =	task.clear_ibuf [dreg:s6], $0x6FFFF;
	_ =	strace $0x90000046  }
0xb3: {  	s29 =	simm.s32 $0x9;
	_ =	strace $0x80000048  }
0xb4: {  	_ =	swait.ge [sflag:s29], $0x1  }
0xb5: {  	[sflag:s29] =	ssyncadd.s32 $0xFFFFFFFF  }
0xb6: {  	_ =	strace $0x90000048  }
0xb7: {  	_ =	sfence  }
0xb8: {  	s30 =	sld [smem:$0x0];
	_ =	sdelay $0x2  }
0xb9: {  	s31 =	sshll.u32 s1, $0xD;
	s1 =	sshrl.u32 s1, $0x2  }
0xba: {  	s3 =	sand.u32 $0x4000, s31;
	s1 =	sadd.s32 s1, s30  }
0xbb: {  	s0 =	sor.u32 s3, s0;
	s1 =	sshll.u32 s1, $0x11  }
0xbc: {  	s0 =	sor.u32 s1, s0  }
0xbd: {  	s0 =	sadd.s32 $0x8F2B, s0  }
0xbe: {  	[sflag:s0] =	ssyncadd.remote.s32 $0x1  }
0xbf: {  	_ =	sfence.sel $0xFFFF  }
0xc0: {  	[dreg:$0x0] =	wrdreg $0xFFFFFFFF;
	(pc) =	sbr.abs _section_cstart, $3  }
0xc1: {  	[dreg:$0x1] =	wrdreg $0xFFFFFFFF  }
0xc2: {  	_ =	task.clear_ibuf [dreg:s6], $0x2FFFF;
	_ =	strace $0x9FFFFFFF  }
0xc3: {  	(tm) =	ssettm $0x7FFFFFFF  }
tec
execute0_lowered:
.L_overlay_start_1:
0x0: {  	(tag) =	ssettag $0x1  }
0x1: {  	s0 =	rddreg [dreg:$0x0]  }
0x2: {  	s1 =	rddreg [dreg:$0x1]  }
0x3: {  	s24 =	rddreg [dreg:$0x2];
	s4 =	simm.s32 $0x0;
	s25 =	stileid.u32  }
0x4: {  	s14 =	srdreg.scid;
	s30 =	simm.s32 $0x6EA0;
	[smem:$0x7FF] =	sst s4  }
0x5: {  	s5 =	sadd.s32 $0x2FE00, s0;
	s6 =	sadd.s32 $0x57000, s0;
	s2 =	smul.u32 $0x9C00, s25  }
0x6: {  	s7 =	sadd.s32 $0x91C00, s0;
	s8 =	sadd.s32 $0x7E200, s0;
	s3 =	smul.u32 $0x4E00, s25  }
0x7: {  	s9 =	sadd.s32 $0xA5600, s0;
	s10 =	sadd.s32 $0x12A00, s0;
	s11 =	sadd.s32 $0x8C00, s0  }
0x8: {  	s31 =	simm.s32 $0x2;
	s29 =	sadd.s32 $0x231400, s0;
	s18 =	sadd.s32 $0x20A200, s0  }
0x9: {  	s26 =	sand.u32 $0x1, s14;
	s21 =	sadd.s32 $0x1F6800, s0;
	p0 =	sne.s32 s25, $0xF  }
0xa: {  	_ =	strace $0x80000047;
	s16 =	ssub.s32 $0x2, s26;
	s17 =	smul.u32 $0x9C400, s26  }
0xb: {  	s20 =	smul.u32 $0x4E200, s26;
	s12 =	sshrl.u32 s2, $0x3;
	s13 =	sshrl.u32 s3, $0x3  }
0xc: {  	s19 =	sshrl.u32 s16, $0x1;
	s28 =	sadd.s32 s2, s1;
	s15 =	sadd.s32 s12, s0  }
0xd: {  	s13 =	sadd.s32 s13, s0;
	s16 =	ssub.s32 s16, s19;
	s12 =	sshll.u32 s26, $0x4  }
0xe: {  	s23 =	sadd.s32 s2, s17;
	s22 =	sadd.s32 s3, s20;
	s17 =	sshrl.u32 s17, $0x3  }
0xf: {  	s3 =	sadd.s32 s3, s24;
	[dreg:$0x9] =	wrdreg s28;
	s19 =	sshrl.u32 s23, $0x3  }
0x10: {  	s22 =	sshrl.u32 s22, $0x3;
	s23 =	sadd.s32 $0x1C800, s13;
	[dreg:$0xe] =	wrdreg s3  }
0x11: {  	s20 =	sshrl.u32 s20, $0x3;
	s22 =	sadd.s32 s21, s22;
	[dreg:$0xc] =	wrdreg s23  }
0x12: {  	s17 =	sadd.s32 $0x13800, s17;
	s26 =	sadd.s32 s29, s19;
	[dreg:$0x4] =	wrdreg s22  }
0x13: {  	s12 =	sor.u32 s25, s12;
	s14 =	sadd.s32 s29, s17;
	[dreg:$0x5] =	wrdreg s26  }
0x14: {  	s20 =	sadd.s32 s21, s20;
	s29 =	sadd.s32 s18, s19;
	[dreg:$0x6] =	wrdreg s14  }
0x15: {  	s3 =	simm.s32 $0x0;
	s19 =	sadd.s32 s18, s17;
	[dreg:$0x7] =	wrdreg s29  }
0x16: {  	s21 =	sshll.u32 s25, $0x6;
	s20 =	sadd.s32 $0x9C00, s20;
	[dreg:$0x8] =	wrdreg s19  }
0x17: {  	v0 =	vimm.s32 $0xEFCDAB89;
	s23 =	sadd.s32 $0xBE000, s0;
	s22 =	sadd.s32 $0xAA600, s15;
	[dreg:$0x13] =	wrdreg s20  }
0x18: {  	v1 =	vimm.s32 $0x67452301;
	v2 =	vimm.s32 $0xDCFE98BA;
	s17 =	smul.u32 $0x140, s12;
	s29 =	sadd.s32 $0xBDE00, s0;
	[dreg:$0xa] =	wrdreg s22  }
0x19: {  	v3 =	vimm.s32 $0x54761032;
	v4 =	vimm.s32 $0xBA98FEDC;
	s14 =	sor.u32 $0x1C03, s21;
	s21 =	smax.u32 s16, $0x1;
	[dreg:$0xd] =	wrdreg s29  }
0x1a: {  	v5 =	vimm.s32 $0x32107654;
	v6 =	vimm.s32 $0xFEDCBA98;
	s25 =	simm.s32 $0x1;
	s26 =	smul.u32 $0xA, s12;
	[dreg:$0x15] =	wrdreg s21  }
0x1b: {  	v7 =	vimm.s32 $0x76543210;
	vm0 =	vmmov $0x1;
	v0 =	vunpack.c.l.s4.s8 v0;
	s22 =	sadd.s32 $0x58C600, s0;
	s0 =	sadd.s32 $0x26400, s0;
	[dreg:$0xb] =	wrdreg s14  }
0x1c: {  	v1 =	vunpack.c.l.s4.s8 v1;
	v2 =	vunpack.c.l.s4.s8 v2;
	v3 =	vunpack.c.l.s4.s8 v3;
	s15 =	smul.u32 $0xA0, s12;
	s29 =	sadd.s32 $0x4E000, s24;
	[dreg:$0xf] =	wrdreg s0  }
0x1d: {  	v4 =	vunpack.c.l.s4.s8 v4;
	v5 =	vunpack.c.l.s4.s8 v5;
	v6 =	vunpack.c.l.s4.s8 v6;
	s16 =	simm.s32 $0x3;
	s18 =	sadd.s32 s10, s26;
	[dreg:$0x17] =	wrdreg s29  }
.Ltmp0:
0x1e: {  	v7 =	vunpack.c.l.s4.s8 v7;
	v0 =	vunpack.c.0.s8.s32 v0;
	v1 =	vunpack.c.0.s8.s32 v1;
	s2 =	sadd.s32 s11, s26;
	[dreg:$0x10] =	wrdreg s18;
	(pc) =	sbr.rel .LBB2_1-.Ltmp0, $4  }
0x1f: {  	v2 =	vunpack.c.0.s8.s32 v2;
	v3 =	vunpack.c.0.s8.s32 v3;
	v6 =	vunpack.c.0.s8.s32 v6;
	s21 =	simm.s32 $0x50A0;
	s19 =	sadd.s32 s22, s15;
	[dreg:$0x11] =	wrdreg s2  }
0x20: {  	v4 =	vunpack.c.0.s8.s32 v4;
	v5 =	vunpack.c.0.s8.s32 v5;
	v7 =	vunpack.c.0.s8.s32 v7;
	s0 =	sadd.s32 s23, s17;
	s26 =	sadd.s32 $0x9C000, s1;
	[dreg:$0x12] =	wrdreg s19  }
0x21: {  	v0 =	vcombine.low v1, v0;
	v1 =	vcombine.low v3, v2;
	v3 =	vand.u32 $0xF, v6;
	s15 =	sor.u32 $0x40, s12;
	s17 =	simm.s32 $0x50;
	[dreg:$0x14] =	wrdreg s0  }
0x22: {  	v2 =	vcombine.low v5, v4;
	v4 =	vimm.s32 $0x0;
	v3 =	vcombine.low v3, v7;
	[dreg:$0x16] =	wrdreg s26;
	s26 =	simm.s32 $0x4;
	s0 =	simm.s32 $0x78F0  }
.LBB2_17:
0x23: {  	[bflag:$0x0] =	sbarrier.arrive $0xFFFF  }
0x24: {  	s2 =	rddreg [dreg:$0x7]  }
0x25: {  	s14 =	rddreg [dreg:$0xb]  }
0x26: {  	s3 =	rddreg [dreg:$0x19]  }
0x27: {  	[hbm:s2], [sflag:s14] =	dma.local [spmem:s3], $0x1380  }
0x28: {  	_ =	swait.ge [sflag:s16], $0x1380  }
0x29: {  	[sflag:s16] =	ssyncset.done $0x0;
	s2 =	rddreg [dreg:$0x8]  }
0x2a: {  	s3 =	rddreg [dreg:$0x1a];
	[sflag:s16] =	ssyncadd.s32 $0xFFFFEC80  }
0x2b: {  	[hbm:s2], [sflag:s14] =	dma.local @!p0 [spmem:s3], $0x80  }
0x2c: {  	s2 =	simm.s32 @!p0 $0x3  }
0x2d: {  	_ =	swait.ge @!p0 [sflag:s2], $0x80  }
0x2e: {  	s24 =	rddreg [dreg:$0x18]  }
0x2f: {  	s29 =	rddreg [dreg:$0x15];
	s3 =	sadd.s32 $0x1, s24  }
0x30: {  	p1 =	sne.s32 s3, s29  }
.Ltmp1:
0x31: {  	_ = 	snop;
	(pc) =	sbr.rel @!p1 .LBB2_18-.Ltmp1, $3  }
0x32: {  	[sflag:s2] =	ssyncset.done @!p0 $0x0  }
0x33: {  	[sflag:s2] =	ssyncadd.s32 @!p0 $0xFFFFFF80  }
0x34: {  	[bflag:$0x0] =	sbarrier.arrive $0xFFFF;
	_ =	sdelay $0x1  }
.LBB2_1:
0x35: {  	[dreg:$0x18] =	wrdreg s3  }
0x36: {  	s28 =	sshrl.u32 s28, $0x3;
	s2 =	rddreg [dreg:$0xa]  }
0x37: {  	[dreg:$0x19] =	wrdreg s28  }
0x38: {  	[spmem:s28], [sflag:s14] =	dma.local [hbm:s2], $0x1380  }
0x39: {  	_ =	swait.ge [sflag:s16], $0x1380  }
0x3a: {  	s29 =	rddreg [dreg:$0xe]  }
0x3b: {  	[sflag:s16] =	ssyncset.done $0x0;
	s13 =	rddreg [dreg:$0xc];
	s2 =	sshrl.u32 s29, $0x3  }
0x3c: {  	[sflag:s16] =	ssyncadd.s32 $0xFFFFEC80;
	[dreg:$0x1c] =	wrdreg s2  }
0x3d: {  	[spmem:s2], [sflag:s14] =	dma.local [hbm:s13], $0x9C0  }
0x3e: {  	_ =	swait.ge [sflag:s16], $0x9C0  }
0x3f: {  	s2 =	rddreg [dreg:$0x16]  }
0x40: {  	[sflag:s16] =	ssyncset.done $0x0;
	s3 =	sshrl.u32 @!p0 s2, $0x3;
	s2 =	rddreg [dreg:$0xd]  }
0x41: {  	[sflag:s16] =	ssyncadd.s32 $0xFFFFF640;
	[dreg:$0x1a] =	wrdreg s3  }
0x42: {  	[spmem:s3], [sflag:s14] =	dma.local @!p0 [hbm:s2], $0x80  }
0x43: {  	s2 =	simm.s32 @!p0 $0x3  }
0x44: {  	_ =	swait.ge @!p0 [sflag:s2], $0x80  }
0x45: {  	s3 =	rddreg [dreg:$0x17]  }
0x46: {  	[sflag:s2] =	ssyncset.done @!p0 $0x0;
	s13 =	sshrl.u32 @!p0 s3, $0x3;
	s3 =	rddreg [dreg:$0xf]  }
0x47: {  	[sflag:s2] =	ssyncadd.s32 @!p0 $0xFFFFFF80;
	[dreg:$0x1b] =	wrdreg s13  }
0x48: {  	[spmem:s13], [sflag:s14] =	dma.local @!p0 [hbm:s3], $0x40  }
0x49: {  	_ =	swait.ge @!p0 [sflag:s2], $0x40  }
0x4a: {  	[sflag:s2] =	ssyncset.done @!p0 $0x0  }
0x4b: {  	[sflag:s2] =	ssyncadd.s32 @!p0 $0xFFFFFFC0  }
0x4c: {  	[bflag:$0x0] =	sbarrier.arrive $0xFFFF  }
0x4d: {  	s14 =	rddreg [dreg:$0x10]  }
0x4e: {  	[tilespmem:s4], [sflag:$0x3] =	stream.linear.gather [hbm4b:s14+s4], $0x50, $0x38;
	[tilespmem:$0x1DBA0] =	vst v63  }
0x4f: {  	_ =	swait.ge [sflag:s16], $0x50  }
0x50: {  	[sflag:s16] =	ssyncset.done $0x0  }
0x51: {  	s18 =	rddreg [dreg:$0x11];
	[sflag:s16] =	ssyncadd.s32 $0xFFFFFFB0  }
0x52: {  	[tilespmem:s17], [sflag:$0x3] =	stream.linear.gather [hbm4b:s18+s4], $0x50, $0x38;
	[tilespmem:$0x1DBA0] =	vst v63  }
0x53: {  	_ =	swait.ge [sflag:s16], $0x50  }
0x54: {  	[sflag:s16] =	ssyncset.done $0x0  }
0x55: {  	s19 =	simm.s32 $0xA0;
	[sflag:s16] =	ssyncadd.s32 $0xFFFFFFB0  }
0x56: {  	[tilespmem:s19], [sflag:$0x1] =	stream.indirect.gather [hbm4b:s5+s17], $0x80, s17, s17, $0xb8;
	[tilespmem:$0x1DBA0] =	vst v63  }
0x57: {  	s20 =	simm.s32 $0x28A0  }
0x58: {  	[tilespmem:s20], [sflag:$0x1] =	stream.indirect.gather [hbm4b:s6+s17], $0x80, s4, s17, $0xb8;
	[tilespmem:$0x1DBA0] =	vst v63  }
0x59: {  	_ = 	snop  }
0x5a: {  	[tilespmem:s21], [sflag:$0x1] =	stream.indirect.gather [hbm4b:s7+s17], $0x40, s4, s17, $0xb8;
	[tilespmem:$0x1DBA0] =	vst v63  }
.Ltmp2:
0x5b: {  	_ = 	snop;
	(pc) =	sbr.rel .LBB2_2-.Ltmp2, $4  }
0x5c: {  	s24 =	simm.s32 $0x69A0  }
0x5d: {  	[tilespmem:s24], [sflag:$0x1] =	stream.indirect.gather [hbm4b:s9+s17], $0x10, s17, s17, $0xb8;
	[tilespmem:$0x1DBA0] =	vst v63  }
0x5e: {  	s29 =	simm.s32 $0x64A0;
	s18 =	simm.s32 $0x0;
	s28 =	rddreg [dreg:$0x12]  }
0x5f: {  	[tilespmem:s29], [sflag:$0x1] =	stream.linear.gather [hbm4b:s28+s4], $0x500, $0x38;
	[tilespmem:$0x1DBA0] =	vst v63  }
.LBB2_8:
0x60: {  	s18 =	sadd.s32 $0x1, s18  }
0x61: {  	p1 =	sne.s32 s18, $0x3F  }
.Ltmp3:
0x62: {  	_ = 	snop;
	(pc) =	sbr.rel @!p1 .LBB2_9-.Ltmp3, $1  }
0x63: {  	_ =	sdelay $0x3  }
.LBB2_2:
0x64: {  	s14 =	sshll.u32 s18, $0x6  }
0x65: {  	s2 =	sor.u32 $0x20, s14  }
0x66: {  	s19 =	sor.u32 s12, s2;
	p1 =	sgt.u32 s2, $0xF9F  }
0x67: {  	s2 =	smul.u32 @!p1 $0xA, s19;
	_ =	sdelay $0x1  }
0x68: {  	s13 =	simm.s32 @!p1 $0x0;
	s20 =	simm.s32 @!p1 $0x78A0;
	s3 =	sadd.s32 @!p1 s10, s2  }
0x69: {  	[tilespmem:s20], [sflag:$0x4] =	stream.linear.gather @!p1 [hbm4b:s3+s13], $0x50, $0x38;
	[tilespmem:$0x1DBA0] =	vst v63  }
0x6a: {  	s3 =	simm.s32 @!p1 $0x4  }
0x6b: {  	_ =	swait.ge @!p1 [sflag:s3], $0x50  }
0x6c: {  	[sflag:s3] =	ssyncset.done @!p1 $0x0  }
0x6d: {  	s24 =	simm.s32 @!p1 $0x78F0;
	s2 =	sadd.s32 @!p1 s11, s2;
	[sflag:s3] =	ssyncadd.s32 @!p1 $0xFFFFFFB0  }
0x6e: {  	[tilespmem:s24], [sflag:$0x4] =	stream.linear.gather @!p1 [hbm4b:s2+s13], $0x50, $0x38;
	[tilespmem:$0x1DBA0] =	vst v63  }
0x6f: {  	_ =	swait.ge @!p1 [sflag:s3], $0x50  }
0x70: {  	[sflag:s3] =	ssyncset.done @!p1 $0x0  }
0x71: {  	s2 =	simm.s32 @!p1 $0x50;
	[sflag:s3] =	ssyncadd.s32 @!p1 $0xFFFFFFB0;
	s3 =	simm.s32 @!p1 $0x7940  }
0x72: {  	[tilespmem:s3], [sflag:$0x2] =	stream.indirect.gather @!p1 [hbm4b:s5+s2], $0x80, s24, s2, $0xb8;
	[tilespmem:$0x1DBA0] =	vst v63  }
0x73: {  	s3 =	simm.s32 @!p1 $0xA140  }
0x74: {  	[tilespmem:s3], [sflag:$0x2] =	stream.indirect.gather @!p1 [hbm4b:s6+s2], $0x80, s20, s2, $0xb8;
	[tilespmem:$0x1DBA0] =	vst v63  }
0x75: {  	s3 =	simm.s32 @!p1 $0xC940  }
0x76: {  	[tilespmem:s3], [sflag:$0x2] =	stream.indirect.gather @!p1 [hbm4b:s7+s2], $0x40, s20, s2, $0xb8;
	[tilespmem:$0x1DBA0] =	vst v63  }
0x77: {  	s3 =	simm.s32 @!p1 $0xE240;
	s20 =	smul.u32 @!p1 $0xA0, s19  }
0x78: {  	[tilespmem:s3], [sflag:$0x2] =	stream.indirect.gather @!p1 [hbm4b:s9+s2], $0x10, s24, s2, $0xb8;
	[tilespmem:$0x1DBA0] =	vst v63  }
0x79: {  	s2 =	sadd.s32 @!p1 s22, s20;
	s3 =	simm.s32 @!p1 $0xDD40  }
0x7a: {  	[tilespmem:s3], [sflag:$0x2] =	stream.linear.gather @!p1 [hbm4b:s2+s13], $0x500, $0x38;
	[tilespmem:$0x1DBA0] =	vst v63  }
0x7b: {  	_ =	swait.ge [sflag:s25], $0x2800  }
0x7c: {  	[sflag:s25] =	ssyncset.done $0x0  }
0x7d: {  	[sflag:s25] =	ssyncadd.s32 $0xFFFFD800  }
0x7e: {  	_ =	swait.ge [sflag:s25], $0x2800  }
0x7f: {  	[sflag:s25] =	ssyncset.done $0x0  }
0x80: {  	[sflag:s25] =	ssyncadd.s32 $0xFFFFD800  }
0x81: {  	_ =	swait.ge [sflag:s25], $0x1400  }
0x82: {  	[sflag:s25] =	ssyncset.done $0x0  }
0x83: {  	[sflag:s25] =	ssyncadd.s32 $0xFFFFEC00  }
0x84: {  	_ =	swait.ge [sflag:s25], $0x500  }
0x85: {  	[sflag:s25] =	ssyncset.done $0x0  }
0x86: {  	[sflag:s25] =	ssyncadd.s32 $0xFFFFFB00  }
0x87: {  	_ =	swait.ge [sflag:s25], $0x500  }
0x88: {  	[sflag:s25] =	ssyncset.done $0x0  }
0x89: {  	s24 =	simm.s32 $0xE0;
	[sflag:s25] =	ssyncadd.s32 $0xFFFFFB00  }
0x8a: {  	s28 =	simm.s32 $0x28E0;
	v5 =	vld [tilespmem:s24+$0xFFFFFFC0]  }
0x8b: {  	s29 =	simm.s32 $0x0;
	v6 =	vld [tilespmem:s28+$0xFFFFFFC0]  }
0x8c: {  	v7 =	vld [tilespmem:s29+$0x64A0]  }
0x8d: {  	v8 =	vld [tilespmem:s29+$0x69A0]  }
0x8e: {  	v9 =	vld [tilespmem:s28+$0xFFFFFFD0]  }
0x8f: {  	v10 =	vld [tilespmem:s24+$0xFFFFFFD0]  }
0x90: {  	v11 =	vld [tilespmem:s28+$0xFFFFFFE0]  }
0x91: {  	v12 =	vld [tilespmem:s24+$0xFFFFFFE0]  }
0x92: {  	v5 =	vmul.f32 v6, v5;
	v6 =	vmul.f32 v8, v7;
	v7 =	vld [tilespmem:s28+$0xFFFFFFF0]  }
0x93: {  	v8 =	vld [tilespmem:s24+$0xFFFFFFF0]  }
0x94: {  	v57 =	vld [tilespmem:s28+$0x0];
	v5 =	vadd.f32 v5, v6;
	v6 =	vmul.f32 v9, v10  }
0x95: {  	v58 =	vld [tilespmem:s24+$0x0]  }
0x96: {  	v59 =	vld [tilespmem:s28+$0x10];
	v5 =	vadd.f32 v6, v5;
	v6 =	vmul.f32 v11, v12  }
0x97: {  	v60 =	vld [tilespmem:s24+$0x10]  }
0x98: {  	v5 =	vadd.f32 v6, v5;
	v6 =	vmul.f32 v7, v8;
	v7 =	vld [tilespmem:s28+$0x20]  }
0x99: {  	v8 =	vld [tilespmem:s24+$0x20]  }
0x9a: {  	v61 =	vld [tilespmem:s28+$0x30];
	v5 =	vadd.f32 v6, v5;
	v6 =	vmul.f32 v57, v58  }
0x9b: {  	v62 =	vld [tilespmem:s24+$0x30]  }
0x9c: {  	v5 =	vadd.f32 v6, v5;
	v6 =	vmul.f32 v59, v60;
	_ =	sdelay $0x1  }
0x9d: {  	v5 =	vadd.f32 v6, v5;
	v6 =	vmul.f32 v7, v8;
	_ =	sdelay $0x1  }
0x9e: {  	v5 =	vadd.f32 v6, v5;
	v6 =	vmul.f32 v61, v62;
	_ =	sdelay $0x1  }
0x9f: {  	v5 =	vadd.f32 v6, v5;
	_ =	sdelay $0x1  }
0xa0: {  	v6 =	vperm.xlane v5, v0;
	_ =	sdelay $0x1  }
0xa1: {  	v5 =	vadd.f32 v5, v6;
	_ =	sdelay $0x1  }
0xa2: {  	v6 =	vperm.xlane v5, v1;
	_ =	sdelay $0x1  }
0xa3: {  	v5 =	vadd.f32 v5, v6;
	_ =	sdelay $0x1  }
0xa4: {  	v6 =	vperm.xlane v5, v2;
	_ =	sdelay $0x1  }
0xa5: {  	v5 =	vadd.f32 v5, v6;
	_ =	sdelay $0x1  }
0xa6: {  	v6 =	vperm.xlane v5, v3;
	_ =	sdelay $0x1  }
0xa7: {  	v5 =	vadd.f32 v5, v6;
	_ =	sdelay $0x1  }
0xa8: {  	v5 =	vmul.f32 $8.838834610e-02, v5;
	_ =	sdelay $0x1  }
0xa9: {  	v5 =	vmul.f32 $1.442695020e+00, v5;
	_ =	sdelay $0x1  }
0xaa: {  	(erf) = vpow2.f32 v5;
	_ =	sdelay $0x3  }
0xab: {  	s24 =	simm.s32 $0x50C0  }
0xac: {  	v6 =	vld [tilespmem:s24+$0xFFFFFFE0]  }
0xad: {  	v7 =	vld [tilespmem:s24+$0x0]  }
0xae: {  	v8 =	vld [tilespmem:s24+$0x10]  }
0xaf: {  	v63 =	vld [tilespmem:s24+$0xFFFFFFF0]  }
0xb0: {  	v5 =	vpop (erf)  }
0xb1: {  	v6 =	vmul.f32 v5, v6  }
0xb2: {  	v7 =	vmul.f32 v5, v7  }
0xb3: {  	v8 =	vmul.f32 v8, v5;
	[tilespmem:s24+$0xFFFFFFE0] =	vst v6  }
0xb4: {  	s20 =	simm.s32 $0x6EB0;
	[tilespmem:s24+$0x0] =	vst v7;
	v6 =	vmul.f32 v5, v63  }
0xb5: {  	s13 =	simm.s32 $0x6EB0;
	s3 =	simm.s32 $0x40;
	s2 =	simm.s32 $0x160;
	[tilespmem:s24+$0x10] =	vst v8  }
.LBB2_3:
0xb6: {  	[tilespmem:s24+$0xFFFFFFF0] =	vst v6;
	s24 =	sadd.s32 $0x40, s24;
	s13 =	sadd.s32 $0x20, s13;
	s28 =	sadd.s32 $0x80, s28  }
0xb7: {  	p2 =	sne.s32 s3, $0x13C0;
	v7 =	vnsel vm0, $0x0, v5;
	v6 =	vld [tilespmem:s29+$0x64A0];
	s29 =	smov.u32 s3;
	s3 =	sadd.s32 $0x40, s3  }
0xb8: {  	[tilespmem:s20+$0x0] =	vst v7;
	_ =	sdelay $0x3  }
0xb9: {  	s29 =	sshra.s32 s29, $0x2;
	v5 =	vmul.f32 v6, v5;
	_ =	sdelay $0x1  }
0xba: {  	[tilespmem:s20+$0xFFFFFFF0] =	vst v5;
	s20 =	smov.u32 s13  }
0xbb: {  	v5 =	vld [tilespmem:s2+$0xFFFFFFC0]  }
0xbc: {  	v6 =	vld [tilespmem:s28+$0xFFFFFFC0]  }
0xbd: {  	v7 =	vld [tilespmem:s29+$0x64A0]  }
0xbe: {  	v8 =	vld [tilespmem:s29+$0x69A0]  }
0xbf: {  	v9 =	vld [tilespmem:s28+$0xFFFFFFD0]  }
0xc0: {  	v10 =	vld [tilespmem:s2+$0xFFFFFFD0]  }
0xc1: {  	v11 =	vld [tilespmem:s28+$0xFFFFFFE0]  }
0xc2: {  	v5 =	vmul.f32 v6, v5;
	v6 =	vld [tilespmem:s2+$0xFFFFFFE0]  }
0xc3: {  	v7 =	vmul.f32 v8, v7;
	v8 =	vld [tilespmem:s28+$0xFFFFFFF0]  }
0xc4: {  	v12 =	vld [tilespmem:s2+$0xFFFFFFF0]  }
0xc5: {  	v5 =	vadd.f32 v5, v7;
	v7 =	vmul.f32 v9, v10;
	v9 =	vld [tilespmem:s28+$0x0]  }
0xc6: {  	v10 =	vld [tilespmem:s2+$0x0]  }
0xc7: {  	v5 =	vadd.f32 v7, v5;
	v6 =	vmul.f32 v11, v6;
	v7 =	vld [tilespmem:s28+$0x10]  }
0xc8: {  	v11 =	vld [tilespmem:s2+$0x10]  }
0xc9: {  	v5 =	vadd.f32 v6, v5;
	v6 =	vmul.f32 v8, v12;
	v8 =	vld [tilespmem:s28+$0x20]  }
0xca: {  	v12 =	vld [tilespmem:s2+$0x20]  }
0xcb: {  	v5 =	vadd.f32 v6, v5;
	v6 =	vmul.f32 v9, v10;
	v9 =	vld [tilespmem:s28+$0x30]  }
0xcc: {  	v10 =	vld [tilespmem:s2+$0x30]  }
0xcd: {  	v5 =	vadd.f32 v6, v5;
	v6 =	vmul.f32 v7, v11;
	_ =	sdelay $0x1  }
0xce: {  	v5 =	vadd.f32 v6, v5;
	v6 =	vmul.f32 v8, v12;
	_ =	sdelay $0x1  }
0xcf: {  	v5 =	vadd.f32 v6, v5;
	v6 =	vmul.f32 v9, v10;
	_ =	sdelay $0x1  }
0xd0: {  	v5 =	vadd.f32 v6, v5;
	_ =	sdelay $0x1  }
0xd1: {  	v6 =	vperm.xlane v5, v0;
	_ =	sdelay $0x1  }
0xd2: {  	v5 =	vadd.f32 v5, v6;
	_ =	sdelay $0x1  }
0xd3: {  	v6 =	vperm.xlane v5, v1;
	_ =	sdelay $0x1  }
0xd4: {  	v5 =	vadd.f32 v5, v6;
	_ =	sdelay $0x1  }
0xd5: {  	v6 =	vperm.xlane v5, v2;
	_ =	sdelay $0x1  }
0xd6: {  	v5 =	vadd.f32 v5, v6;
	_ =	sdelay $0x1  }
0xd7: {  	v6 =	vperm.xlane v5, v3;
	_ =	sdelay $0x1  }
0xd8: {  	v5 =	vadd.f32 v5, v6;
	_ =	sdelay $0x1  }
0xd9: {  	v5 =	vmul.f32 $8.838834610e-02, v5;
	_ =	sdelay $0x1  }
0xda: {  	v5 =	vmul.f32 $1.442695020e+00, v5;
	_ =	sdelay $0x1  }
0xdb: {  	(erf) = vpow2.f32 v5;
	_ =	sdelay $0x2  }
0xdc: {  	v7 =	vld [tilespmem:s24+$0x10]  }
0xdd: {  	v6 =	vld [tilespmem:s24+$0xFFFFFFF0]  }
0xde: {  	v8 =	vld [tilespmem:s24+$0xFFFFFFE0]  }
0xdf: {  	v9 =	vld [tilespmem:s24+$0x0];
	_ =	sdelay $0x2  }
0xe0: {  	v5 =	vpop (erf)  }
.Ltmp4:
0xe1: {  	v8 =	vmul.f32 v5, v8;
	v6 =	vmul.f32 v5, v6;
	(pc) =	sbr.rel @p2 .LBB2_3-.Ltmp4, $4  }
0xe2: {  	v7 =	vmul.f32 v7, v5;
	v9 =	vmul.f32 v5, v9  }
0xe3: {  	[tilespmem:s24+$0xFFFFFFE0] =	vst v8  }
0xe4: {  	[tilespmem:s24+$0x0] =	vst v9  }
0xe5: {  	s2 =	sadd.s32 $0x80, s2;
	[tilespmem:s24+$0x10] =	vst v7  }
0xe6: {  	[tilespmem:s24+$0xFFFFFFF0] =	vst v6  }
0xe7: {  	v6 =	vld [tilespmem:s29+$0x64A0];
	_ =	sdelay $0x4  }
0xe8: {  	v7 =	vnsel vm0, $0x0, v5;
	v5 =	vmul.f32 v6, v5  }
0xe9: {  	[tilespmem:s20+$0x0] =	vst v7  }
0xea: {  	[tilespmem:s20+$0xFFFFFFF0] =	vst v5  }
0xeb: {  	[spmem:s1] =	stream.indirect.scatter.add.f32 [tilespmem:s21], [sflag:$0x4], $0x40, s17, s17, $0xb8;
	[tilespmem:$0x1DBA0] =	vst v63  }
0xec: {  	_ =	swait.ge [sflag:s26], $0x1400  }
0xed: {  	[sflag:s26] =	ssyncset.done $0x0  }
0xee: {  	[sflag:s26] =	ssyncadd.s32 $0xFFFFEC00  }
0xef: {  	s2 =	sor.u32 s12, s14;
	s3 =	rddreg [dreg:$0x2]  }
0xf0: {  	[spmem:s3] =	stream.indirect.scatter.add.f32 [tilespmem:s30], [sflag:$0x4], $0x20, s17, s17, $0xb8;
	[tilespmem:$0x1DBA0] =	vst v63  }
0xf1: {  	s2 =	smul.u32 $0x140, s2;
	_ =	swait.ge [sflag:s26], $0xA00  }
0xf2: {  	[sflag:s26] =	ssyncset.done $0x0  }
0xf3: {  	p2 =	seq.s32 s18, $0x3E;
	s2 =	sadd.s32 s23, s2;
	[sflag:s26] =	ssyncadd.s32 $0xFFFFF600  }
0xf4: {  	[hbm4b:s2+s4] =	stream.linear.scatter [tilespmem:s30], [sflag:$0x4], $0xA00, $0x38;
	[tilespmem:$0x1DBA0] =	vst v63  }
0xf5: {  	s2 =	sadd.s32 @!p2 s15, s14  }
0xf6: {  	_ =	swait.ge [sflag:s26], $0xA00;
	s3 =	smul.u32 @!p2 $0xA, s2  }
0xf7: {  	[sflag:s26] =	ssyncset.done $0x0  }
0xf8: {  	s14 =	simm.s32 @!p2 $0x0;
	[sflag:s26] =	ssyncadd.s32 $0xFFFFF600;
	s13 =	sadd.s32 @!p2 s10, s3  }
0xf9: {  	[tilespmem:s14], [sflag:$0x4] =	stream.linear.gather @!p2 [hbm4b:s13+s14], $0x50, $0x38;
	[tilespmem:$0x1DBA0] =	vst v63  }
0xfa: {  	s13 =	simm.s32 @!p2 $0x4  }
0xfb: {  	_ =	swait.ge @!p2 [sflag:s13], $0x50  }
0xfc: {  	[sflag:s13] =	ssyncset.done @!p2 $0x0  }
0xfd: {  	s20 =	simm.s32 @!p2 $0x50;
	s3 =	sadd.s32 @!p2 s11, s3;
	[sflag:s13] =	ssyncadd.s32 @!p2 $0xFFFFFFB0  }
0xfe: {  	[tilespmem:s20], [sflag:$0x4] =	stream.linear.gather @!p2 [hbm4b:s3+s14], $0x50, $0x38;
	[tilespmem:$0x1DBA0] =	vst v63  }
0xff: {  	_ =	swait.ge @!p2 [sflag:s13], $0x50  }
0x100: {  	[sflag:s13] =	ssyncset.done @!p2 $0x0  }
0x101: {  	s3 =	simm.s32 @!p2 $0xA0;
	[sflag:s13] =	ssyncadd.s32 @!p2 $0xFFFFFFB0  }
0x102: {  	[tilespmem:s3], [sflag:$0x1] =	stream.indirect.gather @!p2 [hbm4b:s5+s20], $0x80, s20, s20, $0xb8;
	[tilespmem:$0x1DBA0] =	vst v63  }
0x103: {  	s3 =	simm.s32 @!p2 $0x28A0  }
0x104: {  	[tilespmem:s3], [sflag:$0x1] =	stream.indirect.gather @!p2 [hbm4b:s6+s20], $0x80, s14, s20, $0xb8;
	[tilespmem:$0x1DBA0] =	vst v63  }
0x105: {  	s3 =	simm.s32 @!p2 $0x50A0  }
0x106: {  	[tilespmem:s3], [sflag:$0x1] =	stream.indirect.gather @!p2 [hbm4b:s7+s20], $0x40, s14, s20, $0xb8;
	[tilespmem:$0x1DBA0] =	vst v63  }
.Ltmp5:
0x107: {  	_ = 	snop;
	(pc) =	sbr.rel @p1 .LBB2_8-.Ltmp5, $4  }
0x108: {  	s2 =	smul.u32 @!p2 $0xA0, s2;
	s3 =	simm.s32 @!p2 $0x69A0  }
0x109: {  	[tilespmem:s3], [sflag:$0x1] =	stream.indirect.gather @!p2 [hbm4b:s9+s20], $0x10, s20, s20, $0xb8;
	[tilespmem:$0x1DBA0] =	vst v63  }
0x10a: {  	s2 =	sadd.s32 @!p2 s22, s2;
	s3 =	simm.s32 @!p2 $0x64A0  }
0x10b: {  	[tilespmem:s3], [sflag:$0x1] =	stream.linear.gather @!p2 [hbm4b:s2+s14], $0x500, $0x38;
	[tilespmem:$0x1DBA0] =	vst v63  }
0x10c: {  	_ =	swait.ge [sflag:s31], $0x2800  }
0x10d: {  	[sflag:s31] =	ssyncset.done $0x0  }
0x10e: {  	[sflag:s31] =	ssyncadd.s32 $0xFFFFD800  }
0x10f: {  	_ =	swait.ge [sflag:s31], $0x2800  }
0x110: {  	[sflag:s31] =	ssyncset.done $0x0  }
0x111: {  	[sflag:s31] =	ssyncadd.s32 $0xFFFFD800  }
0x112: {  	_ =	swait.ge [sflag:s31], $0x1400  }
0x113: {  	[sflag:s31] =	ssyncset.done $0x0  }
0x114: {  	[sflag:s31] =	ssyncadd.s32 $0xFFFFEC00  }
0x115: {  	_ =	swait.ge [sflag:s31], $0x500  }
0x116: {  	[sflag:s31] =	ssyncset.done $0x0  }
0x117: {  	[sflag:s31] =	ssyncadd.s32 $0xFFFFFB00  }
0x118: {  	_ =	swait.ge [sflag:s31], $0x500  }
0x119: {  	[sflag:s31] =	ssyncset.done $0x0  }
0x11a: {  	s2 =	simm.s32 $0x7980;
	[sflag:s31] =	ssyncadd.s32 $0xFFFFFB00  }
0x11b: {  	s14 =	simm.s32 $0xA180;
	v5 =	vld [tilespmem:s2+$0xFFFFFFC0]  }
0x11c: {  	s28 =	simm.s32 $0x0;
	v6 =	vld [tilespmem:s14+$0xFFFFFFC0]  }
0x11d: {  	v7 =	vld [tilespmem:s28+$0xDD40]  }
0x11e: {  	v8 =	vld [tilespmem:s28+$0xE240]  }
0x11f: {  	v9 =	vld [tilespmem:s14+$0xFFFFFFD0]  }
0x120: {  	v10 =	vld [tilespmem:s2+$0xFFFFFFD0]  }
0x121: {  	v11 =	vld [tilespmem:s14+$0xFFFFFFE0]  }
0x122: {  	v12 =	vld [tilespmem:s2+$0xFFFFFFE0]  }
0x123: {  	v5 =	vmul.f32 v6, v5;
	v6 =	vmul.f32 v8, v7;
	v7 =	vld [tilespmem:s14+$0xFFFFFFF0]  }
0x124: {  	v8 =	vld [tilespmem:s2+$0xFFFFFFF0]  }
0x125: {  	v57 =	vld [tilespmem:s14+$0x0];
	v5 =	vadd.f32 v5, v6;
	v6 =	vmul.f32 v9, v10  }
0x126: {  	v58 =	vld [tilespmem:s2+$0x0]  }
0x127: {  	v59 =	vld [tilespmem:s14+$0x10];
	v5 =	vadd.f32 v6, v5;
	v6 =	vmul.f32 v11, v12  }
0x128: {  	v60 =	vld [tilespmem:s2+$0x10]  }
0x129: {  	v5 =	vadd.f32 v6, v5;
	v6 =	vmul.f32 v7, v8;
	v7 =	vld [tilespmem:s14+$0x20]  }
0x12a: {  	v8 =	vld [tilespmem:s2+$0x20]  }
0x12b: {  	v61 =	vld [tilespmem:s14+$0x30];
	v5 =	vadd.f32 v6, v5;
	v6 =	vmul.f32 v57, v58  }
0x12c: {  	v62 =	vld [tilespmem:s2+$0x30]  }
0x12d: {  	v5 =	vadd.f32 v6, v5;
	v6 =	vmul.f32 v59, v60;
	_ =	sdelay $0x1  }
0x12e: {  	v5 =	vadd.f32 v6, v5;
	v6 =	vmul.f32 v7, v8;
	_ =	sdelay $0x1  }
0x12f: {  	v5 =	vadd.f32 v6, v5;
	v6 =	vmul.f32 v61, v62;
	_ =	sdelay $0x1  }
0x130: {  	v5 =	vadd.f32 v6, v5;
	_ =	sdelay $0x1  }
0x131: {  	v6 =	vperm.xlane v5, v0;
	_ =	sdelay $0x1  }
0x132: {  	v5 =	vadd.f32 v5, v6;
	_ =	sdelay $0x1  }
0x133: {  	v6 =	vperm.xlane v5, v1;
	_ =	sdelay $0x1  }
0x134: {  	v5 =	vadd.f32 v5, v6;
	_ =	sdelay $0x1  }
0x135: {  	v6 =	vperm.xlane v5, v2;
	_ =	sdelay $0x1  }
0x136: {  	v5 =	vadd.f32 v5, v6;
	_ =	sdelay $0x1  }
0x137: {  	v6 =	vperm.xlane v5, v3;
	_ =	sdelay $0x1  }
0x138: {  	v5 =	vadd.f32 v5, v6;
	_ =	sdelay $0x1  }
0x139: {  	v5 =	vmul.f32 $8.838834610e-02, v5;
	_ =	sdelay $0x1  }
0x13a: {  	v5 =	vmul.f32 $1.442695020e+00, v5;
	_ =	sdelay $0x1  }
0x13b: {  	(erf) = vpow2.f32 v5;
	_ =	sdelay $0x3  }
0x13c: {  	s24 =	simm.s32 $0xC960  }
0x13d: {  	v6 =	vld [tilespmem:s24+$0xFFFFFFE0]  }
0x13e: {  	v7 =	vld [tilespmem:s24+$0x0]  }
0x13f: {  	v8 =	vld [tilespmem:s24+$0x10]  }
0x140: {  	v63 =	vld [tilespmem:s24+$0xFFFFFFF0]  }
0x141: {  	v5 =	vpop (erf)  }
0x142: {  	v6 =	vmul.f32 v5, v6  }
0x143: {  	v7 =	vmul.f32 v5, v7  }
0x144: {  	v8 =	vmul.f32 v8, v5;
	[tilespmem:s24+$0xFFFFFFE0] =	vst v6  }
0x145: {  	s13 =	simm.s32 $0x6EB0;
	[tilespmem:s24+$0x0] =	vst v7;
	v6 =	vmul.f32 v5, v63  }
0x146: {  	s3 =	simm.s32 $0x40;
	s20 =	simm.s32 $0x6EB0;
	s2 =	simm.s32 $0x7A00;
	[tilespmem:s24+$0x10] =	vst v8  }
.LBB2_6:
0x147: {  	[tilespmem:s24+$0xFFFFFFF0] =	vst v6;
	s24 =	sadd.s32 $0x40, s24;
	s13 =	sadd.s32 $0x20, s13;
	s14 =	sadd.s32 $0x80, s14  }
0x148: {  	p1 =	sne.s32 s3, $0x13C0;
	v7 =	vnsel vm0, $0x0, v5;
	v6 =	vld [tilespmem:s28+$0xDD40];
	s28 =	smov.u32 s3;
	s3 =	sadd.s32 $0x40, s3  }
0x149: {  	[tilespmem:s20+$0x0] =	vst v7;
	_ =	sdelay $0x3  }
0x14a: {  	s28 =	sshra.s32 s28, $0x2;
	v5 =	vmul.f32 v6, v5;
	_ =	sdelay $0x1  }
0x14b: {  	[tilespmem:s20+$0xFFFFFFF0] =	vst v5;
	s20 =	smov.u32 s13  }
0x14c: {  	v5 =	vld [tilespmem:s2+$0xFFFFFFC0]  }
0x14d: {  	v6 =	vld [tilespmem:s14+$0xFFFFFFC0]  }
0x14e: {  	v7 =	vld [tilespmem:s28+$0xDD40]  }
0x14f: {  	v8 =	vld [tilespmem:s28+$0xE240]  }
0x150: {  	v9 =	vld [tilespmem:s14+$0xFFFFFFD0]  }
0x151: {  	v10 =	vld [tilespmem:s2+$0xFFFFFFD0]  }
0x152: {  	v11 =	vld [tilespmem:s14+$0xFFFFFFE0]  }
0x153: {  	v5 =	vmul.f32 v6, v5;
	v6 =	vld [tilespmem:s2+$0xFFFFFFE0]  }
0x154: {  	v7 =	vmul.f32 v8, v7;
	v8 =	vld [tilespmem:s14+$0xFFFFFFF0]  }
0x155: {  	v12 =	vld [tilespmem:s2+$0xFFFFFFF0]  }
0x156: {  	v5 =	vadd.f32 v5, v7;
	v7 =	vmul.f32 v9, v10;
	v9 =	vld [tilespmem:s14+$0x0]  }
0x157: {  	v10 =	vld [tilespmem:s2+$0x0]  }
0x158: {  	v5 =	vadd.f32 v7, v5;
	v6 =	vmul.f32 v11, v6;
	v7 =	vld [tilespmem:s14+$0x10]  }
0x159: {  	v11 =	vld [tilespmem:s2+$0x10]  }
0x15a: {  	v5 =	vadd.f32 v6, v5;
	v6 =	vmul.f32 v8, v12;
	v8 =	vld [tilespmem:s14+$0x20]  }
0x15b: {  	v12 =	vld [tilespmem:s2+$0x20]  }
0x15c: {  	v5 =	vadd.f32 v6, v5;
	v6 =	vmul.f32 v9, v10;
	v9 =	vld [tilespmem:s14+$0x30]  }
0x15d: {  	v10 =	vld [tilespmem:s2+$0x30]  }
0x15e: {  	v5 =	vadd.f32 v6, v5;
	v6 =	vmul.f32 v7, v11;
	_ =	sdelay $0x1  }
0x15f: {  	v5 =	vadd.f32 v6, v5;
	v6 =	vmul.f32 v8, v12;
	_ =	sdelay $0x1  }
0x160: {  	v5 =	vadd.f32 v6, v5;
	v6 =	vmul.f32 v9, v10;
	_ =	sdelay $0x1  }
0x161: {  	v5 =	vadd.f32 v6, v5;
	_ =	sdelay $0x1  }
0x162: {  	v6 =	vperm.xlane v5, v0;
	_ =	sdelay $0x1  }
0x163: {  	v5 =	vadd.f32 v5, v6;
	_ =	sdelay $0x1  }
0x164: {  	v6 =	vperm.xlane v5, v1;
	_ =	sdelay $0x1  }
0x165: {  	v5 =	vadd.f32 v5, v6;
	_ =	sdelay $0x1  }
0x166: {  	v6 =	vperm.xlane v5, v2;
	_ =	sdelay $0x1  }
0x167: {  	v5 =	vadd.f32 v5, v6;
	_ =	sdelay $0x1  }
0x168: {  	v6 =	vperm.xlane v5, v3;
	_ =	sdelay $0x1  }
0x169: {  	v5 =	vadd.f32 v5, v6;
	_ =	sdelay $0x1  }
0x16a: {  	v5 =	vmul.f32 $8.838834610e-02, v5;
	_ =	sdelay $0x1  }
0x16b: {  	v5 =	vmul.f32 $1.442695020e+00, v5;
	_ =	sdelay $0x1  }
0x16c: {  	(erf) = vpow2.f32 v5;
	_ =	sdelay $0x2  }
0x16d: {  	v7 =	vld [tilespmem:s24+$0x10]  }
0x16e: {  	v6 =	vld [tilespmem:s24+$0xFFFFFFF0]  }
0x16f: {  	v8 =	vld [tilespmem:s24+$0xFFFFFFE0]  }
0x170: {  	v9 =	vld [tilespmem:s24+$0x0];
	_ =	sdelay $0x2  }
0x171: {  	v5 =	vpop (erf)  }
.Ltmp6:
0x172: {  	v8 =	vmul.f32 v5, v8;
	v6 =	vmul.f32 v5, v6;
	(pc) =	sbr.rel @p1 .LBB2_6-.Ltmp6, $4  }
0x173: {  	v7 =	vmul.f32 v7, v5;
	v9 =	vmul.f32 v5, v9  }
0x174: {  	[tilespmem:s24+$0xFFFFFFE0] =	vst v8  }
0x175: {  	[tilespmem:s24+$0x0] =	vst v9  }
0x176: {  	s2 =	sadd.s32 $0x80, s2;
	[tilespmem:s24+$0x10] =	vst v7  }
0x177: {  	[tilespmem:s24+$0xFFFFFFF0] =	vst v6  }
0x178: {  	v6 =	vld [tilespmem:s28+$0xDD40];
	_ =	sdelay $0x4  }
0x179: {  	v7 =	vnsel vm0, $0x0, v5;
	v5 =	vmul.f32 v6, v5  }
0x17a: {  	[tilespmem:s20+$0x0] =	vst v7  }
0x17b: {  	s2 =	simm.s32 $0xC940;
	[tilespmem:s20+$0xFFFFFFF0] =	vst v5  }
0x17c: {  	[spmem:s1] =	stream.indirect.scatter.add.f32 [tilespmem:s2], [sflag:$0x4], $0x40, s0, s17, $0xb8;
	[tilespmem:$0x1DBA0] =	vst v63  }
0x17d: {  	_ =	swait.ge [sflag:s26], $0x1400  }
0x17e: {  	[sflag:s26] =	ssyncset.done $0x0  }
0x17f: {  	[sflag:s26] =	ssyncadd.s32 $0xFFFFEC00  }
0x180: {  	s28 =	rddreg [dreg:$0x2]  }
0x181: {  	[spmem:s28] =	stream.indirect.scatter.add.f32 [tilespmem:s30], [sflag:$0x4], $0x20, s0, s17, $0xb8;
	[tilespmem:$0x1DBA0] =	vst v63  }
0x182: {  	s29 =	smul.u32 $0x140, s19;
	_ =	swait.ge [sflag:s26], $0xA00  }
0x183: {  	[sflag:s26] =	ssyncset.done $0x0  }
.Ltmp7:
0x184: {  	s2 =	sadd.s32 s23, s29;
	[sflag:s26] =	ssyncadd.s32 $0xFFFFF600;
	(pc) =	sbr.rel .LBB2_8-.Ltmp7, $4  }
0x185: {  	[hbm4b:s2+s4] =	stream.linear.scatter [tilespmem:s30], [sflag:$0x3], $0xA00, $0x38;
	[tilespmem:$0x1DBA0] =	vst v63  }
0x186: {  	_ =	swait.ge [sflag:s16], $0xA00  }
0x187: {  	[sflag:s16] =	ssyncset.done $0x0  }
0x188: {  	[sflag:s16] =	ssyncadd.s32 $0xFFFFF600  }
.LBB2_9:
0x189: {  	[bflag:$0x0] =	sbarrier.arrive $0xFFFF  }
0x18a: {  	s2 =	rddreg [dreg:$0x5]  }
0x18b: {  	s14 =	rddreg [dreg:$0xb]  }
0x18c: {  	s3 =	rddreg [dreg:$0x19]  }
0x18d: {  	[hbm:s2], [sflag:s14] =	dma.local [spmem:s3], $0x1380  }
0x18e: {  	_ =	swait.ge [sflag:s16], $0x1380  }
0x18f: {  	[sflag:s16] =	ssyncset.done $0x0;
	s18 =	rddreg [dreg:$0x4]  }
0x190: {  	s19 =	rddreg [dreg:$0x1c];
	[sflag:s16] =	ssyncadd.s32 $0xFFFFEC80  }
0x191: {  	[hbm:s18], [sflag:s14] =	dma.local [spmem:s19], $0x9C0  }
0x192: {  	_ =	swait.ge [sflag:s16], $0x9C0  }
0x193: {  	[sflag:s16] =	ssyncset.done $0x0  }
0x194: {  	[sflag:s16] =	ssyncadd.s32 $0xFFFFF640  }
0x195: {  	[bflag:$0x0] =	sbarrier.arrive @p0 $0xFFFF  }
0x196: {  	s28 =	rddreg [dreg:$0x9]  }
0x197: {  	s13 =	rddreg [dreg:$0xa];
	s2 =	sshrl.u32 @p0 s28, $0x3  }
0x198: {  	[spmem:s2], [sflag:s14] =	dma.local @p0 [hbm:s13], $0x1380  }
0x199: {  	s2 =	simm.s32 @p0 $0x3  }
0x19a: {  	_ =	swait.ge @p0 [sflag:s2], $0x1380  }
0x19b: {  	[sflag:s2] =	ssyncset.done @p0 $0x0;
	s18 =	rddreg [dreg:$0x1a]  }
0x19c: {  	[sflag:s2] =	ssyncadd.s32 @p0 $0xFFFFEC80;
	s2 =	rddreg [dreg:$0x6]  }
0x19d: {  	[hbm:s2], [sflag:s14] =	dma.local @!p0 [spmem:s18], $0x80  }
0x19e: {  	s2 =	simm.s32 @!p0 $0x3  }
0x19f: {  	_ =	swait.ge @!p0 [sflag:s2], $0x80  }
0x1a0: {  	[sflag:s2] =	ssyncset.done @!p0 $0x0;
	s3 =	rddreg [dreg:$0x13]  }
0x1a1: {  	s19 =	rddreg [dreg:$0x1b];
	[sflag:s2] =	ssyncadd.s32 @!p0 $0xFFFFFF80  }
0x1a2: {  	[hbm:s3], [sflag:s14] =	dma.local @!p0 [spmem:s19], $0x40  }
0x1a3: {  	_ =	swait.ge @!p0 [sflag:s2], $0x40  }
0x1a4: {  	[sflag:s2] =	ssyncset.done @!p0 $0x0  }
0x1a5: {  	[sflag:s2] =	ssyncadd.s32 @!p0 $0xFFFFFFC0  }
0x1a6: {  	s3 =	sshrl.u32 @!p0 s28, $0x3;
	[bflag:$0x0] =	sbarrier.arrive @!p0 $0xFFFF  }
0x1a7: {  	[spmem:s3], [sflag:s14] =	dma.local @!p0 [hbm:s13], $0x1380  }
0x1a8: {  	_ =	swait.ge @!p0 [sflag:s2], $0x1380  }
0x1a9: {  	[sflag:s2] =	ssyncset.done @!p0 $0x0  }
0x1aa: {  	s3 =	rddreg [dreg:$0xd];
	[sflag:s2] =	ssyncadd.s32 @!p0 $0xFFFFEC80  }
0x1ab: {  	[spmem:s18], [sflag:s14] =	dma.local @!p0 [hbm:s3], $0x80  }
0x1ac: {  	_ =	swait.ge @!p0 [sflag:s2], $0x80  }
0x1ad: {  	[sflag:s2] =	ssyncset.done @!p0 $0x0  }
0x1ae: {  	[sflag:s2] =	ssyncadd.s32 @!p0 $0xFFFFFF80  }
0x1af: {  	[bflag:$0x0] =	sbarrier.arrive $0xFFFF  }
0x1b0: {  	s14 =	simm.s32 $0x0;
	s20 =	rddreg [dreg:$0x10]  }
0x1b1: {  	[tilespmem:s14], [sflag:$0x3] =	stream.linear.gather [hbm4b:s20+s14], $0x50, $0x38;
	[tilespmem:$0x1DBA0] =	vst v63  }
0x1b2: {  	_ =	swait.ge [sflag:s16], $0x50  }
0x1b3: {  	[sflag:s16] =	ssyncset.done $0x0  }
0x1b4: {  	s24 =	rddreg [dreg:$0x11];
	[sflag:s16] =	ssyncadd.s32 $0xFFFFFFB0  }
0x1b5: {  	[tilespmem:s17], [sflag:$0x3] =	stream.linear.gather [hbm4b:s24+s14], $0x50, $0x38;
	[tilespmem:$0x1DBA0] =	vst v63  }
0x1b6: {  	_ =	swait.ge [sflag:s16], $0x50  }
.Ltmp8:
0x1b7: {  	[sflag:s16] =	ssyncset.done $0x0;
	(pc) =	sbr.rel .LBB2_10-.Ltmp8, $4  }
0x1b8: {  	[sflag:s16] =	ssyncadd.s32 $0xFFFFFFB0  }
0x1b9: {  	[tilespmem:s21], [sflag:$0x1] =	stream.indirect.gather [hbm4b:s8+s17], $0x40, s14, s17, $0xb8;
	[tilespmem:$0x1DBA0] =	vst v63  }
0x1ba: {  	s29 =	rddreg [dreg:$0x14]  }
0x1bb: {  	[tilespmem:s30], [sflag:$0x1] =	stream.linear.gather [hbm4b:s29+s14], $0xA00, $0x38;
	[tilespmem:$0x1DBA0] =	vst v63  }
.LBB2_16:
0x1bc: {  	s14 =	sadd.s32 $0x1, s14  }
0x1bd: {  	p1 =	sne.s32 s14, $0x3F  }
.Ltmp9:
0x1be: {  	_ = 	snop;
	(pc) =	sbr.rel @!p1 .LBB2_17-.Ltmp9, $1  }
0x1bf: {  	_ =	sdelay $0x3  }
.LBB2_10:
0x1c0: {  	s2 =	sshll.u32 s14, $0x6  }
0x1c1: {  	s3 =	sor.u32 $0x20, s2  }
0x1c2: {  	p1 =	sgt.u32 s3, $0xF9F  }
0x1c3: {  	s3 =	sor.u32 @!p1 s12, s3  }
0x1c4: {  	s13 =	smul.u32 @!p1 $0xA, s3;
	_ =	sdelay $0x1  }
0x1c5: {  	s19 =	simm.s32 @!p1 $0x0;
	s20 =	simm.s32 @!p1 $0x78A0;
	s18 =	sadd.s32 @!p1 s10, s13  }
0x1c6: {  	[tilespmem:s20], [sflag:$0x4] =	stream.linear.gather @!p1 [hbm4b:s18+s19], $0x50, $0x38;
	[tilespmem:$0x1DBA0] =	vst v63  }
0x1c7: {  	s18 =	simm.s32 @!p1 $0x4  }
0x1c8: {  	_ =	swait.ge @!p1 [sflag:s18], $0x50  }
0x1c9: {  	[sflag:s18] =	ssyncset.done @!p1 $0x0  }
0x1ca: {  	s24 =	simm.s32 @!p1 $0x78F0;
	s13 =	sadd.s32 @!p1 s11, s13;
	[sflag:s18] =	ssyncadd.s32 @!p1 $0xFFFFFFB0  }
0x1cb: {  	[tilespmem:s24], [sflag:$0x4] =	stream.linear.gather @!p1 [hbm4b:s13+s19], $0x50, $0x38;
	[tilespmem:$0x1DBA0] =	vst v63  }
0x1cc: {  	_ =	swait.ge @!p1 [sflag:s18], $0x50  }
0x1cd: {  	s3 =	smul.u32 @!p1 $0x140, s3;
	[sflag:s18] =	ssyncset.done @!p1 $0x0  }
0x1ce: {  	s13 =	simm.s32 @!p1 $0x50;
	[sflag:s18] =	ssyncadd.s32 @!p1 $0xFFFFFFB0;
	s18 =	simm.s32 @!p1 $0xC940  }
0x1cf: {  	[tilespmem:s18], [sflag:$0x2] =	stream.indirect.gather @!p1 [hbm4b:s8+s13], $0x40, s20, s13, $0xb8;
	[tilespmem:$0x1DBA0] =	vst v63  }
0x1d0: {  	s3 =	sadd.s32 @!p1 s23, s3;
	s13 =	simm.s32 @!p1 $0xE740  }
0x1d1: {  	[tilespmem:s13], [sflag:$0x2] =	stream.linear.gather @!p1 [hbm4b:s3+s19], $0xA00, $0x38;
	[tilespmem:$0x1DBA0] =	vst v63  }
0x1d2: {  	_ =	swait.ge [sflag:s25], $0x1400  }
0x1d3: {  	[sflag:s25] =	ssyncset.done $0x0  }
0x1d4: {  	[sflag:s25] =	ssyncadd.s32 $0xFFFFEC00  }
0x1d5: {  	_ =	swait.ge [sflag:s25], $0xA00  }
0x1d6: {  	[sflag:s25] =	ssyncset.done $0x0  }
0x1d7: {  	s3 =	simm.s32 $0x50C0;
	[sflag:s25] =	ssyncadd.s32 $0xFFFFF600  }
0x1d8: {  	s18 =	simm.s32 $0xC0;
	s19 =	simm.s32 $0x10;
	s13 =	simm.s32 $0x50C0;
	v5 =	vld [tilespmem:s3+$0xFFFFFFF0]  }
.LBB2_11:
0x1d9: {  	p2 =	sne.s32 s18, $0x27C0;
	v6 =	vld [tilespmem:s19+$0x6EA0]  }
0x1da: {  	v7 =	vld [tilespmem:s3+$0x10]  }
0x1db: {  	v8 =	vld [tilespmem:s3+$0xFFFFFFE0]  }
0x1dc: {  	v9 =	vld [tilespmem:s3+$0x0];
	_ =	sdelay $0x1  }
0x1dd: {  	v6 =	vperm.xlane v6, v4;
	_ =	sdelay $0x1  }
0x1de: {  	v8 =	vmul.f32 v8, v6;
	v5 =	vmul.f32 v5, v6  }
.Ltmp10:
0x1df: {  	v9 =	vmul.f32 v9, v6;
	v6 =	vmul.f32 v7, v6;
	(pc) =	sbr.rel @p2 .LBB2_11-.Ltmp10, $4  }
0x1e0: {  	[tilespmem:s3+$0xFFFFFFE0] =	vst v8  }
0x1e1: {  	[tilespmem:s3+$0xFFFFFFF0] =	vst v5  }
0x1e2: {  	s3 =	sadd.s32 $0x40, s3;
	[tilespmem:s13+$0x0] =	vst v9  }
0x1e3: {  	s19 =	sshra.s32 s18, $0x2;
	s18 =	sadd.s32 $0x80, s18;
	v5 =	vld [tilespmem:s3+$0xFFFFFFF0];
	[tilespmem:s13+$0x10] =	vst v6;
	s13 =	smov.u32 s3  }
0x1e4: {  	v6 =	vld [tilespmem:s19+$0x6EA0];
	_ =	sdelay $0x1  }
0x1e5: {  	v7 =	vld [tilespmem:s3+$0xFFFFFFE0];
	_ =	sdelay $0x1  }
0x1e6: {  	v8 =	vld [tilespmem:s3+$0x0]  }
0x1e7: {  	v9 =	vld [tilespmem:s3+$0x10];
	v6 =	vperm.xlane v6, v4;
	_ =	sdelay $0x1  }
0x1e8: {  	v7 =	vmul.f32 v7, v6  }
0x1e9: {  	v5 =	vmul.f32 v5, v6  }
0x1ea: {  	v8 =	vmul.f32 v8, v6;
	[tilespmem:s3+$0xFFFFFFE0] =	vst v7  }
0x1eb: {  	v6 =	vmul.f32 v9, v6;
	[tilespmem:s3+$0xFFFFFFF0] =	vst v5  }
0x1ec: {  	p2 =	seq.s32 s14, $0x3E;
	[tilespmem:s13+$0x0] =	vst v8  }
0x1ed: {  	s2 =	sadd.s32 @!p2 s15, s2;
	[tilespmem:s13+$0x10] =	vst v6  }
0x1ee: {  	[spmem:s1] =	stream.indirect.scatter.add.f32 [tilespmem:s21], [sflag:$0x4], $0x40, s17, s17, $0xb8;
	[tilespmem:$0x1DBA0] =	vst v63  }
0x1ef: {  	s3 =	smul.u32 @!p2 $0xA, s2;
	_ =	swait.ge [sflag:s26], $0x1400  }
0x1f0: {  	[sflag:s26] =	ssyncset.done $0x0  }
0x1f1: {  	s18 =	simm.s32 @!p2 $0x0;
	s13 =	sadd.s32 @!p2 s10, s3;
	[sflag:s26] =	ssyncadd.s32 $0xFFFFEC00  }
0x1f2: {  	[tilespmem:s18], [sflag:$0x4] =	stream.linear.gather @!p2 [hbm4b:s13+s18], $0x50, $0x38;
	[tilespmem:$0x1DBA0] =	vst v63  }
0x1f3: {  	s13 =	simm.s32 @!p2 $0x4  }
0x1f4: {  	_ =	swait.ge @!p2 [sflag:s13], $0x50  }
0x1f5: {  	[sflag:s13] =	ssyncset.done @!p2 $0x0  }
0x1f6: {  	s19 =	simm.s32 @!p2 $0x50;
	s3 =	sadd.s32 @!p2 s11, s3;
	[sflag:s13] =	ssyncadd.s32 @!p2 $0xFFFFFFB0  }
0x1f7: {  	[tilespmem:s19], [sflag:$0x4] =	stream.linear.gather @!p2 [hbm4b:s3+s18], $0x50, $0x38;
	[tilespmem:$0x1DBA0] =	vst v63  }
0x1f8: {  	_ =	swait.ge @!p2 [sflag:s13], $0x50  }
.Ltmp11:
0x1f9: {  	[sflag:s13] =	ssyncset.done @!p2 $0x0;
	(pc) =	sbr.rel @p1 .LBB2_16-.Ltmp11, $4  }
0x1fa: {  	s2 =	smul.u32 @!p2 $0x140, s2;
	s3 =	simm.s32 @!p2 $0x50A0;
	[sflag:s13] =	ssyncadd.s32 @!p2 $0xFFFFFFB0  }
0x1fb: {  	[tilespmem:s3], [sflag:$0x1] =	stream.indirect.gather @!p2 [hbm4b:s8+s19], $0x40, s18, s19, $0xb8;
	[tilespmem:$0x1DBA0] =	vst v63  }
0x1fc: {  	s2 =	sadd.s32 @!p2 s23, s2;
	s3 =	simm.s32 @!p2 $0x6EA0  }
0x1fd: {  	[tilespmem:s3], [sflag:$0x1] =	stream.linear.gather @!p2 [hbm4b:s2+s18], $0xA00, $0x38;
	[tilespmem:$0x1DBA0] =	vst v63  }
0x1fe: {  	_ =	swait.ge [sflag:s31], $0x1400  }
0x1ff: {  	[sflag:s31] =	ssyncset.done $0x0  }
0x200: {  	[sflag:s31] =	ssyncadd.s32 $0xFFFFEC00  }
0x201: {  	_ =	swait.ge [sflag:s31], $0xA00  }
0x202: {  	[sflag:s31] =	ssyncset.done $0x0  }
0x203: {  	s2 =	simm.s32 $0xC960;
	[sflag:s31] =	ssyncadd.s32 $0xFFFFF600  }
0x204: {  	s18 =	simm.s32 $0x10;
	s13 =	simm.s32 $0xC0;
	s3 =	simm.s32 $0xC960;
	v5 =	vld [tilespmem:s2+$0xFFFFFFF0]  }
.LBB2_14:
0x205: {  	p1 =	sne.s32 s13, $0x27C0;
	v6 =	vld [tilespmem:s18+$0xE740]  }
0x206: {  	v7 =	vld [tilespmem:s2+$0x10]  }
0x207: {  	v8 =	vld [tilespmem:s2+$0xFFFFFFE0]  }
0x208: {  	v9 =	vld [tilespmem:s2+$0x0];
	_ =	sdelay $0x1  }
0x209: {  	v6 =	vperm.xlane v6, v4;
	_ =	sdelay $0x1  }
0x20a: {  	v8 =	vmul.f32 v8, v6;
	v5 =	vmul.f32 v5, v6  }
.Ltmp12:
0x20b: {  	v9 =	vmul.f32 v9, v6;
	v6 =	vmul.f32 v7, v6;
	(pc) =	sbr.rel @p1 .LBB2_14-.Ltmp12, $4  }
0x20c: {  	[tilespmem:s2+$0xFFFFFFE0] =	vst v8  }
0x20d: {  	[tilespmem:s2+$0xFFFFFFF0] =	vst v5  }
0x20e: {  	s2 =	sadd.s32 $0x40, s2;
	[tilespmem:s3+$0x0] =	vst v9  }
0x20f: {  	s18 =	sshra.s32 s13, $0x2;
	s13 =	sadd.s32 $0x80, s13;
	v5 =	vld [tilespmem:s2+$0xFFFFFFF0];
	[tilespmem:s3+$0x10] =	vst v6;
	s3 =	smov.u32 s2  }
0x210: {  	v6 =	vld [tilespmem:s18+$0xE740];
	_ =	sdelay $0x1  }
0x211: {  	v7 =	vld [tilespmem:s2+$0xFFFFFFE0];
	_ =	sdelay $0x1  }
0x212: {  	v8 =	vld [tilespmem:s2+$0x0]  }
0x213: {  	v9 =	vld [tilespmem:s2+$0x10];
	v6 =	vperm.xlane v6, v4;
	_ =	sdelay $0x1  }
0x214: {  	v7 =	vmul.f32 v7, v6  }
0x215: {  	v5 =	vmul.f32 v5, v6  }
0x216: {  	v8 =	vmul.f32 v8, v6;
	[tilespmem:s2+$0xFFFFFFE0] =	vst v7  }
0x217: {  	v6 =	vmul.f32 v9, v6;
	[tilespmem:s2+$0xFFFFFFF0] =	vst v5  }
0x218: {  	[tilespmem:s3+$0x0] =	vst v8  }
.Ltmp13:
0x219: {  	s29 =	simm.s32 $0xC940;
	[tilespmem:s3+$0x10] =	vst v6;
	(pc) =	sbr.rel .LBB2_16-.Ltmp13, $4  }
0x21a: {  	[spmem:s1] =	stream.indirect.scatter.add.f32 [tilespmem:s29], [sflag:$0x3], $0x40, s0, s17, $0xb8;
	[tilespmem:$0x1DBA0] =	vst v63  }
0x21b: {  	_ =	swait.ge [sflag:s16], $0x1400  }
0x21c: {  	[sflag:s16] =	ssyncset.done $0x0  }
0x21d: {  	[sflag:s16] =	ssyncadd.s32 $0xFFFFEC00  }
.LBB2_18:
0x21e: {  	_ =	sfence.sel $0x180000  }
0x21f: {  	[bflag:$0x0] =	sbarrier.arrive $0xFFFF  }
0x220: {  	_ =	strace $0x90000047  }
0x221: {  	s0 =	stileid.u32;
	[bflag:$0x2] =	sbarrier.arrive $0xFFFF  }
0x222: {  	p0 =	sne.s32 s0, $0x0;
	s0 =	rddreg [dreg:$0x3]  }
0x223: {  	s0 =	sadd.s32 @!p0 $0x100000, s0  }
0x224: {  	[sflag:s0] =	ssyncadd.tile.s32 @!p0 $0x1;
	_ =	shalt  }
.Lfunc_end2:
_tile_overlayer_lowered:
.L_overlay_start_2:
0x225: {  	(tag) =	ssettag $0x2  }
0x226: {  	s0 =	rddreg [dreg:$0x0];
	s2 =	stileid.u32  }
0x227: {  	s1 =	rddreg [dreg:$0x1];
	p0 =	sne.s32 s2, $0x0  }
0x228: {  	s3 =	rddreg [dreg:$0x2];
	[bflag:$0x3] =	sbarrier.arrive $0xFFFF;
	s2 =	simm.s32 @!p0 $0x1C03  }
0x229: {  	[timem:s3], [sflag:s2] =	dma.local @!p0 [hbm:s0], s1  }
0x22a: {  	s0 =	simm.s32 @!p0 $0x3  }
0x22b: {  	_ =	swait.ge @!p0 [sflag:s0], s1  }
0x22c: {  	s1 =	ssub.s32 @!p0 $0x0, s1;
	[sflag:s0] =	ssyncset.done @!p0 $0x0  }
0x22d: {  	[sflag:s0] =	ssyncadd.s32 @!p0 s1  }
0x22e: {  	[bflag:$0x3] =	sbarrier.arrive $0xFFFF  }
0x22f: {  	_ =	shalt  }

// kernel: kernel.13.cloned.1.call-start
scs
__scs_entry_jumppad:
0x0: {  	(pc) =	sbr.rel $0x88, $3  }
0x1: {  	(tag) =	ssettag $0x0;
	lr =	simm.s32 $0x1  }
0x2: {  	[smem:$0x3F84] =	sst lr;
	_ =	strace $0xD0000000  }
0x3: {  	_ = 	snop  }
0x4: {  	_ = 	snop  }
0x5: {  	_ = 	snop  }
0x6: {  	_ = 	snop  }
0x7: {  	_ = 	snop  }
__scs_overlays_trampoline_lowered:
0x8: {  	[smem:$0x3F93] =	sst s0  }
0x9: {  	[smem:$0x3F94] =	sst s1  }
0xa: {  	[smem:$0x3F95] =	sst s2  }
0xb: {  	[smem:$0x3F96] =	sst s3  }
0xc: {  	[smem:$0x3F97] =	sst s4  }
0xd: {  	[smem:$0x3F98] =	sst s5  }
0xe: {  	[smem:$0x3F99] =	sst s6  }
0xf: {  	[smem:$0x3F9A] =	sst s7  }
0x10: {  	[smem:$0x3F9B] =	sst s8  }
0x11: {  	[smem:$0x3F9C] =	sst s9;
	s0 =	simm.s32 @!p0 $0x0  }
0x12: {  	s1 =	sld [smem:$0x3F82];
	s0 =	simm.s32 @p0 $0x1  }
0x13: {  	[smem:$0x3F9D] =	sst s0;
	s0 =	simm.s32 @!p1 $0x0  }
0x14: {  	s2 =	sld [smem:$0x3F81];
	s0 =	simm.s32 @p1 $0x1  }
0x15: {  	[smem:$0x3F9E] =	sst s0;
	s0 =	simm.s32 @!p2 $0x0  }
0x16: {  	s3 =	sld [smem:$0x3FDB];
	s0 =	simm.s32 @p2 $0x1  }
0x17: {  	s4 =	simm.s32 $0x1BF5;
	[smem:$0x3FA0] =	sst s0  }
0x18: {  	s0 =	sld [smem:$0x3F83];
	_ =	swait.ge [sflag:s4], $0x0  }
0x19: {  	s7 =	sld [smem:$0x3F84]  }
0x1a: {  	s8 =	sadd.s32 $0xFFFFE003, lr  }
0x1b: {  	s9 =	sadd.s32 $0xFFFFFEF7, lr;
	s5 =	simm.s32 $0xFFFFFFFF;
	p2 =	slt.u32 s8, $0xFFFFF086  }
0x1c: {  	p1 =	slt.u32 s9, $0xF7A;
	s5 =	simm.s32 @!p2 $0x0  }
0x1d: {  	s5 =	simm.s32 @p1 $0x1;
	p0 =	seq.s32 s7, s2  }
0x1e: {  	s7 =	smul.u32 @!p0 $0xF7A, s2;
	p2 =	seq.s32 @!p0 s5, $0x0  }
0x1f: {  	s9 =	smul.u32 $0xF7A, s1;
	s8 =	simm.s32 @!p0 $0x1BF5;
	p2 =	por !p2, p0  }
0x20: {  	[sflag:s8] =	ssyncset.s32 @!p0 $0xFFFFF086;
	s6 =	sadd.s32 @!p0 s3, s7;
	s7 =	simm.s32 @!p0 $0x108  }
0x21: {  	s3 =	sadd.s32 s3, s9;
	s6 =	sadd.s32 @!p0 $0x88, s6;
	s7 =	simm.s32 @p2 $0x1082  }
0x22: {  	[simem:s7], [sflag:s8] =	dma.local @!p0 [hbm:s6], $0xF7A  }
0x23: {  	s9 =	sor.u32 $0xD0000000, s2;
	s6 =	simm.s32 $0x108;
	_ =	swait.ge @!p0 [sflag:s8], $0x0  }
0x24: {  	s3 =	sadd.s32 $0x88, s3;
	s6 =	simm.s32 @!p1 $0x1082;
	[sflag:s4] =	ssyncset.s32 $0xFFFFF086  }
0x25: {  	[simem:s6], [sflag:s4] =	dma.local [hbm:s3], $0xF7A  }
0x26: {  	[smem:$0x3F84] =	sst s1;
	(tag) =	ssettag s2;
	_ =	strace s9  }
0x27: {  	s1 =	sld [smem:$0x3F94]  }
0x28: {  	s2 =	sld [smem:$0x3F95]  }
0x29: {  	s4 =	sld [smem:$0x3F97]  }
0x2a: {  	p0 =	seq.s32 s5, $0x0;
	s5 =	sld [smem:$0x3F98]  }
0x2b: {  	s6 =	sld [smem:$0x3F99]  }
0x2c: {  	s7 =	sld [smem:$0x3F9A]  }
0x2d: {  	s3 =	simm.s32 $0x108;
	s8 =	sld [smem:$0x3F9B]  }
0x2e: {  	s3 =	simm.s32 @!p0 $0x1082;
	s9 =	sld [smem:$0x3F9C]  }
0x2f: {  	lr =	sadd.s32 s0, s3;
	s0 =	sld [smem:$0x3F93]  }
0x30: {  	s3 =	sld [smem:$0x3F96]  }
0x31: {  	[smem:$0x3F9F] =	sst s10  }
0x32: {  	s10 =	sld [smem:$0x3F9D];
	_ =	sdelay $0x3  }
0x33: {  	p0 =	seq.s32 s10, $0x1;
	s10 =	sld [smem:$0x3F9F];
	_ =	sdelay $0x3  }
0x34: {  	[smem:$0x3F9F] =	sst s10  }
0x35: {  	s10 =	sld [smem:$0x3F9E];
	_ =	sdelay $0x3  }
0x36: {  	p1 =	seq.s32 s10, $0x1;
	s10 =	sld [smem:$0x3F9F];
	_ =	sdelay $0x3  }
0x37: {  	[smem:$0x3F9F] =	sst s10  }
0x38: {  	s10 =	sld [smem:$0x3FA0]  }
0x39: {  	_ = 	snop;
	(pc) =	sbr.ind lr, $3  }
0x3a: {  	_ = 	snop  }
0x3b: {  	_ = 	snop  }
0x3c: {  	p2 =	seq.s32 s10, $0x1;
	s10 =	sld [smem:$0x3F9F]  }
0x3d: {  	_ =	shalt  }
0x3e: {  	_ =	shalt  }
0x3f: {  	_ =	shalt  }
0x40: {  	_ =	shalt  }
0x41: {  	_ =	shalt  }
0x42: {  	_ =	shalt  }
0x43: {  	_ =	shalt  }
0x44: {  	_ =	shalt  }
0x45: {  	_ =	shalt  }
0x46: {  	_ =	shalt  }
0x47: {  	_ =	shalt  }
0x48: {  	_ =	shalt  }
0x49: {  	_ =	shalt  }
0x4a: {  	_ =	shalt  }
0x4b: {  	_ =	shalt  }
0x4c: {  	_ =	shalt  }
0x4d: {  	_ =	shalt  }
0x4e: {  	_ =	shalt  }
0x4f: {  	_ =	shalt  }
0x50: {  	_ =	shalt  }
0x51: {  	_ =	shalt  }
0x52: {  	_ =	shalt  }
0x53: {  	_ =	shalt  }
0x54: {  	_ =	shalt  }
0x55: {  	_ =	shalt  }
0x56: {  	_ =	shalt  }
0x57: {  	_ =	shalt  }
0x58: {  	_ =	shalt  }
0x59: {  	_ =	shalt  }
0x5a: {  	_ =	shalt  }
0x5b: {  	_ =	shalt  }
0x5c: {  	_ =	shalt  }
0x5d: {  	_ =	shalt  }
0x5e: {  	_ =	shalt  }
0x5f: {  	_ =	shalt  }
0x60: {  	_ =	shalt  }
0x61: {  	_ =	shalt  }
0x62: {  	_ =	shalt  }
0x63: {  	_ =	shalt  }
0x64: {  	_ =	shalt  }
0x65: {  	_ =	shalt  }
0x66: {  	_ =	shalt  }
0x67: {  	_ =	shalt  }
0x68: {  	_ =	shalt  }
0x69: {  	_ =	shalt  }
0x6a: {  	_ =	shalt  }
0x6b: {  	_ =	shalt  }
0x6c: {  	_ =	shalt  }
0x6d: {  	_ =	shalt  }
0x6e: {  	_ =	shalt  }
0x6f: {  	_ =	shalt  }
0x70: {  	_ =	shalt  }
0x71: {  	_ =	shalt  }
0x72: {  	_ =	shalt  }
0x73: {  	_ =	shalt  }
0x74: {  	_ =	shalt  }
0x75: {  	_ =	shalt  }
0x76: {  	_ =	shalt  }
0x77: {  	_ =	shalt  }
0x78: {  	_ =	shalt  }
0x79: {  	_ =	shalt  }
0x7a: {  	_ =	shalt  }
0x7b: {  	_ =	shalt  }
0x7c: {  	_ =	shalt  }
0x7d: {  	_ =	shalt  }
0x7e: {  	_ =	shalt  }
0x7f: {  	_ =	shalt  }
0x80: {  	_ =	shalt  }
0x81: {  	_ =	shalt  }
0x82: {  	_ =	shalt  }
0x83: {  	_ =	shalt  }
0x84: {  	_ =	shalt  }
0x85: {  	_ =	shalt  }
0x86: {  	_ =	shalt  }
0x87: {  	_ =	shalt  }
.Lfunc_end0:
.L_simem_size_0:
called_computation.1_lowered:
.L_overlay_start_0:
0x88: {  	s2 =	sld [smem:$0x3FD9]  }
0x89: {  	s3 =	sld [smem:$0x3FFE];
	_ =	sdelay $0x1  }
0x8a: {  	s1 =	srdreg.scid  }
0x8b: {  	s0 =	sand.u32 $0x1, s1  }
0x8c: {  	s16 =	sshll.u32 s0, $0xA;
	s2 =	sadd.s32 s3, s2  }
0x8d: {  	s2 =	sadd.s32 s2, s16  }
0x8e: {  	[smem:$0x3FAB] =	sst s2  }
0x8f: {  	_ = 	snop  }
0x90: {  	(tm) =	ssettm $0x1  }
0x91: {  	s17 =	sld [smem:$0x3FFB];
	_ =	sdelay $0x3  }
0x92: {  	_ =	strace s17  }
0x93: {  	s2 =	sld [smem:$0x3FFC];
	_ =	sdelay $0x3  }
0x94: {  	_ =	strace s2  }
0x95: {  	s2 =	sld [smem:$0x3FFD];
	_ =	sdelay $0x3  }
0x96: {  	_ =	strace s2  }
0x97: {  	_ =	strace $0x8FFFFFFF  }
0x98: {  	s18 =	sld [smem:$0x3FDB];
	_ =	sdelay $0x1  }
0x99: {  	s19 =	simm.s32 $_scs_section_size  }
0x9a: {  	s4 =	simm.s32 $_size__tile_overlayer_lowered;
	s5 =	simm.s32 $_tile_overlayer_lowered  }
0x9b: {  	s22 =	simm.s32 $0x1BFF;
	s21 =	sshll.u32 s5, $0x1;
	s2 =	sadd.s32 s19, s18  }
0x9c: {  	s6 =	simm.s32 $0x0;
	s20 =	sshll.u32 s4, $0x1;
	s4 =	sadd.s32 s21, s2  }
0x9d: {  	[timem:s6], [sflag:s22] =	dma.local [hbm:s4], s20  }
0x9e: {  	_ =	swait.ge [sflag:s22], s20  }
0x9f: {  	s3 =	ssub.s32 $0x0, s20;
	[sflag:s22] =	ssyncset.done $0x0  }
0xa0: {  	[sflag:s22] =	ssyncadd.s32 s3;
	_ =	sdelay $0x1  }
0xa1: {  	s23 =	simm.s32 $0x1B8B  }
0xa2: {  	_ =	swait.ge [sflag:s23], $0x1  }
0xa3: {  	[sflag:s23] =	ssyncset.done $0x0  }
0xa4: {  	s25 =	simm.s32 $0x1B8E;
	s24 =	sld [smem:$0x3FFE];
	[sflag:s23] =	ssyncadd.s32 $0xFFFFFFFF  }
0xa5: {  	s26 =	simm.s32 $execute0_lowered;
	[smem:$0x3FD2] =	sst s25  }
0xa6: {  	s4 =	sshll.u32 s26, $0x1;
	_ =	strace $0x80000049;
	[dreg:$0x1] =	wrdreg $0xFFFFFFFF  }
0xa7: {  	s28 =	simm.s32 $_size_execute0_lowered;
	s2 =	sadd.s32 s2, s4;
	[dreg:$0x0] =	wrdreg $0x0  }
0xa8: {  	s4 =	sshll.u32 s28, $0x1;
	[dreg:$0x2] =	wrdreg s2  }
0xa9: {  	[dreg:$0x3] =	wrdreg s4  }
0xaa: {  	[dreg:$0x4] =	wrdreg $0xC0  }
0xab: {  	_ =	task [dreg:s6], $0x5FFFF  }
0xac: {  	[dreg:$0x1] =	wrdreg $0xFFFFFFFF  }
0xad: {  	[dreg:$0x0] =	wrdreg $0x60  }
0xae: {  	[dreg:$0x2] =	wrdreg s24  }
0xaf: {  	[dreg:$0x3] =	wrdreg $0xF1400  }
0xb0: {  	[dreg:$0x4] =	wrdreg $0x18D800  }
0xb1: {  	[dreg:$0x5] =	wrdreg $0x9  }
0xb2: {  	_ =	task.clear_ibuf [dreg:s6], $0x6FFFF;
	_ =	strace $0x90000049  }
0xb3: {  	s29 =	simm.s32 $0x9;
	_ =	strace $0x8000004B  }
0xb4: {  	_ =	swait.ge [sflag:s29], $0x1  }
0xb5: {  	[sflag:s29] =	ssyncadd.s32 $0xFFFFFFFF  }
0xb6: {  	_ =	strace $0x9000004B  }
0xb7: {  	_ =	sfence  }
0xb8: {  	s30 =	sld [smem:$0x0];
	_ =	sdelay $0x2  }
0xb9: {  	s31 =	sshll.u32 s1, $0xD;
	s1 =	sshrl.u32 s1, $0x2  }
0xba: {  	s3 =	sand.u32 $0x4000, s31;
	s1 =	sadd.s32 s1, s30  }
0xbb: {  	s0 =	sor.u32 s3, s0;
	s1 =	sshll.u32 s1, $0x11  }
0xbc: {  	s0 =	sor.u32 s1, s0  }
0xbd: {  	s0 =	sadd.s32 $0x8F2B, s0  }
0xbe: {  	[sflag:s0] =	ssyncadd.remote.s32 $0x1  }
0xbf: {  	_ =	sfence.sel $0xFFFF  }
0xc0: {  	[dreg:$0x0] =	wrdreg $0xFFFFFFFF;
	(pc) =	sbr.abs _section_cstart, $3  }
0xc1: {  	[dreg:$0x1] =	wrdreg $0xFFFFFFFF  }
0xc2: {  	_ =	task.clear_ibuf [dreg:s6], $0x2FFFF;
	_ =	strace $0x9FFFFFFF  }
0xc3: {  	(tm) =	ssettm $0x7FFFFFFF  }
tec
execute0_lowered:
.L_overlay_start_1:
0x0: {  	(tag) =	ssettag $0x1  }
0x1: {  	s0 =	rddreg [dreg:$0x0]  }
0x2: {  	s1 =	rddreg [dreg:$0x1]  }
0x3: {  	s24 =	rddreg [dreg:$0x2];
	s4 =	simm.s32 $0x0;
	s25 =	stileid.u32  }
0x4: {  	s14 =	srdreg.scid;
	s30 =	simm.s32 $0x6EA0;
	s31 =	simm.s32 $0x2  }
0x5: {  	[smem:$0x7FF] =	sst s4;
	s5 =	sadd.s32 $0x4D800, s0;
	s6 =	sadd.s32 $0x74A00, s0  }
0x6: {  	s2 =	smul.u32 $0x9C00, s25;
	s7 =	sadd.s32 $0xBE000, s0;
	s8 =	sadd.s32 $0xD1A00, s0  }
0x7: {  	s3 =	smul.u32 $0x4E00, s25;
	s9 =	sadd.s32 $0x9BC00, s0;
	s10 =	sadd.s32 $0x12A00, s0  }
0x8: {  	s11 =	sadd.s32 $0x8C00, s0;
	s26 =	sand.u32 $0x1, s14;
	s29 =	sadd.s32 $0x244E00, s0  }
0x9: {  	s18 =	sadd.s32 $0x21DC00, s0;
	s21 =	sadd.s32 $0x26600, s0;
	p0 =	sne.s32 s25, $0xF  }
0xa: {  	_ =	strace $0x8000004A;
	s16 =	ssub.s32 $0x2, s26;
	s17 =	smul.u32 $0x9C400, s26  }
0xb: {  	s20 =	smul.u32 $0x4E200, s26;
	s12 =	sshrl.u32 s2, $0x3;
	s13 =	sshrl.u32 s3, $0x3  }
0xc: {  	s19 =	sshrl.u32 s16, $0x1;
	s28 =	sadd.s32 s2, s1;
	s15 =	sadd.s32 s12, s0  }
0xd: {  	s13 =	sadd.s32 s13, s0;
	s16 =	ssub.s32 s16, s19;
	s12 =	sshll.u32 s26, $0x4  }
0xe: {  	s23 =	sadd.s32 s2, s17;
	s22 =	sadd.s32 s3, s20;
	s17 =	sshrl.u32 s17, $0x3  }
0xf: {  	s3 =	sadd.s32 s3, s24;
	[dreg:$0x9] =	wrdreg s28;
	s19 =	sshrl.u32 s23, $0x3  }
0x10: {  	s22 =	sshrl.u32 s22, $0x3;
	s23 =	sadd.s32 $0x1C800, s13;
	[dreg:$0xe] =	wrdreg s3  }
0x11: {  	s20 =	sshrl.u32 s20, $0x3;
	s22 =	sadd.s32 s21, s22;
	[dreg:$0xc] =	wrdreg s23  }
0x12: {  	s17 =	sadd.s32 $0x13800, s17;
	s26 =	sadd.s32 s29, s19;
	[dreg:$0x4] =	wrdreg s22  }
0x13: {  	s12 =	sor.u32 s25, s12;
	s14 =	sadd.s32 s29, s17;
	[dreg:$0x5] =	wrdreg s26  }
0x14: {  	s20 =	sadd.s32 s21, s20;
	s29 =	sadd.s32 s18, s19;
	[dreg:$0x6] =	wrdreg s14  }
0x15: {  	s3 =	simm.s32 $0x0;
	s19 =	sadd.s32 s18, s17;
	[dreg:$0x7] =	wrdreg s29  }
0x16: {  	s21 =	sshll.u32 s25, $0x6;
	s20 =	sadd.s32 $0x9C00, s20;
	[dreg:$0x8] =	wrdreg s19  }
0x17: {  	v0 =	vimm.s32 $0xEFCDAB89;
	s23 =	sadd.s32 $0xE5400, s0;
	s22 =	sadd.s32 $0xAA600, s15;
	[dreg:$0x13] =	wrdreg s20  }
0x18: {  	v1 =	vimm.s32 $0x67452301;
	v2 =	vimm.s32 $0xDCFE98BA;
	s17 =	smul.u32 $0x140, s12;
	s29 =	sadd.s32 $0xBDE00, s0;
	[dreg:$0xa] =	wrdreg s22  }
0x19: {  	v3 =	vimm.s32 $0x54761032;
	v4 =	vimm.s32 $0xBA98FEDC;
	s14 =	sor.u32 $0x1C03, s21;
	s21 =	smax.u32 s16, $0x1;
	[dreg:$0xd] =	wrdreg s29  }
0x1a: {  	v5 =	vimm.s32 $0x32107654;
	v6 =	vimm.s32 $0xFEDCBA98;
	s25 =	simm.s32 $0x1;
	s26 =	smul.u32 $0xA, s12;
	[dreg:$0x15] =	wrdreg s21  }
0x1b: {  	v7 =	vimm.s32 $0x76543210;
	vm0 =	vmmov $0x1;
	v0 =	vunpack.c.l.s4.s8 v0;
	s22 =	sadd.s32 $0x58C600, s0;
	s0 =	sadd.s32 $0x26400, s0;
	[dreg:$0xb] =	wrdreg s14  }
0x1c: {  	v1 =	vunpack.c.l.s4.s8 v1;
	v2 =	vunpack.c.l.s4.s8 v2;
	v3 =	vunpack.c.l.s4.s8 v3;
	s15 =	smul.u32 $0xA0, s12;
	s29 =	sadd.s32 $0x4E000, s24;
	[dreg:$0xf] =	wrdreg s0  }
0x1d: {  	v4 =	vunpack.c.l.s4.s8 v4;
	v5 =	vunpack.c.l.s4.s8 v5;
	v6 =	vunpack.c.l.s4.s8 v6;
	s16 =	simm.s32 $0x3;
	s18 =	sadd.s32 s10, s26;
	[dreg:$0x17] =	wrdreg s29  }
.Ltmp0:
0x1e: {  	v7 =	vunpack.c.l.s4.s8 v7;
	v0 =	vunpack.c.0.s8.s32 v0;
	v1 =	vunpack.c.0.s8.s32 v1;
	s2 =	sadd.s32 s11, s26;
	[dreg:$0x10] =	wrdreg s18;
	(pc) =	sbr.rel .LBB2_1-.Ltmp0, $4  }
0x1f: {  	v2 =	vunpack.c.0.s8.s32 v2;
	v3 =	vunpack.c.0.s8.s32 v3;
	v6 =	vunpack.c.0.s8.s32 v6;
	s21 =	simm.s32 $0x50A0;
	s19 =	sadd.s32 s22, s15;
	[dreg:$0x11] =	wrdreg s2  }
0x20: {  	v4 =	vunpack.c.0.s8.s32 v4;
	v5 =	vunpack.c.0.s8.s32 v5;
	v7 =	vunpack.c.0.s8.s32 v7;
	s0 =	sadd.s32 s23, s17;
	s26 =	sadd.s32 $0x9C000, s1;
	[dreg:$0x12] =	wrdreg s19  }
0x21: {  	v0 =	vcombine.low v1, v0;
	v1 =	vcombine.low v3, v2;
	v3 =	vand.u32 $0xF, v6;
	s15 =	sor.u32 $0x40, s12;
	s17 =	simm.s32 $0x50;
	[dreg:$0x14] =	wrdreg s0  }
0x22: {  	v2 =	vcombine.low v5, v4;
	v4 =	vimm.s32 $0x0;
	v3 =	vcombine.low v3, v7;
	[dreg:$0x16] =	wrdreg s26;
	s26 =	simm.s32 $0x4;
	s0 =	simm.s32 $0x78F0  }
.LBB2_17:
0x23: {  	[bflag:$0x0] =	sbarrier.arrive $0xFFFF  }
0x24: {  	s2 =	rddreg [dreg:$0x7]  }
0x25: {  	s14 =	rddreg [dreg:$0xb]  }
0x26: {  	s3 =	rddreg [dreg:$0x19]  }
0x27: {  	[hbm:s2], [sflag:s14] =	dma.local [spmem:s3], $0x1380  }
0x28: {  	_ =	swait.ge [sflag:s16], $0x1380  }
0x29: {  	[sflag:s16] =	ssyncset.done $0x0;
	s2 =	rddreg [dreg:$0x8]  }
0x2a: {  	s3 =	rddreg [dreg:$0x1a];
	[sflag:s16] =	ssyncadd.s32 $0xFFFFEC80  }
0x2b: {  	[hbm:s2], [sflag:s14] =	dma.local @!p0 [spmem:s3], $0x80  }
0x2c: {  	s2 =	simm.s32 @!p0 $0x3  }
0x2d: {  	_ =	swait.ge @!p0 [sflag:s2], $0x80  }
0x2e: {  	s24 =	rddreg [dreg:$0x18]  }
0x2f: {  	s29 =	rddreg [dreg:$0x15];
	s3 =	sadd.s32 $0x1, s24  }
0x30: {  	p1 =	sne.s32 s3, s29  }
.Ltmp1:
0x31: {  	_ = 	snop;
	(pc) =	sbr.rel @!p1 .LBB2_18-.Ltmp1, $3  }
0x32: {  	[sflag:s2] =	ssyncset.done @!p0 $0x0  }
0x33: {  	[sflag:s2] =	ssyncadd.s32 @!p0 $0xFFFFFF80  }
0x34: {  	[bflag:$0x0] =	sbarrier.arrive $0xFFFF;
	_ =	sdelay $0x1  }
.LBB2_1:
0x35: {  	[dreg:$0x18] =	wrdreg s3  }
0x36: {  	s28 =	sshrl.u32 s28, $0x3;
	s2 =	rddreg [dreg:$0xa]  }
0x37: {  	[dreg:$0x19] =	wrdreg s28  }
0x38: {  	[spmem:s28], [sflag:s14] =	dma.local [hbm:s2], $0x1380  }
0x39: {  	_ =	swait.ge [sflag:s16], $0x1380  }
0x3a: {  	s29 =	rddreg [dreg:$0xe]  }
0x3b: {  	[sflag:s16] =	ssyncset.done $0x0;
	s13 =	rddreg [dreg:$0xc];
	s2 =	sshrl.u32 s29, $0x3  }
0x3c: {  	[sflag:s16] =	ssyncadd.s32 $0xFFFFEC80;
	[dreg:$0x1c] =	wrdreg s2  }
0x3d: {  	[spmem:s2], [sflag:s14] =	dma.local [hbm:s13], $0x9C0  }
0x3e: {  	_ =	swait.ge [sflag:s16], $0x9C0  }
0x3f: {  	s2 =	rddreg [dreg:$0x16]  }
0x40: {  	[sflag:s16] =	ssyncset.done $0x0;
	s3 =	sshrl.u32 @!p0 s2, $0x3;
	s2 =	rddreg [dreg:$0xd]  }
0x41: {  	[sflag:s16] =	ssyncadd.s32 $0xFFFFF640;
	[dreg:$0x1a] =	wrdreg s3  }
0x42: {  	[spmem:s3], [sflag:s14] =	dma.local @!p0 [hbm:s2], $0x80  }
0x43: {  	s2 =	simm.s32 @!p0 $0x3  }
0x44: {  	_ =	swait.ge @!p0 [sflag:s2], $0x80  }
0x45: {  	s3 =	rddreg [dreg:$0x17]  }
0x46: {  	[sflag:s2] =	ssyncset.done @!p0 $0x0;
	s13 =	sshrl.u32 @!p0 s3, $0x3;
	s3 =	rddreg [dreg:$0xf]  }
0x47: {  	[sflag:s2] =	ssyncadd.s32 @!p0 $0xFFFFFF80;
	[dreg:$0x1b] =	wrdreg s13  }
0x48: {  	[spmem:s13], [sflag:s14] =	dma.local @!p0 [hbm:s3], $0x40  }
0x49: {  	_ =	swait.ge @!p0 [sflag:s2], $0x40  }
0x4a: {  	[sflag:s2] =	ssyncset.done @!p0 $0x0  }
0x4b: {  	[sflag:s2] =	ssyncadd.s32 @!p0 $0xFFFFFFC0  }
0x4c: {  	[bflag:$0x0] =	sbarrier.arrive $0xFFFF  }
0x4d: {  	s14 =	rddreg [dreg:$0x10]  }
0x4e: {  	[tilespmem:s4], [sflag:$0x3] =	stream.linear.gather [hbm4b:s14+s4], $0x50, $0x38;
	[tilespmem:$0x1DBA0] =	vst v63  }
0x4f: {  	_ =	swait.ge [sflag:s16], $0x50  }
0x50: {  	[sflag:s16] =	ssyncset.done $0x0  }
0x51: {  	s18 =	rddreg [dreg:$0x11];
	[sflag:s16] =	ssyncadd.s32 $0xFFFFFFB0  }
0x52: {  	[tilespmem:s17], [sflag:$0x3] =	stream.linear.gather [hbm4b:s18+s4], $0x50, $0x38;
	[tilespmem:$0x1DBA0] =	vst v63  }
0x53: {  	_ =	swait.ge [sflag:s16], $0x50  }
0x54: {  	[sflag:s16] =	ssyncset.done $0x0  }
0x55: {  	s19 =	simm.s32 $0xA0;
	[sflag:s16] =	ssyncadd.s32 $0xFFFFFFB0  }
0x56: {  	[tilespmem:s19], [sflag:$0x1] =	stream.indirect.gather [hbm4b:s5+s17], $0x80, s17, s17, $0xb8;
	[tilespmem:$0x1DBA0] =	vst v63  }
0x57: {  	s20 =	simm.s32 $0x28A0  }
0x58: {  	[tilespmem:s20], [sflag:$0x1] =	stream.indirect.gather [hbm4b:s6+s17], $0x80, s4, s17, $0xb8;
	[tilespmem:$0x1DBA0] =	vst v63  }
0x59: {  	_ = 	snop  }
0x5a: {  	[tilespmem:s21], [sflag:$0x1] =	stream.indirect.gather [hbm4b:s7+s17], $0x40, s4, s17, $0xb8;
	[tilespmem:$0x1DBA0] =	vst v63  }
.Ltmp2:
0x5b: {  	_ = 	snop;
	(pc) =	sbr.rel .LBB2_2-.Ltmp2, $4  }
0x5c: {  	s24 =	simm.s32 $0x69A0  }
0x5d: {  	[tilespmem:s24], [sflag:$0x1] =	stream.indirect.gather [hbm4b:s9+s17], $0x10, s17, s17, $0xb8;
	[tilespmem:$0x1DBA0] =	vst v63  }
0x5e: {  	s29 =	simm.s32 $0x64A0;
	s18 =	simm.s32 $0x0;
	s28 =	rddreg [dreg:$0x12]  }
0x5f: {  	[tilespmem:s29], [sflag:$0x1] =	stream.linear.gather [hbm4b:s28+s4], $0x500, $0x38;
	[tilespmem:$0x1DBA0] =	vst v63  }
.LBB2_8:
0x60: {  	s18 =	sadd.s32 $0x1, s18  }
0x61: {  	p1 =	sne.s32 s18, $0x3F  }
.Ltmp3:
0x62: {  	_ = 	snop;
	(pc) =	sbr.rel @!p1 .LBB2_9-.Ltmp3, $1  }
0x63: {  	_ =	sdelay $0x3  }
.LBB2_2:
0x64: {  	s14 =	sshll.u32 s18, $0x6  }
0x65: {  	s2 =	sor.u32 $0x20, s14  }
0x66: {  	s19 =	sor.u32 s12, s2;
	p1 =	sgt.u32 s2, $0xF9F  }
0x67: {  	s2 =	smul.u32 @!p1 $0xA, s19;
	_ =	sdelay $0x1  }
0x68: {  	s13 =	simm.s32 @!p1 $0x0;
	s20 =	simm.s32 @!p1 $0x78A0;
	s3 =	sadd.s32 @!p1 s10, s2  }
0x69: {  	[tilespmem:s20], [sflag:$0x4] =	stream.linear.gather @!p1 [hbm4b:s3+s13], $0x50, $0x38;
	[tilespmem:$0x1DBA0] =	vst v63  }
0x6a: {  	s3 =	simm.s32 @!p1 $0x4  }
0x6b: {  	_ =	swait.ge @!p1 [sflag:s3], $0x50  }
0x6c: {  	[sflag:s3] =	ssyncset.done @!p1 $0x0  }
0x6d: {  	s24 =	simm.s32 @!p1 $0x78F0;
	s2 =	sadd.s32 @!p1 s11, s2;
	[sflag:s3] =	ssyncadd.s32 @!p1 $0xFFFFFFB0  }
0x6e: {  	[tilespmem:s24], [sflag:$0x4] =	stream.linear.gather @!p1 [hbm4b:s2+s13], $0x50, $0x38;
	[tilespmem:$0x1DBA0] =	vst v63  }
0x6f: {  	_ =	swait.ge @!p1 [sflag:s3], $0x50  }
0x70: {  	[sflag:s3] =	ssyncset.done @!p1 $0x0  }
0x71: {  	s2 =	simm.s32 @!p1 $0x50;
	[sflag:s3] =	ssyncadd.s32 @!p1 $0xFFFFFFB0;
	s3 =	simm.s32 @!p1 $0x7940  }
0x72: {  	[tilespmem:s3], [sflag:$0x2] =	stream.indirect.gather @!p1 [hbm4b:s5+s2], $0x80, s24, s2, $0xb8;
	[tilespmem:$0x1DBA0] =	vst v63  }
0x73: {  	s3 =	simm.s32 @!p1 $0xA140  }
0x74: {  	[tilespmem:s3], [sflag:$0x2] =	stream.indirect.gather @!p1 [hbm4b:s6+s2], $0x80, s20, s2, $0xb8;
	[tilespmem:$0x1DBA0] =	vst v63  }
0x75: {  	s3 =	simm.s32 @!p1 $0xC940  }
0x76: {  	[tilespmem:s3], [sflag:$0x2] =	stream.indirect.gather @!p1 [hbm4b:s7+s2], $0x40, s20, s2, $0xb8;
	[tilespmem:$0x1DBA0] =	vst v63  }
0x77: {  	s3 =	simm.s32 @!p1 $0xE240;
	s20 =	smul.u32 @!p1 $0xA0, s19  }
0x78: {  	[tilespmem:s3], [sflag:$0x2] =	stream.indirect.gather @!p1 [hbm4b:s9+s2], $0x10, s24, s2, $0xb8;
	[tilespmem:$0x1DBA0] =	vst v63  }
0x79: {  	s2 =	sadd.s32 @!p1 s22, s20;
	s3 =	simm.s32 @!p1 $0xDD40  }
0x7a: {  	[tilespmem:s3], [sflag:$0x2] =	stream.linear.gather @!p1 [hbm4b:s2+s13], $0x500, $0x38;
	[tilespmem:$0x1DBA0] =	vst v63  }
0x7b: {  	_ =	swait.ge [sflag:s25], $0x2800  }
0x7c: {  	[sflag:s25] =	ssyncset.done $0x0  }
0x7d: {  	[sflag:s25] =	ssyncadd.s32 $0xFFFFD800  }
0x7e: {  	_ =	swait.ge [sflag:s25], $0x2800  }
0x7f: {  	[sflag:s25] =	ssyncset.done $0x0  }
0x80: {  	[sflag:s25] =	ssyncadd.s32 $0xFFFFD800  }
0x81: {  	_ =	swait.ge [sflag:s25], $0x1400  }
0x82: {  	[sflag:s25] =	ssyncset.done $0x0  }
0x83: {  	[sflag:s25] =	ssyncadd.s32 $0xFFFFEC00  }
0x84: {  	_ =	swait.ge [sflag:s25], $0x500  }
0x85: {  	[sflag:s25] =	ssyncset.done $0x0  }
0x86: {  	[sflag:s25] =	ssyncadd.s32 $0xFFFFFB00  }
0x87: {  	_ =	swait.ge [sflag:s25], $0x500  }
0x88: {  	[sflag:s25] =	ssyncset.done $0x0  }
0x89: {  	s24 =	simm.s32 $0xE0;
	[sflag:s25] =	ssyncadd.s32 $0xFFFFFB00  }
0x8a: {  	s28 =	simm.s32 $0x28E0;
	v5 =	vld [tilespmem:s24+$0xFFFFFFC0]  }
0x8b: {  	s29 =	simm.s32 $0x0;
	v6 =	vld [tilespmem:s28+$0xFFFFFFC0]  }
0x8c: {  	v7 =	vld [tilespmem:s29+$0x64A0]  }
0x8d: {  	v8 =	vld [tilespmem:s29+$0x69A0]  }
0x8e: {  	v9 =	vld [tilespmem:s28+$0xFFFFFFD0]  }
0x8f: {  	v10 =	vld [tilespmem:s24+$0xFFFFFFD0]  }
0x90: {  	v11 =	vld [tilespmem:s28+$0xFFFFFFE0]  }
0x91: {  	v12 =	vld [tilespmem:s24+$0xFFFFFFE0]  }
0x92: {  	v5 =	vmul.f32 v6, v5;
	v6 =	vmul.f32 v8, v7;
	v7 =	vld [tilespmem:s28+$0xFFFFFFF0]  }
0x93: {  	v8 =	vld [tilespmem:s24+$0xFFFFFFF0]  }
0x94: {  	v57 =	vld [tilespmem:s28+$0x0];
	v5 =	vadd.f32 v5, v6;
	v6 =	vmul.f32 v9, v10  }
0x95: {  	v58 =	vld [tilespmem:s24+$0x0]  }
0x96: {  	v59 =	vld [tilespmem:s28+$0x10];
	v5 =	vadd.f32 v6, v5;
	v6 =	vmul.f32 v11, v12  }
0x97: {  	v60 =	vld [tilespmem:s24+$0x10]  }
0x98: {  	v5 =	vadd.f32 v6, v5;
	v6 =	vmul.f32 v7, v8;
	v7 =	vld [tilespmem:s28+$0x20]  }
0x99: {  	v8 =	vld [tilespmem:s24+$0x20]  }
0x9a: {  	v61 =	vld [tilespmem:s28+$0x30];
	v5 =	vadd.f32 v6, v5;
	v6 =	vmul.f32 v57, v58  }
0x9b: {  	v62 =	vld [tilespmem:s24+$0x30]  }
0x9c: {  	v5 =	vadd.f32 v6, v5;
	v6 =	vmul.f32 v59, v60;
	_ =	sdelay $0x1  }
0x9d: {  	v5 =	vadd.f32 v6, v5;
	v6 =	vmul.f32 v7, v8;
	_ =	sdelay $0x1  }
0x9e: {  	v5 =	vadd.f32 v6, v5;
	v6 =	vmul.f32 v61, v62;
	_ =	sdelay $0x1  }
0x9f: {  	v5 =	vadd.f32 v6, v5;
	_ =	sdelay $0x1  }
0xa0: {  	v6 =	vperm.xlane v5, v0;
	_ =	sdelay $0x1  }
0xa1: {  	v5 =	vadd.f32 v5, v6;
	_ =	sdelay $0x1  }
0xa2: {  	v6 =	vperm.xlane v5, v1;
	_ =	sdelay $0x1  }
0xa3: {  	v5 =	vadd.f32 v5, v6;
	_ =	sdelay $0x1  }
0xa4: {  	v6 =	vperm.xlane v5, v2;
	_ =	sdelay $0x1  }
0xa5: {  	v5 =	vadd.f32 v5, v6;
	_ =	sdelay $0x1  }
0xa6: {  	v6 =	vperm.xlane v5, v3;
	_ =	sdelay $0x1  }
0xa7: {  	v5 =	vadd.f32 v5, v6;
	_ =	sdelay $0x1  }
0xa8: {  	v5 =	vmul.f32 $8.838834610e-02, v5;
	_ =	sdelay $0x1  }
0xa9: {  	v5 =	vmul.f32 $1.442695020e+00, v5;
	_ =	sdelay $0x1  }
0xaa: {  	(erf) = vpow2.f32 v5;
	_ =	sdelay $0x3  }
0xab: {  	s24 =	simm.s32 $0x50C0  }
0xac: {  	v6 =	vld [tilespmem:s24+$0xFFFFFFE0]  }
0xad: {  	v7 =	vld [tilespmem:s24+$0x0]  }
0xae: {  	v8 =	vld [tilespmem:s24+$0x10]  }
0xaf: {  	v63 =	vld [tilespmem:s24+$0xFFFFFFF0]  }
0xb0: {  	v5 =	vpop (erf)  }
0xb1: {  	v6 =	vmul.f32 v5, v6  }
0xb2: {  	v7 =	vmul.f32 v5, v7  }
0xb3: {  	v8 =	vmul.f32 v8, v5;
	[tilespmem:s24+$0xFFFFFFE0] =	vst v6  }
0xb4: {  	s20 =	simm.s32 $0x6EB0;
	[tilespmem:s24+$0x0] =	vst v7;
	v6 =	vmul.f32 v5, v63  }
0xb5: {  	s13 =	simm.s32 $0x6EB0;
	s3 =	simm.s32 $0x40;
	s2 =	simm.s32 $0x160;
	[tilespmem:s24+$0x10] =	vst v8  }
.LBB2_3:
0xb6: {  	[tilespmem:s24+$0xFFFFFFF0] =	vst v6;
	s24 =	sadd.s32 $0x40, s24;
	s13 =	sadd.s32 $0x20, s13;
	s28 =	sadd.s32 $0x80, s28  }
0xb7: {  	p2 =	sne.s32 s3, $0x13C0;
	v7 =	vnsel vm0, $0x0, v5;
	v6 =	vld [tilespmem:s29+$0x64A0];
	s29 =	smov.u32 s3;
	s3 =	sadd.s32 $0x40, s3  }
0xb8: {  	[tilespmem:s20+$0x0] =	vst v7;
	_ =	sdelay $0x3  }
0xb9: {  	s29 =	sshra.s32 s29, $0x2;
	v5 =	vmul.f32 v6, v5;
	_ =	sdelay $0x1  }
0xba: {  	[tilespmem:s20+$0xFFFFFFF0] =	vst v5;
	s20 =	smov.u32 s13  }
0xbb: {  	v5 =	vld [tilespmem:s2+$0xFFFFFFC0]  }
0xbc: {  	v6 =	vld [tilespmem:s28+$0xFFFFFFC0]  }
0xbd: {  	v7 =	vld [tilespmem:s29+$0x64A0]  }
0xbe: {  	v8 =	vld [tilespmem:s29+$0x69A0]  }
0xbf: {  	v9 =	vld [tilespmem:s28+$0xFFFFFFD0]  }
0xc0: {  	v10 =	vld [tilespmem:s2+$0xFFFFFFD0]  }
0xc1: {  	v11 =	vld [tilespmem:s28+$0xFFFFFFE0]  }
0xc2: {  	v5 =	vmul.f32 v6, v5;
	v6 =	vld [tilespmem:s2+$0xFFFFFFE0]  }
0xc3: {  	v7 =	vmul.f32 v8, v7;
	v8 =	vld [tilespmem:s28+$0xFFFFFFF0]  }
0xc4: {  	v12 =	vld [tilespmem:s2+$0xFFFFFFF0]  }
0xc5: {  	v5 =	vadd.f32 v5, v7;
	v7 =	vmul.f32 v9, v10;
	v9 =	vld [tilespmem:s28+$0x0]  }
0xc6: {  	v10 =	vld [tilespmem:s2+$0x0]  }
0xc7: {  	v5 =	vadd.f32 v7, v5;
	v6 =	vmul.f32 v11, v6;
	v7 =	vld [tilespmem:s28+$0x10]  }
0xc8: {  	v11 =	vld [tilespmem:s2+$0x10]  }
0xc9: {  	v5 =	vadd.f32 v6, v5;
	v6 =	vmul.f32 v8, v12;
	v8 =	vld [tilespmem:s28+$0x20]  }
0xca: {  	v12 =	vld [tilespmem:s2+$0x20]  }
0xcb: {  	v5 =	vadd.f32 v6, v5;
	v6 =	vmul.f32 v9, v10;
	v9 =	vld [tilespmem:s28+$0x30]  }
0xcc: {  	v10 =	vld [tilespmem:s2+$0x30]  }
0xcd: {  	v5 =	vadd.f32 v6, v5;
	v6 =	vmul.f32 v7, v11;
	_ =	sdelay $0x1  }
0xce: {  	v5 =	vadd.f32 v6, v5;
	v6 =	vmul.f32 v8, v12;
	_ =	sdelay $0x1  }
0xcf: {  	v5 =	vadd.f32 v6, v5;
	v6 =	vmul.f32 v9, v10;
	_ =	sdelay $0x1  }
0xd0: {  	v5 =	vadd.f32 v6, v5;
	_ =	sdelay $0x1  }
0xd1: {  	v6 =	vperm.xlane v5, v0;
	_ =	sdelay $0x1  }
0xd2: {  	v5 =	vadd.f32 v5, v6;
	_ =	sdelay $0x1  }
0xd3: {  	v6 =	vperm.xlane v5, v1;
	_ =	sdelay $0x1  }
0xd4: {  	v5 =	vadd.f32 v5, v6;
	_ =	sdelay $0x1  }
0xd5: {  	v6 =	vperm.xlane v5, v2;
	_ =	sdelay $0x1  }
0xd6: {  	v5 =	vadd.f32 v5, v6;
	_ =	sdelay $0x1  }
0xd7: {  	v6 =	vperm.xlane v5, v3;
	_ =	sdelay $0x1  }
0xd8: {  	v5 =	vadd.f32 v5, v6;
	_ =	sdelay $0x1  }
0xd9: {  	v5 =	vmul.f32 $8.838834610e-02, v5;
	_ =	sdelay $0x1  }
0xda: {  	v5 =	vmul.f32 $1.442695020e+00, v5;
	_ =	sdelay $0x1  }
0xdb: {  	(erf) = vpow2.f32 v5;
	_ =	sdelay $0x2  }
0xdc: {  	v7 =	vld [tilespmem:s24+$0x10]  }
0xdd: {  	v6 =	vld [tilespmem:s24+$0xFFFFFFF0]  }
0xde: {  	v8 =	vld [tilespmem:s24+$0xFFFFFFE0]  }
0xdf: {  	v9 =	vld [tilespmem:s24+$0x0];
	_ =	sdelay $0x2  }
0xe0: {  	v5 =	vpop (erf)  }
.Ltmp4:
0xe1: {  	v8 =	vmul.f32 v5, v8;
	v6 =	vmul.f32 v5, v6;
	(pc) =	sbr.rel @p2 .LBB2_3-.Ltmp4, $4  }
0xe2: {  	v7 =	vmul.f32 v7, v5;
	v9 =	vmul.f32 v5, v9  }
0xe3: {  	[tilespmem:s24+$0xFFFFFFE0] =	vst v8  }
0xe4: {  	[tilespmem:s24+$0x0] =	vst v9  }
0xe5: {  	s2 =	sadd.s32 $0x80, s2;
	[tilespmem:s24+$0x10] =	vst v7  }
0xe6: {  	[tilespmem:s24+$0xFFFFFFF0] =	vst v6  }
0xe7: {  	v6 =	vld [tilespmem:s29+$0x64A0];
	_ =	sdelay $0x4  }
0xe8: {  	v7 =	vnsel vm0, $0x0, v5;
	v5 =	vmul.f32 v6, v5  }
0xe9: {  	[tilespmem:s20+$0x0] =	vst v7  }
0xea: {  	[tilespmem:s20+$0xFFFFFFF0] =	vst v5  }
0xeb: {  	[spmem:s1] =	stream.indirect.scatter.add.f32 [tilespmem:s21], [sflag:$0x4], $0x40, s17, s17, $0xb8;
	[tilespmem:$0x1DBA0] =	vst v63  }
0xec: {  	_ =	swait.ge [sflag:s26], $0x1400  }
0xed: {  	[sflag:s26] =	ssyncset.done $0x0  }
0xee: {  	[sflag:s26] =	ssyncadd.s32 $0xFFFFEC00  }
0xef: {  	s2 =	sor.u32 s12, s14;
	s3 =	rddreg [dreg:$0x2]  }
0xf0: {  	[spmem:s3] =	stream.indirect.scatter.add.f32 [tilespmem:s30], [sflag:$0x4], $0x20, s17, s17, $0xb8;
	[tilespmem:$0x1DBA0] =	vst v63  }
0xf1: {  	s2 =	smul.u32 $0x140, s2;
	_ =	swait.ge [sflag:s26], $0xA00  }
0xf2: {  	[sflag:s26] =	ssyncset.done $0x0  }
0xf3: {  	p2 =	seq.s32 s18, $0x3E;
	s2 =	sadd.s32 s23, s2;
	[sflag:s26] =	ssyncadd.s32 $0xFFFFF600  }
0xf4: {  	[hbm4b:s2+s4] =	stream.linear.scatter [tilespmem:s30], [sflag:$0x4], $0xA00, $0x38;
	[tilespmem:$0x1DBA0] =	vst v63  }
0xf5: {  	s2 =	sadd.s32 @!p2 s15, s14  }
0xf6: {  	_ =	swait.ge [sflag:s26], $0xA00;
	s3 =	smul.u32 @!p2 $0xA, s2  }
0xf7: {  	[sflag:s26] =	ssyncset.done $0x0  }
0xf8: {  	s14 =	simm.s32 @!p2 $0x0;
	[sflag:s26] =	ssyncadd.s32 $0xFFFFF600;
	s13 =	sadd.s32 @!p2 s10, s3  }
0xf9: {  	[tilespmem:s14], [sflag:$0x4] =	stream.linear.gather @!p2 [hbm4b:s13+s14], $0x50, $0x38;
	[tilespmem:$0x1DBA0] =	vst v63  }
0xfa: {  	s13 =	simm.s32 @!p2 $0x4  }
0xfb: {  	_ =	swait.ge @!p2 [sflag:s13], $0x50  }
0xfc: {  	[sflag:s13] =	ssyncset.done @!p2 $0x0  }
0xfd: {  	s20 =	simm.s32 @!p2 $0x50;
	s3 =	sadd.s32 @!p2 s11, s3;
	[sflag:s13] =	ssyncadd.s32 @!p2 $0xFFFFFFB0  }
0xfe: {  	[tilespmem:s20], [sflag:$0x4] =	stream.linear.gather @!p2 [hbm4b:s3+s14], $0x50, $0x38;
	[tilespmem:$0x1DBA0] =	vst v63  }
0xff: {  	_ =	swait.ge @!p2 [sflag:s13], $0x50  }
0x100: {  	[sflag:s13] =	ssyncset.done @!p2 $0x0  }
0x101: {  	s3 =	simm.s32 @!p2 $0xA0;
	[sflag:s13] =	ssyncadd.s32 @!p2 $0xFFFFFFB0  }
0x102: {  	[tilespmem:s3], [sflag:$0x1] =	stream.indirect.gather @!p2 [hbm4b:s5+s20], $0x80, s20, s20, $0xb8;
	[tilespmem:$0x1DBA0] =	vst v63  }
0x103: {  	s3 =	simm.s32 @!p2 $0x28A0  }
0x104: {  	[tilespmem:s3], [sflag:$0x1] =	stream.indirect.gather @!p2 [hbm4b:s6+s20], $0x80, s14, s20, $0xb8;
	[tilespmem:$0x1DBA0] =	vst v63  }
0x105: {  	s3 =	simm.s32 @!p2 $0x50A0  }
0x106: {  	[tilespmem:s3], [sflag:$0x1] =	stream.indirect.gather @!p2 [hbm4b:s7+s20], $0x40, s14, s20, $0xb8;
	[tilespmem:$0x1DBA0] =	vst v63  }
.Ltmp5:
0x107: {  	_ = 	snop;
	(pc) =	sbr.rel @p1 .LBB2_8-.Ltmp5, $4  }
0x108: {  	s2 =	smul.u32 @!p2 $0xA0, s2;
	s3 =	simm.s32 @!p2 $0x69A0  }
0x109: {  	[tilespmem:s3], [sflag:$0x1] =	stream.indirect.gather @!p2 [hbm4b:s9+s20], $0x10, s20, s20, $0xb8;
	[tilespmem:$0x1DBA0] =	vst v63  }
0x10a: {  	s2 =	sadd.s32 @!p2 s22, s2;
	s3 =	simm.s32 @!p2 $0x64A0  }
0x10b: {  	[tilespmem:s3], [sflag:$0x1] =	stream.linear.gather @!p2 [hbm4b:s2+s14], $0x500, $0x38;
	[tilespmem:$0x1DBA0] =	vst v63  }
0x10c: {  	_ =	swait.ge [sflag:s31], $0x2800  }
0x10d: {  	[sflag:s31] =	ssyncset.done $0x0  }
0x10e: {  	[sflag:s31] =	ssyncadd.s32 $0xFFFFD800  }
0x10f: {  	_ =	swait.ge [sflag:s31], $0x2800  }
0x110: {  	[sflag:s31] =	ssyncset.done $0x0  }
0x111: {  	[sflag:s31] =	ssyncadd.s32 $0xFFFFD800  }
0x112: {  	_ =	swait.ge [sflag:s31], $0x1400  }
0x113: {  	[sflag:s31] =	ssyncset.done $0x0  }
0x114: {  	[sflag:s31] =	ssyncadd.s32 $0xFFFFEC00  }
0x115: {  	_ =	swait.ge [sflag:s31], $0x500  }
0x116: {  	[sflag:s31] =	ssyncset.done $0x0  }
0x117: {  	[sflag:s31] =	ssyncadd.s32 $0xFFFFFB00  }
0x118: {  	_ =	swait.ge [sflag:s31], $0x500  }
0x119: {  	[sflag:s31] =	ssyncset.done $0x0  }
0x11a: {  	s2 =	simm.s32 $0x7980;
	[sflag:s31] =	ssyncadd.s32 $0xFFFFFB00  }
0x11b: {  	s14 =	simm.s32 $0xA180;
	v5 =	vld [tilespmem:s2+$0xFFFFFFC0]  }
0x11c: {  	s28 =	simm.s32 $0x0;
	v6 =	vld [tilespmem:s14+$0xFFFFFFC0]  }
0x11d: {  	v7 =	vld [tilespmem:s28+$0xDD40]  }
0x11e: {  	v8 =	vld [tilespmem:s28+$0xE240]  }
0x11f: {  	v9 =	vld [tilespmem:s14+$0xFFFFFFD0]  }
0x120: {  	v10 =	vld [tilespmem:s2+$0xFFFFFFD0]  }
0x121: {  	v11 =	vld [tilespmem:s14+$0xFFFFFFE0]  }
0x122: {  	v12 =	vld [tilespmem:s2+$0xFFFFFFE0]  }
0x123: {  	v5 =	vmul.f32 v6, v5;
	v6 =	vmul.f32 v8, v7;
	v7 =	vld [tilespmem:s14+$0xFFFFFFF0]  }
0x124: {  	v8 =	vld [tilespmem:s2+$0xFFFFFFF0]  }
0x125: {  	v57 =	vld [tilespmem:s14+$0x0];
	v5 =	vadd.f32 v5, v6;
	v6 =	vmul.f32 v9, v10  }
0x126: {  	v58 =	vld [tilespmem:s2+$0x0]  }
0x127: {  	v59 =	vld [tilespmem:s14+$0x10];
	v5 =	vadd.f32 v6, v5;
	v6 =	vmul.f32 v11, v12  }
0x128: {  	v60 =	vld [tilespmem:s2+$0x10]  }
0x129: {  	v5 =	vadd.f32 v6, v5;
	v6 =	vmul.f32 v7, v8;
	v7 =	vld [tilespmem:s14+$0x20]  }
0x12a: {  	v8 =	vld [tilespmem:s2+$0x20]  }
0x12b: {  	v61 =	vld [tilespmem:s14+$0x30];
	v5 =	vadd.f32 v6, v5;
	v6 =	vmul.f32 v57, v58  }
0x12c: {  	v62 =	vld [tilespmem:s2+$0x30]  }
0x12d: {  	v5 =	vadd.f32 v6, v5;
	v6 =	vmul.f32 v59, v60;
	_ =	sdelay $0x1  }
0x12e: {  	v5 =	vadd.f32 v6, v5;
	v6 =	vmul.f32 v7, v8;
	_ =	sdelay $0x1  }
0x12f: {  	v5 =	vadd.f32 v6, v5;
	v6 =	vmul.f32 v61, v62;
	_ =	sdelay $0x1  }
0x130: {  	v5 =	vadd.f32 v6, v5;
	_ =	sdelay $0x1  }
0x131: {  	v6 =	vperm.xlane v5, v0;
	_ =	sdelay $0x1  }
0x132: {  	v5 =	vadd.f32 v5, v6;
	_ =	sdelay $0x1  }
0x133: {  	v6 =	vperm.xlane v5, v1;
	_ =	sdelay $0x1  }
0x134: {  	v5 =	vadd.f32 v5, v6;
	_ =	sdelay $0x1  }
0x135: {  	v6 =	vperm.xlane v5, v2;
	_ =	sdelay $0x1  }
0x136: {  	v5 =	vadd.f32 v5, v6;
	_ =	sdelay $0x1  }
0x137: {  	v6 =	vperm.xlane v5, v3;
	_ =	sdelay $0x1  }
0x138: {  	v5 =	vadd.f32 v5, v6;
	_ =	sdelay $0x1  }
0x139: {  	v5 =	vmul.f32 $8.838834610e-02, v5;
	_ =	sdelay $0x1  }
0x13a: {  	v5 =	vmul.f32 $1.442695020e+00, v5;
	_ =	sdelay $0x1  }
0x13b: {  	(erf) = vpow2.f32 v5;
	_ =	sdelay $0x3  }
0x13c: {  	s24 =	simm.s32 $0xC960  }
0x13d: {  	v6 =	vld [tilespmem:s24+$0xFFFFFFE0]  }
0x13e: {  	v7 =	vld [tilespmem:s24+$0x0]  }
0x13f: {  	v8 =	vld [tilespmem:s24+$0x10]  }
0x140: {  	v63 =	vld [tilespmem:s24+$0xFFFFFFF0]  }
0x141: {  	v5 =	vpop (erf)  }
0x142: {  	v6 =	vmul.f32 v5, v6  }
0x143: {  	v7 =	vmul.f32 v5, v7  }
0x144: {  	v8 =	vmul.f32 v8, v5;
	[tilespmem:s24+$0xFFFFFFE0] =	vst v6  }
0x145: {  	s13 =	simm.s32 $0x6EB0;
	[tilespmem:s24+$0x0] =	vst v7;
	v6 =	vmul.f32 v5, v63  }
0x146: {  	s3 =	simm.s32 $0x40;
	s20 =	simm.s32 $0x6EB0;
	s2 =	simm.s32 $0x7A00;
	[tilespmem:s24+$0x10] =	vst v8  }
.LBB2_6:
0x147: {  	[tilespmem:s24+$0xFFFFFFF0] =	vst v6;
	s24 =	sadd.s32 $0x40, s24;
	s13 =	sadd.s32 $0x20, s13;
	s14 =	sadd.s32 $0x80, s14  }
0x148: {  	p1 =	sne.s32 s3, $0x13C0;
	v7 =	vnsel vm0, $0x0, v5;
	v6 =	vld [tilespmem:s28+$0xDD40];
	s28 =	smov.u32 s3;
	s3 =	sadd.s32 $0x40, s3  }
0x149: {  	[tilespmem:s20+$0x0] =	vst v7;
	_ =	sdelay $0x3  }
0x14a: {  	s28 =	sshra.s32 s28, $0x2;
	v5 =	vmul.f32 v6, v5;
	_ =	sdelay $0x1  }
0x14b: {  	[tilespmem:s20+$0xFFFFFFF0] =	vst v5;
	s20 =	smov.u32 s13  }
0x14c: {  	v5 =	vld [tilespmem:s2+$0xFFFFFFC0]  }
0x14d: {  	v6 =	vld [tilespmem:s14+$0xFFFFFFC0]  }
0x14e: {  	v7 =	vld [tilespmem:s28+$0xDD40]  }
0x14f: {  	v8 =	vld [tilespmem:s28+$0xE240]  }
0x150: {  	v9 =	vld [tilespmem:s14+$0xFFFFFFD0]  }
0x151: {  	v10 =	vld [tilespmem:s2+$0xFFFFFFD0]  }
0x152: {  	v11 =	vld [tilespmem:s14+$0xFFFFFFE0]  }
0x153: {  	v5 =	vmul.f32 v6, v5;
	v6 =	vld [tilespmem:s2+$0xFFFFFFE0]  }
0x154: {  	v7 =	vmul.f32 v8, v7;
	v8 =	vld [tilespmem:s14+$0xFFFFFFF0]  }
0x155: {  	v12 =	vld [tilespmem:s2+$0xFFFFFFF0]  }
0x156: {  	v5 =	vadd.f32 v5, v7;
	v7 =	vmul.f32 v9, v10;
	v9 =	vld [tilespmem:s14+$0x0]  }
0x157: {  	v10 =	vld [tilespmem:s2+$0x0]  }
0x158: {  	v5 =	vadd.f32 v7, v5;
	v6 =	vmul.f32 v11, v6;
	v7 =	vld [tilespmem:s14+$0x10]  }
0x159: {  	v11 =	vld [tilespmem:s2+$0x10]  }
0x15a: {  	v5 =	vadd.f32 v6, v5;
	v6 =	vmul.f32 v8, v12;
	v8 =	vld [tilespmem:s14+$0x20]  }
0x15b: {  	v12 =	vld [tilespmem:s2+$0x20]  }
0x15c: {  	v5 =	vadd.f32 v6, v5;
	v6 =	vmul.f32 v9, v10;
	v9 =	vld [tilespmem:s14+$0x30]  }
0x15d: {  	v10 =	vld [tilespmem:s2+$0x30]  }
0x15e: {  	v5 =	vadd.f32 v6, v5;
	v6 =	vmul.f32 v7, v11;
	_ =	sdelay $0x1  }
0x15f: {  	v5 =	vadd.f32 v6, v5;
	v6 =	vmul.f32 v8, v12;
	_ =	sdelay $0x1  }
0x160: {  	v5 =	vadd.f32 v6, v5;
	v6 =	vmul.f32 v9, v10;
	_ =	sdelay $0x1  }
0x161: {  	v5 =	vadd.f32 v6, v5;
	_ =	sdelay $0x1  }
0x162: {  	v6 =	vperm.xlane v5, v0;
	_ =	sdelay $0x1  }
0x163: {  	v5 =	vadd.f32 v5, v6;
	_ =	sdelay $0x1  }
0x164: {  	v6 =	vperm.xlane v5, v1;
	_ =	sdelay $0x1  }
0x165: {  	v5 =	vadd.f32 v5, v6;
	_ =	sdelay $0x1  }
0x166: {  	v6 =	vperm.xlane v5, v2;
	_ =	sdelay $0x1  }
0x167: {  	v5 =	vadd.f32 v5, v6;
	_ =	sdelay $0x1  }
0x168: {  	v6 =	vperm.xlane v5, v3;
	_ =	sdelay $0x1  }
0x169: {  	v5 =	vadd.f32 v5, v6;
	_ =	sdelay $0x1  }
0x16a: {  	v5 =	vmul.f32 $8.838834610e-02, v5;
	_ =	sdelay $0x1  }
0x16b: {  	v5 =	vmul.f32 $1.442695020e+00, v5;
	_ =	sdelay $0x1  }
0x16c: {  	(erf) = vpow2.f32 v5;
	_ =	sdelay $0x2  }
0x16d: {  	v7 =	vld [tilespmem:s24+$0x10]  }
0x16e: {  	v6 =	vld [tilespmem:s24+$0xFFFFFFF0]  }
0x16f: {  	v8 =	vld [tilespmem:s24+$0xFFFFFFE0]  }
0x170: {  	v9 =	vld [tilespmem:s24+$0x0];
	_ =	sdelay $0x2  }
0x171: {  	v5 =	vpop (erf)  }
.Ltmp6:
0x172: {  	v8 =	vmul.f32 v5, v8;
	v6 =	vmul.f32 v5, v6;
	(pc) =	sbr.rel @p1 .LBB2_6-.Ltmp6, $4  }
0x173: {  	v7 =	vmul.f32 v7, v5;
	v9 =	vmul.f32 v5, v9  }
0x174: {  	[tilespmem:s24+$0xFFFFFFE0] =	vst v8  }
0x175: {  	[tilespmem:s24+$0x0] =	vst v9  }
0x176: {  	s2 =	sadd.s32 $0x80, s2;
	[tilespmem:s24+$0x10] =	vst v7  }
0x177: {  	[tilespmem:s24+$0xFFFFFFF0] =	vst v6  }
0x178: {  	v6 =	vld [tilespmem:s28+$0xDD40];
	_ =	sdelay $0x4  }
0x179: {  	v7 =	vnsel vm0, $0x0, v5;
	v5 =	vmul.f32 v6, v5  }
0x17a: {  	[tilespmem:s20+$0x0] =	vst v7  }
0x17b: {  	s2 =	simm.s32 $0xC940;
	[tilespmem:s20+$0xFFFFFFF0] =	vst v5  }
0x17c: {  	[spmem:s1] =	stream.indirect.scatter.add.f32 [tilespmem:s2], [sflag:$0x4], $0x40, s0, s17, $0xb8;
	[tilespmem:$0x1DBA0] =	vst v63  }
0x17d: {  	_ =	swait.ge [sflag:s26], $0x1400  }
0x17e: {  	[sflag:s26] =	ssyncset.done $0x0  }
0x17f: {  	[sflag:s26] =	ssyncadd.s32 $0xFFFFEC00  }
0x180: {  	s28 =	rddreg [dreg:$0x2]  }
0x181: {  	[spmem:s28] =	stream.indirect.scatter.add.f32 [tilespmem:s30], [sflag:$0x4], $0x20, s0, s17, $0xb8;
	[tilespmem:$0x1DBA0] =	vst v63  }
0x182: {  	s29 =	smul.u32 $0x140, s19;
	_ =	swait.ge [sflag:s26], $0xA00  }
0x183: {  	[sflag:s26] =	ssyncset.done $0x0  }
.Ltmp7:
0x184: {  	s2 =	sadd.s32 s23, s29;
	[sflag:s26] =	ssyncadd.s32 $0xFFFFF600;
	(pc) =	sbr.rel .LBB2_8-.Ltmp7, $4  }
0x185: {  	[hbm4b:s2+s4] =	stream.linear.scatter [tilespmem:s30], [sflag:$0x3], $0xA00, $0x38;
	[tilespmem:$0x1DBA0] =	vst v63  }
0x186: {  	_ =	swait.ge [sflag:s16], $0xA00  }
0x187: {  	[sflag:s16] =	ssyncset.done $0x0  }
0x188: {  	[sflag:s16] =	ssyncadd.s32 $0xFFFFF600  }
.LBB2_9:
0x189: {  	[bflag:$0x0] =	sbarrier.arrive $0xFFFF  }
0x18a: {  	s2 =	rddreg [dreg:$0x5]  }
0x18b: {  	s14 =	rddreg [dreg:$0xb]  }
0x18c: {  	s3 =	rddreg [dreg:$0x19]  }
0x18d: {  	[hbm:s2], [sflag:s14] =	dma.local [spmem:s3], $0x1380  }
0x18e: {  	_ =	swait.ge [sflag:s16], $0x1380  }
0x18f: {  	[sflag:s16] =	ssyncset.done $0x0;
	s18 =	rddreg [dreg:$0x4]  }
0x190: {  	s19 =	rddreg [dreg:$0x1c];
	[sflag:s16] =	ssyncadd.s32 $0xFFFFEC80  }
0x191: {  	[hbm:s18], [sflag:s14] =	dma.local [spmem:s19], $0x9C0  }
0x192: {  	_ =	swait.ge [sflag:s16], $0x9C0  }
0x193: {  	[sflag:s16] =	ssyncset.done $0x0  }
0x194: {  	[sflag:s16] =	ssyncadd.s32 $0xFFFFF640  }
0x195: {  	[bflag:$0x0] =	sbarrier.arrive @p0 $0xFFFF  }
0x196: {  	s28 =	rddreg [dreg:$0x9]  }
0x197: {  	s13 =	rddreg [dreg:$0xa];
	s2 =	sshrl.u32 @p0 s28, $0x3  }
0x198: {  	[spmem:s2], [sflag:s14] =	dma.local @p0 [hbm:s13], $0x1380  }
0x199: {  	s2 =	simm.s32 @p0 $0x3  }
0x19a: {  	_ =	swait.ge @p0 [sflag:s2], $0x1380  }
0x19b: {  	[sflag:s2] =	ssyncset.done @p0 $0x0;
	s18 =	rddreg [dreg:$0x1a]  }
0x19c: {  	[sflag:s2] =	ssyncadd.s32 @p0 $0xFFFFEC80;
	s2 =	rddreg [dreg:$0x6]  }
0x19d: {  	[hbm:s2], [sflag:s14] =	dma.local @!p0 [spmem:s18], $0x80  }
0x19e: {  	s2 =	simm.s32 @!p0 $0x3  }
0x19f: {  	_ =	swait.ge @!p0 [sflag:s2], $0x80  }
0x1a0: {  	[sflag:s2] =	ssyncset.done @!p0 $0x0;
	s3 =	rddreg [dreg:$0x13]  }
0x1a1: {  	s19 =	rddreg [dreg:$0x1b];
	[sflag:s2] =	ssyncadd.s32 @!p0 $0xFFFFFF80  }
0x1a2: {  	[hbm:s3], [sflag:s14] =	dma.local @!p0 [spmem:s19], $0x40  }
0x1a3: {  	_ =	swait.ge @!p0 [sflag:s2], $0x40  }
0x1a4: {  	[sflag:s2] =	ssyncset.done @!p0 $0x0  }
0x1a5: {  	[sflag:s2] =	ssyncadd.s32 @!p0 $0xFFFFFFC0  }
0x1a6: {  	s3 =	sshrl.u32 @!p0 s28, $0x3;
	[bflag:$0x0] =	sbarrier.arrive @!p0 $0xFFFF  }
0x1a7: {  	[spmem:s3], [sflag:s14] =	dma.local @!p0 [hbm:s13], $0x1380  }
0x1a8: {  	_ =	swait.ge @!p0 [sflag:s2], $0x1380  }
0x1a9: {  	[sflag:s2] =	ssyncset.done @!p0 $0x0  }
0x1aa: {  	s3 =	rddreg [dreg:$0xd];
	[sflag:s2] =	ssyncadd.s32 @!p0 $0xFFFFEC80  }
0x1ab: {  	[spmem:s18], [sflag:s14] =	dma.local @!p0 [hbm:s3], $0x80  }
0x1ac: {  	_ =	swait.ge @!p0 [sflag:s2], $0x80  }
0x1ad: {  	[sflag:s2] =	ssyncset.done @!p0 $0x0  }
0x1ae: {  	[sflag:s2] =	ssyncadd.s32 @!p0 $0xFFFFFF80  }
0x1af: {  	[bflag:$0x0] =	sbarrier.arrive $0xFFFF  }
0x1b0: {  	s14 =	simm.s32 $0x0;
	s20 =	rddreg [dreg:$0x10]  }
0x1b1: {  	[tilespmem:s14], [sflag:$0x3] =	stream.linear.gather [hbm4b:s20+s14], $0x50, $0x38;
	[tilespmem:$0x1DBA0] =	vst v63  }
0x1b2: {  	_ =	swait.ge [sflag:s16], $0x50  }
0x1b3: {  	[sflag:s16] =	ssyncset.done $0x0  }
0x1b4: {  	s24 =	rddreg [dreg:$0x11];
	[sflag:s16] =	ssyncadd.s32 $0xFFFFFFB0  }
0x1b5: {  	[tilespmem:s17], [sflag:$0x3] =	stream.linear.gather [hbm4b:s24+s14], $0x50, $0x38;
	[tilespmem:$0x1DBA0] =	vst v63  }
0x1b6: {  	_ =	swait.ge [sflag:s16], $0x50  }
.Ltmp8:
0x1b7: {  	[sflag:s16] =	ssyncset.done $0x0;
	(pc) =	sbr.rel .LBB2_10-.Ltmp8, $4  }
0x1b8: {  	[sflag:s16] =	ssyncadd.s32 $0xFFFFFFB0  }
0x1b9: {  	[tilespmem:s21], [sflag:$0x1] =	stream.indirect.gather [hbm4b:s8+s17], $0x40, s14, s17, $0xb8;
	[tilespmem:$0x1DBA0] =	vst v63  }
0x1ba: {  	s29 =	rddreg [dreg:$0x14]  }
0x1bb: {  	[tilespmem:s30], [sflag:$0x1] =	stream.linear.gather [hbm4b:s29+s14], $0xA00, $0x38;
	[tilespmem:$0x1DBA0] =	vst v63  }
.LBB2_16:
0x1bc: {  	s14 =	sadd.s32 $0x1, s14  }
0x1bd: {  	p1 =	sne.s32 s14, $0x3F  }
.Ltmp9:
0x1be: {  	_ = 	snop;
	(pc) =	sbr.rel @!p1 .LBB2_17-.Ltmp9, $1  }
0x1bf: {  	_ =	sdelay $0x3  }
.LBB2_10:
0x1c0: {  	s2 =	sshll.u32 s14, $0x6  }
0x1c1: {  	s3 =	sor.u32 $0x20, s2  }
0x1c2: {  	p1 =	sgt.u32 s3, $0xF9F  }
0x1c3: {  	s3 =	sor.u32 @!p1 s12, s3  }
0x1c4: {  	s13 =	smul.u32 @!p1 $0xA, s3;
	_ =	sdelay $0x1  }
0x1c5: {  	s19 =	simm.s32 @!p1 $0x0;
	s20 =	simm.s32 @!p1 $0x78A0;
	s18 =	sadd.s32 @!p1 s10, s13  }
0x1c6: {  	[tilespmem:s20], [sflag:$0x4] =	stream.linear.gather @!p1 [hbm4b:s18+s19], $0x50, $0x38;
	[tilespmem:$0x1DBA0] =	vst v63  }
0x1c7: {  	s18 =	simm.s32 @!p1 $0x4  }
0x1c8: {  	_ =	swait.ge @!p1 [sflag:s18], $0x50  }
0x1c9: {  	[sflag:s18] =	ssyncset.done @!p1 $0x0  }
0x1ca: {  	s24 =	simm.s32 @!p1 $0x78F0;
	s13 =	sadd.s32 @!p1 s11, s13;
	[sflag:s18] =	ssyncadd.s32 @!p1 $0xFFFFFFB0  }
0x1cb: {  	[tilespmem:s24], [sflag:$0x4] =	stream.linear.gather @!p1 [hbm4b:s13+s19], $0x50, $0x38;
	[tilespmem:$0x1DBA0] =	vst v63  }
0x1cc: {  	_ =	swait.ge @!p1 [sflag:s18], $0x50  }
0x1cd: {  	s3 =	smul.u32 @!p1 $0x140, s3;
	[sflag:s18] =	ssyncset.done @!p1 $0x0  }
0x1ce: {  	s13 =	simm.s32 @!p1 $0x50;
	[sflag:s18] =	ssyncadd.s32 @!p1 $0xFFFFFFB0;
	s18 =	simm.s32 @!p1 $0xC940  }
0x1cf: {  	[tilespmem:s18], [sflag:$0x2] =	stream.indirect.gather @!p1 [hbm4b:s8+s13], $0x40, s20, s13, $0xb8;
	[tilespmem:$0x1DBA0] =	vst v63  }
0x1d0: {  	s3 =	sadd.s32 @!p1 s23, s3;
	s13 =	simm.s32 @!p1 $0xE740  }
0x1d1: {  	[tilespmem:s13], [sflag:$0x2] =	stream.linear.gather @!p1 [hbm4b:s3+s19], $0xA00, $0x38;
	[tilespmem:$0x1DBA0] =	vst v63  }
0x1d2: {  	_ =	swait.ge [sflag:s25], $0x1400  }
0x1d3: {  	[sflag:s25] =	ssyncset.done $0x0  }
0x1d4: {  	[sflag:s25] =	ssyncadd.s32 $0xFFFFEC00  }
0x1d5: {  	_ =	swait.ge [sflag:s25], $0xA00  }
0x1d6: {  	[sflag:s25] =	ssyncset.done $0x0  }
0x1d7: {  	s3 =	simm.s32 $0x50C0;
	[sflag:s25] =	ssyncadd.s32 $0xFFFFF600  }
0x1d8: {  	s18 =	simm.s32 $0xC0;
	s19 =	simm.s32 $0x10;
	s13 =	simm.s32 $0x50C0;
	v5 =	vld [tilespmem:s3+$0xFFFFFFF0]  }
.LBB2_11:
0x1d9: {  	p2 =	sne.s32 s18, $0x27C0;
	v6 =	vld [tilespmem:s19+$0x6EA0]  }
0x1da: {  	v7 =	vld [tilespmem:s3+$0x10]  }
0x1db: {  	v8 =	vld [tilespmem:s3+$0xFFFFFFE0]  }
0x1dc: {  	v9 =	vld [tilespmem:s3+$0x0];
	_ =	sdelay $0x1  }
0x1dd: {  	v6 =	vperm.xlane v6, v4;
	_ =	sdelay $0x1  }
0x1de: {  	v8 =	vmul.f32 v8, v6;
	v5 =	vmul.f32 v5, v6  }
.Ltmp10:
0x1df: {  	v9 =	vmul.f32 v9, v6;
	v6 =	vmul.f32 v7, v6;
	(pc) =	sbr.rel @p2 .LBB2_11-.Ltmp10, $4  }
0x1e0: {  	[tilespmem:s3+$0xFFFFFFE0] =	vst v8  }
0x1e1: {  	[tilespmem:s3+$0xFFFFFFF0] =	vst v5  }
0x1e2: {  	s3 =	sadd.s32 $0x40, s3;
	[tilespmem:s13+$0x0] =	vst v9  }
0x1e3: {  	s19 =	sshra.s32 s18, $0x2;
	s18 =	sadd.s32 $0x80, s18;
	v5 =	vld [tilespmem:s3+$0xFFFFFFF0];
	[tilespmem:s13+$0x10] =	vst v6;
	s13 =	smov.u32 s3  }
0x1e4: {  	v6 =	vld [tilespmem:s19+$0x6EA0];
	_ =	sdelay $0x1  }
0x1e5: {  	v7 =	vld [tilespmem:s3+$0xFFFFFFE0];
	_ =	sdelay $0x1  }
0x1e6: {  	v8 =	vld [tilespmem:s3+$0x0]  }
0x1e7: {  	v9 =	vld [tilespmem:s3+$0x10];
	v6 =	vperm.xlane v6, v4;
	_ =	sdelay $0x1  }
0x1e8: {  	v7 =	vmul.f32 v7, v6  }
0x1e9: {  	v5 =	vmul.f32 v5, v6  }
0x1ea: {  	v8 =	vmul.f32 v8, v6;
	[tilespmem:s3+$0xFFFFFFE0] =	vst v7  }
0x1eb: {  	v6 =	vmul.f32 v9, v6;
	[tilespmem:s3+$0xFFFFFFF0] =	vst v5  }
0x1ec: {  	p2 =	seq.s32 s14, $0x3E;
	[tilespmem:s13+$0x0] =	vst v8  }
0x1ed: {  	s2 =	sadd.s32 @!p2 s15, s2;
	[tilespmem:s13+$0x10] =	vst v6  }
0x1ee: {  	[spmem:s1] =	stream.indirect.scatter.add.f32 [tilespmem:s21], [sflag:$0x4], $0x40, s17, s17, $0xb8;
	[tilespmem:$0x1DBA0] =	vst v63  }
0x1ef: {  	s3 =	smul.u32 @!p2 $0xA, s2;
	_ =	swait.ge [sflag:s26], $0x1400  }
0x1f0: {  	[sflag:s26] =	ssyncset.done $0x0  }
0x1f1: {  	s18 =	simm.s32 @!p2 $0x0;
	s13 =	sadd.s32 @!p2 s10, s3;
	[sflag:s26] =	ssyncadd.s32 $0xFFFFEC00  }
0x1f2: {  	[tilespmem:s18], [sflag:$0x4] =	stream.linear.gather @!p2 [hbm4b:s13+s18], $0x50, $0x38;
	[tilespmem:$0x1DBA0] =	vst v63  }
0x1f3: {  	s13 =	simm.s32 @!p2 $0x4  }
0x1f4: {  	_ =	swait.ge @!p2 [sflag:s13], $0x50  }
0x1f5: {  	[sflag:s13] =	ssyncset.done @!p2 $0x0  }
0x1f6: {  	s19 =	simm.s32 @!p2 $0x50;
	s3 =	sadd.s32 @!p2 s11, s3;
	[sflag:s13] =	ssyncadd.s32 @!p2 $0xFFFFFFB0  }
0x1f7: {  	[tilespmem:s19], [sflag:$0x4] =	stream.linear.gather @!p2 [hbm4b:s3+s18], $0x50, $0x38;
	[tilespmem:$0x1DBA0] =	vst v63  }
0x1f8: {  	_ =	swait.ge @!p2 [sflag:s13], $0x50  }
.Ltmp11:
0x1f9: {  	[sflag:s13] =	ssyncset.done @!p2 $0x0;
	(pc) =	sbr.rel @p1 .LBB2_16-.Ltmp11, $4  }
0x1fa: {  	s2 =	smul.u32 @!p2 $0x140, s2;
	s3 =	simm.s32 @!p2 $0x50A0;
	[sflag:s13] =	ssyncadd.s32 @!p2 $0xFFFFFFB0  }
0x1fb: {  	[tilespmem:s3], [sflag:$0x1] =	stream.indirect.gather @!p2 [hbm4b:s8+s19], $0x40, s18, s19, $0xb8;
	[tilespmem:$0x1DBA0] =	vst v63  }
0x1fc: {  	s2 =	sadd.s32 @!p2 s23, s2;
	s3 =	simm.s32 @!p2 $0x6EA0  }
0x1fd: {  	[tilespmem:s3], [sflag:$0x1] =	stream.linear.gather @!p2 [hbm4b:s2+s18], $0xA00, $0x38;
	[tilespmem:$0x1DBA0] =	vst v63  }
0x1fe: {  	_ =	swait.ge [sflag:s31], $0x1400  }
0x1ff: {  	[sflag:s31] =	ssyncset.done $0x0  }
0x200: {  	[sflag:s31] =	ssyncadd.s32 $0xFFFFEC00  }
0x201: {  	_ =	swait.ge [sflag:s31], $0xA00  }
0x202: {  	[sflag:s31] =	ssyncset.done $0x0  }
0x203: {  	s2 =	simm.s32 $0xC960;
	[sflag:s31] =	ssyncadd.s32 $0xFFFFF600  }
0x204: {  	s18 =	simm.s32 $0x10;
	s13 =	simm.s32 $0xC0;
	s3 =	simm.s32 $0xC960;
	v5 =	vld [tilespmem:s2+$0xFFFFFFF0]  }
.LBB2_14:
0x205: {  	p1 =	sne.s32 s13, $0x27C0;
	v6 =	vld [tilespmem:s18+$0xE740]  }
0x206: {  	v7 =	vld [tilespmem:s2+$0x10]  }
0x207: {  	v8 =	vld [tilespmem:s2+$0xFFFFFFE0]  }
0x208: {  	v9 =	vld [tilespmem:s2+$0x0];
	_ =	sdelay $0x1  }
0x209: {  	v6 =	vperm.xlane v6, v4;
	_ =	sdelay $0x1  }
0x20a: {  	v8 =	vmul.f32 v8, v6;
	v5 =	vmul.f32 v5, v6  }
.Ltmp12:
0x20b: {  	v9 =	vmul.f32 v9, v6;
	v6 =	vmul.f32 v7, v6;
	(pc) =	sbr.rel @p1 .LBB2_14-.Ltmp12, $4  }
0x20c: {  	[tilespmem:s2+$0xFFFFFFE0] =	vst v8  }
0x20d: {  	[tilespmem:s2+$0xFFFFFFF0] =	vst v5  }
0x20e: {  	s2 =	sadd.s32 $0x40, s2;
	[tilespmem:s3+$0x0] =	vst v9  }
0x20f: {  	s18 =	sshra.s32 s13, $0x2;
	s13 =	sadd.s32 $0x80, s13;
	v5 =	vld [tilespmem:s2+$0xFFFFFFF0];
	[tilespmem:s3+$0x10] =	vst v6;
	s3 =	smov.u32 s2  }
0x210: {  	v6 =	vld [tilespmem:s18+$0xE740];
	_ =	sdelay $0x1  }
0x211: {  	v7 =	vld [tilespmem:s2+$0xFFFFFFE0];
	_ =	sdelay $0x1  }
0x212: {  	v8 =	vld [tilespmem:s2+$0x0]  }
0x213: {  	v9 =	vld [tilespmem:s2+$0x10];
	v6 =	vperm.xlane v6, v4;
	_ =	sdelay $0x1  }
0x214: {  	v7 =	vmul.f32 v7, v6  }
0x215: {  	v5 =	vmul.f32 v5, v6  }
0x216: {  	v8 =	vmul.f32 v8, v6;
	[tilespmem:s2+$0xFFFFFFE0] =	vst v7  }
0x217: {  	v6 =	vmul.f32 v9, v6;
	[tilespmem:s2+$0xFFFFFFF0] =	vst v5  }
0x218: {  	[tilespmem:s3+$0x0] =	vst v8  }
.Ltmp13:
0x219: {  	s29 =	simm.s32 $0xC940;
	[tilespmem:s3+$0x10] =	vst v6;
	(pc) =	sbr.rel .LBB2_16-.Ltmp13, $4  }
0x21a: {  	[spmem:s1] =	stream.indirect.scatter.add.f32 [tilespmem:s29], [sflag:$0x3], $0x40, s0, s17, $0xb8;
	[tilespmem:$0x1DBA0] =	vst v63  }
0x21b: {  	_ =	swait.ge [sflag:s16], $0x1400  }
0x21c: {  	[sflag:s16] =	ssyncset.done $0x0  }
0x21d: {  	[sflag:s16] =	ssyncadd.s32 $0xFFFFEC00  }
.LBB2_18:
0x21e: {  	_ =	sfence.sel $0x180000  }
0x21f: {  	[bflag:$0x0] =	sbarrier.arrive $0xFFFF  }
0x220: {  	_ =	strace $0x9000004A  }
0x221: {  	s0 =	stileid.u32;
	[bflag:$0x2] =	sbarrier.arrive $0xFFFF  }
0x222: {  	p0 =	sne.s32 s0, $0x0;
	s0 =	rddreg [dreg:$0x3]  }
0x223: {  	s0 =	sadd.s32 @!p0 $0x100000, s0  }
0x224: {  	[sflag:s0] =	ssyncadd.tile.s32 @!p0 $0x1;
	_ =	shalt  }
.Lfunc_end2:
_tile_overlayer_lowered:
.L_overlay_start_2:
0x225: {  	(tag) =	ssettag $0x2  }
0x226: {  	s0 =	rddreg [dreg:$0x0];
	s2 =	stileid.u32  }
0x227: {  	s1 =	rddreg [dreg:$0x1];
	p0 =	sne.s32 s2, $0x0  }
0x228: {  	s3 =	rddreg [dreg:$0x2];
	[bflag:$0x3] =	sbarrier.arrive $0xFFFF;
	s2 =	simm.s32 @!p0 $0x1C03  }
0x229: {  	[timem:s3], [sflag:s2] =	dma.local @!p0 [hbm:s0], s1  }
0x22a: {  	s0 =	simm.s32 @!p0 $0x3  }
0x22b: {  	_ =	swait.ge @!p0 [sflag:s0], s1  }
0x22c: {  	s1 =	ssub.s32 @!p0 $0x0, s1;
	[sflag:s0] =	ssyncset.done @!p0 $0x0  }
0x22d: {  	[sflag:s0] =	ssyncadd.s32 @!p0 s1  }
0x22e: {  	[bflag:$0x3] =	sbarrier.arrive $0xFFFF  }
0x22f: {  	_ =	shalt  }

</sc_bundles>
